<compile_context>
chip_gen: v7x
topology: tpu7x:2x2x1
jax: 0.10.2.dev20260603
libtpu: 0.0.44.dev20260713+nightly
codegen_flags: <defaults>
</compile_context>

<pallas_src>
import functools

import jax
import jax.numpy as jnp
from jax import lax
from jax.experimental import pallas as pl
from jax.experimental.pallas import tpu as pltpu
from jax.experimental.pallas import tpu_sc as plsc

_NC = 1
_NS = 16
_L = 16


@functools.lru_cache(maxsize=None)
def _make_sc_counts(n_nodes, n_edges):
    nw = _NC * _NS
    epw = n_edges // nw
    words = n_nodes * n_nodes
    stripe = words // _NS
    zch = 2048
    n_streams = epw // 128
    mesh = plsc.VectorSubcoreMesh(
        core_axis_name="c", subcore_axis_name="s",
        num_cores=_NC, num_subcores=_NS)

    @functools.partial(
        pl.kernel,
        out_type=jax.ShapeDtypeStruct((_NC, _NS, stripe), jnp.float32),
        mesh=mesh,
        scratch_types=[
            pltpu.VMEM((epw,), jnp.int32),
            pltpu.VMEM((epw,), jnp.int32),
            pltpu.VMEM((n_streams, 128), jnp.int32),
            pltpu.VMEM((n_streams, 128), jnp.float32),
            pltpu.VMEM((zch,), jnp.float32),
            pltpu.VMEM_SHARED((words,), jnp.float32),
        ],
    )
    def sc_counts(ei_hbm, out_hbm,
                  src_v, dst_v, idx_v, ones_v, zeros_v, acc_sh):
        c = lax.axis_index("c")
        s = lax.axis_index("s")
        wid = c * _NS + s

        zero16 = jnp.zeros((_L,), jnp.float32)
        for k in range(zch // _L):
            zeros_v[pl.ds(k * _L, _L)] = zero16
        for k in range(stripe // zch):
            pltpu.sync_copy(zeros_v, acc_sh.at[pl.ds(s * stripe + k * zch, zch)])

        one16 = jnp.ones((_L,), jnp.float32)
        for j in range(n_streams):
            for k in range(128 // _L):
                ones_v[j, pl.ds(k * _L, _L)] = one16

        base = wid * epw
        pltpu.sync_copy(ei_hbm.at[0, pl.ds(base, epw)], src_v)
        pltpu.sync_copy(ei_hbm.at[1, pl.ds(base, epw)], dst_v)
        for j in range(n_streams):
            for k in range(128 // _L):
                off = j * 128 + k * _L
                d = dst_v[pl.ds(off, _L)]
                so = src_v[pl.ds(off, _L)]
                idx_v[j, pl.ds(k * _L, _L)] = d * n_nodes + so

        plsc.subcore_barrier()
        for j in range(n_streams):
            pltpu.sync_copy(ones_v.at[j], acc_sh.at[idx_v.at[j]], add=True)
        plsc.subcore_barrier()

        pltpu.sync_copy(acc_sh.at[pl.ds(s * stripe, stripe)], out_hbm.at[c, s])

    return sc_counts


_NB = 64


@functools.lru_cache(maxsize=None)
def _make_tc_main(n_nodes, batch, h1_dim, h2_dim, out_dim):
    inv_n = 1.0 / n_nodes

    def body(parts_ref, adj_ref, state_ref, w1_ref, b1_ref, w2_ref, b2_ref,
             wout_ref, bout_ref, out_ref, s_scr, a1_scr, w1_scr, w2_scr):
        g = pl.program_id(0)

        @pl.when(g == 0)
        def _():
            counts = parts_ref[0]
            deg = jnp.sum(counts, axis=1, keepdims=True)
            s_mat = counts / jnp.maximum(deg, 1.0)
            s_bf0 = s_mat.astype(jnp.bfloat16)
            s_scr[...] = s_bf0
            a1 = jnp.dot(s_bf0, adj_ref[...].astype(jnp.bfloat16),
                         preferred_element_type=jnp.float32)
            a1_scr[...] = a1.astype(jnp.bfloat16)
            w1_scr[...] = w1_ref[...].astype(jnp.bfloat16)
            w2_scr[...] = w2_ref[...].astype(jnp.bfloat16)

        a1_bf = a1_scr[...]
        s_bf = s_scr[...]
        w1_bf = w1_scr[...]
        w2_bf = w2_scr[...]
        scols = state_ref[0].astype(jnp.bfloat16)
        v_cat = jnp.concatenate(
            [scols[:, i:i + 1] * w1_bf for i in range(_NB)], axis=1)
        b1_cat = jnp.concatenate([b1_ref[...]] * _NB, axis=1)
        h1_cat = jnp.maximum(
            jnp.dot(a1_bf, v_cat, preferred_element_type=jnp.float32)
            + b1_cat, 0.0).astype(jnp.bfloat16)
        agg2_cat = jnp.dot(s_bf, h1_cat, preferred_element_type=jnp.float32)
        pooled_rows = []
        for i in range(_NB):
            agg2 = agg2_cat[:, i * h1_dim:(i + 1) * h1_dim]
            h2 = jnp.maximum(
                jnp.dot(agg2.astype(jnp.bfloat16), w2_bf,
                        preferred_element_type=jnp.float32) + b2_ref[...],
                0.0)
            pooled_rows.append(jnp.sum(h2, axis=0, keepdims=True) * inv_n)
        pooled_cat = jnp.concatenate(pooled_rows, axis=0)
        out_ref[pl.ds(g * _NB, _NB), :] = (
            jnp.dot(pooled_cat, wout_ref[...],
                    preferred_element_type=jnp.float32) + bout_ref[...])

    n, h1d, h2d = n_nodes, h1_dim, h2_dim
    return pl.pallas_call(
        body,
        grid=(batch // _NB,),
        in_specs=[
            pl.BlockSpec((_NC, n, n), lambda g: (0, 0, 0)),
            pl.BlockSpec((n, n), lambda g: (0, 0)),
            pl.BlockSpec((1, n, _NB), lambda g: (g, 0, 0)),
            pl.BlockSpec((n, h1d), lambda g: (0, 0)),
            pl.BlockSpec((1, h1d), lambda g: (0, 0)),
            pl.BlockSpec((h1d, h2d), lambda g: (0, 0)),
            pl.BlockSpec((1, h2d), lambda g: (0, 0)),
            pl.BlockSpec((h2d, out_dim), lambda g: (0, 0)),
            pl.BlockSpec((1, out_dim), lambda g: (0, 0)),
        ],
        out_specs=pl.BlockSpec((batch, out_dim), lambda g: (0, 0)),
        out_shape=jax.ShapeDtypeStruct((batch, out_dim), jnp.float32),
        scratch_shapes=[
            pltpu.VMEM((n, n), jnp.bfloat16),
            pltpu.VMEM((n, n), jnp.bfloat16),
            pltpu.VMEM((n, h1d), jnp.bfloat16),
            pltpu.VMEM((h1d, h2d), jnp.bfloat16),
        ],
        compiler_params=pltpu.CompilerParams(
            dimension_semantics=("arbitrary",)),
    )


def kernel(state, adj, edge_index, W1, b1, W2, b2, Wout, bout):
    batch, n = state.shape
    h1_dim = W1.shape[1]
    h2_dim = W2.shape[1]
    out_dim = Wout.shape[1]
    n_edges = edge_index.shape[1]

    parts = _make_sc_counts(n, n_edges)(edge_index)
    parts = parts.reshape(_NC, n, n)

    state_g = jnp.swapaxes(state.reshape(batch // _NB, _NB, n), 1, 2)
    out = _make_tc_main(n, batch, h1_dim, h2_dim, out_dim)(
        parts, adj, state_g,
        W1, b1.reshape(1, h1_dim), W2, b2.reshape(1, h2_dim),
        Wout, bout.reshape(1, out_dim))
    return out

# --- scband reference (transcript-rebuilt; emitter-appended) ---
"""Pipeline reference for scband-model-82652350644670 (READ-ONLY COPY).

The authoritative reference and input builder live on the scoring server;
editing this copy changes nothing except your own understanding.
"""

import jax, jax.numpy as jnp
import numpy as np

N = 512      # input_shape[0] = number of graph nodes (state dims)
B = 64       # batch size
H1 = 256     # hidden_count
H2 = 128     # hidden_count // 2
E = 8192     # n_edges learned by DynamicGraphState (avg degree 16)
OUT = 10     # outputs_count


def setup_inputs(seed: int = 0) -> dict:
    key = jax.random.key(seed)
    ks = jax.random.split(key, 8)
    state = jax.random.normal(ks[0], (B, N), dtype=jnp.float32)
    # learned dynamic-graph state: edge index and adjacency matrix
    edge_index = jax.random.randint(ks[1], (2, E), 0, N, dtype=jnp.int32)
    adj = (jax.random.uniform(ks[2], (N, N)) < 0.03).astype(jnp.float32)
    # GConvSeq weights: [N -> H1 -> H2]
    W1 = jax.random.normal(ks[3], (N, H1), dtype=jnp.float32) * (1.0 / np.sqrt(N))
    b1 = jnp.zeros((H1,), jnp.float32)
    W2 = jax.random.normal(ks[4], (H1, H2), dtype=jnp.float32) * (1.0 / np.sqrt(H1))
    b2 = jnp.zeros((H2,), jnp.float32)
    # output linear, init uniform(-0.3, 0.3) as in torch code
    Wout = jax.random.uniform(ks[5], (H2, OUT), minval=-0.3, maxval=0.3, dtype=jnp.float32)
    bout = jnp.zeros((OUT,), jnp.float32)
    return {
        "state": state, "adj": adj, "edge_index": edge_index,
        "W1": W1, "b1": b1, "W2": W2, "b2": b2,
        "Wout": Wout, "bout": bout,
    }


def _gconv(h, W, b, src, dst):
    # message passing: gather source-node features, mean-aggregate at dst, linear + relu
    msgs = h[:, src, :]  # [B, E, d]
    agg = jax.vmap(lambda m: jax.ops.segment_sum(m, dst, num_segments=N))(msgs)  # [B, N, d]
    deg = jax.ops.segment_sum(jnp.ones((E,), jnp.float32), dst, num_segments=N)
    deg = jnp.clip(deg, 1.0, None)
    agg = agg / deg[None, :, None]
    return jax.nn.relu(agg @ W + b)


def reference(state, adj, edge_index, W1, b1, W2, b2, Wout, bout):
    src = edge_index[0]
    dst = edge_index[1]
    # _graph_state_representation: result[b, i, j] = state[b, j] * adj[i, j]
    graph_x = state[:, None, :] * adj[None, :, :]  # [B, N, N]
    h = _gconv(graph_x, W1, b1, src, dst)          # [B, N, H1]
    h = _gconv(h, W2, b2, src, dst)                # [B, N, H2]
    # permute + AvgPool1d(N) + Flatten == mean over node axis
    pooled = jnp.mean(h, axis=1)                   # [B, H2]
    return pooled @ Wout + bout                    # [B, OUT]

if __name__ == "__main__":
    import jax
    _d = setup_inputs()
    print(jax.jit(kernel)(*tuple(_d.values())))

</pallas_src>

<mosaic_0001>
#map = affine_map<(d0, d1) -> (0, 0)>
#map1 = affine_map<(d0, d1) -> (0, 0, 0)>
module attributes {stable_mosaic.version = 14 : i64} {
  func.func @sc_counts(%arg0: i32, %arg1: i32, %arg2: memref<2x8192xi32, #tpu.memory_space<hbm>>, %arg3: memref<1x16x16384xf32, #tpu.memory_space<hbm>>, %arg4: memref<512xi32, #tpu.memory_space<vmem>>, %arg5: memref<512xi32, #tpu.memory_space<vmem>>, %arg6: memref<4x128xi32, #tpu.memory_space<vmem>>, %arg7: memref<4x128xf32, #tpu.memory_space<vmem>>, %arg8: memref<2048xf32, #tpu.memory_space<vmem>>, %arg9: memref<262144xf32, #tpu.memory_space<vmem_shared>>) attributes {dimension_semantics = [#tpu.dimension_semantics<core_parallel>, #tpu.dimension_semantics<subcore_parallel>], iteration_bounds = array<i64: 1, 16>, scalar_prefetch = 0 : i64, scratch_operands = 6 : i64, tpu.core_type = #tpu.core_type<sc_vector_subcore>, window_params = [{transform_indices = #map}, {transform_indices = #map1}]} {
    %mul3A = arith.constant 16 : i32
    %mul3A_0 = arith.muli %arg0, %mul3A : i32
    %add3A = arith.addi %mul3A_0, %arg1 : i32
    %broadcast_in_dim3A = arith.constant 0.000000e+00 : f32
    %broadcast_in_dim3A_1 = vector.broadcast %broadcast_in_dim3A : f32 to vector<16xf32>
    %swap3A = arith.constant 0 : index
    %swap3A_2 = tpu.vector_load %arg8[%swap3A] {strides = array<i32>} : memref<2048xf32, #tpu.memory_space<vmem>>, vector<16xf32>,
    %swap3A_3 = vector.shape_cast %swap3A_2 : vector<16xf32> to vector<16xf32>
    %swap3A_4 = vector.shape_cast %broadcast_in_dim3A_1 : vector<16xf32> to vector<16xf32>
    tpu.vector_store %arg8[%swap3A], %swap3A_4 {strides = array<i32>} : memref<2048xf32, #tpu.memory_space<vmem>>, vector<16xf32>,
    %swap3A_5 = arith.constant 16 : index
    %swap3A_6 = tpu.vector_load %arg8[%swap3A_5] {strides = array<i32>} : memref<2048xf32, #tpu.memory_space<vmem>>, vector<16xf32>,
    %swap3A_7 = vector.shape_cast %swap3A_6 : vector<16xf32> to vector<16xf32>
    %swap3A_8 = vector.shape_cast %broadcast_in_dim3A_1 : vector<16xf32> to vector<16xf32>
    tpu.vector_store %arg8[%swap3A_5], %swap3A_8 {strides = array<i32>} : memref<2048xf32, #tpu.memory_space<vmem>>, vector<16xf32>,
    %swap3A_9 = arith.constant 32 : index
    %swap3A_10 = tpu.vector_load %arg8[%swap3A_9] {strides = array<i32>} : memref<2048xf32, #tpu.memory_space<vmem>>, vector<16xf32>,
    %swap3A_11 = vector.shape_cast %swap3A_10 : vector<16xf32> to vector<16xf32>
    %swap3A_12 = vector.shape_cast %broadcast_in_dim3A_1 : vector<16xf32> to vector<16xf32>
    tpu.vector_store %arg8[%swap3A_9], %swap3A_12 {strides = array<i32>} : memref<2048xf32, #tpu.memory_space<vmem>>, vector<16xf32>,
    %swap3A_13 = arith.constant 48 : index
    %swap3A_14 = tpu.vector_load %arg8[%swap3A_13] {strides = array<i32>} : memref<2048xf32, #tpu.memory_space<vmem>>, vector<16xf32>,
    %swap3A_15 = vector.shape_cast %swap3A_14 : vector<16xf32> to vector<16xf32>
    %swap3A_16 = vector.shape_cast %broadcast_in_dim3A_1 : vector<16xf32> to vector<16xf32>
    tpu.vector_store %arg8[%swap3A_13], %swap3A_16 {strides = array<i32>} : memref<2048xf32, #tpu.memory_space<vmem>>, vector<16xf32>,
    %swap3A_17 = arith.constant 64 : index
    %swap3A_18 = tpu.vector_load %arg8[%swap3A_17] {strides = array<i32>} : memref<2048xf32, #tpu.memory_space<vmem>>, vector<16xf32>,
    %swap3A_19 = vector.shape_cast %swap3A_18 : vector<16xf32> to vector<16xf32>
    %swap3A_20 = vector.shape_cast %broadcast_in_dim3A_1 : vector<16xf32> to vector<16xf32>
    tpu.vector_store %arg8[%swap3A_17], %swap3A_20 {strides = array<i32>} : memref<2048xf32, #tpu.memory_space<vmem>>, vector<16xf32>,
    %swap3A_21 = arith.constant 80 : index
    %swap3A_22 = tpu.vector_load %arg8[%swap3A_21] {strides = array<i32>} : memref<2048xf32, #tpu.memory_space<vmem>>, vector<16xf32>,
    %swap3A_23 = vector.shape_cast %swap3A_22 : vector<16xf32> to vector<16xf32>
    %swap3A_24 = vector.shape_cast %broadcast_in_dim3A_1 : vector<16xf32> to vector<16xf32>
    tpu.vector_store %arg8[%swap3A_21], %swap3A_24 {strides = array<i32>} : memref<2048xf32, #tpu.memory_space<vmem>>, vector<16xf32>,
    %swap3A_25 = arith.constant 96 : index
    %swap3A_26 = tpu.vector_load %arg8[%swap3A_25] {strides = array<i32>} : memref<2048xf32, #tpu.memory_space<vmem>>, vector<16xf32>,
    %swap3A_27 = vector.shape_cast %swap3A_26 : vector<16xf32> to vector<16xf32>
    %swap3A_28 = vector.shape_cast %broadcast_in_dim3A_1 : vector<16xf32> to vector<16xf32>
    tpu.vector_store %arg8[%swap3A_25], %swap3A_28 {strides = array<i32>} : memref<2048xf32, #tpu.memory_space<vmem>>, vector<16xf32>,
    %swap3A_29 = arith.constant 112 : index
    %swap3A_30 = tpu.vector_load %arg8[%swap3A_29] {strides = array<i32>} : memref<2048xf32, #tpu.memory_space<vmem>>, vector<16xf32>,
    %swap3A_31 = vector.shape_cast %swap3A_30 : vector<16xf32> to vector<16xf32>
    %swap3A_32 = vector.shape_cast %broadcast_in_dim3A_1 : vector<16xf32> to vector<16xf32>
    tpu.vector_store %arg8[%swap3A_29], %swap3A_32 {strides = array<i32>} : memref<2048xf32, #tpu.memory_space<vmem>>, vector<16xf32>,
    %swap3A_33 = arith.constant 128 : index
    %swap3A_34 = tpu.vector_load %arg8[%swap3A_33] {strides = array<i32>} : memref<2048xf32, #tpu.memory_space<vmem>>, vector<16xf32>,
    %swap3A_35 = vector.shape_cast %swap3A_34 : vector<16xf32> to vector<16xf32>
    %swap3A_36 = vector.shape_cast %broadcast_in_dim3A_1 : vector<16xf32> to vector<16xf32>
    tpu.vector_store %arg8[%swap3A_33], %swap3A_36 {strides = array<i32>} : memref<2048xf32, #tpu.memory_space<vmem>>, vector<16xf32>,
    %swap3A_37 = arith.constant 144 : index
    %swap3A_38 = tpu.vector_load %arg8[%swap3A_37] {strides = array<i32>} : memref<2048xf32, #tpu.memory_space<vmem>>, vector<16xf32>,
    %swap3A_39 = vector.shape_cast %swap3A_38 : vector<16xf32> to vector<16xf32>
    %swap3A_40 = vector.shape_cast %broadcast_in_dim3A_1 : vector<16xf32> to vector<16xf32>
    tpu.vector_store %arg8[%swap3A_37], %swap3A_40 {strides = array<i32>} : memref<2048xf32, #tpu.memory_space<vmem>>, vector<16xf32>,
    %swap3A_41 = arith.constant 160 : index
    %swap3A_42 = tpu.vector_load %arg8[%swap3A_41] {strides = array<i32>} : memref<2048xf32, #tpu.memory_space<vmem>>, vector<16xf32>,
    %swap3A_43 = vector.shape_cast %swap3A_42 : vector<16xf32> to vector<16xf32>
    %swap3A_44 = vector.shape_cast %broadcast_in_dim3A_1 : vector<16xf32> to vector<16xf32>
    tpu.vector_store %arg8[%swap3A_41], %swap3A_44 {strides = array<i32>} : memref<2048xf32, #tpu.memory_space<vmem>>, vector<16xf32>,
    %swap3A_45 = arith.constant 176 : index
    %swap3A_46 = tpu.vector_load %arg8[%swap3A_45] {strides = array<i32>} : memref<2048xf32, #tpu.memory_space<vmem>>, vector<16xf32>,
    %swap3A_47 = vector.shape_cast %swap3A_46 : vector<16xf32> to vector<16xf32>
    %swap3A_48 = vector.shape_cast %broadcast_in_dim3A_1 : vector<16xf32> to vector<16xf32>
    tpu.vector_store %arg8[%swap3A_45], %swap3A_48 {strides = array<i32>} : memref<2048xf32, #tpu.memory_space<vmem>>, vector<16xf32>,
    %swap3A_49 = arith.constant 192 : index
    %swap3A_50 = tpu.vector_load %arg8[%swap3A_49] {strides = array<i32>} : memref<2048xf32, #tpu.memory_space<vmem>>, vector<16xf32>,
    %swap3A_51 = vector.shape_cast %swap3A_50 : vector<16xf32> to vector<16xf32>
    %swap3A_52 = vector.shape_cast %broadcast_in_dim3A_1 : vector<16xf32> to vector<16xf32>
    tpu.vector_store %arg8[%swap3A_49], %swap3A_52 {strides = array<i32>} : memref<2048xf32, #tpu.memory_space<vmem>>, vector<16xf32>,
    %swap3A_53 = arith.constant 208 : index
    %swap3A_54 = tpu.vector_load %arg8[%swap3A_53] {strides = array<i32>} : memref<2048xf32, #tpu.memory_space<vmem>>, vector<16xf32>,
    %swap3A_55 = vector.shape_cast %swap3A_54 : vector<16xf32> to vector<16xf32>
    %swap3A_56 = vector.shape_cast %broadcast_in_dim3A_1 : vector<16xf32> to vector<16xf32>
    tpu.vector_store %arg8[%swap3A_53], %swap3A_56 {strides = array<i32>} : memref<2048xf32, #tpu.memory_space<vmem>>, vector<16xf32>,
    %swap3A_57 = arith.constant 224 : index
    %swap3A_58 = tpu.vector_load %arg8[%swap3A_57] {strides = array<i32>} : memref<2048xf32, #tpu.memory_space<vmem>>, vector<16xf32>,
    %swap3A_59 = vector.shape_cast %swap3A_58 : vector<16xf32> to vector<16xf32>
    %swap3A_60 = vector.shape_cast %broadcast_in_dim3A_1 : vector<16xf32> to vector<16xf32>
    tpu.vector_store %arg8[%swap3A_57], %swap3A_60 {strides = array<i32>} : memref<2048xf32, #tpu.memory_space<vmem>>, vector<16xf32>,
    %swap3A_61 = arith.constant 240 : index
    %swap3A_62 = tpu.vector_load %arg8[%swap3A_61] {strides = array<i32>} : memref<2048xf32, #tpu.memory_space<vmem>>, vector<16xf32>,
    %swap3A_63 = vector.shape_cast %swap3A_62 : vector<16xf32> to vector<16xf32>
    %swap3A_64 = vector.shape_cast %broadcast_in_dim3A_1 : vector<16xf32> to vector<16xf32>
    tpu.vector_store %arg8[%swap3A_61], %swap3A_64 {strides = array<i32>} : memref<2048xf32, #tpu.memory_space<vmem>>, vector<16xf32>,
    %swap3A_65 = arith.constant 256 : index
    %swap3A_66 = tpu.vector_load %arg8[%swap3A_65] {strides = array<i32>} : memref<2048xf32, #tpu.memory_space<vmem>>, vector<16xf32>,
    %swap3A_67 = vector.shape_cast %swap3A_66 : vector<16xf32> to vector<16xf32>
    %swap3A_68 = vector.shape_cast %broadcast_in_dim3A_1 : vector<16xf32> to vector<16xf32>
    tpu.vector_store %arg8[%swap3A_65], %swap3A_68 {strides = array<i32>} : memref<2048xf32, #tpu.memory_space<vmem>>, vector<16xf32>,
    %swap3A_69 = arith.constant 272 : index
    %swap3A_70 = tpu.vector_load %arg8[%swap3A_69] {strides = array<i32>} : memref<2048xf32, #tpu.memory_space<vmem>>, vector<16xf32>,
    %swap3A_71 = vector.shape_cast %swap3A_70 : vector<16xf32> to vector<16xf32>
    %swap3A_72 = vector.shape_cast %broadcast_in_dim3A_1 : vector<16xf32> to vector<16xf32>
    tpu.vector_store %arg8[%swap3A_69], %swap3A_72 {strides = array<i32>} : memref<2048xf32, #tpu.memory_space<vmem>>, vector<16xf32>,
    %swap3A_73 = arith.constant 288 : index
    %swap3A_74 = tpu.vector_load %arg8[%swap3A_73] {strides = array<i32>} : memref<2048xf32, #tpu.memory_space<vmem>>, vector<16xf32>,
    %swap3A_75 = vector.shape_cast %swap3A_74 : vector<16xf32> to vector<16xf32>
    %swap3A_76 = vector.shape_cast %broadcast_in_dim3A_1 : vector<16xf32> to vector<16xf32>
    tpu.vector_store %arg8[%swap3A_73], %swap3A_76 {strides = array<i32>} : memref<2048xf32, #tpu.memory_space<vmem>>, vector<16xf32>,
    %swap3A_77 = arith.constant 304 : index
    %swap3A_78 = tpu.vector_load %arg8[%swap3A_77] {strides = array<i32>} : memref<2048xf32, #tpu.memory_space<vmem>>, vector<16xf32>,
    %swap3A_79 = vector.shape_cast %swap3A_78 : vector<16xf32> to vector<16xf32>
    %swap3A_80 = vector.shape_cast %broadcast_in_dim3A_1 : vector<16xf32> to vector<16xf32>
    tpu.vector_store %arg8[%swap3A_77], %swap3A_80 {strides = array<i32>} : memref<2048xf32, #tpu.memory_space<vmem>>, vector<16xf32>,
    %swap3A_81 = arith.constant 320 : index
    %swap3A_82 = tpu.vector_load %arg8[%swap3A_81] {strides = array<i32>} : memref<2048xf32, #tpu.memory_space<vmem>>, vector<16xf32>,
    %swap3A_83 = vector.shape_cast %swap3A_82 : vector<16xf32> to vector<16xf32>
    %swap3A_84 = vector.shape_cast %broadcast_in_dim3A_1 : vector<16xf32> to vector<16xf32>
    tpu.vector_store %arg8[%swap3A_81], %swap3A_84 {strides = array<i32>} : memref<2048xf32, #tpu.memory_space<vmem>>, vector<16xf32>,
    %swap3A_85 = arith.constant 336 : index
    %swap3A_86 = tpu.vector_load %arg8[%swap3A_85] {strides = array<i32>} : memref<2048xf32, #tpu.memory_space<vmem>>, vector<16xf32>,
    %swap3A_87 = vector.shape_cast %swap3A_86 : vector<16xf32> to vector<16xf32>
    %swap3A_88 = vector.shape_cast %broadcast_in_dim3A_1 : vector<16xf32> to vector<16xf32>
    tpu.vector_store %arg8[%swap3A_85], %swap3A_88 {strides = array<i32>} : memref<2048xf32, #tpu.memory_space<vmem>>, vector<16xf32>,
    %swap3A_89 = arith.constant 352 : index
    %swap3A_90 = tpu.vector_load %arg8[%swap3A_89] {strides = array<i32>} : memref<2048xf32, #tpu.memory_space<vmem>>, vector<16xf32>,
    %swap3A_91 = vector.shape_cast %swap3A_90 : vector<16xf32> to vector<16xf32>
    %swap3A_92 = vector.shape_cast %broadcast_in_dim3A_1 : vector<16xf32> to vector<16xf32>
    tpu.vector_store %arg8[%swap3A_89], %swap3A_92 {strides = array<i32>} : memref<2048xf32, #tpu.memory_space<vmem>>, vector<16xf32>,
    %swap3A_93 = arith.constant 368 : index
    %swap3A_94 = tpu.vector_load %arg8[%swap3A_93] {strides = array<i32>} : memref<2048xf32, #tpu.memory_space<vmem>>, vector<16xf32>,
    %swap3A_95 = vector.shape_cast %swap3A_94 : vector<16xf32> to vector<16xf32>
    %swap3A_96 = vector.shape_cast %broadcast_in_dim3A_1 : vector<16xf32> to vector<16xf32>
    tpu.vector_store %arg8[%swap3A_93], %swap3A_96 {strides = array<i32>} : memref<2048xf32, #tpu.memory_space<vmem>>, vector<16xf32>,
    %swap3A_97 = arith.constant 384 : index
    %swap3A_98 = tpu.vector_load %arg8[%swap3A_97] {strides = array<i32>} : memref<2048xf32, #tpu.memory_space<vmem>>, vector<16xf32>,
    %swap3A_99 = vector.shape_cast %swap3A_98 : vector<16xf32> to vector<16xf32>
    %swap3A_100 = vector.shape_cast %broadcast_in_dim3A_1 : vector<16xf32> to vector<16xf32>
    tpu.vector_store %arg8[%swap3A_97], %swap3A_100 {strides = array<i32>} : memref<2048xf32, #tpu.memory_space<vmem>>, vector<16xf32>,
    %swap3A_101 = arith.constant 400 : index
    %swap3A_102 = tpu.vector_load %arg8[%swap3A_101] {strides = array<i32>} : memref<2048xf32, #tpu.memory_space<vmem>>, vector<16xf32>,
    %swap3A_103 = vector.shape_cast %swap3A_102 : vector<16xf32> to vector<16xf32>
    %swap3A_104 = vector.shape_cast %broadcast_in_dim3A_1 : vector<16xf32> to vector<16xf32>
    tpu.vector_store %arg8[%swap3A_101], %swap3A_104 {strides = array<i32>} : memref<2048xf32, #tpu.memory_space<vmem>>, vector<16xf32>,
    %swap3A_105 = arith.constant 416 : index
    %swap3A_106 = tpu.vector_load %arg8[%swap3A_105] {strides = array<i32>} : memref<2048xf32, #tpu.memory_space<vmem>>, vector<16xf32>,
    %swap3A_107 = vector.shape_cast %swap3A_106 : vector<16xf32> to vector<16xf32>
    %swap3A_108 = vector.shape_cast %broadcast_in_dim3A_1 : vector<16xf32> to vector<16xf32>
    tpu.vector_store %arg8[%swap3A_105], %swap3A_108 {strides = array<i32>} : memref<2048xf32, #tpu.memory_space<vmem>>, vector<16xf32>,
    %swap3A_109 = arith.constant 432 : index
    %swap3A_110 = tpu.vector_load %arg8[%swap3A_109] {strides = array<i32>} : memref<2048xf32, #tpu.memory_space<vmem>>, vector<16xf32>,
    %swap3A_111 = vector.shape_cast %swap3A_110 : vector<16xf32> to vector<16xf32>
    %swap3A_112 = vector.shape_cast %broadcast_in_dim3A_1 : vector<16xf32> to vector<16xf32>
    tpu.vector_store %arg8[%swap3A_109], %swap3A_112 {strides = array<i32>} : memref<2048xf32, #tpu.memory_space<vmem>>, vector<16xf32>,
    %swap3A_113 = arith.constant 448 : index
    %swap3A_114 = tpu.vector_load %arg8[%swap3A_113] {strides = array<i32>} : memref<2048xf32, #tpu.memory_space<vmem>>, vector<16xf32>,
    %swap3A_115 = vector.shape_cast %swap3A_114 : vector<16xf32> to vector<16xf32>
    %swap3A_116 = vector.shape_cast %broadcast_in_dim3A_1 : vector<16xf32> to vector<16xf32>
    tpu.vector_store %arg8[%swap3A_113], %swap3A_116 {strides = array<i32>} : memref<2048xf32, #tpu.memory_space<vmem>>, vector<16xf32>,
    %swap3A_117 = arith.constant 464 : index
    %swap3A_118 = tpu.vector_load %arg8[%swap3A_117] {strides = array<i32>} : memref<2048xf32, #tpu.memory_space<vmem>>, vector<16xf32>,
    %swap3A_119 = vector.shape_cast %swap3A_118 : vector<16xf32> to vector<16xf32>
    %swap3A_120 = vector.shape_cast %broadcast_in_dim3A_1 : vector<16xf32> to vector<16xf32>
    tpu.vector_store %arg8[%swap3A_117], %swap3A_120 {strides = array<i32>} : memref<2048xf32, #tpu.memory_space<vmem>>, vector<16xf32>,
    %swap3A_121 = arith.constant 480 : index
    %swap3A_122 = tpu.vector_load %arg8[%swap3A_121] {strides = array<i32>} : memref<2048xf32, #tpu.memory_space<vmem>>, vector<16xf32>,
    %swap3A_123 = vector.shape_cast %swap3A_122 : vector<16xf32> to vector<16xf32>
    %swap3A_124 = vector.shape_cast %broadcast_in_dim3A_1 : vector<16xf32> to vector<16xf32>
    tpu.vector_store %arg8[%swap3A_121], %swap3A_124 {strides = array<i32>} : memref<2048xf32, #tpu.memory_space<vmem>>, vector<16xf32>,
    %swap3A_125 = arith.constant 496 : index
    %swap3A_126 = tpu.vector_load %arg8[%swap3A_125] {strides = array<i32>} : memref<2048xf32, #tpu.memory_space<vmem>>, vector<16xf32>,
    %swap3A_127 = vector.shape_cast %swap3A_126 : vector<16xf32> to vector<16xf32>
    %swap3A_128 = vector.shape_cast %broadcast_in_dim3A_1 : vector<16xf32> to vector<16xf32>
    tpu.vector_store %arg8[%swap3A_125], %swap3A_128 {strides = array<i32>} : memref<2048xf32, #tpu.memory_space<vmem>>, vector<16xf32>,
    %swap3A_129 = arith.constant 512 : index
    %swap3A_130 = tpu.vector_load %arg8[%swap3A_129] {strides = array<i32>} : memref<2048xf32, #tpu.memory_space<vmem>>, vector<16xf32>,
    %swap3A_131 = vector.shape_cast %swap3A_130 : vector<16xf32> to vector<16xf32>
    %swap3A_132 = vector.shape_cast %broadcast_in_dim3A_1 : vector<16xf32> to vector<16xf32>
    tpu.vector_store %arg8[%swap3A_129], %swap3A_132 {strides = array<i32>} : memref<2048xf32, #tpu.memory_space<vmem>>, vector<16xf32>,
    %swap3A_133 = arith.constant 528 : index
    %swap3A_134 = tpu.vector_load %arg8[%swap3A_133] {strides = array<i32>} : memref<2048xf32, #tpu.memory_space<vmem>>, vector<16xf32>,
    %swap3A_135 = vector.shape_cast %swap3A_134 : vector<16xf32> to vector<16xf32>
    %swap3A_136 = vector.shape_cast %broadcast_in_dim3A_1 : vector<16xf32> to vector<16xf32>
    tpu.vector_store %arg8[%swap3A_133], %swap3A_136 {strides = array<i32>} : memref<2048xf32, #tpu.memory_space<vmem>>, vector<16xf32>,
    %swap3A_137 = arith.constant 544 : index
    %swap3A_138 = tpu.vector_load %arg8[%swap3A_137] {strides = array<i32>} : memref<2048xf32, #tpu.memory_space<vmem>>, vector<16xf32>,
    %swap3A_139 = vector.shape_cast %swap3A_138 : vector<16xf32> to vector<16xf32>
    %swap3A_140 = vector.shape_cast %broadcast_in_dim3A_1 : vector<16xf32> to vector<16xf32>
    tpu.vector_store %arg8[%swap3A_137], %swap3A_140 {strides = array<i32>} : memref<2048xf32, #tpu.memory_space<vmem>>, vector<16xf32>,
    %swap3A_141 = arith.constant 560 : index
    %swap3A_142 = tpu.vector_load %arg8[%swap3A_141] {strides = array<i32>} : memref<2048xf32, #tpu.memory_space<vmem>>, vector<16xf32>,
    %swap3A_143 = vector.shape_cast %swap3A_142 : vector<16xf32> to vector<16xf32>
    %swap3A_144 = vector.shape_cast %broadcast_in_dim3A_1 : vector<16xf32> to vector<16xf32>
    tpu.vector_store %arg8[%swap3A_141], %swap3A_144 {strides = array<i32>} : memref<2048xf32, #tpu.memory_space<vmem>>, vector<16xf32>,
    %swap3A_145 = arith.constant 576 : index
    %swap3A_146 = tpu.vector_load %arg8[%swap3A_145] {strides = array<i32>} : memref<2048xf32, #tpu.memory_space<vmem>>, vector<16xf32>,
    %swap3A_147 = vector.shape_cast %swap3A_146 : vector<16xf32> to vector<16xf32>
    %swap3A_148 = vector.shape_cast %broadcast_in_dim3A_1 : vector<16xf32> to vector<16xf32>
    tpu.vector_store %arg8[%swap3A_145], %swap3A_148 {strides = array<i32>} : memref<2048xf32, #tpu.memory_space<vmem>>, vector<16xf32>,
    %swap3A_149 = arith.constant 592 : index
    %swap3A_150 = tpu.vector_load %arg8[%swap3A_149] {strides = array<i32>} : memref<2048xf32, #tpu.memory_space<vmem>>, vector<16xf32>,
    %swap3A_151 = vector.shape_cast %swap3A_150 : vector<16xf32> to vector<16xf32>
    %swap3A_152 = vector.shape_cast %broadcast_in_dim3A_1 : vector<16xf32> to vector<16xf32>
    tpu.vector_store %arg8[%swap3A_149], %swap3A_152 {strides = array<i32>} : memref<2048xf32, #tpu.memory_space<vmem>>, vector<16xf32>,
    %swap3A_153 = arith.constant 608 : index
    %swap3A_154 = tpu.vector_load %arg8[%swap3A_153] {strides = array<i32>} : memref<2048xf32, #tpu.memory_space<vmem>>, vector<16xf32>,
    %swap3A_155 = vector.shape_cast %swap3A_154 : vector<16xf32> to vector<16xf32>
    %swap3A_156 = vector.shape_cast %broadcast_in_dim3A_1 : vector<16xf32> to vector<16xf32>
    tpu.vector_store %arg8[%swap3A_153], %swap3A_156 {strides = array<i32>} : memref<2048xf32, #tpu.memory_space<vmem>>, vector<16xf32>,
    %swap3A_157 = arith.constant 624 : index
    %swap3A_158 = tpu.vector_load %arg8[%swap3A_157] {strides = array<i32>} : memref<2048xf32, #tpu.memory_space<vmem>>, vector<16xf32>,
    %swap3A_159 = vector.shape_cast %swap3A_158 : vector<16xf32> to vector<16xf32>
    %swap3A_160 = vector.shape_cast %broadcast_in_dim3A_1 : vector<16xf32> to vector<16xf32>
    tpu.vector_store %arg8[%swap3A_157], %swap3A_160 {strides = array<i32>} : memref<2048xf32, #tpu.memory_space<vmem>>, vector<16xf32>,
    %swap3A_161 = arith.constant 640 : index
    %swap3A_162 = tpu.vector_load %arg8[%swap3A_161] {strides = array<i32>} : memref<2048xf32, #tpu.memory_space<vmem>>, vector<16xf32>,
    %swap3A_163 = vector.shape_cast %swap3A_162 : vector<16xf32> to vector<16xf32>
    %swap3A_164 = vector.shape_cast %broadcast_in_dim3A_1 : vector<16xf32> to vector<16xf32>
    tpu.vector_store %arg8[%swap3A_161], %swap3A_164 {strides = array<i32>} : memref<2048xf32, #tpu.memory_space<vmem>>, vector<16xf32>,
    %swap3A_165 = arith.constant 656 : index
    %swap3A_166 = tpu.vector_load %arg8[%swap3A_165] {strides = array<i32>} : memref<2048xf32, #tpu.memory_space<vmem>>, vector<16xf32>,
    %swap3A_167 = vector.shape_cast %swap3A_166 : vector<16xf32> to vector<16xf32>
    %swap3A_168 = vector.shape_cast %broadcast_in_dim3A_1 : vector<16xf32> to vector<16xf32>
    tpu.vector_store %arg8[%swap3A_165], %swap3A_168 {strides = array<i32>} : memref<2048xf32, #tpu.memory_space<vmem>>, vector<16xf32>,
    %swap3A_169 = arith.constant 672 : index
    %swap3A_170 = tpu.vector_load %arg8[%swap3A_169] {strides = array<i32>} : memref<2048xf32, #tpu.memory_space<vmem>>, vector<16xf32>,
    %swap3A_171 = vector.shape_cast %swap3A_170 : vector<16xf32> to vector<16xf32>
    %swap3A_172 = vector.shape_cast %broadcast_in_dim3A_1 : vector<16xf32> to vector<16xf32>
    tpu.vector_store %arg8[%swap3A_169], %swap3A_172 {strides = array<i32>} : memref<2048xf32, #tpu.memory_space<vmem>>, vector<16xf32>,
    %swap3A_173 = arith.constant 688 : index
    %swap3A_174 = tpu.vector_load %arg8[%swap3A_173] {strides = array<i32>} : memref<2048xf32, #tpu.memory_space<vmem>>, vector<16xf32>,
    %swap3A_175 = vector.shape_cast %swap3A_174 : vector<16xf32> to vector<16xf32>
    %swap3A_176 = vector.shape_cast %broadcast_in_dim3A_1 : vector<16xf32> to vector<16xf32>
    tpu.vector_store %arg8[%swap3A_173], %swap3A_176 {strides = array<i32>} : memref<2048xf32, #tpu.memory_space<vmem>>, vector<16xf32>,
    %swap3A_177 = arith.constant 704 : index
    %swap3A_178 = tpu.vector_load %arg8[%swap3A_177] {strides = array<i32>} : memref<2048xf32, #tpu.memory_space<vmem>>, vector<16xf32>,
    %swap3A_179 = vector.shape_cast %swap3A_178 : vector<16xf32> to vector<16xf32>
    %swap3A_180 = vector.shape_cast %broadcast_in_dim3A_1 : vector<16xf32> to vector<16xf32>
    tpu.vector_store %arg8[%swap3A_177], %swap3A_180 {strides = array<i32>} : memref<2048xf32, #tpu.memory_space<vmem>>, vector<16xf32>,
    %swap3A_181 = arith.constant 720 : index
    %swap3A_182 = tpu.vector_load %arg8[%swap3A_181] {strides = array<i32>} : memref<2048xf32, #tpu.memory_space<vmem>>, vector<16xf32>,
    %swap3A_183 = vector.shape_cast %swap3A_182 : vector<16xf32> to vector<16xf32>
    %swap3A_184 = vector.shape_cast %broadcast_in_dim3A_1 : vector<16xf32> to vector<16xf32>
    tpu.vector_store %arg8[%swap3A_181], %swap3A_184 {strides = array<i32>} : memref<2048xf32, #tpu.memory_space<vmem>>, vector<16xf32>,
    %swap3A_185 = arith.constant 736 : index
    %swap3A_186 = tpu.vector_load %arg8[%swap3A_185] {strides = array<i32>} : memref<2048xf32, #tpu.memory_space<vmem>>, vector<16xf32>,
    %swap3A_187 = vector.shape_cast %swap3A_186 : vector<16xf32> to vector<16xf32>
    %swap3A_188 = vector.shape_cast %broadcast_in_dim3A_1 : vector<16xf32> to vector<16xf32>
    tpu.vector_store %arg8[%swap3A_185], %swap3A_188 {strides = array<i32>} : memref<2048xf32, #tpu.memory_space<vmem>>, vector<16xf32>,
    %swap3A_189 = arith.constant 752 : index
    %swap3A_190 = tpu.vector_load %arg8[%swap3A_189] {strides = array<i32>} : memref<2048xf32, #tpu.memory_space<vmem>>, vector<16xf32>,
    %swap3A_191 = vector.shape_cast %swap3A_190 : vector<16xf32> to vector<16xf32>
    %swap3A_192 = vector.shape_cast %broadcast_in_dim3A_1 : vector<16xf32> to vector<16xf32>
    tpu.vector_store %arg8[%swap3A_189], %swap3A_192 {strides = array<i32>} : memref<2048xf32, #tpu.memory_space<vmem>>, vector<16xf32>,
    %swap3A_193 = arith.constant 768 : index
    %swap3A_194 = tpu.vector_load %arg8[%swap3A_193] {strides = array<i32>} : memref<2048xf32, #tpu.memory_space<vmem>>, vector<16xf32>,
    %swap3A_195 = vector.shape_cast %swap3A_194 : vector<16xf32> to vector<16xf32>
    %swap3A_196 = vector.shape_cast %broadcast_in_dim3A_1 : vector<16xf32> to vector<16xf32>
    tpu.vector_store %arg8[%swap3A_193], %swap3A_196 {strides = array<i32>} : memref<2048xf32, #tpu.memory_space<vmem>>, vector<16xf32>,
    %swap3A_197 = arith.constant 784 : index
    %swap3A_198 = tpu.vector_load %arg8[%swap3A_197] {strides = array<i32>} : memref<2048xf32, #tpu.memory_space<vmem>>, vector<16xf32>,
    %swap3A_199 = vector.shape_cast %swap3A_198 : vector<16xf32> to vector<16xf32>
    %swap3A_200 = vector.shape_cast %broadcast_in_dim3A_1 : vector<16xf32> to vector<16xf32>
    tpu.vector_store %arg8[%swap3A_197], %swap3A_200 {strides = array<i32>} : memref<2048xf32, #tpu.memory_space<vmem>>, vector<16xf32>,
    %swap3A_201 = arith.constant 800 : index
    %swap3A_202 = tpu.vector_load %arg8[%swap3A_201] {strides = array<i32>} : memref<2048xf32, #tpu.memory_space<vmem>>, vector<16xf32>,
    %swap3A_203 = vector.shape_cast %swap3A_202 : vector<16xf32> to vector<16xf32>
    %swap3A_204 = vector.shape_cast %broadcast_in_dim3A_1 : vector<16xf32> to vector<16xf32>
    tpu.vector_store %arg8[%swap3A_201], %swap3A_204 {strides = array<i32>} : memref<2048xf32, #tpu.memory_space<vmem>>, vector<16xf32>,
    %swap3A_205 = arith.constant 816 : index
    %swap3A_206 = tpu.vector_load %arg8[%swap3A_205] {strides = array<i32>} : memref<2048xf32, #tpu.memory_space<vmem>>, vector<16xf32>,
    %swap3A_207 = vector.shape_cast %swap3A_206 : vector<16xf32> to vector<16xf32>
    %swap3A_208 = vector.shape_cast %broadcast_in_dim3A_1 : vector<16xf32> to vector<16xf32>
    tpu.vector_store %arg8[%swap3A_205], %swap3A_208 {strides = array<i32>} : memref<2048xf32, #tpu.memory_space<vmem>>, vector<16xf32>,
    %swap3A_209 = arith.constant 832 : index
    %swap3A_210 = tpu.vector_load %arg8[%swap3A_209] {strides = array<i32>} : memref<2048xf32, #tpu.memory_space<vmem>>, vector<16xf32>,
    %swap3A_211 = vector.shape_cast %swap3A_210 : vector<16xf32> to vector<16xf32>
    %swap3A_212 = vector.shape_cast %broadcast_in_dim3A_1 : vector<16xf32> to vector<16xf32>
    tpu.vector_store %arg8[%swap3A_209], %swap3A_212 {strides = array<i32>} : memref<2048xf32, #tpu.memory_space<vmem>>, vector<16xf32>,
    %swap3A_213 = arith.constant 848 : index
    %swap3A_214 = tpu.vector_load %arg8[%swap3A_213] {strides = array<i32>} : memref<2048xf32, #tpu.memory_space<vmem>>, vector<16xf32>,
    %swap3A_215 = vector.shape_cast %swap3A_214 : vector<16xf32> to vector<16xf32>
    %swap3A_216 = vector.shape_cast %broadcast_in_dim3A_1 : vector<16xf32> to vector<16xf32>
    tpu.vector_store %arg8[%swap3A_213], %swap3A_216 {strides = array<i32>} : memref<2048xf32, #tpu.memory_space<vmem>>, vector<16xf32>,
    %swap3A_217 = arith.constant 864 : index
    %swap3A_218 = tpu.vector_load %arg8[%swap3A_217] {strides = array<i32>} : memref<2048xf32, #tpu.memory_space<vmem>>, vector<16xf32>,
    %swap3A_219 = vector.shape_cast %swap3A_218 : vector<16xf32> to vector<16xf32>
    %swap3A_220 = vector.shape_cast %broadcast_in_dim3A_1 : vector<16xf32> to vector<16xf32>
    tpu.vector_store %arg8[%swap3A_217], %swap3A_220 {strides = array<i32>} : memref<2048xf32, #tpu.memory_space<vmem>>, vector<16xf32>,
    %swap3A_221 = arith.constant 880 : index
    %swap3A_222 = tpu.vector_load %arg8[%swap3A_221] {strides = array<i32>} : memref<2048xf32, #tpu.memory_space<vmem>>, vector<16xf32>,
    %swap3A_223 = vector.shape_cast %swap3A_222 : vector<16xf32> to vector<16xf32>
    %swap3A_224 = vector.shape_cast %broadcast_in_dim3A_1 : vector<16xf32> to vector<16xf32>
    tpu.vector_store %arg8[%swap3A_221], %swap3A_224 {strides = array<i32>} : memref<2048xf32, #tpu.memory_space<vmem>>, vector<16xf32>,
    %swap3A_225 = arith.constant 896 : index
    %swap3A_226 = tpu.vector_load %arg8[%swap3A_225] {strides = array<i32>} : memref<2048xf32, #tpu.memory_space<vmem>>, vector<16xf32>,
    %swap3A_227 = vector.shape_cast %swap3A_226 : vector<16xf32> to vector<16xf32>
    %swap3A_228 = vector.shape_cast %broadcast_in_dim3A_1 : vector<16xf32> to vector<16xf32>
    tpu.vector_store %arg8[%swap3A_225], %swap3A_228 {strides = array<i32>} : memref<2048xf32, #tpu.memory_space<vmem>>, vector<16xf32>,
    %swap3A_229 = arith.constant 912 : index
    %swap3A_230 = tpu.vector_load %arg8[%swap3A_229] {strides = array<i32>} : memref<2048xf32, #tpu.memory_space<vmem>>, vector<16xf32>,
    %swap3A_231 = vector.shape_cast %swap3A_230 : vector<16xf32> to vector<16xf32>
    %swap3A_232 = vector.shape_cast %broadcast_in_dim3A_1 : vector<16xf32> to vector<16xf32>
    tpu.vector_store %arg8[%swap3A_229], %swap3A_232 {strides = array<i32>} : memref<2048xf32, #tpu.memory_space<vmem>>, vector<16xf32>,
    %swap3A_233 = arith.constant 928 : index
    %swap3A_234 = tpu.vector_load %arg8[%swap3A_233] {strides = array<i32>} : memref<2048xf32, #tpu.memory_space<vmem>>, vector<16xf32>,
    %swap3A_235 = vector.shape_cast %swap3A_234 : vector<16xf32> to vector<16xf32>
    %swap3A_236 = vector.shape_cast %broadcast_in_dim3A_1 : vector<16xf32> to vector<16xf32>
    tpu.vector_store %arg8[%swap3A_233], %swap3A_236 {strides = array<i32>} : memref<2048xf32, #tpu.memory_space<vmem>>, vector<16xf32>,
    %swap3A_237 = arith.constant 944 : index
    %swap3A_238 = tpu.vector_load %arg8[%swap3A_237] {strides = array<i32>} : memref<2048xf32, #tpu.memory_space<vmem>>, vector<16xf32>,
    %swap3A_239 = vector.shape_cast %swap3A_238 : vector<16xf32> to vector<16xf32>
    %swap3A_240 = vector.shape_cast %broadcast_in_dim3A_1 : vector<16xf32> to vector<16xf32>
    tpu.vector_store %arg8[%swap3A_237], %swap3A_240 {strides = array<i32>} : memref<2048xf32, #tpu.memory_space<vmem>>, vector<16xf32>,
    %swap3A_241 = arith.constant 960 : index
    %swap3A_242 = tpu.vector_load %arg8[%swap3A_241] {strides = array<i32>} : memref<2048xf32, #tpu.memory_space<vmem>>, vector<16xf32>,
    %swap3A_243 = vector.shape_cast %swap3A_242 : vector<16xf32> to vector<16xf32>
    %swap3A_244 = vector.shape_cast %broadcast_in_dim3A_1 : vector<16xf32> to vector<16xf32>
    tpu.vector_store %arg8[%swap3A_241], %swap3A_244 {strides = array<i32>} : memref<2048xf32, #tpu.memory_space<vmem>>, vector<16xf32>,
    %swap3A_245 = arith.constant 976 : index
    %swap3A_246 = tpu.vector_load %arg8[%swap3A_245] {strides = array<i32>} : memref<2048xf32, #tpu.memory_space<vmem>>, vector<16xf32>,
    %swap3A_247 = vector.shape_cast %swap3A_246 : vector<16xf32> to vector<16xf32>
    %swap3A_248 = vector.shape_cast %broadcast_in_dim3A_1 : vector<16xf32> to vector<16xf32>
    tpu.vector_store %arg8[%swap3A_245], %swap3A_248 {strides = array<i32>} : memref<2048xf32, #tpu.memory_space<vmem>>, vector<16xf32>,
    %swap3A_249 = arith.constant 992 : index
    %swap3A_250 = tpu.vector_load %arg8[%swap3A_249] {strides = array<i32>} : memref<2048xf32, #tpu.memory_space<vmem>>, vector<16xf32>,
    %swap3A_251 = vector.shape_cast %swap3A_250 : vector<16xf32> to vector<16xf32>
    %swap3A_252 = vector.shape_cast %broadcast_in_dim3A_1 : vector<16xf32> to vector<16xf32>
    tpu.vector_store %arg8[%swap3A_249], %swap3A_252 {strides = array<i32>} : memref<2048xf32, #tpu.memory_space<vmem>>, vector<16xf32>,
    %swap3A_253 = arith.constant 1008 : index
    %swap3A_254 = tpu.vector_load %arg8[%swap3A_253] {strides = array<i32>} : memref<2048xf32, #tpu.memory_space<vmem>>, vector<16xf32>,
    %swap3A_255 = vector.shape_cast %swap3A_254 : vector<16xf32> to vector<16xf32>
    %swap3A_256 = vector.shape_cast %broadcast_in_dim3A_1 : vector<16xf32> to vector<16xf32>
    tpu.vector_store %arg8[%swap3A_253], %swap3A_256 {strides = array<i32>} : memref<2048xf32, #tpu.memory_space<vmem>>, vector<16xf32>,
    %swap3A_257 = arith.constant 1024 : index
    %swap3A_258 = tpu.vector_load %arg8[%swap3A_257] {strides = array<i32>} : memref<2048xf32, #tpu.memory_space<vmem>>, vector<16xf32>,
    %swap3A_259 = vector.shape_cast %swap3A_258 : vector<16xf32> to vector<16xf32>
    %swap3A_260 = vector.shape_cast %broadcast_in_dim3A_1 : vector<16xf32> to vector<16xf32>
    tpu.vector_store %arg8[%swap3A_257], %swap3A_260 {strides = array<i32>} : memref<2048xf32, #tpu.memory_space<vmem>>, vector<16xf32>,
    %swap3A_261 = arith.constant 1040 : index
    %swap3A_262 = tpu.vector_load %arg8[%swap3A_261] {strides = array<i32>} : memref<2048xf32, #tpu.memory_space<vmem>>, vector<16xf32>,
    %swap3A_263 = vector.shape_cast %swap3A_262 : vector<16xf32> to vector<16xf32>
    %swap3A_264 = vector.shape_cast %broadcast_in_dim3A_1 : vector<16xf32> to vector<16xf32>
    tpu.vector_store %arg8[%swap3A_261], %swap3A_264 {strides = array<i32>} : memref<2048xf32, #tpu.memory_space<vmem>>, vector<16xf32>,
    %swap3A_265 = arith.constant 1056 : index
    %swap3A_266 = tpu.vector_load %arg8[%swap3A_265] {strides = array<i32>} : memref<2048xf32, #tpu.memory_space<vmem>>, vector<16xf32>,
    %swap3A_267 = vector.shape_cast %swap3A_266 : vector<16xf32> to vector<16xf32>
    %swap3A_268 = vector.shape_cast %broadcast_in_dim3A_1 : vector<16xf32> to vector<16xf32>
    tpu.vector_store %arg8[%swap3A_265], %swap3A_268 {strides = array<i32>} : memref<2048xf32, #tpu.memory_space<vmem>>, vector<16xf32>,
    %swap3A_269 = arith.constant 1072 : index
    %swap3A_270 = tpu.vector_load %arg8[%swap3A_269] {strides = array<i32>} : memref<2048xf32, #tpu.memory_space<vmem>>, vector<16xf32>,
    %swap3A_271 = vector.shape_cast %swap3A_270 : vector<16xf32> to vector<16xf32>
    %swap3A_272 = vector.shape_cast %broadcast_in_dim3A_1 : vector<16xf32> to vector<16xf32>
    tpu.vector_store %arg8[%swap3A_269], %swap3A_272 {strides = array<i32>} : memref<2048xf32, #tpu.memory_space<vmem>>, vector<16xf32>,
    %swap3A_273 = arith.constant 1088 : index
    %swap3A_274 = tpu.vector_load %arg8[%swap3A_273] {strides = array<i32>} : memref<2048xf32, #tpu.memory_space<vmem>>, vector<16xf32>,
    %swap3A_275 = vector.shape_cast %swap3A_274 : vector<16xf32> to vector<16xf32>
    %swap3A_276 = vector.shape_cast %broadcast_in_dim3A_1 : vector<16xf32> to vector<16xf32>
    tpu.vector_store %arg8[%swap3A_273], %swap3A_276 {strides = array<i32>} : memref<2048xf32, #tpu.memory_space<vmem>>, vector<16xf32>,
    %swap3A_277 = arith.constant 1104 : index
    %swap3A_278 = tpu.vector_load %arg8[%swap3A_277] {strides = array<i32>} : memref<2048xf32, #tpu.memory_space<vmem>>, vector<16xf32>,
    %swap3A_279 = vector.shape_cast %swap3A_278 : vector<16xf32> to vector<16xf32>
    %swap3A_280 = vector.shape_cast %broadcast_in_dim3A_1 : vector<16xf32> to vector<16xf32>
    tpu.vector_store %arg8[%swap3A_277], %swap3A_280 {strides = array<i32>} : memref<2048xf32, #tpu.memory_space<vmem>>, vector<16xf32>,
    %swap3A_281 = arith.constant 1120 : index
    %swap3A_282 = tpu.vector_load %arg8[%swap3A_281] {strides = array<i32>} : memref<2048xf32, #tpu.memory_space<vmem>>, vector<16xf32>,
    %swap3A_283 = vector.shape_cast %swap3A_282 : vector<16xf32> to vector<16xf32>
    %swap3A_284 = vector.shape_cast %broadcast_in_dim3A_1 : vector<16xf32> to vector<16xf32>
    tpu.vector_store %arg8[%swap3A_281], %swap3A_284 {strides = array<i32>} : memref<2048xf32, #tpu.memory_space<vmem>>, vector<16xf32>,
    %swap3A_285 = arith.constant 1136 : index
    %swap3A_286 = tpu.vector_load %arg8[%swap3A_285] {strides = array<i32>} : memref<2048xf32, #tpu.memory_space<vmem>>, vector<16xf32>,
    %swap3A_287 = vector.shape_cast %swap3A_286 : vector<16xf32> to vector<16xf32>
    %swap3A_288 = vector.shape_cast %broadcast_in_dim3A_1 : vector<16xf32> to vector<16xf32>
    tpu.vector_store %arg8[%swap3A_285], %swap3A_288 {strides = array<i32>} : memref<2048xf32, #tpu.memory_space<vmem>>, vector<16xf32>,
    %swap3A_289 = arith.constant 1152 : index
    %swap3A_290 = tpu.vector_load %arg8[%swap3A_289] {strides = array<i32>} : memref<2048xf32, #tpu.memory_space<vmem>>, vector<16xf32>,
    %swap3A_291 = vector.shape_cast %swap3A_290 : vector<16xf32> to vector<16xf32>
    %swap3A_292 = vector.shape_cast %broadcast_in_dim3A_1 : vector<16xf32> to vector<16xf32>
    tpu.vector_store %arg8[%swap3A_289], %swap3A_292 {strides = array<i32>} : memref<2048xf32, #tpu.memory_space<vmem>>, vector<16xf32>,
    %swap3A_293 = arith.constant 1168 : index
    %swap3A_294 = tpu.vector_load %arg8[%swap3A_293] {strides = array<i32>} : memref<2048xf32, #tpu.memory_space<vmem>>, vector<16xf32>,
    %swap3A_295 = vector.shape_cast %swap3A_294 : vector<16xf32> to vector<16xf32>
    %swap3A_296 = vector.shape_cast %broadcast_in_dim3A_1 : vector<16xf32> to vector<16xf32>
    tpu.vector_store %arg8[%swap3A_293], %swap3A_296 {strides = array<i32>} : memref<2048xf32, #tpu.memory_space<vmem>>, vector<16xf32>,
    %swap3A_297 = arith.constant 1184 : index
    %swap3A_298 = tpu.vector_load %arg8[%swap3A_297] {strides = array<i32>} : memref<2048xf32, #tpu.memory_space<vmem>>, vector<16xf32>,
    %swap3A_299 = vector.shape_cast %swap3A_298 : vector<16xf32> to vector<16xf32>
    %swap3A_300 = vector.shape_cast %broadcast_in_dim3A_1 : vector<16xf32> to vector<16xf32>
    tpu.vector_store %arg8[%swap3A_297], %swap3A_300 {strides = array<i32>} : memref<2048xf32, #tpu.memory_space<vmem>>, vector<16xf32>,
    %swap3A_301 = arith.constant 1200 : index
    %swap3A_302 = tpu.vector_load %arg8[%swap3A_301] {strides = array<i32>} : memref<2048xf32, #tpu.memory_space<vmem>>, vector<16xf32>,
    %swap3A_303 = vector.shape_cast %swap3A_302 : vector<16xf32> to vector<16xf32>
    %swap3A_304 = vector.shape_cast %broadcast_in_dim3A_1 : vector<16xf32> to vector<16xf32>
    tpu.vector_store %arg8[%swap3A_301], %swap3A_304 {strides = array<i32>} : memref<2048xf32, #tpu.memory_space<vmem>>, vector<16xf32>,
    %swap3A_305 = arith.constant 1216 : index
    %swap3A_306 = tpu.vector_load %arg8[%swap3A_305] {strides = array<i32>} : memref<2048xf32, #tpu.memory_space<vmem>>, vector<16xf32>,
    %swap3A_307 = vector.shape_cast %swap3A_306 : vector<16xf32> to vector<16xf32>
    %swap3A_308 = vector.shape_cast %broadcast_in_dim3A_1 : vector<16xf32> to vector<16xf32>
    tpu.vector_store %arg8[%swap3A_305], %swap3A_308 {strides = array<i32>} : memref<2048xf32, #tpu.memory_space<vmem>>, vector<16xf32>,
    %swap3A_309 = arith.constant 1232 : index
    %swap3A_310 = tpu.vector_load %arg8[%swap3A_309] {strides = array<i32>} : memref<2048xf32, #tpu.memory_space<vmem>>, vector<16xf32>,
    %swap3A_311 = vector.shape_cast %swap3A_310 : vector<16xf32> to vector<16xf32>
    %swap3A_312 = vector.shape_cast %broadcast_in_dim3A_1 : vector<16xf32> to vector<16xf32>
    tpu.vector_store %arg8[%swap3A_309], %swap3A_312 {strides = array<i32>} : memref<2048xf32, #tpu.memory_space<vmem>>, vector<16xf32>,
    %swap3A_313 = arith.constant 1248 : index
    %swap3A_314 = tpu.vector_load %arg8[%swap3A_313] {strides = array<i32>} : memref<2048xf32, #tpu.memory_space<vmem>>, vector<16xf32>,
    %swap3A_315 = vector.shape_cast %swap3A_314 : vector<16xf32> to vector<16xf32>
    %swap3A_316 = vector.shape_cast %broadcast_in_dim3A_1 : vector<16xf32> to vector<16xf32>
    tpu.vector_store %arg8[%swap3A_313], %swap3A_316 {strides = array<i32>} : memref<2048xf32, #tpu.memory_space<vmem>>, vector<16xf32>,
    %swap3A_317 = arith.constant 1264 : index
    %swap3A_318 = tpu.vector_load %arg8[%swap3A_317] {strides = array<i32>} : memref<2048xf32, #tpu.memory_space<vmem>>, vector<16xf32>,
    %swap3A_319 = vector.shape_cast %swap3A_318 : vector<16xf32> to vector<16xf32>
    %swap3A_320 = vector.shape_cast %broadcast_in_dim3A_1 : vector<16xf32> to vector<16xf32>
    tpu.vector_store %arg8[%swap3A_317], %swap3A_320 {strides = array<i32>} : memref<2048xf32, #tpu.memory_space<vmem>>, vector<16xf32>,
    %swap3A_321 = arith.constant 1280 : index
    %swap3A_322 = tpu.vector_load %arg8[%swap3A_321] {strides = array<i32>} : memref<2048xf32, #tpu.memory_space<vmem>>, vector<16xf32>,
    %swap3A_323 = vector.shape_cast %swap3A_322 : vector<16xf32> to vector<16xf32>
    %swap3A_324 = vector.shape_cast %broadcast_in_dim3A_1 : vector<16xf32> to vector<16xf32>
    tpu.vector_store %arg8[%swap3A_321], %swap3A_324 {strides = array<i32>} : memref<2048xf32, #tpu.memory_space<vmem>>, vector<16xf32>,
    %swap3A_325 = arith.constant 1296 : index
    %swap3A_326 = tpu.vector_load %arg8[%swap3A_325] {strides = array<i32>} : memref<2048xf32, #tpu.memory_space<vmem>>, vector<16xf32>,
    %swap3A_327 = vector.shape_cast %swap3A_326 : vector<16xf32> to vector<16xf32>
    %swap3A_328 = vector.shape_cast %broadcast_in_dim3A_1 : vector<16xf32> to vector<16xf32>
    tpu.vector_store %arg8[%swap3A_325], %swap3A_328 {strides = array<i32>} : memref<2048xf32, #tpu.memory_space<vmem>>, vector<16xf32>,
    %swap3A_329 = arith.constant 1312 : index
    %swap3A_330 = tpu.vector_load %arg8[%swap3A_329] {strides = array<i32>} : memref<2048xf32, #tpu.memory_space<vmem>>, vector<16xf32>,
    %swap3A_331 = vector.shape_cast %swap3A_330 : vector<16xf32> to vector<16xf32>
    %swap3A_332 = vector.shape_cast %broadcast_in_dim3A_1 : vector<16xf32> to vector<16xf32>
    tpu.vector_store %arg8[%swap3A_329], %swap3A_332 {strides = array<i32>} : memref<2048xf32, #tpu.memory_space<vmem>>, vector<16xf32>,
    %swap3A_333 = arith.constant 1328 : index
    %swap3A_334 = tpu.vector_load %arg8[%swap3A_333] {strides = array<i32>} : memref<2048xf32, #tpu.memory_space<vmem>>, vector<16xf32>,
    %swap3A_335 = vector.shape_cast %swap3A_334 : vector<16xf32> to vector<16xf32>
    %swap3A_336 = vector.shape_cast %broadcast_in_dim3A_1 : vector<16xf32> to vector<16xf32>
    tpu.vector_store %arg8[%swap3A_333], %swap3A_336 {strides = array<i32>} : memref<2048xf32, #tpu.memory_space<vmem>>, vector<16xf32>,
    %swap3A_337 = arith.constant 1344 : index
    %swap3A_338 = tpu.vector_load %arg8[%swap3A_337] {strides = array<i32>} : memref<2048xf32, #tpu.memory_space<vmem>>, vector<16xf32>,
    %swap3A_339 = vector.shape_cast %swap3A_338 : vector<16xf32> to vector<16xf32>
    %swap3A_340 = vector.shape_cast %broadcast_in_dim3A_1 : vector<16xf32> to vector<16xf32>
    tpu.vector_store %arg8[%swap3A_337], %swap3A_340 {strides = array<i32>} : memref<2048xf32, #tpu.memory_space<vmem>>, vector<16xf32>,
    %swap3A_341 = arith.constant 1360 : index
    %swap3A_342 = tpu.vector_load %arg8[%swap3A_341] {strides = array<i32>} : memref<2048xf32, #tpu.memory_space<vmem>>, vector<16xf32>,
    %swap3A_343 = vector.shape_cast %swap3A_342 : vector<16xf32> to vector<16xf32>
    %swap3A_344 = vector.shape_cast %broadcast_in_dim3A_1 : vector<16xf32> to vector<16xf32>
    tpu.vector_store %arg8[%swap3A_341], %swap3A_344 {strides = array<i32>} : memref<2048xf32, #tpu.memory_space<vmem>>, vector<16xf32>,
    %swap3A_345 = arith.constant 1376 : index
    %swap3A_346 = tpu.vector_load %arg8[%swap3A_345] {strides = array<i32>} : memref<2048xf32, #tpu.memory_space<vmem>>, vector<16xf32>,
    %swap3A_347 = vector.shape_cast %swap3A_346 : vector<16xf32> to vector<16xf32>
    %swap3A_348 = vector.shape_cast %broadcast_in_dim3A_1 : vector<16xf32> to vector<16xf32>
    tpu.vector_store %arg8[%swap3A_345], %swap3A_348 {strides = array<i32>} : memref<2048xf32, #tpu.memory_space<vmem>>, vector<16xf32>,
    %swap3A_349 = arith.constant 1392 : index
    %swap3A_350 = tpu.vector_load %arg8[%swap3A_349] {strides = array<i32>} : memref<2048xf32, #tpu.memory_space<vmem>>, vector<16xf32>,
    %swap3A_351 = vector.shape_cast %swap3A_350 : vector<16xf32> to vector<16xf32>
    %swap3A_352 = vector.shape_cast %broadcast_in_dim3A_1 : vector<16xf32> to vector<16xf32>
    tpu.vector_store %arg8[%swap3A_349], %swap3A_352 {strides = array<i32>} : memref<2048xf32, #tpu.memory_space<vmem>>, vector<16xf32>,
    %swap3A_353 = arith.constant 1408 : index
    %swap3A_354 = tpu.vector_load %arg8[%swap3A_353] {strides = array<i32>} : memref<2048xf32, #tpu.memory_space<vmem>>, vector<16xf32>,
    %swap3A_355 = vector.shape_cast %swap3A_354 : vector<16xf32> to vector<16xf32>
    %swap3A_356 = vector.shape_cast %broadcast_in_dim3A_1 : vector<16xf32> to vector<16xf32>
    tpu.vector_store %arg8[%swap3A_353], %swap3A_356 {strides = array<i32>} : memref<2048xf32, #tpu.memory_space<vmem>>, vector<16xf32>,
    %swap3A_357 = arith.constant 1424 : index
    %swap3A_358 = tpu.vector_load %arg8[%swap3A_357] {strides = array<i32>} : memref<2048xf32, #tpu.memory_space<vmem>>, vector<16xf32>,
    %swap3A_359 = vector.shape_cast %swap3A_358 : vector<16xf32> to vector<16xf32>
    %swap3A_360 = vector.shape_cast %broadcast_in_dim3A_1 : vector<16xf32> to vector<16xf32>
    tpu.vector_store %arg8[%swap3A_357], %swap3A_360 {strides = array<i32>} : memref<2048xf32, #tpu.memory_space<vmem>>, vector<16xf32>,
    %swap3A_361 = arith.constant 1440 : index
    %swap3A_362 = tpu.vector_load %arg8[%swap3A_361] {strides = array<i32>} : memref<2048xf32, #tpu.memory_space<vmem>>, vector<16xf32>,
    %swap3A_363 = vector.shape_cast %swap3A_362 : vector<16xf32> to vector<16xf32>
    %swap3A_364 = vector.shape_cast %broadcast_in_dim3A_1 : vector<16xf32> to vector<16xf32>
    tpu.vector_store %arg8[%swap3A_361], %swap3A_364 {strides = array<i32>} : memref<2048xf32, #tpu.memory_space<vmem>>, vector<16xf32>,
    %swap3A_365 = arith.constant 1456 : index
    %swap3A_366 = tpu.vector_load %arg8[%swap3A_365] {strides = array<i32>} : memref<2048xf32, #tpu.memory_space<vmem>>, vector<16xf32>,
    %swap3A_367 = vector.shape_cast %swap3A_366 : vector<16xf32> to vector<16xf32>
    %swap3A_368 = vector.shape_cast %broadcast_in_dim3A_1 : vector<16xf32> to vector<16xf32>
    tpu.vector_store %arg8[%swap3A_365], %swap3A_368 {strides = array<i32>} : memref<2048xf32, #tpu.memory_space<vmem>>, vector<16xf32>,
    %swap3A_369 = arith.constant 1472 : index
    %swap3A_370 = tpu.vector_load %arg8[%swap3A_369] {strides = array<i32>} : memref<2048xf32, #tpu.memory_space<vmem>>, vector<16xf32>,
    %swap3A_371 = vector.shape_cast %swap3A_370 : vector<16xf32> to vector<16xf32>
    %swap3A_372 = vector.shape_cast %broadcast_in_dim3A_1 : vector<16xf32> to vector<16xf32>
    tpu.vector_store %arg8[%swap3A_369], %swap3A_372 {strides = array<i32>} : memref<2048xf32, #tpu.memory_space<vmem>>, vector<16xf32>,
    %swap3A_373 = arith.constant 1488 : index
    %swap3A_374 = tpu.vector_load %arg8[%swap3A_373] {strides = array<i32>} : memref<2048xf32, #tpu.memory_space<vmem>>, vector<16xf32>,
    %swap3A_375 = vector.shape_cast %swap3A_374 : vector<16xf32> to vector<16xf32>
    %swap3A_376 = vector.shape_cast %broadcast_in_dim3A_1 : vector<16xf32> to vector<16xf32>
    tpu.vector_store %arg8[%swap3A_373], %swap3A_376 {strides = array<i32>} : memref<2048xf32, #tpu.memory_space<vmem>>, vector<16xf32>,
    %swap3A_377 = arith.constant 1504 : index
    %swap3A_378 = tpu.vector_load %arg8[%swap3A_377] {strides = array<i32>} : memref<2048xf32, #tpu.memory_space<vmem>>, vector<16xf32>,
    %swap3A_379 = vector.shape_cast %swap3A_378 : vector<16xf32> to vector<16xf32>
    %swap3A_380 = vector.shape_cast %broadcast_in_dim3A_1 : vector<16xf32> to vector<16xf32>
    tpu.vector_store %arg8[%swap3A_377], %swap3A_380 {strides = array<i32>} : memref<2048xf32, #tpu.memory_space<vmem>>, vector<16xf32>,
    %swap3A_381 = arith.constant 1520 : index
    %swap3A_382 = tpu.vector_load %arg8[%swap3A_381] {strides = array<i32>} : memref<2048xf32, #tpu.memory_space<vmem>>, vector<16xf32>,
    %swap3A_383 = vector.shape_cast %swap3A_382 : vector<16xf32> to vector<16xf32>
    %swap3A_384 = vector.shape_cast %broadcast_in_dim3A_1 : vector<16xf32> to vector<16xf32>
    tpu.vector_store %arg8[%swap3A_381], %swap3A_384 {strides = array<i32>} : memref<2048xf32, #tpu.memory_space<vmem>>, vector<16xf32>,
    %swap3A_385 = arith.constant 1536 : index
    %swap3A_386 = tpu.vector_load %arg8[%swap3A_385] {strides = array<i32>} : memref<2048xf32, #tpu.memory_space<vmem>>, vector<16xf32>,
    %swap3A_387 = vector.shape_cast %swap3A_386 : vector<16xf32> to vector<16xf32>
    %swap3A_388 = vector.shape_cast %broadcast_in_dim3A_1 : vector<16xf32> to vector<16xf32>
    tpu.vector_store %arg8[%swap3A_385], %swap3A_388 {strides = array<i32>} : memref<2048xf32, #tpu.memory_space<vmem>>, vector<16xf32>,
    %swap3A_389 = arith.constant 1552 : index
    %swap3A_390 = tpu.vector_load %arg8[%swap3A_389] {strides = array<i32>} : memref<2048xf32, #tpu.memory_space<vmem>>, vector<16xf32>,
    %swap3A_391 = vector.shape_cast %swap3A_390 : vector<16xf32> to vector<16xf32>
    %swap3A_392 = vector.shape_cast %broadcast_in_dim3A_1 : vector<16xf32> to vector<16xf32>
    tpu.vector_store %arg8[%swap3A_389], %swap3A_392 {strides = array<i32>} : memref<2048xf32, #tpu.memory_space<vmem>>, vector<16xf32>,
    %swap3A_393 = arith.constant 1568 : index
    %swap3A_394 = tpu.vector_load %arg8[%swap3A_393] {strides = array<i32>} : memref<2048xf32, #tpu.memory_space<vmem>>, vector<16xf32>,
    %swap3A_395 = vector.shape_cast %swap3A_394 : vector<16xf32> to vector<16xf32>
    %swap3A_396 = vector.shape_cast %broadcast_in_dim3A_1 : vector<16xf32> to vector<16xf32>
    tpu.vector_store %arg8[%swap3A_393], %swap3A_396 {strides = array<i32>} : memref<2048xf32, #tpu.memory_space<vmem>>, vector<16xf32>,
    %swap3A_397 = arith.constant 1584 : index
    %swap3A_398 = tpu.vector_load %arg8[%swap3A_397] {strides = array<i32>} : memref<2048xf32, #tpu.memory_space<vmem>>, vector<16xf32>,
    %swap3A_399 = vector.shape_cast %swap3A_398 : vector<16xf32> to vector<16xf32>
    %swap3A_400 = vector.shape_cast %broadcast_in_dim3A_1 : vector<16xf32> to vector<16xf32>
    tpu.vector_store %arg8[%swap3A_397], %swap3A_400 {strides = array<i32>} : memref<2048xf32, #tpu.memory_space<vmem>>, vector<16xf32>,
    %swap3A_401 = arith.constant 1600 : index
    %swap3A_402 = tpu.vector_load %arg8[%swap3A_401] {strides = array<i32>} : memref<2048xf32, #tpu.memory_space<vmem>>, vector<16xf32>,
    %swap3A_403 = vector.shape_cast %swap3A_402 : vector<16xf32> to vector<16xf32>
    %swap3A_404 = vector.shape_cast %broadcast_in_dim3A_1 : vector<16xf32> to vector<16xf32>
    tpu.vector_store %arg8[%swap3A_401], %swap3A_404 {strides = array<i32>} : memref<2048xf32, #tpu.memory_space<vmem>>, vector<16xf32>,
    %swap3A_405 = arith.constant 1616 : index
    %swap3A_406 = tpu.vector_load %arg8[%swap3A_405] {strides = array<i32>} : memref<2048xf32, #tpu.memory_space<vmem>>, vector<16xf32>,
    %swap3A_407 = vector.shape_cast %swap3A_406 : vector<16xf32> to vector<16xf32>
    %swap3A_408 = vector.shape_cast %broadcast_in_dim3A_1 : vector<16xf32> to vector<16xf32>
    tpu.vector_store %arg8[%swap3A_405], %swap3A_408 {strides = array<i32>} : memref<2048xf32, #tpu.memory_space<vmem>>, vector<16xf32>,
    %swap3A_409 = arith.constant 1632 : index
    %swap3A_410 = tpu.vector_load %arg8[%swap3A_409] {strides = array<i32>} : memref<2048xf32, #tpu.memory_space<vmem>>, vector<16xf32>,
    %swap3A_411 = vector.shape_cast %swap3A_410 : vector<16xf32> to vector<16xf32>
    %swap3A_412 = vector.shape_cast %broadcast_in_dim3A_1 : vector<16xf32> to vector<16xf32>
    tpu.vector_store %arg8[%swap3A_409], %swap3A_412 {strides = array<i32>} : memref<2048xf32, #tpu.memory_space<vmem>>, vector<16xf32>,
    %swap3A_413 = arith.constant 1648 : index
    %swap3A_414 = tpu.vector_load %arg8[%swap3A_413] {strides = array<i32>} : memref<2048xf32, #tpu.memory_space<vmem>>, vector<16xf32>,
    %swap3A_415 = vector.shape_cast %swap3A_414 : vector<16xf32> to vector<16xf32>
    %swap3A_416 = vector.shape_cast %broadcast_in_dim3A_1 : vector<16xf32> to vector<16xf32>
    tpu.vector_store %arg8[%swap3A_413], %swap3A_416 {strides = array<i32>} : memref<2048xf32, #tpu.memory_space<vmem>>, vector<16xf32>,
    %swap3A_417 = arith.constant 1664 : index
    %swap3A_418 = tpu.vector_load %arg8[%swap3A_417] {strides = array<i32>} : memref<2048xf32, #tpu.memory_space<vmem>>, vector<16xf32>,
    %swap3A_419 = vector.shape_cast %swap3A_418 : vector<16xf32> to vector<16xf32>
    %swap3A_420 = vector.shape_cast %broadcast_in_dim3A_1 : vector<16xf32> to vector<16xf32>
    tpu.vector_store %arg8[%swap3A_417], %swap3A_420 {strides = array<i32>} : memref<2048xf32, #tpu.memory_space<vmem>>, vector<16xf32>,
    %swap3A_421 = arith.constant 1680 : index
    %swap3A_422 = tpu.vector_load %arg8[%swap3A_421] {strides = array<i32>} : memref<2048xf32, #tpu.memory_space<vmem>>, vector<16xf32>,
    %swap3A_423 = vector.shape_cast %swap3A_422 : vector<16xf32> to vector<16xf32>
    %swap3A_424 = vector.shape_cast %broadcast_in_dim3A_1 : vector<16xf32> to vector<16xf32>
    tpu.vector_store %arg8[%swap3A_421], %swap3A_424 {strides = array<i32>} : memref<2048xf32, #tpu.memory_space<vmem>>, vector<16xf32>,
    %swap3A_425 = arith.constant 1696 : index
    %swap3A_426 = tpu.vector_load %arg8[%swap3A_425] {strides = array<i32>} : memref<2048xf32, #tpu.memory_space<vmem>>, vector<16xf32>,
    %swap3A_427 = vector.shape_cast %swap3A_426 : vector<16xf32> to vector<16xf32>
    %swap3A_428 = vector.shape_cast %broadcast_in_dim3A_1 : vector<16xf32> to vector<16xf32>
    tpu.vector_store %arg8[%swap3A_425], %swap3A_428 {strides = array<i32>} : memref<2048xf32, #tpu.memory_space<vmem>>, vector<16xf32>,
    %swap3A_429 = arith.constant 1712 : index
    %swap3A_430 = tpu.vector_load %arg8[%swap3A_429] {strides = array<i32>} : memref<2048xf32, #tpu.memory_space<vmem>>, vector<16xf32>,
    %swap3A_431 = vector.shape_cast %swap3A_430 : vector<16xf32> to vector<16xf32>
    %swap3A_432 = vector.shape_cast %broadcast_in_dim3A_1 : vector<16xf32> to vector<16xf32>
    tpu.vector_store %arg8[%swap3A_429], %swap3A_432 {strides = array<i32>} : memref<2048xf32, #tpu.memory_space<vmem>>, vector<16xf32>,
    %swap3A_433 = arith.constant 1728 : index
    %swap3A_434 = tpu.vector_load %arg8[%swap3A_433] {strides = array<i32>} : memref<2048xf32, #tpu.memory_space<vmem>>, vector<16xf32>,
    %swap3A_435 = vector.shape_cast %swap3A_434 : vector<16xf32> to vector<16xf32>
    %swap3A_436 = vector.shape_cast %broadcast_in_dim3A_1 : vector<16xf32> to vector<16xf32>
    tpu.vector_store %arg8[%swap3A_433], %swap3A_436 {strides = array<i32>} : memref<2048xf32, #tpu.memory_space<vmem>>, vector<16xf32>,
    %swap3A_437 = arith.constant 1744 : index
    %swap3A_438 = tpu.vector_load %arg8[%swap3A_437] {strides = array<i32>} : memref<2048xf32, #tpu.memory_space<vmem>>, vector<16xf32>,
    %swap3A_439 = vector.shape_cast %swap3A_438 : vector<16xf32> to vector<16xf32>
    %swap3A_440 = vector.shape_cast %broadcast_in_dim3A_1 : vector<16xf32> to vector<16xf32>
    tpu.vector_store %arg8[%swap3A_437], %swap3A_440 {strides = array<i32>} : memref<2048xf32, #tpu.memory_space<vmem>>, vector<16xf32>,
    %swap3A_441 = arith.constant 1760 : index
    %swap3A_442 = tpu.vector_load %arg8[%swap3A_441] {strides = array<i32>} : memref<2048xf32, #tpu.memory_space<vmem>>, vector<16xf32>,
    %swap3A_443 = vector.shape_cast %swap3A_442 : vector<16xf32> to vector<16xf32>
    %swap3A_444 = vector.shape_cast %broadcast_in_dim3A_1 : vector<16xf32> to vector<16xf32>
    tpu.vector_store %arg8[%swap3A_441], %swap3A_444 {strides = array<i32>} : memref<2048xf32, #tpu.memory_space<vmem>>, vector<16xf32>,
    %swap3A_445 = arith.constant 1776 : index
    %swap3A_446 = tpu.vector_load %arg8[%swap3A_445] {strides = array<i32>} : memref<2048xf32, #tpu.memory_space<vmem>>, vector<16xf32>,
    %swap3A_447 = vector.shape_cast %swap3A_446 : vector<16xf32> to vector<16xf32>
    %swap3A_448 = vector.shape_cast %broadcast_in_dim3A_1 : vector<16xf32> to vector<16xf32>
    tpu.vector_store %arg8[%swap3A_445], %swap3A_448 {strides = array<i32>} : memref<2048xf32, #tpu.memory_space<vmem>>, vector<16xf32>,
    %swap3A_449 = arith.constant 1792 : index
    %swap3A_450 = tpu.vector_load %arg8[%swap3A_449] {strides = array<i32>} : memref<2048xf32, #tpu.memory_space<vmem>>, vector<16xf32>,
    %swap3A_451 = vector.shape_cast %swap3A_450 : vector<16xf32> to vector<16xf32>
    %swap3A_452 = vector.shape_cast %broadcast_in_dim3A_1 : vector<16xf32> to vector<16xf32>
    tpu.vector_store %arg8[%swap3A_449], %swap3A_452 {strides = array<i32>} : memref<2048xf32, #tpu.memory_space<vmem>>, vector<16xf32>,
    %swap3A_453 = arith.constant 1808 : index
    %swap3A_454 = tpu.vector_load %arg8[%swap3A_453] {strides = array<i32>} : memref<2048xf32, #tpu.memory_space<vmem>>, vector<16xf32>,
    %swap3A_455 = vector.shape_cast %swap3A_454 : vector<16xf32> to vector<16xf32>
    %swap3A_456 = vector.shape_cast %broadcast_in_dim3A_1 : vector<16xf32> to vector<16xf32>
    tpu.vector_store %arg8[%swap3A_453], %swap3A_456 {strides = array<i32>} : memref<2048xf32, #tpu.memory_space<vmem>>, vector<16xf32>,
    %swap3A_457 = arith.constant 1824 : index
    %swap3A_458 = tpu.vector_load %arg8[%swap3A_457] {strides = array<i32>} : memref<2048xf32, #tpu.memory_space<vmem>>, vector<16xf32>,
    %swap3A_459 = vector.shape_cast %swap3A_458 : vector<16xf32> to vector<16xf32>
    %swap3A_460 = vector.shape_cast %broadcast_in_dim3A_1 : vector<16xf32> to vector<16xf32>
    tpu.vector_store %arg8[%swap3A_457], %swap3A_460 {strides = array<i32>} : memref<2048xf32, #tpu.memory_space<vmem>>, vector<16xf32>,
    %swap3A_461 = arith.constant 1840 : index
    %swap3A_462 = tpu.vector_load %arg8[%swap3A_461] {strides = array<i32>} : memref<2048xf32, #tpu.memory_space<vmem>>, vector<16xf32>,
    %swap3A_463 = vector.shape_cast %swap3A_462 : vector<16xf32> to vector<16xf32>
    %swap3A_464 = vector.shape_cast %broadcast_in_dim3A_1 : vector<16xf32> to vector<16xf32>
    tpu.vector_store %arg8[%swap3A_461], %swap3A_464 {strides = array<i32>} : memref<2048xf32, #tpu.memory_space<vmem>>, vector<16xf32>,
    %swap3A_465 = arith.constant 1856 : index
    %swap3A_466 = tpu.vector_load %arg8[%swap3A_465] {strides = array<i32>} : memref<2048xf32, #tpu.memory_space<vmem>>, vector<16xf32>,
    %swap3A_467 = vector.shape_cast %swap3A_466 : vector<16xf32> to vector<16xf32>
    %swap3A_468 = vector.shape_cast %broadcast_in_dim3A_1 : vector<16xf32> to vector<16xf32>
    tpu.vector_store %arg8[%swap3A_465], %swap3A_468 {strides = array<i32>} : memref<2048xf32, #tpu.memory_space<vmem>>, vector<16xf32>,
    %swap3A_469 = arith.constant 1872 : index
    %swap3A_470 = tpu.vector_load %arg8[%swap3A_469] {strides = array<i32>} : memref<2048xf32, #tpu.memory_space<vmem>>, vector<16xf32>,
    %swap3A_471 = vector.shape_cast %swap3A_470 : vector<16xf32> to vector<16xf32>
    %swap3A_472 = vector.shape_cast %broadcast_in_dim3A_1 : vector<16xf32> to vector<16xf32>
    tpu.vector_store %arg8[%swap3A_469], %swap3A_472 {strides = array<i32>} : memref<2048xf32, #tpu.memory_space<vmem>>, vector<16xf32>,
    %swap3A_473 = arith.constant 1888 : index
    %swap3A_474 = tpu.vector_load %arg8[%swap3A_473] {strides = array<i32>} : memref<2048xf32, #tpu.memory_space<vmem>>, vector<16xf32>,
    %swap3A_475 = vector.shape_cast %swap3A_474 : vector<16xf32> to vector<16xf32>
    %swap3A_476 = vector.shape_cast %broadcast_in_dim3A_1 : vector<16xf32> to vector<16xf32>
    tpu.vector_store %arg8[%swap3A_473], %swap3A_476 {strides = array<i32>} : memref<2048xf32, #tpu.memory_space<vmem>>, vector<16xf32>,
    %swap3A_477 = arith.constant 1904 : index
    %swap3A_478 = tpu.vector_load %arg8[%swap3A_477] {strides = array<i32>} : memref<2048xf32, #tpu.memory_space<vmem>>, vector<16xf32>,
    %swap3A_479 = vector.shape_cast %swap3A_478 : vector<16xf32> to vector<16xf32>
    %swap3A_480 = vector.shape_cast %broadcast_in_dim3A_1 : vector<16xf32> to vector<16xf32>
    tpu.vector_store %arg8[%swap3A_477], %swap3A_480 {strides = array<i32>} : memref<2048xf32, #tpu.memory_space<vmem>>, vector<16xf32>,
    %swap3A_481 = arith.constant 1920 : index
    %swap3A_482 = tpu.vector_load %arg8[%swap3A_481] {strides = array<i32>} : memref<2048xf32, #tpu.memory_space<vmem>>, vector<16xf32>,
    %swap3A_483 = vector.shape_cast %swap3A_482 : vector<16xf32> to vector<16xf32>
    %swap3A_484 = vector.shape_cast %broadcast_in_dim3A_1 : vector<16xf32> to vector<16xf32>
    tpu.vector_store %arg8[%swap3A_481], %swap3A_484 {strides = array<i32>} : memref<2048xf32, #tpu.memory_space<vmem>>, vector<16xf32>,
    %swap3A_485 = arith.constant 1936 : index
    %swap3A_486 = tpu.vector_load %arg8[%swap3A_485] {strides = array<i32>} : memref<2048xf32, #tpu.memory_space<vmem>>, vector<16xf32>,
    %swap3A_487 = vector.shape_cast %swap3A_486 : vector<16xf32> to vector<16xf32>
    %swap3A_488 = vector.shape_cast %broadcast_in_dim3A_1 : vector<16xf32> to vector<16xf32>
    tpu.vector_store %arg8[%swap3A_485], %swap3A_488 {strides = array<i32>} : memref<2048xf32, #tpu.memory_space<vmem>>, vector<16xf32>,
    %swap3A_489 = arith.constant 1952 : index
    %swap3A_490 = tpu.vector_load %arg8[%swap3A_489] {strides = array<i32>} : memref<2048xf32, #tpu.memory_space<vmem>>, vector<16xf32>,
    %swap3A_491 = vector.shape_cast %swap3A_490 : vector<16xf32> to vector<16xf32>
    %swap3A_492 = vector.shape_cast %broadcast_in_dim3A_1 : vector<16xf32> to vector<16xf32>
    tpu.vector_store %arg8[%swap3A_489], %swap3A_492 {strides = array<i32>} : memref<2048xf32, #tpu.memory_space<vmem>>, vector<16xf32>,
    %swap3A_493 = arith.constant 1968 : index
    %swap3A_494 = tpu.vector_load %arg8[%swap3A_493] {strides = array<i32>} : memref<2048xf32, #tpu.memory_space<vmem>>, vector<16xf32>,
    %swap3A_495 = vector.shape_cast %swap3A_494 : vector<16xf32> to vector<16xf32>
    %swap3A_496 = vector.shape_cast %broadcast_in_dim3A_1 : vector<16xf32> to vector<16xf32>
    tpu.vector_store %arg8[%swap3A_493], %swap3A_496 {strides = array<i32>} : memref<2048xf32, #tpu.memory_space<vmem>>, vector<16xf32>,
    %swap3A_497 = arith.constant 1984 : index
    %swap3A_498 = tpu.vector_load %arg8[%swap3A_497] {strides = array<i32>} : memref<2048xf32, #tpu.memory_space<vmem>>, vector<16xf32>,
    %swap3A_499 = vector.shape_cast %swap3A_498 : vector<16xf32> to vector<16xf32>
    %swap3A_500 = vector.shape_cast %broadcast_in_dim3A_1 : vector<16xf32> to vector<16xf32>
    tpu.vector_store %arg8[%swap3A_497], %swap3A_500 {strides = array<i32>} : memref<2048xf32, #tpu.memory_space<vmem>>, vector<16xf32>,
    %swap3A_501 = arith.constant 2000 : index
    %swap3A_502 = tpu.vector_load %arg8[%swap3A_501] {strides = array<i32>} : memref<2048xf32, #tpu.memory_space<vmem>>, vector<16xf32>,
    %swap3A_503 = vector.shape_cast %swap3A_502 : vector<16xf32> to vector<16xf32>
    %swap3A_504 = vector.shape_cast %broadcast_in_dim3A_1 : vector<16xf32> to vector<16xf32>
    tpu.vector_store %arg8[%swap3A_501], %swap3A_504 {strides = array<i32>} : memref<2048xf32, #tpu.memory_space<vmem>>, vector<16xf32>,
    %swap3A_505 = arith.constant 2016 : index
    %swap3A_506 = tpu.vector_load %arg8[%swap3A_505] {strides = array<i32>} : memref<2048xf32, #tpu.memory_space<vmem>>, vector<16xf32>,
    %swap3A_507 = vector.shape_cast %swap3A_506 : vector<16xf32> to vector<16xf32>
    %swap3A_508 = vector.shape_cast %broadcast_in_dim3A_1 : vector<16xf32> to vector<16xf32>
    tpu.vector_store %arg8[%swap3A_505], %swap3A_508 {strides = array<i32>} : memref<2048xf32, #tpu.memory_space<vmem>>, vector<16xf32>,
    %swap3A_509 = arith.constant 2032 : index
    %swap3A_510 = tpu.vector_load %arg8[%swap3A_509] {strides = array<i32>} : memref<2048xf32, #tpu.memory_space<vmem>>, vector<16xf32>,
    %swap3A_511 = vector.shape_cast %swap3A_510 : vector<16xf32> to vector<16xf32>
    %swap3A_512 = vector.shape_cast %broadcast_in_dim3A_1 : vector<16xf32> to vector<16xf32>
    tpu.vector_store %arg8[%swap3A_509], %swap3A_512 {strides = array<i32>} : memref<2048xf32, #tpu.memory_space<vmem>>, vector<16xf32>,
    %mul3A_513 = arith.constant 16384 : i32
    %mul3A_514 = arith.muli %arg1, %mul3A_513 : i32
    %add3A_515 = arith.constant 0 : i32
    %add3A_516 = arith.addi %mul3A_514, %add3A_515 : i32
    "tpu.region"() ({
      %run_scoped3A_1264 = tpu.sem_alloc : memref<!tpu.dma_semaphore, #tpu.memory_space<semaphore_mem>>
      %dma_start3A = tpu.memref_slice %arg9[%add3A_516] : memref<262144xf32, #tpu.memory_space<vmem_shared>> -> memref<2048xf32, #tpu.memory_space<vmem_shared>>
      %dma_start3A_1265 = tpu.memref_slice %arg9[%add3A_516] : memref<262144xf32, #tpu.memory_space<vmem_shared>> -> memref<2048xf32, #tpu.memory_space<vmem_shared>>
      tpu.enqueue_dma source(%arg8 : memref<2048xf32, #tpu.memory_space<vmem>>) target(%dma_start3A_1265 : memref<2048xf32, #tpu.memory_space<vmem_shared>>) target_semaphore(%run_scoped3A_1264 : memref<!tpu.dma_semaphore, #tpu.memory_space<semaphore_mem>>)
      %dma_wait3A = tpu.memref_slice %arg9[%add3A_516] : memref<262144xf32, #tpu.memory_space<vmem_shared>> -> memref<2048xf32, #tpu.memory_space<vmem_shared>>
      %dma_wait3A_1266 = tpu.memref_slice %arg9[%add3A_516] : memref<262144xf32, #tpu.memory_space<vmem_shared>> -> memref<2048xf32, #tpu.memory_space<vmem_shared>>
      tpu.wait_dma2 semaphore(%run_scoped3A_1264 : memref<!tpu.dma_semaphore, #tpu.memory_space<semaphore_mem>>) src(%arg8 : memref<2048xf32, #tpu.memory_space<vmem>>) dst(%dma_wait3A_1266 : memref<2048xf32, #tpu.memory_space<vmem_shared>>)
      tpu.yield
    }) : () -> ()
    %mul3A_517 = arith.constant 16384 : i32
    %mul3A_518 = arith.muli %arg1, %mul3A_517 : i32
    %add3A_519 = arith.constant 2048 : i32
    %add3A_520 = arith.addi %mul3A_518, %add3A_519 : i32
    "tpu.region"() ({
      %run_scoped3A_1264 = tpu.sem_alloc : memref<!tpu.dma_semaphore, #tpu.memory_space<semaphore_mem>>
      %dma_start3A = tpu.memref_slice %arg9[%add3A_520] : memref<262144xf32, #tpu.memory_space<vmem_shared>> -> memref<2048xf32, #tpu.memory_space<vmem_shared>>
      %dma_start3A_1265 = tpu.memref_slice %arg9[%add3A_520] : memref<262144xf32, #tpu.memory_space<vmem_shared>> -> memref<2048xf32, #tpu.memory_space<vmem_shared>>
      tpu.enqueue_dma source(%arg8 : memref<2048xf32, #tpu.memory_space<vmem>>) target(%dma_start3A_1265 : memref<2048xf32, #tpu.memory_space<vmem_shared>>) target_semaphore(%run_scoped3A_1264 : memref<!tpu.dma_semaphore, #tpu.memory_space<semaphore_mem>>)
      %dma_wait3A = tpu.memref_slice %arg9[%add3A_520] : memref<262144xf32, #tpu.memory_space<vmem_shared>> -> memref<2048xf32, #tpu.memory_space<vmem_shared>>
      %dma_wait3A_1266 = tpu.memref_slice %arg9[%add3A_520] : memref<262144xf32, #tpu.memory_space<vmem_shared>> -> memref<2048xf32, #tpu.memory_space<vmem_shared>>
      tpu.wait_dma2 semaphore(%run_scoped3A_1264 : memref<!tpu.dma_semaphore, #tpu.memory_space<semaphore_mem>>) src(%arg8 : memref<2048xf32, #tpu.memory_space<vmem>>) dst(%dma_wait3A_1266 : memref<2048xf32, #tpu.memory_space<vmem_shared>>)
      tpu.yield
    }) : () -> ()
    %mul3A_521 = arith.constant 16384 : i32
    %mul3A_522 = arith.muli %arg1, %mul3A_521 : i32
    %add3A_523 = arith.constant 4096 : i32
    %add3A_524 = arith.addi %mul3A_522, %add3A_523 : i32
    "tpu.region"() ({
      %run_scoped3A_1264 = tpu.sem_alloc : memref<!tpu.dma_semaphore, #tpu.memory_space<semaphore_mem>>
      %dma_start3A = tpu.memref_slice %arg9[%add3A_524] : memref<262144xf32, #tpu.memory_space<vmem_shared>> -> memref<2048xf32, #tpu.memory_space<vmem_shared>>
      %dma_start3A_1265 = tpu.memref_slice %arg9[%add3A_524] : memref<262144xf32, #tpu.memory_space<vmem_shared>> -> memref<2048xf32, #tpu.memory_space<vmem_shared>>
      tpu.enqueue_dma source(%arg8 : memref<2048xf32, #tpu.memory_space<vmem>>) target(%dma_start3A_1265 : memref<2048xf32, #tpu.memory_space<vmem_shared>>) target_semaphore(%run_scoped3A_1264 : memref<!tpu.dma_semaphore, #tpu.memory_space<semaphore_mem>>)
      %dma_wait3A = tpu.memref_slice %arg9[%add3A_524] : memref<262144xf32, #tpu.memory_space<vmem_shared>> -> memref<2048xf32, #tpu.memory_space<vmem_shared>>
      %dma_wait3A_1266 = tpu.memref_slice %arg9[%add3A_524] : memref<262144xf32, #tpu.memory_space<vmem_shared>> -> memref<2048xf32, #tpu.memory_space<vmem_shared>>
      tpu.wait_dma2 semaphore(%run_scoped3A_1264 : memref<!tpu.dma_semaphore, #tpu.memory_space<semaphore_mem>>) src(%arg8 : memref<2048xf32, #tpu.memory_space<vmem>>) dst(%dma_wait3A_1266 : memref<2048xf32, #tpu.memory_space<vmem_shared>>)
      tpu.yield
    }) : () -> ()
    %mul3A_525 = arith.constant 16384 : i32
    %mul3A_526 = arith.muli %arg1, %mul3A_525 : i32
    %add3A_527 = arith.constant 6144 : i32
    %add3A_528 = arith.addi %mul3A_526, %add3A_527 : i32
    "tpu.region"() ({
      %run_scoped3A_1264 = tpu.sem_alloc : memref<!tpu.dma_semaphore, #tpu.memory_space<semaphore_mem>>
      %dma_start3A = tpu.memref_slice %arg9[%add3A_528] : memref<262144xf32, #tpu.memory_space<vmem_shared>> -> memref<2048xf32, #tpu.memory_space<vmem_shared>>
      %dma_start3A_1265 = tpu.memref_slice %arg9[%add3A_528] : memref<262144xf32, #tpu.memory_space<vmem_shared>> -> memref<2048xf32, #tpu.memory_space<vmem_shared>>
      tpu.enqueue_dma source(%arg8 : memref<2048xf32, #tpu.memory_space<vmem>>) target(%dma_start3A_1265 : memref<2048xf32, #tpu.memory_space<vmem_shared>>) target_semaphore(%run_scoped3A_1264 : memref<!tpu.dma_semaphore, #tpu.memory_space<semaphore_mem>>)
      %dma_wait3A = tpu.memref_slice %arg9[%add3A_528] : memref<262144xf32, #tpu.memory_space<vmem_shared>> -> memref<2048xf32, #tpu.memory_space<vmem_shared>>
      %dma_wait3A_1266 = tpu.memref_slice %arg9[%add3A_528] : memref<262144xf32, #tpu.memory_space<vmem_shared>> -> memref<2048xf32, #tpu.memory_space<vmem_shared>>
      tpu.wait_dma2 semaphore(%run_scoped3A_1264 : memref<!tpu.dma_semaphore, #tpu.memory_space<semaphore_mem>>) src(%arg8 : memref<2048xf32, #tpu.memory_space<vmem>>) dst(%dma_wait3A_1266 : memref<2048xf32, #tpu.memory_space<vmem_shared>>)
      tpu.yield
    }) : () -> ()
    %mul3A_529 = arith.constant 16384 : i32
    %mul3A_530 = arith.muli %arg1, %mul3A_529 : i32
    %add3A_531 = arith.constant 8192 : i32
    %add3A_532 = arith.addi %mul3A_530, %add3A_531 : i32
    "tpu.region"() ({
      %run_scoped3A_1264 = tpu.sem_alloc : memref<!tpu.dma_semaphore, #tpu.memory_space<semaphore_mem>>
      %dma_start3A = tpu.memref_slice %arg9[%add3A_532] : memref<262144xf32, #tpu.memory_space<vmem_shared>> -> memref<2048xf32, #tpu.memory_space<vmem_shared>>
      %dma_start3A_1265 = tpu.memref_slice %arg9[%add3A_532] : memref<262144xf32, #tpu.memory_space<vmem_shared>> -> memref<2048xf32, #tpu.memory_space<vmem_shared>>
      tpu.enqueue_dma source(%arg8 : memref<2048xf32, #tpu.memory_space<vmem>>) target(%dma_start3A_1265 : memref<2048xf32, #tpu.memory_space<vmem_shared>>) target_semaphore(%run_scoped3A_1264 : memref<!tpu.dma_semaphore, #tpu.memory_space<semaphore_mem>>)
      %dma_wait3A = tpu.memref_slice %arg9[%add3A_532] : memref<262144xf32, #tpu.memory_space<vmem_shared>> -> memref<2048xf32, #tpu.memory_space<vmem_shared>>
      %dma_wait3A_1266 = tpu.memref_slice %arg9[%add3A_532] : memref<262144xf32, #tpu.memory_space<vmem_shared>> -> memref<2048xf32, #tpu.memory_space<vmem_shared>>
      tpu.wait_dma2 semaphore(%run_scoped3A_1264 : memref<!tpu.dma_semaphore, #tpu.memory_space<semaphore_mem>>) src(%arg8 : memref<2048xf32, #tpu.memory_space<vmem>>) dst(%dma_wait3A_1266 : memref<2048xf32, #tpu.memory_space<vmem_shared>>)
      tpu.yield
    }) : () -> ()
    %mul3A_533 = arith.constant 16384 : i32
    %mul3A_534 = arith.muli %arg1, %mul3A_533 : i32
    %add3A_535 = arith.constant 10240 : i32
    %add3A_536 = arith.addi %mul3A_534, %add3A_535 : i32
    "tpu.region"() ({
      %run_scoped3A_1264 = tpu.sem_alloc : memref<!tpu.dma_semaphore, #tpu.memory_space<semaphore_mem>>
      %dma_start3A = tpu.memref_slice %arg9[%add3A_536] : memref<262144xf32, #tpu.memory_space<vmem_shared>> -> memref<2048xf32, #tpu.memory_space<vmem_shared>>
      %dma_start3A_1265 = tpu.memref_slice %arg9[%add3A_536] : memref<262144xf32, #tpu.memory_space<vmem_shared>> -> memref<2048xf32, #tpu.memory_space<vmem_shared>>
      tpu.enqueue_dma source(%arg8 : memref<2048xf32, #tpu.memory_space<vmem>>) target(%dma_start3A_1265 : memref<2048xf32, #tpu.memory_space<vmem_shared>>) target_semaphore(%run_scoped3A_1264 : memref<!tpu.dma_semaphore, #tpu.memory_space<semaphore_mem>>)
      %dma_wait3A = tpu.memref_slice %arg9[%add3A_536] : memref<262144xf32, #tpu.memory_space<vmem_shared>> -> memref<2048xf32, #tpu.memory_space<vmem_shared>>
      %dma_wait3A_1266 = tpu.memref_slice %arg9[%add3A_536] : memref<262144xf32, #tpu.memory_space<vmem_shared>> -> memref<2048xf32, #tpu.memory_space<vmem_shared>>
      tpu.wait_dma2 semaphore(%run_scoped3A_1264 : memref<!tpu.dma_semaphore, #tpu.memory_space<semaphore_mem>>) src(%arg8 : memref<2048xf32, #tpu.memory_space<vmem>>) dst(%dma_wait3A_1266 : memref<2048xf32, #tpu.memory_space<vmem_shared>>)
      tpu.yield
    }) : () -> ()
    %mul3A_537 = arith.constant 16384 : i32
    %mul3A_538 = arith.muli %arg1, %mul3A_537 : i32
    %add3A_539 = arith.constant 12288 : i32
    %add3A_540 = arith.addi %mul3A_538, %add3A_539 : i32
    "tpu.region"() ({
      %run_scoped3A_1264 = tpu.sem_alloc : memref<!tpu.dma_semaphore, #tpu.memory_space<semaphore_mem>>
      %dma_start3A = tpu.memref_slice %arg9[%add3A_540] : memref<262144xf32, #tpu.memory_space<vmem_shared>> -> memref<2048xf32, #tpu.memory_space<vmem_shared>>
      %dma_start3A_1265 = tpu.memref_slice %arg9[%add3A_540] : memref<262144xf32, #tpu.memory_space<vmem_shared>> -> memref<2048xf32, #tpu.memory_space<vmem_shared>>
      tpu.enqueue_dma source(%arg8 : memref<2048xf32, #tpu.memory_space<vmem>>) target(%dma_start3A_1265 : memref<2048xf32, #tpu.memory_space<vmem_shared>>) target_semaphore(%run_scoped3A_1264 : memref<!tpu.dma_semaphore, #tpu.memory_space<semaphore_mem>>)
      %dma_wait3A = tpu.memref_slice %arg9[%add3A_540] : memref<262144xf32, #tpu.memory_space<vmem_shared>> -> memref<2048xf32, #tpu.memory_space<vmem_shared>>
      %dma_wait3A_1266 = tpu.memref_slice %arg9[%add3A_540] : memref<262144xf32, #tpu.memory_space<vmem_shared>> -> memref<2048xf32, #tpu.memory_space<vmem_shared>>
      tpu.wait_dma2 semaphore(%run_scoped3A_1264 : memref<!tpu.dma_semaphore, #tpu.memory_space<semaphore_mem>>) src(%arg8 : memref<2048xf32, #tpu.memory_space<vmem>>) dst(%dma_wait3A_1266 : memref<2048xf32, #tpu.memory_space<vmem_shared>>)
      tpu.yield
    }) : () -> ()
    %mul3A_541 = arith.constant 16384 : i32
    %mul3A_542 = arith.muli %arg1, %mul3A_541 : i32
    %add3A_543 = arith.constant 14336 : i32
    %add3A_544 = arith.addi %mul3A_542, %add3A_543 : i32
    "tpu.region"() ({
      %run_scoped3A_1264 = tpu.sem_alloc : memref<!tpu.dma_semaphore, #tpu.memory_space<semaphore_mem>>
      %dma_start3A = tpu.memref_slice %arg9[%add3A_544] : memref<262144xf32, #tpu.memory_space<vmem_shared>> -> memref<2048xf32, #tpu.memory_space<vmem_shared>>
      %dma_start3A_1265 = tpu.memref_slice %arg9[%add3A_544] : memref<262144xf32, #tpu.memory_space<vmem_shared>> -> memref<2048xf32, #tpu.memory_space<vmem_shared>>
      tpu.enqueue_dma source(%arg8 : memref<2048xf32, #tpu.memory_space<vmem>>) target(%dma_start3A_1265 : memref<2048xf32, #tpu.memory_space<vmem_shared>>) target_semaphore(%run_scoped3A_1264 : memref<!tpu.dma_semaphore, #tpu.memory_space<semaphore_mem>>)
      %dma_wait3A = tpu.memref_slice %arg9[%add3A_544] : memref<262144xf32, #tpu.memory_space<vmem_shared>> -> memref<2048xf32, #tpu.memory_space<vmem_shared>>
      %dma_wait3A_1266 = tpu.memref_slice %arg9[%add3A_544] : memref<262144xf32, #tpu.memory_space<vmem_shared>> -> memref<2048xf32, #tpu.memory_space<vmem_shared>>
      tpu.wait_dma2 semaphore(%run_scoped3A_1264 : memref<!tpu.dma_semaphore, #tpu.memory_space<semaphore_mem>>) src(%arg8 : memref<2048xf32, #tpu.memory_space<vmem>>) dst(%dma_wait3A_1266 : memref<2048xf32, #tpu.memory_space<vmem_shared>>)
      tpu.yield
    }) : () -> ()
    %broadcast_in_dim3A_545 = arith.constant 1.000000e+00 : f32
    %broadcast_in_dim3A_546 = vector.broadcast %broadcast_in_dim3A_545 : f32 to vector<16xf32>
    %swap3A_547 = arith.constant 0 : i32
    %swap3A_548 = arith.index_cast %swap3A_547 : i32 to index
    %swap3A_549 = arith.constant 0 : index
    %swap3A_550 = tpu.vector_load %arg7[%swap3A_548, %swap3A_549] {strides = array<i32>} : memref<4x128xf32, #tpu.memory_space<vmem>>, vector<1x16xf32>,
    %swap3A_551 = vector.shape_cast %swap3A_550 : vector<1x16xf32> to vector<16xf32>
    %swap3A_552 = vector.shape_cast %broadcast_in_dim3A_546 : vector<16xf32> to vector<1x16xf32>
    tpu.vector_store %arg7[%swap3A_548, %swap3A_549], %swap3A_552 {strides = array<i32>} : memref<4x128xf32, #tpu.memory_space<vmem>>, vector<1x16xf32>,
    %swap3A_553 = arith.constant 0 : i32
    %swap3A_554 = arith.index_cast %swap3A_553 : i32 to index
    %swap3A_555 = arith.constant 16 : index
    %swap3A_556 = tpu.vector_load %arg7[%swap3A_554, %swap3A_555] {strides = array<i32>} : memref<4x128xf32, #tpu.memory_space<vmem>>, vector<1x16xf32>,
    %swap3A_557 = vector.shape_cast %swap3A_556 : vector<1x16xf32> to vector<16xf32>
    %swap3A_558 = vector.shape_cast %broadcast_in_dim3A_546 : vector<16xf32> to vector<1x16xf32>
    tpu.vector_store %arg7[%swap3A_554, %swap3A_555], %swap3A_558 {strides = array<i32>} : memref<4x128xf32, #tpu.memory_space<vmem>>, vector<1x16xf32>,
    %swap3A_559 = arith.constant 0 : i32
    %swap3A_560 = arith.index_cast %swap3A_559 : i32 to index
    %swap3A_561 = arith.constant 32 : index
    %swap3A_562 = tpu.vector_load %arg7[%swap3A_560, %swap3A_561] {strides = array<i32>} : memref<4x128xf32, #tpu.memory_space<vmem>>, vector<1x16xf32>,
    %swap3A_563 = vector.shape_cast %swap3A_562 : vector<1x16xf32> to vector<16xf32>
    %swap3A_564 = vector.shape_cast %broadcast_in_dim3A_546 : vector<16xf32> to vector<1x16xf32>
    tpu.vector_store %arg7[%swap3A_560, %swap3A_561], %swap3A_564 {strides = array<i32>} : memref<4x128xf32, #tpu.memory_space<vmem>>, vector<1x16xf32>,
    %swap3A_565 = arith.constant 0 : i32
    %swap3A_566 = arith.index_cast %swap3A_565 : i32 to index
    %swap3A_567 = arith.constant 48 : index
    %swap3A_568 = tpu.vector_load %arg7[%swap3A_566, %swap3A_567] {strides = array<i32>} : memref<4x128xf32, #tpu.memory_space<vmem>>, vector<1x16xf32>,
    %swap3A_569 = vector.shape_cast %swap3A_568 : vector<1x16xf32> to vector<16xf32>
    %swap3A_570 = vector.shape_cast %broadcast_in_dim3A_546 : vector<16xf32> to vector<1x16xf32>
    tpu.vector_store %arg7[%swap3A_566, %swap3A_567], %swap3A_570 {strides = array<i32>} : memref<4x128xf32, #tpu.memory_space<vmem>>, vector<1x16xf32>,
    %swap3A_571 = arith.constant 0 : i32
    %swap3A_572 = arith.index_cast %swap3A_571 : i32 to index
    %swap3A_573 = arith.constant 64 : index
    %swap3A_574 = tpu.vector_load %arg7[%swap3A_572, %swap3A_573] {strides = array<i32>} : memref<4x128xf32, #tpu.memory_space<vmem>>, vector<1x16xf32>,
    %swap3A_575 = vector.shape_cast %swap3A_574 : vector<1x16xf32> to vector<16xf32>
    %swap3A_576 = vector.shape_cast %broadcast_in_dim3A_546 : vector<16xf32> to vector<1x16xf32>
    tpu.vector_store %arg7[%swap3A_572, %swap3A_573], %swap3A_576 {strides = array<i32>} : memref<4x128xf32, #tpu.memory_space<vmem>>, vector<1x16xf32>,
    %swap3A_577 = arith.constant 0 : i32
    %swap3A_578 = arith.index_cast %swap3A_577 : i32 to index
    %swap3A_579 = arith.constant 80 : index
    %swap3A_580 = tpu.vector_load %arg7[%swap3A_578, %swap3A_579] {strides = array<i32>} : memref<4x128xf32, #tpu.memory_space<vmem>>, vector<1x16xf32>,
    %swap3A_581 = vector.shape_cast %swap3A_580 : vector<1x16xf32> to vector<16xf32>
    %swap3A_582 = vector.shape_cast %broadcast_in_dim3A_546 : vector<16xf32> to vector<1x16xf32>
    tpu.vector_store %arg7[%swap3A_578, %swap3A_579], %swap3A_582 {strides = array<i32>} : memref<4x128xf32, #tpu.memory_space<vmem>>, vector<1x16xf32>,
    %swap3A_583 = arith.constant 0 : i32
    %swap3A_584 = arith.index_cast %swap3A_583 : i32 to index
    %swap3A_585 = arith.constant 96 : index
    %swap3A_586 = tpu.vector_load %arg7[%swap3A_584, %swap3A_585] {strides = array<i32>} : memref<4x128xf32, #tpu.memory_space<vmem>>, vector<1x16xf32>,
    %swap3A_587 = vector.shape_cast %swap3A_586 : vector<1x16xf32> to vector<16xf32>
    %swap3A_588 = vector.shape_cast %broadcast_in_dim3A_546 : vector<16xf32> to vector<1x16xf32>
    tpu.vector_store %arg7[%swap3A_584, %swap3A_585], %swap3A_588 {strides = array<i32>} : memref<4x128xf32, #tpu.memory_space<vmem>>, vector<1x16xf32>,
    %swap3A_589 = arith.constant 0 : i32
    %swap3A_590 = arith.index_cast %swap3A_589 : i32 to index
    %swap3A_591 = arith.constant 112 : index
    %swap3A_592 = tpu.vector_load %arg7[%swap3A_590, %swap3A_591] {strides = array<i32>} : memref<4x128xf32, #tpu.memory_space<vmem>>, vector<1x16xf32>,
    %swap3A_593 = vector.shape_cast %swap3A_592 : vector<1x16xf32> to vector<16xf32>
    %swap3A_594 = vector.shape_cast %broadcast_in_dim3A_546 : vector<16xf32> to vector<1x16xf32>
    tpu.vector_store %arg7[%swap3A_590, %swap3A_591], %swap3A_594 {strides = array<i32>} : memref<4x128xf32, #tpu.memory_space<vmem>>, vector<1x16xf32>,
    %swap3A_595 = arith.constant 1 : i32
    %swap3A_596 = arith.index_cast %swap3A_595 : i32 to index
    %swap3A_597 = arith.constant 0 : index
    %swap3A_598 = tpu.vector_load %arg7[%swap3A_596, %swap3A_597] {strides = array<i32>} : memref<4x128xf32, #tpu.memory_space<vmem>>, vector<1x16xf32>,
    %swap3A_599 = vector.shape_cast %swap3A_598 : vector<1x16xf32> to vector<16xf32>
    %swap3A_600 = vector.shape_cast %broadcast_in_dim3A_546 : vector<16xf32> to vector<1x16xf32>
    tpu.vector_store %arg7[%swap3A_596, %swap3A_597], %swap3A_600 {strides = array<i32>} : memref<4x128xf32, #tpu.memory_space<vmem>>, vector<1x16xf32>,
    %swap3A_601 = arith.constant 1 : i32
    %swap3A_602 = arith.index_cast %swap3A_601 : i32 to index
    %swap3A_603 = arith.constant 16 : index
    %swap3A_604 = tpu.vector_load %arg7[%swap3A_602, %swap3A_603] {strides = array<i32>} : memref<4x128xf32, #tpu.memory_space<vmem>>, vector<1x16xf32>,
    %swap3A_605 = vector.shape_cast %swap3A_604 : vector<1x16xf32> to vector<16xf32>
    %swap3A_606 = vector.shape_cast %broadcast_in_dim3A_546 : vector<16xf32> to vector<1x16xf32>
    tpu.vector_store %arg7[%swap3A_602, %swap3A_603], %swap3A_606 {strides = array<i32>} : memref<4x128xf32, #tpu.memory_space<vmem>>, vector<1x16xf32>,
    %swap3A_607 = arith.constant 1 : i32
    %swap3A_608 = arith.index_cast %swap3A_607 : i32 to index
    %swap3A_609 = arith.constant 32 : index
    %swap3A_610 = tpu.vector_load %arg7[%swap3A_608, %swap3A_609] {strides = array<i32>} : memref<4x128xf32, #tpu.memory_space<vmem>>, vector<1x16xf32>,
    %swap3A_611 = vector.shape_cast %swap3A_610 : vector<1x16xf32> to vector<16xf32>
    %swap3A_612 = vector.shape_cast %broadcast_in_dim3A_546 : vector<16xf32> to vector<1x16xf32>
    tpu.vector_store %arg7[%swap3A_608, %swap3A_609], %swap3A_612 {strides = array<i32>} : memref<4x128xf32, #tpu.memory_space<vmem>>, vector<1x16xf32>,
    %swap3A_613 = arith.constant 1 : i32
    %swap3A_614 = arith.index_cast %swap3A_613 : i32 to index
    %swap3A_615 = arith.constant 48 : index
    %swap3A_616 = tpu.vector_load %arg7[%swap3A_614, %swap3A_615] {strides = array<i32>} : memref<4x128xf32, #tpu.memory_space<vmem>>, vector<1x16xf32>,
    %swap3A_617 = vector.shape_cast %swap3A_616 : vector<1x16xf32> to vector<16xf32>
    %swap3A_618 = vector.shape_cast %broadcast_in_dim3A_546 : vector<16xf32> to vector<1x16xf32>
    tpu.vector_store %arg7[%swap3A_614, %swap3A_615], %swap3A_618 {strides = array<i32>} : memref<4x128xf32, #tpu.memory_space<vmem>>, vector<1x16xf32>,
    %swap3A_619 = arith.constant 1 : i32
    %swap3A_620 = arith.index_cast %swap3A_619 : i32 to index
    %swap3A_621 = arith.constant 64 : index
    %swap3A_622 = tpu.vector_load %arg7[%swap3A_620, %swap3A_621] {strides = array<i32>} : memref<4x128xf32, #tpu.memory_space<vmem>>, vector<1x16xf32>,
    %swap3A_623 = vector.shape_cast %swap3A_622 : vector<1x16xf32> to vector<16xf32>
    %swap3A_624 = vector.shape_cast %broadcast_in_dim3A_546 : vector<16xf32> to vector<1x16xf32>
    tpu.vector_store %arg7[%swap3A_620, %swap3A_621], %swap3A_624 {strides = array<i32>} : memref<4x128xf32, #tpu.memory_space<vmem>>, vector<1x16xf32>,
    %swap3A_625 = arith.constant 1 : i32
    %swap3A_626 = arith.index_cast %swap3A_625 : i32 to index
    %swap3A_627 = arith.constant 80 : index
    %swap3A_628 = tpu.vector_load %arg7[%swap3A_626, %swap3A_627] {strides = array<i32>} : memref<4x128xf32, #tpu.memory_space<vmem>>, vector<1x16xf32>,
    %swap3A_629 = vector.shape_cast %swap3A_628 : vector<1x16xf32> to vector<16xf32>
    %swap3A_630 = vector.shape_cast %broadcast_in_dim3A_546 : vector<16xf32> to vector<1x16xf32>
    tpu.vector_store %arg7[%swap3A_626, %swap3A_627], %swap3A_630 {strides = array<i32>} : memref<4x128xf32, #tpu.memory_space<vmem>>, vector<1x16xf32>,
    %swap3A_631 = arith.constant 1 : i32
    %swap3A_632 = arith.index_cast %swap3A_631 : i32 to index
    %swap3A_633 = arith.constant 96 : index
    %swap3A_634 = tpu.vector_load %arg7[%swap3A_632, %swap3A_633] {strides = array<i32>} : memref<4x128xf32, #tpu.memory_space<vmem>>, vector<1x16xf32>,
    %swap3A_635 = vector.shape_cast %swap3A_634 : vector<1x16xf32> to vector<16xf32>
    %swap3A_636 = vector.shape_cast %broadcast_in_dim3A_546 : vector<16xf32> to vector<1x16xf32>
    tpu.vector_store %arg7[%swap3A_632, %swap3A_633], %swap3A_636 {strides = array<i32>} : memref<4x128xf32, #tpu.memory_space<vmem>>, vector<1x16xf32>,
    %swap3A_637 = arith.constant 1 : i32
    %swap3A_638 = arith.index_cast %swap3A_637 : i32 to index
    %swap3A_639 = arith.constant 112 : index
    %swap3A_640 = tpu.vector_load %arg7[%swap3A_638, %swap3A_639] {strides = array<i32>} : memref<4x128xf32, #tpu.memory_space<vmem>>, vector<1x16xf32>,
    %swap3A_641 = vector.shape_cast %swap3A_640 : vector<1x16xf32> to vector<16xf32>
    %swap3A_642 = vector.shape_cast %broadcast_in_dim3A_546 : vector<16xf32> to vector<1x16xf32>
    tpu.vector_store %arg7[%swap3A_638, %swap3A_639], %swap3A_642 {strides = array<i32>} : memref<4x128xf32, #tpu.memory_space<vmem>>, vector<1x16xf32>,
    %swap3A_643 = arith.constant 2 : i32
    %swap3A_644 = arith.index_cast %swap3A_643 : i32 to index
    %swap3A_645 = arith.constant 0 : index
    %swap3A_646 = tpu.vector_load %arg7[%swap3A_644, %swap3A_645] {strides = array<i32>} : memref<4x128xf32, #tpu.memory_space<vmem>>, vector<1x16xf32>,
    %swap3A_647 = vector.shape_cast %swap3A_646 : vector<1x16xf32> to vector<16xf32>
    %swap3A_648 = vector.shape_cast %broadcast_in_dim3A_546 : vector<16xf32> to vector<1x16xf32>
    tpu.vector_store %arg7[%swap3A_644, %swap3A_645], %swap3A_648 {strides = array<i32>} : memref<4x128xf32, #tpu.memory_space<vmem>>, vector<1x16xf32>,
    %swap3A_649 = arith.constant 2 : i32
    %swap3A_650 = arith.index_cast %swap3A_649 : i32 to index
    %swap3A_651 = arith.constant 16 : index
    %swap3A_652 = tpu.vector_load %arg7[%swap3A_650, %swap3A_651] {strides = array<i32>} : memref<4x128xf32, #tpu.memory_space<vmem>>, vector<1x16xf32>,
    %swap3A_653 = vector.shape_cast %swap3A_652 : vector<1x16xf32> to vector<16xf32>
    %swap3A_654 = vector.shape_cast %broadcast_in_dim3A_546 : vector<16xf32> to vector<1x16xf32>
    tpu.vector_store %arg7[%swap3A_650, %swap3A_651], %swap3A_654 {strides = array<i32>} : memref<4x128xf32, #tpu.memory_space<vmem>>, vector<1x16xf32>,
    %swap3A_655 = arith.constant 2 : i32
    %swap3A_656 = arith.index_cast %swap3A_655 : i32 to index
    %swap3A_657 = arith.constant 32 : index
    %swap3A_658 = tpu.vector_load %arg7[%swap3A_656, %swap3A_657] {strides = array<i32>} : memref<4x128xf32, #tpu.memory_space<vmem>>, vector<1x16xf32>,
    %swap3A_659 = vector.shape_cast %swap3A_658 : vector<1x16xf32> to vector<16xf32>
    %swap3A_660 = vector.shape_cast %broadcast_in_dim3A_546 : vector<16xf32> to vector<1x16xf32>
    tpu.vector_store %arg7[%swap3A_656, %swap3A_657], %swap3A_660 {strides = array<i32>} : memref<4x128xf32, #tpu.memory_space<vmem>>, vector<1x16xf32>,
    %swap3A_661 = arith.constant 2 : i32
    %swap3A_662 = arith.index_cast %swap3A_661 : i32 to index
    %swap3A_663 = arith.constant 48 : index
    %swap3A_664 = tpu.vector_load %arg7[%swap3A_662, %swap3A_663] {strides = array<i32>} : memref<4x128xf32, #tpu.memory_space<vmem>>, vector<1x16xf32>,
    %swap3A_665 = vector.shape_cast %swap3A_664 : vector<1x16xf32> to vector<16xf32>
    %swap3A_666 = vector.shape_cast %broadcast_in_dim3A_546 : vector<16xf32> to vector<1x16xf32>
    tpu.vector_store %arg7[%swap3A_662, %swap3A_663], %swap3A_666 {strides = array<i32>} : memref<4x128xf32, #tpu.memory_space<vmem>>, vector<1x16xf32>,
    %swap3A_667 = arith.constant 2 : i32
    %swap3A_668 = arith.index_cast %swap3A_667 : i32 to index
    %swap3A_669 = arith.constant 64 : index
    %swap3A_670 = tpu.vector_load %arg7[%swap3A_668, %swap3A_669] {strides = array<i32>} : memref<4x128xf32, #tpu.memory_space<vmem>>, vector<1x16xf32>,
    %swap3A_671 = vector.shape_cast %swap3A_670 : vector<1x16xf32> to vector<16xf32>
    %swap3A_672 = vector.shape_cast %broadcast_in_dim3A_546 : vector<16xf32> to vector<1x16xf32>
    tpu.vector_store %arg7[%swap3A_668, %swap3A_669], %swap3A_672 {strides = array<i32>} : memref<4x128xf32, #tpu.memory_space<vmem>>, vector<1x16xf32>,
    %swap3A_673 = arith.constant 2 : i32
    %swap3A_674 = arith.index_cast %swap3A_673 : i32 to index
    %swap3A_675 = arith.constant 80 : index
    %swap3A_676 = tpu.vector_load %arg7[%swap3A_674, %swap3A_675] {strides = array<i32>} : memref<4x128xf32, #tpu.memory_space<vmem>>, vector<1x16xf32>,
    %swap3A_677 = vector.shape_cast %swap3A_676 : vector<1x16xf32> to vector<16xf32>
    %swap3A_678 = vector.shape_cast %broadcast_in_dim3A_546 : vector<16xf32> to vector<1x16xf32>
    tpu.vector_store %arg7[%swap3A_674, %swap3A_675], %swap3A_678 {strides = array<i32>} : memref<4x128xf32, #tpu.memory_space<vmem>>, vector<1x16xf32>,
    %swap3A_679 = arith.constant 2 : i32
    %swap3A_680 = arith.index_cast %swap3A_679 : i32 to index
    %swap3A_681 = arith.constant 96 : index
    %swap3A_682 = tpu.vector_load %arg7[%swap3A_680, %swap3A_681] {strides = array<i32>} : memref<4x128xf32, #tpu.memory_space<vmem>>, vector<1x16xf32>,
    %swap3A_683 = vector.shape_cast %swap3A_682 : vector<1x16xf32> to vector<16xf32>
    %swap3A_684 = vector.shape_cast %broadcast_in_dim3A_546 : vector<16xf32> to vector<1x16xf32>
    tpu.vector_store %arg7[%swap3A_680, %swap3A_681], %swap3A_684 {strides = array<i32>} : memref<4x128xf32, #tpu.memory_space<vmem>>, vector<1x16xf32>,
    %swap3A_685 = arith.constant 2 : i32
    %swap3A_686 = arith.index_cast %swap3A_685 : i32 to index
    %swap3A_687 = arith.constant 112 : index
    %swap3A_688 = tpu.vector_load %arg7[%swap3A_686, %swap3A_687] {strides = array<i32>} : memref<4x128xf32, #tpu.memory_space<vmem>>, vector<1x16xf32>,
    %swap3A_689 = vector.shape_cast %swap3A_688 : vector<1x16xf32> to vector<16xf32>
    %swap3A_690 = vector.shape_cast %broadcast_in_dim3A_546 : vector<16xf32> to vector<1x16xf32>
    tpu.vector_store %arg7[%swap3A_686, %swap3A_687], %swap3A_690 {strides = array<i32>} : memref<4x128xf32, #tpu.memory_space<vmem>>, vector<1x16xf32>,
    %swap3A_691 = arith.constant 3 : i32
    %swap3A_692 = arith.index_cast %swap3A_691 : i32 to index
    %swap3A_693 = arith.constant 0 : index
    %swap3A_694 = tpu.vector_load %arg7[%swap3A_692, %swap3A_693] {strides = array<i32>} : memref<4x128xf32, #tpu.memory_space<vmem>>, vector<1x16xf32>,
    %swap3A_695 = vector.shape_cast %swap3A_694 : vector<1x16xf32> to vector<16xf32>
    %swap3A_696 = vector.shape_cast %broadcast_in_dim3A_546 : vector<16xf32> to vector<1x16xf32>
    tpu.vector_store %arg7[%swap3A_692, %swap3A_693], %swap3A_696 {strides = array<i32>} : memref<4x128xf32, #tpu.memory_space<vmem>>, vector<1x16xf32>,
    %swap3A_697 = arith.constant 3 : i32
    %swap3A_698 = arith.index_cast %swap3A_697 : i32 to index
    %swap3A_699 = arith.constant 16 : index
    %swap3A_700 = tpu.vector_load %arg7[%swap3A_698, %swap3A_699] {strides = array<i32>} : memref<4x128xf32, #tpu.memory_space<vmem>>, vector<1x16xf32>,
    %swap3A_701 = vector.shape_cast %swap3A_700 : vector<1x16xf32> to vector<16xf32>
    %swap3A_702 = vector.shape_cast %broadcast_in_dim3A_546 : vector<16xf32> to vector<1x16xf32>
    tpu.vector_store %arg7[%swap3A_698, %swap3A_699], %swap3A_702 {strides = array<i32>} : memref<4x128xf32, #tpu.memory_space<vmem>>, vector<1x16xf32>,
    %swap3A_703 = arith.constant 3 : i32
    %swap3A_704 = arith.index_cast %swap3A_703 : i32 to index
    %swap3A_705 = arith.constant 32 : index
    %swap3A_706 = tpu.vector_load %arg7[%swap3A_704, %swap3A_705] {strides = array<i32>} : memref<4x128xf32, #tpu.memory_space<vmem>>, vector<1x16xf32>,
    %swap3A_707 = vector.shape_cast %swap3A_706 : vector<1x16xf32> to vector<16xf32>
    %swap3A_708 = vector.shape_cast %broadcast_in_dim3A_546 : vector<16xf32> to vector<1x16xf32>
    tpu.vector_store %arg7[%swap3A_704, %swap3A_705], %swap3A_708 {strides = array<i32>} : memref<4x128xf32, #tpu.memory_space<vmem>>, vector<1x16xf32>,
    %swap3A_709 = arith.constant 3 : i32
    %swap3A_710 = arith.index_cast %swap3A_709 : i32 to index
    %swap3A_711 = arith.constant 48 : index
    %swap3A_712 = tpu.vector_load %arg7[%swap3A_710, %swap3A_711] {strides = array<i32>} : memref<4x128xf32, #tpu.memory_space<vmem>>, vector<1x16xf32>,
    %swap3A_713 = vector.shape_cast %swap3A_712 : vector<1x16xf32> to vector<16xf32>
    %swap3A_714 = vector.shape_cast %broadcast_in_dim3A_546 : vector<16xf32> to vector<1x16xf32>
    tpu.vector_store %arg7[%swap3A_710, %swap3A_711], %swap3A_714 {strides = array<i32>} : memref<4x128xf32, #tpu.memory_space<vmem>>, vector<1x16xf32>,
    %swap3A_715 = arith.constant 3 : i32
    %swap3A_716 = arith.index_cast %swap3A_715 : i32 to index
    %swap3A_717 = arith.constant 64 : index
    %swap3A_718 = tpu.vector_load %arg7[%swap3A_716, %swap3A_717] {strides = array<i32>} : memref<4x128xf32, #tpu.memory_space<vmem>>, vector<1x16xf32>,
    %swap3A_719 = vector.shape_cast %swap3A_718 : vector<1x16xf32> to vector<16xf32>
    %swap3A_720 = vector.shape_cast %broadcast_in_dim3A_546 : vector<16xf32> to vector<1x16xf32>
    tpu.vector_store %arg7[%swap3A_716, %swap3A_717], %swap3A_720 {strides = array<i32>} : memref<4x128xf32, #tpu.memory_space<vmem>>, vector<1x16xf32>,
    %swap3A_721 = arith.constant 3 : i32
    %swap3A_722 = arith.index_cast %swap3A_721 : i32 to index
    %swap3A_723 = arith.constant 80 : index
    %swap3A_724 = tpu.vector_load %arg7[%swap3A_722, %swap3A_723] {strides = array<i32>} : memref<4x128xf32, #tpu.memory_space<vmem>>, vector<1x16xf32>,
    %swap3A_725 = vector.shape_cast %swap3A_724 : vector<1x16xf32> to vector<16xf32>
    %swap3A_726 = vector.shape_cast %broadcast_in_dim3A_546 : vector<16xf32> to vector<1x16xf32>
    tpu.vector_store %arg7[%swap3A_722, %swap3A_723], %swap3A_726 {strides = array<i32>} : memref<4x128xf32, #tpu.memory_space<vmem>>, vector<1x16xf32>,
    %swap3A_727 = arith.constant 3 : i32
    %swap3A_728 = arith.index_cast %swap3A_727 : i32 to index
    %swap3A_729 = arith.constant 96 : index
    %swap3A_730 = tpu.vector_load %arg7[%swap3A_728, %swap3A_729] {strides = array<i32>} : memref<4x128xf32, #tpu.memory_space<vmem>>, vector<1x16xf32>,
    %swap3A_731 = vector.shape_cast %swap3A_730 : vector<1x16xf32> to vector<16xf32>
    %swap3A_732 = vector.shape_cast %broadcast_in_dim3A_546 : vector<16xf32> to vector<1x16xf32>
    tpu.vector_store %arg7[%swap3A_728, %swap3A_729], %swap3A_732 {strides = array<i32>} : memref<4x128xf32, #tpu.memory_space<vmem>>, vector<1x16xf32>,
    %swap3A_733 = arith.constant 3 : i32
    %swap3A_734 = arith.index_cast %swap3A_733 : i32 to index
    %swap3A_735 = arith.constant 112 : index
    %swap3A_736 = tpu.vector_load %arg7[%swap3A_734, %swap3A_735] {strides = array<i32>} : memref<4x128xf32, #tpu.memory_space<vmem>>, vector<1x16xf32>,
    %swap3A_737 = vector.shape_cast %swap3A_736 : vector<1x16xf32> to vector<16xf32>
    %swap3A_738 = vector.shape_cast %broadcast_in_dim3A_546 : vector<16xf32> to vector<1x16xf32>
    tpu.vector_store %arg7[%swap3A_734, %swap3A_735], %swap3A_738 {strides = array<i32>} : memref<4x128xf32, #tpu.memory_space<vmem>>, vector<1x16xf32>,
    %mul3A_739 = arith.constant 512 : i32
    %mul3A_740 = arith.muli %add3A, %mul3A_739 : i32
    %run_scoped3A = arith.constant 0 : i32
    "tpu.region"() ({
      %run_scoped3A_1264 = tpu.sem_alloc : memref<!tpu.dma_semaphore, #tpu.memory_space<semaphore_mem>>
      %dma_start3A = tpu.memref_slice %arg2[%run_scoped3A, %mul3A_740] : memref<2x8192xi32, #tpu.memory_space<hbm>> -> memref<1x512xi32, #tpu.memory_space<hbm>>
      %dma_start3A_1265 = tpu.memref_squeeze %dma_start3A : memref<1x512xi32, #tpu.memory_space<hbm>> -> memref<512xi32, #tpu.memory_space<hbm>>
      %dma_start3A_1266 = tpu.memref_slice %arg2[%run_scoped3A, %mul3A_740] : memref<2x8192xi32, #tpu.memory_space<hbm>> -> memref<1x512xi32, #tpu.memory_space<hbm>>
      %dma_start3A_1267 = tpu.memref_squeeze %dma_start3A_1266 : memref<1x512xi32, #tpu.memory_space<hbm>> -> memref<512xi32, #tpu.memory_space<hbm>>
      tpu.enqueue_dma source(%dma_start3A_1267 : memref<512xi32, #tpu.memory_space<hbm>>) target(%arg4 : memref<512xi32, #tpu.memory_space<vmem>>) target_semaphore(%run_scoped3A_1264 : memref<!tpu.dma_semaphore, #tpu.memory_space<semaphore_mem>>)
      %dma_wait3A = tpu.memref_slice %arg2[%run_scoped3A, %mul3A_740] : memref<2x8192xi32, #tpu.memory_space<hbm>> -> memref<1x512xi32, #tpu.memory_space<hbm>>
      %dma_wait3A_1268 = tpu.memref_squeeze %dma_wait3A : memref<1x512xi32, #tpu.memory_space<hbm>> -> memref<512xi32, #tpu.memory_space<hbm>>
      %dma_wait3A_1269 = tpu.memref_slice %arg2[%run_scoped3A, %mul3A_740] : memref<2x8192xi32, #tpu.memory_space<hbm>> -> memref<1x512xi32, #tpu.memory_space<hbm>>
      %dma_wait3A_1270 = tpu.memref_squeeze %dma_wait3A_1269 : memref<1x512xi32, #tpu.memory_space<hbm>> -> memref<512xi32, #tpu.memory_space<hbm>>
      tpu.wait_dma2 semaphore(%run_scoped3A_1264 : memref<!tpu.dma_semaphore, #tpu.memory_space<semaphore_mem>>) src(%dma_wait3A_1270 : memref<512xi32, #tpu.memory_space<hbm>>) dst(%arg4 : memref<512xi32, #tpu.memory_space<vmem>>)
      tpu.yield
    }) : () -> ()
    %run_scoped3A_741 = arith.constant 1 : i32
    "tpu.region"() ({
      %run_scoped3A_1264 = tpu.sem_alloc : memref<!tpu.dma_semaphore, #tpu.memory_space<semaphore_mem>>
      %dma_start3A = tpu.memref_slice %arg2[%run_scoped3A_741, %mul3A_740] : memref<2x8192xi32, #tpu.memory_space<hbm>> -> memref<1x512xi32, #tpu.memory_space<hbm>>
      %dma_start3A_1265 = tpu.memref_squeeze %dma_start3A : memref<1x512xi32, #tpu.memory_space<hbm>> -> memref<512xi32, #tpu.memory_space<hbm>>
      %dma_start3A_1266 = tpu.memref_slice %arg2[%run_scoped3A_741, %mul3A_740] : memref<2x8192xi32, #tpu.memory_space<hbm>> -> memref<1x512xi32, #tpu.memory_space<hbm>>
      %dma_start3A_1267 = tpu.memref_squeeze %dma_start3A_1266 : memref<1x512xi32, #tpu.memory_space<hbm>> -> memref<512xi32, #tpu.memory_space<hbm>>
      tpu.enqueue_dma source(%dma_start3A_1267 : memref<512xi32, #tpu.memory_space<hbm>>) target(%arg5 : memref<512xi32, #tpu.memory_space<vmem>>) target_semaphore(%run_scoped3A_1264 : memref<!tpu.dma_semaphore, #tpu.memory_space<semaphore_mem>>)
      %dma_wait3A = tpu.memref_slice %arg2[%run_scoped3A_741, %mul3A_740] : memref<2x8192xi32, #tpu.memory_space<hbm>> -> memref<1x512xi32, #tpu.memory_space<hbm>>
      %dma_wait3A_1268 = tpu.memref_squeeze %dma_wait3A : memref<1x512xi32, #tpu.memory_space<hbm>> -> memref<512xi32, #tpu.memory_space<hbm>>
      %dma_wait3A_1269 = tpu.memref_slice %arg2[%run_scoped3A_741, %mul3A_740] : memref<2x8192xi32, #tpu.memory_space<hbm>> -> memref<1x512xi32, #tpu.memory_space<hbm>>
      %dma_wait3A_1270 = tpu.memref_squeeze %dma_wait3A_1269 : memref<1x512xi32, #tpu.memory_space<hbm>> -> memref<512xi32, #tpu.memory_space<hbm>>
      tpu.wait_dma2 semaphore(%run_scoped3A_1264 : memref<!tpu.dma_semaphore, #tpu.memory_space<semaphore_mem>>) src(%dma_wait3A_1270 : memref<512xi32, #tpu.memory_space<hbm>>) dst(%arg5 : memref<512xi32, #tpu.memory_space<vmem>>)
      tpu.yield
    }) : () -> ()
    %get3A = arith.constant 0 : index
    %get3A_742 = tpu.vector_load %arg5[%get3A] {strides = array<i32>} : memref<512xi32, #tpu.memory_space<vmem>>, vector<16xi32>,
    %get3A_743 = vector.shape_cast %get3A_742 : vector<16xi32> to vector<16xi32>
    %get3A_744 = arith.constant 0 : index
    %get3A_745 = tpu.vector_load %arg4[%get3A_744] {strides = array<i32>} : memref<512xi32, #tpu.memory_space<vmem>>, vector<16xi32>,
    %get3A_746 = vector.shape_cast %get3A_745 : vector<16xi32> to vector<16xi32>
    %mul3A_747 = arith.constant 512 : i32
    %mul3A_748 = vector.broadcast %mul3A_747 : i32 to vector<16xi32>
    %mul3A_749 = arith.muli %get3A_743, %mul3A_748 : vector<16xi32>
    %add3A_750 = arith.addi %mul3A_749, %get3A_746 : vector<16xi32>
    %swap3A_751 = arith.constant 0 : i32
    %swap3A_752 = arith.index_cast %swap3A_751 : i32 to index
    %swap3A_753 = arith.constant 0 : index
    %swap3A_754 = tpu.vector_load %arg6[%swap3A_752, %swap3A_753] {strides = array<i32>} : memref<4x128xi32, #tpu.memory_space<vmem>>, vector<1x16xi32>,
    %swap3A_755 = vector.shape_cast %swap3A_754 : vector<1x16xi32> to vector<16xi32>
    %swap3A_756 = vector.shape_cast %add3A_750 : vector<16xi32> to vector<1x16xi32>
    tpu.vector_store %arg6[%swap3A_752, %swap3A_753], %swap3A_756 {strides = array<i32>} : memref<4x128xi32, #tpu.memory_space<vmem>>, vector<1x16xi32>,
    %get3A_757 = arith.constant 16 : index
    %get3A_758 = tpu.vector_load %arg5[%get3A_757] {strides = array<i32>} : memref<512xi32, #tpu.memory_space<vmem>>, vector<16xi32>,
    %get3A_759 = vector.shape_cast %get3A_758 : vector<16xi32> to vector<16xi32>
    %get3A_760 = arith.constant 16 : index
    %get3A_761 = tpu.vector_load %arg4[%get3A_760] {strides = array<i32>} : memref<512xi32, #tpu.memory_space<vmem>>, vector<16xi32>,
    %get3A_762 = vector.shape_cast %get3A_761 : vector<16xi32> to vector<16xi32>
    %mul3A_763 = arith.constant 512 : i32
    %mul3A_764 = vector.broadcast %mul3A_763 : i32 to vector<16xi32>
    %mul3A_765 = arith.muli %get3A_759, %mul3A_764 : vector<16xi32>
    %add3A_766 = arith.addi %mul3A_765, %get3A_762 : vector<16xi32>
    %swap3A_767 = arith.constant 0 : i32
    %swap3A_768 = arith.index_cast %swap3A_767 : i32 to index
    %swap3A_769 = arith.constant 16 : index
    %swap3A_770 = tpu.vector_load %arg6[%swap3A_768, %swap3A_769] {strides = array<i32>} : memref<4x128xi32, #tpu.memory_space<vmem>>, vector<1x16xi32>,
    %swap3A_771 = vector.shape_cast %swap3A_770 : vector<1x16xi32> to vector<16xi32>
    %swap3A_772 = vector.shape_cast %add3A_766 : vector<16xi32> to vector<1x16xi32>
    tpu.vector_store %arg6[%swap3A_768, %swap3A_769], %swap3A_772 {strides = array<i32>} : memref<4x128xi32, #tpu.memory_space<vmem>>, vector<1x16xi32>,
    %get3A_773 = arith.constant 32 : index
    %get3A_774 = tpu.vector_load %arg5[%get3A_773] {strides = array<i32>} : memref<512xi32, #tpu.memory_space<vmem>>, vector<16xi32>,
    %get3A_775 = vector.shape_cast %get3A_774 : vector<16xi32> to vector<16xi32>
    %get3A_776 = arith.constant 32 : index
    %get3A_777 = tpu.vector_load %arg4[%get3A_776] {strides = array<i32>} : memref<512xi32, #tpu.memory_space<vmem>>, vector<16xi32>,
    %get3A_778 = vector.shape_cast %get3A_777 : vector<16xi32> to vector<16xi32>
    %mul3A_779 = arith.constant 512 : i32
    %mul3A_780 = vector.broadcast %mul3A_779 : i32 to vector<16xi32>
    %mul3A_781 = arith.muli %get3A_775, %mul3A_780 : vector<16xi32>
    %add3A_782 = arith.addi %mul3A_781, %get3A_778 : vector<16xi32>
    %swap3A_783 = arith.constant 0 : i32
    %swap3A_784 = arith.index_cast %swap3A_783 : i32 to index
    %swap3A_785 = arith.constant 32 : index
    %swap3A_786 = tpu.vector_load %arg6[%swap3A_784, %swap3A_785] {strides = array<i32>} : memref<4x128xi32, #tpu.memory_space<vmem>>, vector<1x16xi32>,
    %swap3A_787 = vector.shape_cast %swap3A_786 : vector<1x16xi32> to vector<16xi32>
    %swap3A_788 = vector.shape_cast %add3A_782 : vector<16xi32> to vector<1x16xi32>
    tpu.vector_store %arg6[%swap3A_784, %swap3A_785], %swap3A_788 {strides = array<i32>} : memref<4x128xi32, #tpu.memory_space<vmem>>, vector<1x16xi32>,
    %get3A_789 = arith.constant 48 : index
    %get3A_790 = tpu.vector_load %arg5[%get3A_789] {strides = array<i32>} : memref<512xi32, #tpu.memory_space<vmem>>, vector<16xi32>,
    %get3A_791 = vector.shape_cast %get3A_790 : vector<16xi32> to vector<16xi32>
    %get3A_792 = arith.constant 48 : index
    %get3A_793 = tpu.vector_load %arg4[%get3A_792] {strides = array<i32>} : memref<512xi32, #tpu.memory_space<vmem>>, vector<16xi32>,
    %get3A_794 = vector.shape_cast %get3A_793 : vector<16xi32> to vector<16xi32>
    %mul3A_795 = arith.constant 512 : i32
    %mul3A_796 = vector.broadcast %mul3A_795 : i32 to vector<16xi32>
    %mul3A_797 = arith.muli %get3A_791, %mul3A_796 : vector<16xi32>
    %add3A_798 = arith.addi %mul3A_797, %get3A_794 : vector<16xi32>
    %swap3A_799 = arith.constant 0 : i32
    %swap3A_800 = arith.index_cast %swap3A_799 : i32 to index
    %swap3A_801 = arith.constant 48 : index
    %swap3A_802 = tpu.vector_load %arg6[%swap3A_800, %swap3A_801] {strides = array<i32>} : memref<4x128xi32, #tpu.memory_space<vmem>>, vector<1x16xi32>,
    %swap3A_803 = vector.shape_cast %swap3A_802 : vector<1x16xi32> to vector<16xi32>
    %swap3A_804 = vector.shape_cast %add3A_798 : vector<16xi32> to vector<1x16xi32>
    tpu.vector_store %arg6[%swap3A_800, %swap3A_801], %swap3A_804 {strides = array<i32>} : memref<4x128xi32, #tpu.memory_space<vmem>>, vector<1x16xi32>,
    %get3A_805 = arith.constant 64 : index
    %get3A_806 = tpu.vector_load %arg5[%get3A_805] {strides = array<i32>} : memref<512xi32, #tpu.memory_space<vmem>>, vector<16xi32>,
    %get3A_807 = vector.shape_cast %get3A_806 : vector<16xi32> to vector<16xi32>
    %get3A_808 = arith.constant 64 : index
    %get3A_809 = tpu.vector_load %arg4[%get3A_808] {strides = array<i32>} : memref<512xi32, #tpu.memory_space<vmem>>, vector<16xi32>,
    %get3A_810 = vector.shape_cast %get3A_809 : vector<16xi32> to vector<16xi32>
    %mul3A_811 = arith.constant 512 : i32
    %mul3A_812 = vector.broadcast %mul3A_811 : i32 to vector<16xi32>
    %mul3A_813 = arith.muli %get3A_807, %mul3A_812 : vector<16xi32>
    %add3A_814 = arith.addi %mul3A_813, %get3A_810 : vector<16xi32>
    %swap3A_815 = arith.constant 0 : i32
    %swap3A_816 = arith.index_cast %swap3A_815 : i32 to index
    %swap3A_817 = arith.constant 64 : index
    %swap3A_818 = tpu.vector_load %arg6[%swap3A_816, %swap3A_817] {strides = array<i32>} : memref<4x128xi32, #tpu.memory_space<vmem>>, vector<1x16xi32>,
    %swap3A_819 = vector.shape_cast %swap3A_818 : vector<1x16xi32> to vector<16xi32>
    %swap3A_820 = vector.shape_cast %add3A_814 : vector<16xi32> to vector<1x16xi32>
    tpu.vector_store %arg6[%swap3A_816, %swap3A_817], %swap3A_820 {strides = array<i32>} : memref<4x128xi32, #tpu.memory_space<vmem>>, vector<1x16xi32>,
    %get3A_821 = arith.constant 80 : index
    %get3A_822 = tpu.vector_load %arg5[%get3A_821] {strides = array<i32>} : memref<512xi32, #tpu.memory_space<vmem>>, vector<16xi32>,
    %get3A_823 = vector.shape_cast %get3A_822 : vector<16xi32> to vector<16xi32>
    %get3A_824 = arith.constant 80 : index
    %get3A_825 = tpu.vector_load %arg4[%get3A_824] {strides = array<i32>} : memref<512xi32, #tpu.memory_space<vmem>>, vector<16xi32>,
    %get3A_826 = vector.shape_cast %get3A_825 : vector<16xi32> to vector<16xi32>
    %mul3A_827 = arith.constant 512 : i32
    %mul3A_828 = vector.broadcast %mul3A_827 : i32 to vector<16xi32>
    %mul3A_829 = arith.muli %get3A_823, %mul3A_828 : vector<16xi32>
    %add3A_830 = arith.addi %mul3A_829, %get3A_826 : vector<16xi32>
    %swap3A_831 = arith.constant 0 : i32
    %swap3A_832 = arith.index_cast %swap3A_831 : i32 to index
    %swap3A_833 = arith.constant 80 : index
    %swap3A_834 = tpu.vector_load %arg6[%swap3A_832, %swap3A_833] {strides = array<i32>} : memref<4x128xi32, #tpu.memory_space<vmem>>, vector<1x16xi32>,
    %swap3A_835 = vector.shape_cast %swap3A_834 : vector<1x16xi32> to vector<16xi32>
    %swap3A_836 = vector.shape_cast %add3A_830 : vector<16xi32> to vector<1x16xi32>
    tpu.vector_store %arg6[%swap3A_832, %swap3A_833], %swap3A_836 {strides = array<i32>} : memref<4x128xi32, #tpu.memory_space<vmem>>, vector<1x16xi32>,
    %get3A_837 = arith.constant 96 : index
    %get3A_838 = tpu.vector_load %arg5[%get3A_837] {strides = array<i32>} : memref<512xi32, #tpu.memory_space<vmem>>, vector<16xi32>,
    %get3A_839 = vector.shape_cast %get3A_838 : vector<16xi32> to vector<16xi32>
    %get3A_840 = arith.constant 96 : index
    %get3A_841 = tpu.vector_load %arg4[%get3A_840] {strides = array<i32>} : memref<512xi32, #tpu.memory_space<vmem>>, vector<16xi32>,
    %get3A_842 = vector.shape_cast %get3A_841 : vector<16xi32> to vector<16xi32>
    %mul3A_843 = arith.constant 512 : i32
    %mul3A_844 = vector.broadcast %mul3A_843 : i32 to vector<16xi32>
    %mul3A_845 = arith.muli %get3A_839, %mul3A_844 : vector<16xi32>
    %add3A_846 = arith.addi %mul3A_845, %get3A_842 : vector<16xi32>
    %swap3A_847 = arith.constant 0 : i32
    %swap3A_848 = arith.index_cast %swap3A_847 : i32 to index
    %swap3A_849 = arith.constant 96 : index
    %swap3A_850 = tpu.vector_load %arg6[%swap3A_848, %swap3A_849] {strides = array<i32>} : memref<4x128xi32, #tpu.memory_space<vmem>>, vector<1x16xi32>,
    %swap3A_851 = vector.shape_cast %swap3A_850 : vector<1x16xi32> to vector<16xi32>
    %swap3A_852 = vector.shape_cast %add3A_846 : vector<16xi32> to vector<1x16xi32>
    tpu.vector_store %arg6[%swap3A_848, %swap3A_849], %swap3A_852 {strides = array<i32>} : memref<4x128xi32, #tpu.memory_space<vmem>>, vector<1x16xi32>,
    %get3A_853 = arith.constant 112 : index
    %get3A_854 = tpu.vector_load %arg5[%get3A_853] {strides = array<i32>} : memref<512xi32, #tpu.memory_space<vmem>>, vector<16xi32>,
    %get3A_855 = vector.shape_cast %get3A_854 : vector<16xi32> to vector<16xi32>
    %get3A_856 = arith.constant 112 : index
    %get3A_857 = tpu.vector_load %arg4[%get3A_856] {strides = array<i32>} : memref<512xi32, #tpu.memory_space<vmem>>, vector<16xi32>,
    %get3A_858 = vector.shape_cast %get3A_857 : vector<16xi32> to vector<16xi32>
    %mul3A_859 = arith.constant 512 : i32
    %mul3A_860 = vector.broadcast %mul3A_859 : i32 to vector<16xi32>
    %mul3A_861 = arith.muli %get3A_855, %mul3A_860 : vector<16xi32>
    %add3A_862 = arith.addi %mul3A_861, %get3A_858 : vector<16xi32>
    %swap3A_863 = arith.constant 0 : i32
    %swap3A_864 = arith.index_cast %swap3A_863 : i32 to index
    %swap3A_865 = arith.constant 112 : index
    %swap3A_866 = tpu.vector_load %arg6[%swap3A_864, %swap3A_865] {strides = array<i32>} : memref<4x128xi32, #tpu.memory_space<vmem>>, vector<1x16xi32>,
    %swap3A_867 = vector.shape_cast %swap3A_866 : vector<1x16xi32> to vector<16xi32>
    %swap3A_868 = vector.shape_cast %add3A_862 : vector<16xi32> to vector<1x16xi32>
    tpu.vector_store %arg6[%swap3A_864, %swap3A_865], %swap3A_868 {strides = array<i32>} : memref<4x128xi32, #tpu.memory_space<vmem>>, vector<1x16xi32>,
    %get3A_869 = arith.constant 128 : index
    %get3A_870 = tpu.vector_load %arg5[%get3A_869] {strides = array<i32>} : memref<512xi32, #tpu.memory_space<vmem>>, vector<16xi32>,
    %get3A_871 = vector.shape_cast %get3A_870 : vector<16xi32> to vector<16xi32>
    %get3A_872 = arith.constant 128 : index
    %get3A_873 = tpu.vector_load %arg4[%get3A_872] {strides = array<i32>} : memref<512xi32, #tpu.memory_space<vmem>>, vector<16xi32>,
    %get3A_874 = vector.shape_cast %get3A_873 : vector<16xi32> to vector<16xi32>
    %mul3A_875 = arith.constant 512 : i32
    %mul3A_876 = vector.broadcast %mul3A_875 : i32 to vector<16xi32>
    %mul3A_877 = arith.muli %get3A_871, %mul3A_876 : vector<16xi32>
    %add3A_878 = arith.addi %mul3A_877, %get3A_874 : vector<16xi32>
    %swap3A_879 = arith.constant 1 : i32
    %swap3A_880 = arith.index_cast %swap3A_879 : i32 to index
    %swap3A_881 = arith.constant 0 : index
    %swap3A_882 = tpu.vector_load %arg6[%swap3A_880, %swap3A_881] {strides = array<i32>} : memref<4x128xi32, #tpu.memory_space<vmem>>, vector<1x16xi32>,
    %swap3A_883 = vector.shape_cast %swap3A_882 : vector<1x16xi32> to vector<16xi32>
    %swap3A_884 = vector.shape_cast %add3A_878 : vector<16xi32> to vector<1x16xi32>
    tpu.vector_store %arg6[%swap3A_880, %swap3A_881], %swap3A_884 {strides = array<i32>} : memref<4x128xi32, #tpu.memory_space<vmem>>, vector<1x16xi32>,
    %get3A_885 = arith.constant 144 : index
    %get3A_886 = tpu.vector_load %arg5[%get3A_885] {strides = array<i32>} : memref<512xi32, #tpu.memory_space<vmem>>, vector<16xi32>,
    %get3A_887 = vector.shape_cast %get3A_886 : vector<16xi32> to vector<16xi32>
    %get3A_888 = arith.constant 144 : index
    %get3A_889 = tpu.vector_load %arg4[%get3A_888] {strides = array<i32>} : memref<512xi32, #tpu.memory_space<vmem>>, vector<16xi32>,
    %get3A_890 = vector.shape_cast %get3A_889 : vector<16xi32> to vector<16xi32>
    %mul3A_891 = arith.constant 512 : i32
    %mul3A_892 = vector.broadcast %mul3A_891 : i32 to vector<16xi32>
    %mul3A_893 = arith.muli %get3A_887, %mul3A_892 : vector<16xi32>
    %add3A_894 = arith.addi %mul3A_893, %get3A_890 : vector<16xi32>
    %swap3A_895 = arith.constant 1 : i32
    %swap3A_896 = arith.index_cast %swap3A_895 : i32 to index
    %swap3A_897 = arith.constant 16 : index
    %swap3A_898 = tpu.vector_load %arg6[%swap3A_896, %swap3A_897] {strides = array<i32>} : memref<4x128xi32, #tpu.memory_space<vmem>>, vector<1x16xi32>,
    %swap3A_899 = vector.shape_cast %swap3A_898 : vector<1x16xi32> to vector<16xi32>
    %swap3A_900 = vector.shape_cast %add3A_894 : vector<16xi32> to vector<1x16xi32>
    tpu.vector_store %arg6[%swap3A_896, %swap3A_897], %swap3A_900 {strides = array<i32>} : memref<4x128xi32, #tpu.memory_space<vmem>>, vector<1x16xi32>,
    %get3A_901 = arith.constant 160 : index
    %get3A_902 = tpu.vector_load %arg5[%get3A_901] {strides = array<i32>} : memref<512xi32, #tpu.memory_space<vmem>>, vector<16xi32>,
    %get3A_903 = vector.shape_cast %get3A_902 : vector<16xi32> to vector<16xi32>
    %get3A_904 = arith.constant 160 : index
    %get3A_905 = tpu.vector_load %arg4[%get3A_904] {strides = array<i32>} : memref<512xi32, #tpu.memory_space<vmem>>, vector<16xi32>,
    %get3A_906 = vector.shape_cast %get3A_905 : vector<16xi32> to vector<16xi32>
    %mul3A_907 = arith.constant 512 : i32
    %mul3A_908 = vector.broadcast %mul3A_907 : i32 to vector<16xi32>
    %mul3A_909 = arith.muli %get3A_903, %mul3A_908 : vector<16xi32>
    %add3A_910 = arith.addi %mul3A_909, %get3A_906 : vector<16xi32>
    %swap3A_911 = arith.constant 1 : i32
    %swap3A_912 = arith.index_cast %swap3A_911 : i32 to index
    %swap3A_913 = arith.constant 32 : index
    %swap3A_914 = tpu.vector_load %arg6[%swap3A_912, %swap3A_913] {strides = array<i32>} : memref<4x128xi32, #tpu.memory_space<vmem>>, vector<1x16xi32>,
    %swap3A_915 = vector.shape_cast %swap3A_914 : vector<1x16xi32> to vector<16xi32>
    %swap3A_916 = vector.shape_cast %add3A_910 : vector<16xi32> to vector<1x16xi32>
    tpu.vector_store %arg6[%swap3A_912, %swap3A_913], %swap3A_916 {strides = array<i32>} : memref<4x128xi32, #tpu.memory_space<vmem>>, vector<1x16xi32>,
    %get3A_917 = arith.constant 176 : index
    %get3A_918 = tpu.vector_load %arg5[%get3A_917] {strides = array<i32>} : memref<512xi32, #tpu.memory_space<vmem>>, vector<16xi32>,
    %get3A_919 = vector.shape_cast %get3A_918 : vector<16xi32> to vector<16xi32>
    %get3A_920 = arith.constant 176 : index
    %get3A_921 = tpu.vector_load %arg4[%get3A_920] {strides = array<i32>} : memref<512xi32, #tpu.memory_space<vmem>>, vector<16xi32>,
    %get3A_922 = vector.shape_cast %get3A_921 : vector<16xi32> to vector<16xi32>
    %mul3A_923 = arith.constant 512 : i32
    %mul3A_924 = vector.broadcast %mul3A_923 : i32 to vector<16xi32>
    %mul3A_925 = arith.muli %get3A_919, %mul3A_924 : vector<16xi32>
    %add3A_926 = arith.addi %mul3A_925, %get3A_922 : vector<16xi32>
    %swap3A_927 = arith.constant 1 : i32
    %swap3A_928 = arith.index_cast %swap3A_927 : i32 to index
    %swap3A_929 = arith.constant 48 : index
    %swap3A_930 = tpu.vector_load %arg6[%swap3A_928, %swap3A_929] {strides = array<i32>} : memref<4x128xi32, #tpu.memory_space<vmem>>, vector<1x16xi32>,
    %swap3A_931 = vector.shape_cast %swap3A_930 : vector<1x16xi32> to vector<16xi32>
    %swap3A_932 = vector.shape_cast %add3A_926 : vector<16xi32> to vector<1x16xi32>
    tpu.vector_store %arg6[%swap3A_928, %swap3A_929], %swap3A_932 {strides = array<i32>} : memref<4x128xi32, #tpu.memory_space<vmem>>, vector<1x16xi32>,
    %get3A_933 = arith.constant 192 : index
    %get3A_934 = tpu.vector_load %arg5[%get3A_933] {strides = array<i32>} : memref<512xi32, #tpu.memory_space<vmem>>, vector<16xi32>,
    %get3A_935 = vector.shape_cast %get3A_934 : vector<16xi32> to vector<16xi32>
    %get3A_936 = arith.constant 192 : index
    %get3A_937 = tpu.vector_load %arg4[%get3A_936] {strides = array<i32>} : memref<512xi32, #tpu.memory_space<vmem>>, vector<16xi32>,
    %get3A_938 = vector.shape_cast %get3A_937 : vector<16xi32> to vector<16xi32>
    %mul3A_939 = arith.constant 512 : i32
    %mul3A_940 = vector.broadcast %mul3A_939 : i32 to vector<16xi32>
    %mul3A_941 = arith.muli %get3A_935, %mul3A_940 : vector<16xi32>
    %add3A_942 = arith.addi %mul3A_941, %get3A_938 : vector<16xi32>
    %swap3A_943 = arith.constant 1 : i32
    %swap3A_944 = arith.index_cast %swap3A_943 : i32 to index
    %swap3A_945 = arith.constant 64 : index
    %swap3A_946 = tpu.vector_load %arg6[%swap3A_944, %swap3A_945] {strides = array<i32>} : memref<4x128xi32, #tpu.memory_space<vmem>>, vector<1x16xi32>,
    %swap3A_947 = vector.shape_cast %swap3A_946 : vector<1x16xi32> to vector<16xi32>
    %swap3A_948 = vector.shape_cast %add3A_942 : vector<16xi32> to vector<1x16xi32>
    tpu.vector_store %arg6[%swap3A_944, %swap3A_945], %swap3A_948 {strides = array<i32>} : memref<4x128xi32, #tpu.memory_space<vmem>>, vector<1x16xi32>,
    %get3A_949 = arith.constant 208 : index
    %get3A_950 = tpu.vector_load %arg5[%get3A_949] {strides = array<i32>} : memref<512xi32, #tpu.memory_space<vmem>>, vector<16xi32>,
    %get3A_951 = vector.shape_cast %get3A_950 : vector<16xi32> to vector<16xi32>
    %get3A_952 = arith.constant 208 : index
    %get3A_953 = tpu.vector_load %arg4[%get3A_952] {strides = array<i32>} : memref<512xi32, #tpu.memory_space<vmem>>, vector<16xi32>,
    %get3A_954 = vector.shape_cast %get3A_953 : vector<16xi32> to vector<16xi32>
    %mul3A_955 = arith.constant 512 : i32
    %mul3A_956 = vector.broadcast %mul3A_955 : i32 to vector<16xi32>
    %mul3A_957 = arith.muli %get3A_951, %mul3A_956 : vector<16xi32>
    %add3A_958 = arith.addi %mul3A_957, %get3A_954 : vector<16xi32>
    %swap3A_959 = arith.constant 1 : i32
    %swap3A_960 = arith.index_cast %swap3A_959 : i32 to index
    %swap3A_961 = arith.constant 80 : index
    %swap3A_962 = tpu.vector_load %arg6[%swap3A_960, %swap3A_961] {strides = array<i32>} : memref<4x128xi32, #tpu.memory_space<vmem>>, vector<1x16xi32>,
    %swap3A_963 = vector.shape_cast %swap3A_962 : vector<1x16xi32> to vector<16xi32>
    %swap3A_964 = vector.shape_cast %add3A_958 : vector<16xi32> to vector<1x16xi32>
    tpu.vector_store %arg6[%swap3A_960, %swap3A_961], %swap3A_964 {strides = array<i32>} : memref<4x128xi32, #tpu.memory_space<vmem>>, vector<1x16xi32>,
    %get3A_965 = arith.constant 224 : index
    %get3A_966 = tpu.vector_load %arg5[%get3A_965] {strides = array<i32>} : memref<512xi32, #tpu.memory_space<vmem>>, vector<16xi32>,
    %get3A_967 = vector.shape_cast %get3A_966 : vector<16xi32> to vector<16xi32>
    %get3A_968 = arith.constant 224 : index
    %get3A_969 = tpu.vector_load %arg4[%get3A_968] {strides = array<i32>} : memref<512xi32, #tpu.memory_space<vmem>>, vector<16xi32>,
    %get3A_970 = vector.shape_cast %get3A_969 : vector<16xi32> to vector<16xi32>
    %mul3A_971 = arith.constant 512 : i32
    %mul3A_972 = vector.broadcast %mul3A_971 : i32 to vector<16xi32>
    %mul3A_973 = arith.muli %get3A_967, %mul3A_972 : vector<16xi32>
    %add3A_974 = arith.addi %mul3A_973, %get3A_970 : vector<16xi32>
    %swap3A_975 = arith.constant 1 : i32
    %swap3A_976 = arith.index_cast %swap3A_975 : i32 to index
    %swap3A_977 = arith.constant 96 : index
    %swap3A_978 = tpu.vector_load %arg6[%swap3A_976, %swap3A_977] {strides = array<i32>} : memref<4x128xi32, #tpu.memory_space<vmem>>, vector<1x16xi32>,
    %swap3A_979 = vector.shape_cast %swap3A_978 : vector<1x16xi32> to vector<16xi32>
    %swap3A_980 = vector.shape_cast %add3A_974 : vector<16xi32> to vector<1x16xi32>
    tpu.vector_store %arg6[%swap3A_976, %swap3A_977], %swap3A_980 {strides = array<i32>} : memref<4x128xi32, #tpu.memory_space<vmem>>, vector<1x16xi32>,
    %get3A_981 = arith.constant 240 : index
    %get3A_982 = tpu.vector_load %arg5[%get3A_981] {strides = array<i32>} : memref<512xi32, #tpu.memory_space<vmem>>, vector<16xi32>,
    %get3A_983 = vector.shape_cast %get3A_982 : vector<16xi32> to vector<16xi32>
    %get3A_984 = arith.constant 240 : index
    %get3A_985 = tpu.vector_load %arg4[%get3A_984] {strides = array<i32>} : memref<512xi32, #tpu.memory_space<vmem>>, vector<16xi32>,
    %get3A_986 = vector.shape_cast %get3A_985 : vector<16xi32> to vector<16xi32>
    %mul3A_987 = arith.constant 512 : i32
    %mul3A_988 = vector.broadcast %mul3A_987 : i32 to vector<16xi32>
    %mul3A_989 = arith.muli %get3A_983, %mul3A_988 : vector<16xi32>
    %add3A_990 = arith.addi %mul3A_989, %get3A_986 : vector<16xi32>
    %swap3A_991 = arith.constant 1 : i32
    %swap3A_992 = arith.index_cast %swap3A_991 : i32 to index
    %swap3A_993 = arith.constant 112 : index
    %swap3A_994 = tpu.vector_load %arg6[%swap3A_992, %swap3A_993] {strides = array<i32>} : memref<4x128xi32, #tpu.memory_space<vmem>>, vector<1x16xi32>,
    %swap3A_995 = vector.shape_cast %swap3A_994 : vector<1x16xi32> to vector<16xi32>
    %swap3A_996 = vector.shape_cast %add3A_990 : vector<16xi32> to vector<1x16xi32>
    tpu.vector_store %arg6[%swap3A_992, %swap3A_993], %swap3A_996 {strides = array<i32>} : memref<4x128xi32, #tpu.memory_space<vmem>>, vector<1x16xi32>,
    %get3A_997 = arith.constant 256 : index
    %get3A_998 = tpu.vector_load %arg5[%get3A_997] {strides = array<i32>} : memref<512xi32, #tpu.memory_space<vmem>>, vector<16xi32>,
    %get3A_999 = vector.shape_cast %get3A_998 : vector<16xi32> to vector<16xi32>
    %get3A_1000 = arith.constant 256 : index
    %get3A_1001 = tpu.vector_load %arg4[%get3A_1000] {strides = array<i32>} : memref<512xi32, #tpu.memory_space<vmem>>, vector<16xi32>,
    %get3A_1002 = vector.shape_cast %get3A_1001 : vector<16xi32> to vector<16xi32>
    %mul3A_1003 = arith.constant 512 : i32
    %mul3A_1004 = vector.broadcast %mul3A_1003 : i32 to vector<16xi32>
    %mul3A_1005 = arith.muli %get3A_999, %mul3A_1004 : vector<16xi32>
    %add3A_1006 = arith.addi %mul3A_1005, %get3A_1002 : vector<16xi32>
    %swap3A_1007 = arith.constant 2 : i32
    %swap3A_1008 = arith.index_cast %swap3A_1007 : i32 to index
    %swap3A_1009 = arith.constant 0 : index
    %swap3A_1010 = tpu.vector_load %arg6[%swap3A_1008, %swap3A_1009] {strides = array<i32>} : memref<4x128xi32, #tpu.memory_space<vmem>>, vector<1x16xi32>,
    %swap3A_1011 = vector.shape_cast %swap3A_1010 : vector<1x16xi32> to vector<16xi32>
    %swap3A_1012 = vector.shape_cast %add3A_1006 : vector<16xi32> to vector<1x16xi32>
    tpu.vector_store %arg6[%swap3A_1008, %swap3A_1009], %swap3A_1012 {strides = array<i32>} : memref<4x128xi32, #tpu.memory_space<vmem>>, vector<1x16xi32>,
    %get3A_1013 = arith.constant 272 : index
    %get3A_1014 = tpu.vector_load %arg5[%get3A_1013] {strides = array<i32>} : memref<512xi32, #tpu.memory_space<vmem>>, vector<16xi32>,
    %get3A_1015 = vector.shape_cast %get3A_1014 : vector<16xi32> to vector<16xi32>
    %get3A_1016 = arith.constant 272 : index
    %get3A_1017 = tpu.vector_load %arg4[%get3A_1016] {strides = array<i32>} : memref<512xi32, #tpu.memory_space<vmem>>, vector<16xi32>,
    %get3A_1018 = vector.shape_cast %get3A_1017 : vector<16xi32> to vector<16xi32>
    %mul3A_1019 = arith.constant 512 : i32
    %mul3A_1020 = vector.broadcast %mul3A_1019 : i32 to vector<16xi32>
    %mul3A_1021 = arith.muli %get3A_1015, %mul3A_1020 : vector<16xi32>
    %add3A_1022 = arith.addi %mul3A_1021, %get3A_1018 : vector<16xi32>
    %swap3A_1023 = arith.constant 2 : i32
    %swap3A_1024 = arith.index_cast %swap3A_1023 : i32 to index
    %swap3A_1025 = arith.constant 16 : index
    %swap3A_1026 = tpu.vector_load %arg6[%swap3A_1024, %swap3A_1025] {strides = array<i32>} : memref<4x128xi32, #tpu.memory_space<vmem>>, vector<1x16xi32>,
    %swap3A_1027 = vector.shape_cast %swap3A_1026 : vector<1x16xi32> to vector<16xi32>
    %swap3A_1028 = vector.shape_cast %add3A_1022 : vector<16xi32> to vector<1x16xi32>
    tpu.vector_store %arg6[%swap3A_1024, %swap3A_1025], %swap3A_1028 {strides = array<i32>} : memref<4x128xi32, #tpu.memory_space<vmem>>, vector<1x16xi32>,
    %get3A_1029 = arith.constant 288 : index
    %get3A_1030 = tpu.vector_load %arg5[%get3A_1029] {strides = array<i32>} : memref<512xi32, #tpu.memory_space<vmem>>, vector<16xi32>,
    %get3A_1031 = vector.shape_cast %get3A_1030 : vector<16xi32> to vector<16xi32>
    %get3A_1032 = arith.constant 288 : index
    %get3A_1033 = tpu.vector_load %arg4[%get3A_1032] {strides = array<i32>} : memref<512xi32, #tpu.memory_space<vmem>>, vector<16xi32>,
    %get3A_1034 = vector.shape_cast %get3A_1033 : vector<16xi32> to vector<16xi32>
    %mul3A_1035 = arith.constant 512 : i32
    %mul3A_1036 = vector.broadcast %mul3A_1035 : i32 to vector<16xi32>
    %mul3A_1037 = arith.muli %get3A_1031, %mul3A_1036 : vector<16xi32>
    %add3A_1038 = arith.addi %mul3A_1037, %get3A_1034 : vector<16xi32>
    %swap3A_1039 = arith.constant 2 : i32
    %swap3A_1040 = arith.index_cast %swap3A_1039 : i32 to index
    %swap3A_1041 = arith.constant 32 : index
    %swap3A_1042 = tpu.vector_load %arg6[%swap3A_1040, %swap3A_1041] {strides = array<i32>} : memref<4x128xi32, #tpu.memory_space<vmem>>, vector<1x16xi32>,
    %swap3A_1043 = vector.shape_cast %swap3A_1042 : vector<1x16xi32> to vector<16xi32>
    %swap3A_1044 = vector.shape_cast %add3A_1038 : vector<16xi32> to vector<1x16xi32>
    tpu.vector_store %arg6[%swap3A_1040, %swap3A_1041], %swap3A_1044 {strides = array<i32>} : memref<4x128xi32, #tpu.memory_space<vmem>>, vector<1x16xi32>,
    %get3A_1045 = arith.constant 304 : index
    %get3A_1046 = tpu.vector_load %arg5[%get3A_1045] {strides = array<i32>} : memref<512xi32, #tpu.memory_space<vmem>>, vector<16xi32>,
    %get3A_1047 = vector.shape_cast %get3A_1046 : vector<16xi32> to vector<16xi32>
    %get3A_1048 = arith.constant 304 : index
    %get3A_1049 = tpu.vector_load %arg4[%get3A_1048] {strides = array<i32>} : memref<512xi32, #tpu.memory_space<vmem>>, vector<16xi32>,
    %get3A_1050 = vector.shape_cast %get3A_1049 : vector<16xi32> to vector<16xi32>
    %mul3A_1051 = arith.constant 512 : i32
    %mul3A_1052 = vector.broadcast %mul3A_1051 : i32 to vector<16xi32>
    %mul3A_1053 = arith.muli %get3A_1047, %mul3A_1052 : vector<16xi32>
    %add3A_1054 = arith.addi %mul3A_1053, %get3A_1050 : vector<16xi32>
    %swap3A_1055 = arith.constant 2 : i32
    %swap3A_1056 = arith.index_cast %swap3A_1055 : i32 to index
    %swap3A_1057 = arith.constant 48 : index
    %swap3A_1058 = tpu.vector_load %arg6[%swap3A_1056, %swap3A_1057] {strides = array<i32>} : memref<4x128xi32, #tpu.memory_space<vmem>>, vector<1x16xi32>,
    %swap3A_1059 = vector.shape_cast %swap3A_1058 : vector<1x16xi32> to vector<16xi32>
    %swap3A_1060 = vector.shape_cast %add3A_1054 : vector<16xi32> to vector<1x16xi32>
    tpu.vector_store %arg6[%swap3A_1056, %swap3A_1057], %swap3A_1060 {strides = array<i32>} : memref<4x128xi32, #tpu.memory_space<vmem>>, vector<1x16xi32>,
    %get3A_1061 = arith.constant 320 : index
    %get3A_1062 = tpu.vector_load %arg5[%get3A_1061] {strides = array<i32>} : memref<512xi32, #tpu.memory_space<vmem>>, vector<16xi32>,
    %get3A_1063 = vector.shape_cast %get3A_1062 : vector<16xi32> to vector<16xi32>
    %get3A_1064 = arith.constant 320 : index
    %get3A_1065 = tpu.vector_load %arg4[%get3A_1064] {strides = array<i32>} : memref<512xi32, #tpu.memory_space<vmem>>, vector<16xi32>,
    %get3A_1066 = vector.shape_cast %get3A_1065 : vector<16xi32> to vector<16xi32>
    %mul3A_1067 = arith.constant 512 : i32
    %mul3A_1068 = vector.broadcast %mul3A_1067 : i32 to vector<16xi32>
    %mul3A_1069 = arith.muli %get3A_1063, %mul3A_1068 : vector<16xi32>
    %add3A_1070 = arith.addi %mul3A_1069, %get3A_1066 : vector<16xi32>
    %swap3A_1071 = arith.constant 2 : i32
    %swap3A_1072 = arith.index_cast %swap3A_1071 : i32 to index
    %swap3A_1073 = arith.constant 64 : index
    %swap3A_1074 = tpu.vector_load %arg6[%swap3A_1072, %swap3A_1073] {strides = array<i32>} : memref<4x128xi32, #tpu.memory_space<vmem>>, vector<1x16xi32>,
    %swap3A_1075 = vector.shape_cast %swap3A_1074 : vector<1x16xi32> to vector<16xi32>
    %swap3A_1076 = vector.shape_cast %add3A_1070 : vector<16xi32> to vector<1x16xi32>
    tpu.vector_store %arg6[%swap3A_1072, %swap3A_1073], %swap3A_1076 {strides = array<i32>} : memref<4x128xi32, #tpu.memory_space<vmem>>, vector<1x16xi32>,
    %get3A_1077 = arith.constant 336 : index
    %get3A_1078 = tpu.vector_load %arg5[%get3A_1077] {strides = array<i32>} : memref<512xi32, #tpu.memory_space<vmem>>, vector<16xi32>,
    %get3A_1079 = vector.shape_cast %get3A_1078 : vector<16xi32> to vector<16xi32>
    %get3A_1080 = arith.constant 336 : index
    %get3A_1081 = tpu.vector_load %arg4[%get3A_1080] {strides = array<i32>} : memref<512xi32, #tpu.memory_space<vmem>>, vector<16xi32>,
    %get3A_1082 = vector.shape_cast %get3A_1081 : vector<16xi32> to vector<16xi32>
    %mul3A_1083 = arith.constant 512 : i32
    %mul3A_1084 = vector.broadcast %mul3A_1083 : i32 to vector<16xi32>
    %mul3A_1085 = arith.muli %get3A_1079, %mul3A_1084 : vector<16xi32>
    %add3A_1086 = arith.addi %mul3A_1085, %get3A_1082 : vector<16xi32>
    %swap3A_1087 = arith.constant 2 : i32
    %swap3A_1088 = arith.index_cast %swap3A_1087 : i32 to index
    %swap3A_1089 = arith.constant 80 : index
    %swap3A_1090 = tpu.vector_load %arg6[%swap3A_1088, %swap3A_1089] {strides = array<i32>} : memref<4x128xi32, #tpu.memory_space<vmem>>, vector<1x16xi32>,
    %swap3A_1091 = vector.shape_cast %swap3A_1090 : vector<1x16xi32> to vector<16xi32>
    %swap3A_1092 = vector.shape_cast %add3A_1086 : vector<16xi32> to vector<1x16xi32>
    tpu.vector_store %arg6[%swap3A_1088, %swap3A_1089], %swap3A_1092 {strides = array<i32>} : memref<4x128xi32, #tpu.memory_space<vmem>>, vector<1x16xi32>,
    %get3A_1093 = arith.constant 352 : index
    %get3A_1094 = tpu.vector_load %arg5[%get3A_1093] {strides = array<i32>} : memref<512xi32, #tpu.memory_space<vmem>>, vector<16xi32>,
    %get3A_1095 = vector.shape_cast %get3A_1094 : vector<16xi32> to vector<16xi32>
    %get3A_1096 = arith.constant 352 : index
    %get3A_1097 = tpu.vector_load %arg4[%get3A_1096] {strides = array<i32>} : memref<512xi32, #tpu.memory_space<vmem>>, vector<16xi32>,
    %get3A_1098 = vector.shape_cast %get3A_1097 : vector<16xi32> to vector<16xi32>
    %mul3A_1099 = arith.constant 512 : i32
    %mul3A_1100 = vector.broadcast %mul3A_1099 : i32 to vector<16xi32>
    %mul3A_1101 = arith.muli %get3A_1095, %mul3A_1100 : vector<16xi32>
    %add3A_1102 = arith.addi %mul3A_1101, %get3A_1098 : vector<16xi32>
    %swap3A_1103 = arith.constant 2 : i32
    %swap3A_1104 = arith.index_cast %swap3A_1103 : i32 to index
    %swap3A_1105 = arith.constant 96 : index
    %swap3A_1106 = tpu.vector_load %arg6[%swap3A_1104, %swap3A_1105] {strides = array<i32>} : memref<4x128xi32, #tpu.memory_space<vmem>>, vector<1x16xi32>,
    %swap3A_1107 = vector.shape_cast %swap3A_1106 : vector<1x16xi32> to vector<16xi32>
    %swap3A_1108 = vector.shape_cast %add3A_1102 : vector<16xi32> to vector<1x16xi32>
    tpu.vector_store %arg6[%swap3A_1104, %swap3A_1105], %swap3A_1108 {strides = array<i32>} : memref<4x128xi32, #tpu.memory_space<vmem>>, vector<1x16xi32>,
    %get3A_1109 = arith.constant 368 : index
    %get3A_1110 = tpu.vector_load %arg5[%get3A_1109] {strides = array<i32>} : memref<512xi32, #tpu.memory_space<vmem>>, vector<16xi32>,
    %get3A_1111 = vector.shape_cast %get3A_1110 : vector<16xi32> to vector<16xi32>
    %get3A_1112 = arith.constant 368 : index
    %get3A_1113 = tpu.vector_load %arg4[%get3A_1112] {strides = array<i32>} : memref<512xi32, #tpu.memory_space<vmem>>, vector<16xi32>,
    %get3A_1114 = vector.shape_cast %get3A_1113 : vector<16xi32> to vector<16xi32>
    %mul3A_1115 = arith.constant 512 : i32
    %mul3A_1116 = vector.broadcast %mul3A_1115 : i32 to vector<16xi32>
    %mul3A_1117 = arith.muli %get3A_1111, %mul3A_1116 : vector<16xi32>
    %add3A_1118 = arith.addi %mul3A_1117, %get3A_1114 : vector<16xi32>
    %swap3A_1119 = arith.constant 2 : i32
    %swap3A_1120 = arith.index_cast %swap3A_1119 : i32 to index
    %swap3A_1121 = arith.constant 112 : index
    %swap3A_1122 = tpu.vector_load %arg6[%swap3A_1120, %swap3A_1121] {strides = array<i32>} : memref<4x128xi32, #tpu.memory_space<vmem>>, vector<1x16xi32>,
    %swap3A_1123 = vector.shape_cast %swap3A_1122 : vector<1x16xi32> to vector<16xi32>
    %swap3A_1124 = vector.shape_cast %add3A_1118 : vector<16xi32> to vector<1x16xi32>
    tpu.vector_store %arg6[%swap3A_1120, %swap3A_1121], %swap3A_1124 {strides = array<i32>} : memref<4x128xi32, #tpu.memory_space<vmem>>, vector<1x16xi32>,
    %get3A_1125 = arith.constant 384 : index
    %get3A_1126 = tpu.vector_load %arg5[%get3A_1125] {strides = array<i32>} : memref<512xi32, #tpu.memory_space<vmem>>, vector<16xi32>,
    %get3A_1127 = vector.shape_cast %get3A_1126 : vector<16xi32> to vector<16xi32>
    %get3A_1128 = arith.constant 384 : index
    %get3A_1129 = tpu.vector_load %arg4[%get3A_1128] {strides = array<i32>} : memref<512xi32, #tpu.memory_space<vmem>>, vector<16xi32>,
    %get3A_1130 = vector.shape_cast %get3A_1129 : vector<16xi32> to vector<16xi32>
    %mul3A_1131 = arith.constant 512 : i32
    %mul3A_1132 = vector.broadcast %mul3A_1131 : i32 to vector<16xi32>
    %mul3A_1133 = arith.muli %get3A_1127, %mul3A_1132 : vector<16xi32>
    %add3A_1134 = arith.addi %mul3A_1133, %get3A_1130 : vector<16xi32>
    %swap3A_1135 = arith.constant 3 : i32
    %swap3A_1136 = arith.index_cast %swap3A_1135 : i32 to index
    %swap3A_1137 = arith.constant 0 : index
    %swap3A_1138 = tpu.vector_load %arg6[%swap3A_1136, %swap3A_1137] {strides = array<i32>} : memref<4x128xi32, #tpu.memory_space<vmem>>, vector<1x16xi32>,
    %swap3A_1139 = vector.shape_cast %swap3A_1138 : vector<1x16xi32> to vector<16xi32>
    %swap3A_1140 = vector.shape_cast %add3A_1134 : vector<16xi32> to vector<1x16xi32>
    tpu.vector_store %arg6[%swap3A_1136, %swap3A_1137], %swap3A_1140 {strides = array<i32>} : memref<4x128xi32, #tpu.memory_space<vmem>>, vector<1x16xi32>,
    %get3A_1141 = arith.constant 400 : index
    %get3A_1142 = tpu.vector_load %arg5[%get3A_1141] {strides = array<i32>} : memref<512xi32, #tpu.memory_space<vmem>>, vector<16xi32>,
    %get3A_1143 = vector.shape_cast %get3A_1142 : vector<16xi32> to vector<16xi32>
    %get3A_1144 = arith.constant 400 : index
    %get3A_1145 = tpu.vector_load %arg4[%get3A_1144] {strides = array<i32>} : memref<512xi32, #tpu.memory_space<vmem>>, vector<16xi32>,
    %get3A_1146 = vector.shape_cast %get3A_1145 : vector<16xi32> to vector<16xi32>
    %mul3A_1147 = arith.constant 512 : i32
    %mul3A_1148 = vector.broadcast %mul3A_1147 : i32 to vector<16xi32>
    %mul3A_1149 = arith.muli %get3A_1143, %mul3A_1148 : vector<16xi32>
    %add3A_1150 = arith.addi %mul3A_1149, %get3A_1146 : vector<16xi32>
    %swap3A_1151 = arith.constant 3 : i32
    %swap3A_1152 = arith.index_cast %swap3A_1151 : i32 to index
    %swap3A_1153 = arith.constant 16 : index
    %swap3A_1154 = tpu.vector_load %arg6[%swap3A_1152, %swap3A_1153] {strides = array<i32>} : memref<4x128xi32, #tpu.memory_space<vmem>>, vector<1x16xi32>,
    %swap3A_1155 = vector.shape_cast %swap3A_1154 : vector<1x16xi32> to vector<16xi32>
    %swap3A_1156 = vector.shape_cast %add3A_1150 : vector<16xi32> to vector<1x16xi32>
    tpu.vector_store %arg6[%swap3A_1152, %swap3A_1153], %swap3A_1156 {strides = array<i32>} : memref<4x128xi32, #tpu.memory_space<vmem>>, vector<1x16xi32>,
    %get3A_1157 = arith.constant 416 : index
    %get3A_1158 = tpu.vector_load %arg5[%get3A_1157] {strides = array<i32>} : memref<512xi32, #tpu.memory_space<vmem>>, vector<16xi32>,
    %get3A_1159 = vector.shape_cast %get3A_1158 : vector<16xi32> to vector<16xi32>
    %get3A_1160 = arith.constant 416 : index
    %get3A_1161 = tpu.vector_load %arg4[%get3A_1160] {strides = array<i32>} : memref<512xi32, #tpu.memory_space<vmem>>, vector<16xi32>,
    %get3A_1162 = vector.shape_cast %get3A_1161 : vector<16xi32> to vector<16xi32>
    %mul3A_1163 = arith.constant 512 : i32
    %mul3A_1164 = vector.broadcast %mul3A_1163 : i32 to vector<16xi32>
    %mul3A_1165 = arith.muli %get3A_1159, %mul3A_1164 : vector<16xi32>
    %add3A_1166 = arith.addi %mul3A_1165, %get3A_1162 : vector<16xi32>
    %swap3A_1167 = arith.constant 3 : i32
    %swap3A_1168 = arith.index_cast %swap3A_1167 : i32 to index
    %swap3A_1169 = arith.constant 32 : index
    %swap3A_1170 = tpu.vector_load %arg6[%swap3A_1168, %swap3A_1169] {strides = array<i32>} : memref<4x128xi32, #tpu.memory_space<vmem>>, vector<1x16xi32>,
    %swap3A_1171 = vector.shape_cast %swap3A_1170 : vector<1x16xi32> to vector<16xi32>
    %swap3A_1172 = vector.shape_cast %add3A_1166 : vector<16xi32> to vector<1x16xi32>
    tpu.vector_store %arg6[%swap3A_1168, %swap3A_1169], %swap3A_1172 {strides = array<i32>} : memref<4x128xi32, #tpu.memory_space<vmem>>, vector<1x16xi32>,
    %get3A_1173 = arith.constant 432 : index
    %get3A_1174 = tpu.vector_load %arg5[%get3A_1173] {strides = array<i32>} : memref<512xi32, #tpu.memory_space<vmem>>, vector<16xi32>,
    %get3A_1175 = vector.shape_cast %get3A_1174 : vector<16xi32> to vector<16xi32>
    %get3A_1176 = arith.constant 432 : index
    %get3A_1177 = tpu.vector_load %arg4[%get3A_1176] {strides = array<i32>} : memref<512xi32, #tpu.memory_space<vmem>>, vector<16xi32>,
    %get3A_1178 = vector.shape_cast %get3A_1177 : vector<16xi32> to vector<16xi32>
    %mul3A_1179 = arith.constant 512 : i32
    %mul3A_1180 = vector.broadcast %mul3A_1179 : i32 to vector<16xi32>
    %mul3A_1181 = arith.muli %get3A_1175, %mul3A_1180 : vector<16xi32>
    %add3A_1182 = arith.addi %mul3A_1181, %get3A_1178 : vector<16xi32>
    %swap3A_1183 = arith.constant 3 : i32
    %swap3A_1184 = arith.index_cast %swap3A_1183 : i32 to index
    %swap3A_1185 = arith.constant 48 : index
    %swap3A_1186 = tpu.vector_load %arg6[%swap3A_1184, %swap3A_1185] {strides = array<i32>} : memref<4x128xi32, #tpu.memory_space<vmem>>, vector<1x16xi32>,
    %swap3A_1187 = vector.shape_cast %swap3A_1186 : vector<1x16xi32> to vector<16xi32>
    %swap3A_1188 = vector.shape_cast %add3A_1182 : vector<16xi32> to vector<1x16xi32>
    tpu.vector_store %arg6[%swap3A_1184, %swap3A_1185], %swap3A_1188 {strides = array<i32>} : memref<4x128xi32, #tpu.memory_space<vmem>>, vector<1x16xi32>,
    %get3A_1189 = arith.constant 448 : index
    %get3A_1190 = tpu.vector_load %arg5[%get3A_1189] {strides = array<i32>} : memref<512xi32, #tpu.memory_space<vmem>>, vector<16xi32>,
    %get3A_1191 = vector.shape_cast %get3A_1190 : vector<16xi32> to vector<16xi32>
    %get3A_1192 = arith.constant 448 : index
    %get3A_1193 = tpu.vector_load %arg4[%get3A_1192] {strides = array<i32>} : memref<512xi32, #tpu.memory_space<vmem>>, vector<16xi32>,
    %get3A_1194 = vector.shape_cast %get3A_1193 : vector<16xi32> to vector<16xi32>
    %mul3A_1195 = arith.constant 512 : i32
    %mul3A_1196 = vector.broadcast %mul3A_1195 : i32 to vector<16xi32>
    %mul3A_1197 = arith.muli %get3A_1191, %mul3A_1196 : vector<16xi32>
    %add3A_1198 = arith.addi %mul3A_1197, %get3A_1194 : vector<16xi32>
    %swap3A_1199 = arith.constant 3 : i32
    %swap3A_1200 = arith.index_cast %swap3A_1199 : i32 to index
    %swap3A_1201 = arith.constant 64 : index
    %swap3A_1202 = tpu.vector_load %arg6[%swap3A_1200, %swap3A_1201] {strides = array<i32>} : memref<4x128xi32, #tpu.memory_space<vmem>>, vector<1x16xi32>,
    %swap3A_1203 = vector.shape_cast %swap3A_1202 : vector<1x16xi32> to vector<16xi32>
    %swap3A_1204 = vector.shape_cast %add3A_1198 : vector<16xi32> to vector<1x16xi32>
    tpu.vector_store %arg6[%swap3A_1200, %swap3A_1201], %swap3A_1204 {strides = array<i32>} : memref<4x128xi32, #tpu.memory_space<vmem>>, vector<1x16xi32>,
    %get3A_1205 = arith.constant 464 : index
    %get3A_1206 = tpu.vector_load %arg5[%get3A_1205] {strides = array<i32>} : memref<512xi32, #tpu.memory_space<vmem>>, vector<16xi32>,
    %get3A_1207 = vector.shape_cast %get3A_1206 : vector<16xi32> to vector<16xi32>
    %get3A_1208 = arith.constant 464 : index
    %get3A_1209 = tpu.vector_load %arg4[%get3A_1208] {strides = array<i32>} : memref<512xi32, #tpu.memory_space<vmem>>, vector<16xi32>,
    %get3A_1210 = vector.shape_cast %get3A_1209 : vector<16xi32> to vector<16xi32>
    %mul3A_1211 = arith.constant 512 : i32
    %mul3A_1212 = vector.broadcast %mul3A_1211 : i32 to vector<16xi32>
    %mul3A_1213 = arith.muli %get3A_1207, %mul3A_1212 : vector<16xi32>
    %add3A_1214 = arith.addi %mul3A_1213, %get3A_1210 : vector<16xi32>
    %swap3A_1215 = arith.constant 3 : i32
    %swap3A_1216 = arith.index_cast %swap3A_1215 : i32 to index
    %swap3A_1217 = arith.constant 80 : index
    %swap3A_1218 = tpu.vector_load %arg6[%swap3A_1216, %swap3A_1217] {strides = array<i32>} : memref<4x128xi32, #tpu.memory_space<vmem>>, vector<1x16xi32>,
    %swap3A_1219 = vector.shape_cast %swap3A_1218 : vector<1x16xi32> to vector<16xi32>
    %swap3A_1220 = vector.shape_cast %add3A_1214 : vector<16xi32> to vector<1x16xi32>
    tpu.vector_store %arg6[%swap3A_1216, %swap3A_1217], %swap3A_1220 {strides = array<i32>} : memref<4x128xi32, #tpu.memory_space<vmem>>, vector<1x16xi32>,
    %get3A_1221 = arith.constant 480 : index
    %get3A_1222 = tpu.vector_load %arg5[%get3A_1221] {strides = array<i32>} : memref<512xi32, #tpu.memory_space<vmem>>, vector<16xi32>,
    %get3A_1223 = vector.shape_cast %get3A_1222 : vector<16xi32> to vector<16xi32>
    %get3A_1224 = arith.constant 480 : index
    %get3A_1225 = tpu.vector_load %arg4[%get3A_1224] {strides = array<i32>} : memref<512xi32, #tpu.memory_space<vmem>>, vector<16xi32>,
    %get3A_1226 = vector.shape_cast %get3A_1225 : vector<16xi32> to vector<16xi32>
    %mul3A_1227 = arith.constant 512 : i32
    %mul3A_1228 = vector.broadcast %mul3A_1227 : i32 to vector<16xi32>
    %mul3A_1229 = arith.muli %get3A_1223, %mul3A_1228 : vector<16xi32>
    %add3A_1230 = arith.addi %mul3A_1229, %get3A_1226 : vector<16xi32>
    %swap3A_1231 = arith.constant 3 : i32
    %swap3A_1232 = arith.index_cast %swap3A_1231 : i32 to index
    %swap3A_1233 = arith.constant 96 : index
    %swap3A_1234 = tpu.vector_load %arg6[%swap3A_1232, %swap3A_1233] {strides = array<i32>} : memref<4x128xi32, #tpu.memory_space<vmem>>, vector<1x16xi32>,
    %swap3A_1235 = vector.shape_cast %swap3A_1234 : vector<1x16xi32> to vector<16xi32>
    %swap3A_1236 = vector.shape_cast %add3A_1230 : vector<16xi32> to vector<1x16xi32>
    tpu.vector_store %arg6[%swap3A_1232, %swap3A_1233], %swap3A_1236 {strides = array<i32>} : memref<4x128xi32, #tpu.memory_space<vmem>>, vector<1x16xi32>,
    %get3A_1237 = arith.constant 496 : index
    %get3A_1238 = tpu.vector_load %arg5[%get3A_1237] {strides = array<i32>} : memref<512xi32, #tpu.memory_space<vmem>>, vector<16xi32>,
    %get3A_1239 = vector.shape_cast %get3A_1238 : vector<16xi32> to vector<16xi32>
    %get3A_1240 = arith.constant 496 : index
    %get3A_1241 = tpu.vector_load %arg4[%get3A_1240] {strides = array<i32>} : memref<512xi32, #tpu.memory_space<vmem>>, vector<16xi32>,
    %get3A_1242 = vector.shape_cast %get3A_1241 : vector<16xi32> to vector<16xi32>
    %mul3A_1243 = arith.constant 512 : i32
    %mul3A_1244 = vector.broadcast %mul3A_1243 : i32 to vector<16xi32>
    %mul3A_1245 = arith.muli %get3A_1239, %mul3A_1244 : vector<16xi32>
    %add3A_1246 = arith.addi %mul3A_1245, %get3A_1242 : vector<16xi32>
    %swap3A_1247 = arith.constant 3 : i32
    %swap3A_1248 = arith.index_cast %swap3A_1247 : i32 to index
    %swap3A_1249 = arith.constant 112 : index
    %swap3A_1250 = tpu.vector_load %arg6[%swap3A_1248, %swap3A_1249] {strides = array<i32>} : memref<4x128xi32, #tpu.memory_space<vmem>>, vector<1x16xi32>,
    %swap3A_1251 = vector.shape_cast %swap3A_1250 : vector<1x16xi32> to vector<16xi32>
    %swap3A_1252 = vector.shape_cast %add3A_1246 : vector<16xi32> to vector<1x16xi32>
    tpu.vector_store %arg6[%swap3A_1248, %swap3A_1249], %swap3A_1252 {strides = array<i32>} : memref<4x128xi32, #tpu.memory_space<vmem>>, vector<1x16xi32>,
    %barrier3A = arith.constant 0 : index
    tpu.barrier barrier_id(%barrier3A)
    %run_scoped3A_1253 = arith.constant 0 : i32
    %run_scoped3A_1254 = arith.constant 0 : i32
    "tpu.region"() ({
      %run_scoped3A_1264 = tpu.sem_alloc : memref<!tpu.dma_semaphore, #tpu.memory_space<semaphore_mem>>
      %dma_start3A = arith.constant 0 : i32
      %dma_start3A_1265 = tpu.memref_slice %arg7[%run_scoped3A_1253, %dma_start3A] : memref<4x128xf32, #tpu.memory_space<vmem>> -> memref<1x128xf32, #tpu.memory_space<vmem>>
      %dma_start3A_1266 = tpu.memref_squeeze %dma_start3A_1265 : memref<1x128xf32, #tpu.memory_space<vmem>> -> memref<128xf32, #tpu.memory_space<vmem>>
      %dma_start3A_1267 = arith.constant 0 : i32
      %dma_start3A_1268 = tpu.memref_slice %arg6[%run_scoped3A_1254, %dma_start3A_1267] : memref<4x128xi32, #tpu.memory_space<vmem>> -> memref<1x128xi32, #tpu.memory_space<vmem>>
      %dma_start3A_1269 = tpu.memref_squeeze %dma_start3A_1268 : memref<1x128xi32, #tpu.memory_space<vmem>> -> memref<128xi32, #tpu.memory_space<vmem>>
      %dma_start3A_1270 = arith.constant 0 : i32
      %dma_start3A_1271 = tpu.memref_slice %arg9[%dma_start3A_1270] : memref<262144xf32, #tpu.memory_space<vmem_shared>> -> memref<262144xf32, #tpu.memory_space<vmem_shared>>
      tpu.enqueue_indirect_dma source(%dma_start3A_1266 : memref<128xf32, #tpu.memory_space<vmem>>) target(%dma_start3A_1271 : memref<262144xf32, #tpu.memory_space<vmem_shared>>) offsets(%dma_start3A_1269 : memref<128xi32, #tpu.memory_space<vmem>>) semaphore(%run_scoped3A_1264 : memref<!tpu.dma_semaphore, #tpu.memory_space<semaphore_mem>>) {add = true}
      %dma_wait3A = arith.constant 0 : i32
      %dma_wait3A_1272 = tpu.memref_slice %arg7[%run_scoped3A_1253, %dma_wait3A] : memref<4x128xf32, #tpu.memory_space<vmem>> -> memref<1x128xf32, #tpu.memory_space<vmem>>
      %dma_wait3A_1273 = tpu.memref_squeeze %dma_wait3A_1272 : memref<1x128xf32, #tpu.memory_space<vmem>> -> memref<128xf32, #tpu.memory_space<vmem>>
      %dma_wait3A_1274 = arith.constant 0 : i32
      %dma_wait3A_1275 = tpu.memref_slice %arg6[%run_scoped3A_1254, %dma_wait3A_1274] : memref<4x128xi32, #tpu.memory_space<vmem>> -> memref<1x128xi32, #tpu.memory_space<vmem>>
      %dma_wait3A_1276 = tpu.memref_squeeze %dma_wait3A_1275 : memref<1x128xi32, #tpu.memory_space<vmem>> -> memref<128xi32, #tpu.memory_space<vmem>>
      %dma_wait3A_1277 = arith.constant 0 : i32
      %dma_wait3A_1278 = tpu.memref_slice %arg9[%dma_wait3A_1277] : memref<262144xf32, #tpu.memory_space<vmem_shared>> -> memref<262144xf32, #tpu.memory_space<vmem_shared>>
      tpu.wait_indirect_dma semaphore(%run_scoped3A_1264 : memref<!tpu.dma_semaphore, #tpu.memory_space<semaphore_mem>>) src(%dma_wait3A_1273 : memref<128xf32, #tpu.memory_space<vmem>>) dst(%dma_wait3A_1278 : memref<262144xf32, #tpu.memory_space<vmem_shared>>)
      tpu.yield
    }) : () -> ()
    %run_scoped3A_1255 = arith.constant 1 : i32
    %run_scoped3A_1256 = arith.constant 1 : i32
    "tpu.region"() ({
      %run_scoped3A_1264 = tpu.sem_alloc : memref<!tpu.dma_semaphore, #tpu.memory_space<semaphore_mem>>
      %dma_start3A = arith.constant 0 : i32
      %dma_start3A_1265 = tpu.memref_slice %arg7[%run_scoped3A_1255, %dma_start3A] : memref<4x128xf32, #tpu.memory_space<vmem>> -> memref<1x128xf32, #tpu.memory_space<vmem>>
      %dma_start3A_1266 = tpu.memref_squeeze %dma_start3A_1265 : memref<1x128xf32, #tpu.memory_space<vmem>> -> memref<128xf32, #tpu.memory_space<vmem>>
      %dma_start3A_1267 = arith.constant 0 : i32
      %dma_start3A_1268 = tpu.memref_slice %arg6[%run_scoped3A_1256, %dma_start3A_1267] : memref<4x128xi32, #tpu.memory_space<vmem>> -> memref<1x128xi32, #tpu.memory_space<vmem>>
      %dma_start3A_1269 = tpu.memref_squeeze %dma_start3A_1268 : memref<1x128xi32, #tpu.memory_space<vmem>> -> memref<128xi32, #tpu.memory_space<vmem>>
      %dma_start3A_1270 = arith.constant 0 : i32
      %dma_start3A_1271 = tpu.memref_slice %arg9[%dma_start3A_1270] : memref<262144xf32, #tpu.memory_space<vmem_shared>> -> memref<262144xf32, #tpu.memory_space<vmem_shared>>
      tpu.enqueue_indirect_dma source(%dma_start3A_1266 : memref<128xf32, #tpu.memory_space<vmem>>) target(%dma_start3A_1271 : memref<262144xf32, #tpu.memory_space<vmem_shared>>) offsets(%dma_start3A_1269 : memref<128xi32, #tpu.memory_space<vmem>>) semaphore(%run_scoped3A_1264 : memref<!tpu.dma_semaphore, #tpu.memory_space<semaphore_mem>>) {add = true}
      %dma_wait3A = arith.constant 0 : i32
      %dma_wait3A_1272 = tpu.memref_slice %arg7[%run_scoped3A_1255, %dma_wait3A] : memref<4x128xf32, #tpu.memory_space<vmem>> -> memref<1x128xf32, #tpu.memory_space<vmem>>
      %dma_wait3A_1273 = tpu.memref_squeeze %dma_wait3A_1272 : memref<1x128xf32, #tpu.memory_space<vmem>> -> memref<128xf32, #tpu.memory_space<vmem>>
      %dma_wait3A_1274 = arith.constant 0 : i32
      %dma_wait3A_1275 = tpu.memref_slice %arg6[%run_scoped3A_1256, %dma_wait3A_1274] : memref<4x128xi32, #tpu.memory_space<vmem>> -> memref<1x128xi32, #tpu.memory_space<vmem>>
      %dma_wait3A_1276 = tpu.memref_squeeze %dma_wait3A_1275 : memref<1x128xi32, #tpu.memory_space<vmem>> -> memref<128xi32, #tpu.memory_space<vmem>>
      %dma_wait3A_1277 = arith.constant 0 : i32
      %dma_wait3A_1278 = tpu.memref_slice %arg9[%dma_wait3A_1277] : memref<262144xf32, #tpu.memory_space<vmem_shared>> -> memref<262144xf32, #tpu.memory_space<vmem_shared>>
      tpu.wait_indirect_dma semaphore(%run_scoped3A_1264 : memref<!tpu.dma_semaphore, #tpu.memory_space<semaphore_mem>>) src(%dma_wait3A_1273 : memref<128xf32, #tpu.memory_space<vmem>>) dst(%dma_wait3A_1278 : memref<262144xf32, #tpu.memory_space<vmem_shared>>)
      tpu.yield
    }) : () -> ()
    %run_scoped3A_1257 = arith.constant 2 : i32
    %run_scoped3A_1258 = arith.constant 2 : i32
    "tpu.region"() ({
      %run_scoped3A_1264 = tpu.sem_alloc : memref<!tpu.dma_semaphore, #tpu.memory_space<semaphore_mem>>
      %dma_start3A = arith.constant 0 : i32
      %dma_start3A_1265 = tpu.memref_slice %arg7[%run_scoped3A_1257, %dma_start3A] : memref<4x128xf32, #tpu.memory_space<vmem>> -> memref<1x128xf32, #tpu.memory_space<vmem>>
      %dma_start3A_1266 = tpu.memref_squeeze %dma_start3A_1265 : memref<1x128xf32, #tpu.memory_space<vmem>> -> memref<128xf32, #tpu.memory_space<vmem>>
      %dma_start3A_1267 = arith.constant 0 : i32
      %dma_start3A_1268 = tpu.memref_slice %arg6[%run_scoped3A_1258, %dma_start3A_1267] : memref<4x128xi32, #tpu.memory_space<vmem>> -> memref<1x128xi32, #tpu.memory_space<vmem>>
      %dma_start3A_1269 = tpu.memref_squeeze %dma_start3A_1268 : memref<1x128xi32, #tpu.memory_space<vmem>> -> memref<128xi32, #tpu.memory_space<vmem>>
      %dma_start3A_1270 = arith.constant 0 : i32
      %dma_start3A_1271 = tpu.memref_slice %arg9[%dma_start3A_1270] : memref<262144xf32, #tpu.memory_space<vmem_shared>> -> memref<262144xf32, #tpu.memory_space<vmem_shared>>
      tpu.enqueue_indirect_dma source(%dma_start3A_1266 : memref<128xf32, #tpu.memory_space<vmem>>) target(%dma_start3A_1271 : memref<262144xf32, #tpu.memory_space<vmem_shared>>) offsets(%dma_start3A_1269 : memref<128xi32, #tpu.memory_space<vmem>>) semaphore(%run_scoped3A_1264 : memref<!tpu.dma_semaphore, #tpu.memory_space<semaphore_mem>>) {add = true}
      %dma_wait3A = arith.constant 0 : i32
      %dma_wait3A_1272 = tpu.memref_slice %arg7[%run_scoped3A_1257, %dma_wait3A] : memref<4x128xf32, #tpu.memory_space<vmem>> -> memref<1x128xf32, #tpu.memory_space<vmem>>
      %dma_wait3A_1273 = tpu.memref_squeeze %dma_wait3A_1272 : memref<1x128xf32, #tpu.memory_space<vmem>> -> memref<128xf32, #tpu.memory_space<vmem>>
      %dma_wait3A_1274 = arith.constant 0 : i32
      %dma_wait3A_1275 = tpu.memref_slice %arg6[%run_scoped3A_1258, %dma_wait3A_1274] : memref<4x128xi32, #tpu.memory_space<vmem>> -> memref<1x128xi32, #tpu.memory_space<vmem>>
      %dma_wait3A_1276 = tpu.memref_squeeze %dma_wait3A_1275 : memref<1x128xi32, #tpu.memory_space<vmem>> -> memref<128xi32, #tpu.memory_space<vmem>>
      %dma_wait3A_1277 = arith.constant 0 : i32
      %dma_wait3A_1278 = tpu.memref_slice %arg9[%dma_wait3A_1277] : memref<262144xf32, #tpu.memory_space<vmem_shared>> -> memref<262144xf32, #tpu.memory_space<vmem_shared>>
      tpu.wait_indirect_dma semaphore(%run_scoped3A_1264 : memref<!tpu.dma_semaphore, #tpu.memory_space<semaphore_mem>>) src(%dma_wait3A_1273 : memref<128xf32, #tpu.memory_space<vmem>>) dst(%dma_wait3A_1278 : memref<262144xf32, #tpu.memory_space<vmem_shared>>)
      tpu.yield
    }) : () -> ()
    %run_scoped3A_1259 = arith.constant 3 : i32
    %run_scoped3A_1260 = arith.constant 3 : i32
    "tpu.region"() ({
      %run_scoped3A_1264 = tpu.sem_alloc : memref<!tpu.dma_semaphore, #tpu.memory_space<semaphore_mem>>
      %dma_start3A = arith.constant 0 : i32
      %dma_start3A_1265 = tpu.memref_slice %arg7[%run_scoped3A_1259, %dma_start3A] : memref<4x128xf32, #tpu.memory_space<vmem>> -> memref<1x128xf32, #tpu.memory_space<vmem>>
      %dma_start3A_1266 = tpu.memref_squeeze %dma_start3A_1265 : memref<1x128xf32, #tpu.memory_space<vmem>> -> memref<128xf32, #tpu.memory_space<vmem>>
      %dma_start3A_1267 = arith.constant 0 : i32
      %dma_start3A_1268 = tpu.memref_slice %arg6[%run_scoped3A_1260, %dma_start3A_1267] : memref<4x128xi32, #tpu.memory_space<vmem>> -> memref<1x128xi32, #tpu.memory_space<vmem>>
      %dma_start3A_1269 = tpu.memref_squeeze %dma_start3A_1268 : memref<1x128xi32, #tpu.memory_space<vmem>> -> memref<128xi32, #tpu.memory_space<vmem>>
      %dma_start3A_1270 = arith.constant 0 : i32
      %dma_start3A_1271 = tpu.memref_slice %arg9[%dma_start3A_1270] : memref<262144xf32, #tpu.memory_space<vmem_shared>> -> memref<262144xf32, #tpu.memory_space<vmem_shared>>
      tpu.enqueue_indirect_dma source(%dma_start3A_1266 : memref<128xf32, #tpu.memory_space<vmem>>) target(%dma_start3A_1271 : memref<262144xf32, #tpu.memory_space<vmem_shared>>) offsets(%dma_start3A_1269 : memref<128xi32, #tpu.memory_space<vmem>>) semaphore(%run_scoped3A_1264 : memref<!tpu.dma_semaphore, #tpu.memory_space<semaphore_mem>>) {add = true}
      %dma_wait3A = arith.constant 0 : i32
      %dma_wait3A_1272 = tpu.memref_slice %arg7[%run_scoped3A_1259, %dma_wait3A] : memref<4x128xf32, #tpu.memory_space<vmem>> -> memref<1x128xf32, #tpu.memory_space<vmem>>
      %dma_wait3A_1273 = tpu.memref_squeeze %dma_wait3A_1272 : memref<1x128xf32, #tpu.memory_space<vmem>> -> memref<128xf32, #tpu.memory_space<vmem>>
      %dma_wait3A_1274 = arith.constant 0 : i32
      %dma_wait3A_1275 = tpu.memref_slice %arg6[%run_scoped3A_1260, %dma_wait3A_1274] : memref<4x128xi32, #tpu.memory_space<vmem>> -> memref<1x128xi32, #tpu.memory_space<vmem>>
      %dma_wait3A_1276 = tpu.memref_squeeze %dma_wait3A_1275 : memref<1x128xi32, #tpu.memory_space<vmem>> -> memref<128xi32, #tpu.memory_space<vmem>>
      %dma_wait3A_1277 = arith.constant 0 : i32
      %dma_wait3A_1278 = tpu.memref_slice %arg9[%dma_wait3A_1277] : memref<262144xf32, #tpu.memory_space<vmem_shared>> -> memref<262144xf32, #tpu.memory_space<vmem_shared>>
      tpu.wait_indirect_dma semaphore(%run_scoped3A_1264 : memref<!tpu.dma_semaphore, #tpu.memory_space<semaphore_mem>>) src(%dma_wait3A_1273 : memref<128xf32, #tpu.memory_space<vmem>>) dst(%dma_wait3A_1278 : memref<262144xf32, #tpu.memory_space<vmem_shared>>)
      tpu.yield
    }) : () -> ()
    %barrier3A_1261 = arith.constant 0 : index
    tpu.barrier barrier_id(%barrier3A_1261)
    %mul3A_1262 = arith.constant 16384 : i32
    %mul3A_1263 = arith.muli %arg1, %mul3A_1262 : i32
    "tpu.region"() ({
      %run_scoped3A_1264 = tpu.sem_alloc : memref<!tpu.dma_semaphore, #tpu.memory_space<semaphore_mem>>
      %dma_start3A = arith.constant 0 : i32
      %dma_start3A_1265 = tpu.memref_slice %arg3[%arg0, %arg1, %dma_start3A] : memref<1x16x16384xf32, #tpu.memory_space<hbm>> -> memref<1x1x16384xf32, #tpu.memory_space<hbm>>
      %dma_start3A_1266 = tpu.memref_squeeze %dma_start3A_1265 : memref<1x1x16384xf32, #tpu.memory_space<hbm>> -> memref<16384xf32, #tpu.memory_space<hbm>>
      %dma_start3A_1267 = tpu.memref_slice %arg9[%mul3A_1263] : memref<262144xf32, #tpu.memory_space<vmem_shared>> -> memref<16384xf32, #tpu.memory_space<vmem_shared>>
      tpu.enqueue_dma source(%dma_start3A_1267 : memref<16384xf32, #tpu.memory_space<vmem_shared>>) target(%dma_start3A_1266 : memref<16384xf32, #tpu.memory_space<hbm>>) target_semaphore(%run_scoped3A_1264 : memref<!tpu.dma_semaphore, #tpu.memory_space<semaphore_mem>>)
      %dma_wait3A = arith.constant 0 : i32
      %dma_wait3A_1268 = tpu.memref_slice %arg3[%arg0, %arg1, %dma_wait3A] : memref<1x16x16384xf32, #tpu.memory_space<hbm>> -> memref<1x1x16384xf32, #tpu.memory_space<hbm>>
      %dma_wait3A_1269 = tpu.memref_squeeze %dma_wait3A_1268 : memref<1x1x16384xf32, #tpu.memory_space<hbm>> -> memref<16384xf32, #tpu.memory_space<hbm>>
      %dma_wait3A_1270 = tpu.memref_slice %arg9[%mul3A_1263] : memref<262144xf32, #tpu.memory_space<vmem_shared>> -> memref<16384xf32, #tpu.memory_space<vmem_shared>>
      tpu.wait_dma2 semaphore(%run_scoped3A_1264 : memref<!tpu.dma_semaphore, #tpu.memory_space<semaphore_mem>>) src(%dma_wait3A_1270 : memref<16384xf32, #tpu.memory_space<vmem_shared>>) dst(%dma_wait3A_1269 : memref<16384xf32, #tpu.memory_space<hbm>>)
      tpu.yield
    }) : () -> ()
    return
  }
}

module attributes {stable_mosaic.version = 14 : i64} {
  func.func @body(%arg0: i32, %arg1: memref<1x512x512xf32, #tpu.memory_space<vmem>>, %arg2: memref<512x512xf32, #tpu.memory_space<vmem>>, %arg3: memref<1x512x64xf32, #tpu.memory_space<vmem>>, %arg4: memref<512x256xf32, #tpu.memory_space<vmem>>, %arg5: memref<1x256xf32, #tpu.memory_space<vmem>>, %arg6: memref<256x128xf32, #tpu.memory_space<vmem>>, %arg7: memref<1x128xf32, #tpu.memory_space<vmem>>, %arg8: memref<128x10xf32, #tpu.memory_space<vmem>>, %arg9: memref<1x10xf32, #tpu.memory_space<vmem>>, %arg10: memref<64x10xf32, #tpu.memory_space<vmem>>, %arg11: memref<512x512xbf16, #tpu.memory_space<vmem>>, %arg12: memref<512x512xbf16, #tpu.memory_space<vmem>>, %arg13: memref<512x256xbf16, #tpu.memory_space<vmem>>, %arg14: memref<256x128xbf16, #tpu.memory_space<vmem>>) attributes {dimension_semantics = [#tpu.dimension_semantics<arbitrary>], iteration_bounds = array<i64: 1>, scalar_prefetch = 0 : i64, scratch_operands = 4 : i64, tpu.core_type = #tpu.core_type<tc>, window_params = [{pipeline_mode = #tpu.pipeline_mode<synchronous>, transform_indices = @transform_0, window_bounds = array<i64: 1, 512, 512>}, {pipeline_mode = #tpu.pipeline_mode<synchronous>, transform_indices = @transform_1, window_bounds = array<i64: 512, 512>}, {transform_indices = @transform_2, window_bounds = array<i64: 1, 512, 64>}, {pipeline_mode = #tpu.pipeline_mode<synchronous>, transform_indices = @transform_3, window_bounds = array<i64: 512, 256>}, {pipeline_mode = #tpu.pipeline_mode<synchronous>, transform_indices = @transform_4, window_bounds = array<i64: 1, 256>}, {pipeline_mode = #tpu.pipeline_mode<synchronous>, transform_indices = @transform_5, window_bounds = array<i64: 256, 128>}, {pipeline_mode = #tpu.pipeline_mode<synchronous>, transform_indices = @transform_6, window_bounds = array<i64: 1, 128>}, {pipeline_mode = #tpu.pipeline_mode<synchronous>, transform_indices = @transform_7, window_bounds = array<i64: 128, 10>}, {pipeline_mode = #tpu.pipeline_mode<synchronous>, transform_indices = @transform_8, window_bounds = array<i64: 1, 10>}, {pipeline_mode = #tpu.pipeline_mode<synchronous>, transform_indices = @transform_9, window_bounds = array<i64: 64, 10>}]} {
    %eq3A = arith.constant 0 : i32
    %eq3A_0 = arith.cmpi eq, %arg0, %eq3A : i32
    %convert_element_type3A = arith.extui %eq3A_0 : i1 to i32
    %cond3A = arith.constant 0 : i32
    %cond3A_1 = arith.cmpi ne, %convert_element_type3A, %cond3A : i32
    scf.if %cond3A_1 {
      %get3A_1385 = arith.constant 0 : index
      %get3A_1386 = arith.constant 0 : index
      %get3A_1387 = arith.constant 0 : index
      %get3A_1388 = vector.load %arg1[%get3A_1385, %get3A_1386, %get3A_1387] : memref<1x512x512xf32, #tpu.memory_space<vmem>>, vector<1x512x512xf32>
      %get3A_1389 = vector.shape_cast %get3A_1388 : vector<1x512x512xf32> to vector<512x512xf32>
      %reduce_sum3A_1390 = arith.constant dense<0.000000e+00> : vector<512xf32>
      %reduce_sum3A_1391 = vector.multi_reduction <add>, %get3A_1389, %reduce_sum3A_1390 [1] : vector<512x512xf32> to vector<512xf32>
      %broadcast_in_dim3A_1392 = vector.shape_cast %reduce_sum3A_1391 : vector<512xf32> to vector<512x1xf32>
      %max3A_1393 = arith.constant 1.000000e+00 : f32
      %max3A_1394 = vector.broadcast %max3A_1393 : f32 to vector<512x1xf32>
      %max3A_1395 = arith.maximumf %broadcast_in_dim3A_1392, %max3A_1394 : vector<512x1xf32>
      %div3A = vector.broadcast %max3A_1395 : vector<512x1xf32> to vector<512x512xf32>
      %div3A_1396 = arith.divf %get3A_1389, %div3A : vector<512x512xf32>
      %convert_element_type3A_1397 = arith.truncf %div3A_1396 : vector<512x512xf32> to vector<512x512xbf16>
      %swap3A_1398 = arith.constant 0 : index
      %swap3A_1399 = arith.constant 0 : index
      %swap3A_1400 = vector.load %arg11[%swap3A_1398, %swap3A_1399] : memref<512x512xbf16, #tpu.memory_space<vmem>>, vector<512x512xbf16>
      tpu.vector_store %arg11[%swap3A_1398, %swap3A_1399], %convert_element_type3A_1397 {strides = array<i32>} : memref<512x512xbf16, #tpu.memory_space<vmem>>, vector<512x512xbf16>,
      %get3A_1401 = arith.constant 0 : index
      %get3A_1402 = arith.constant 0 : index
      %get3A_1403 = vector.load %arg2[%get3A_1401, %get3A_1402] : memref<512x512xf32, #tpu.memory_space<vmem>>, vector<512x512xf32>
      %convert_element_type3A_1404 = arith.truncf %get3A_1403 : vector<512x512xf32> to vector<512x512xbf16>
      %dot_general3A_1405 = arith.constant dense<0.000000e+00> : vector<512x512xf32>
      %dot_general3A_1406 = tpu.matmul %convert_element_type3A_1397, %convert_element_type3A_1404, %dot_general3A_1405 {dimension_numbers = #tpu.dot_dimension_numbers<[1], [0], [0], [1], [0, 0, 1, 1], [], []>, transpose_lhs_hint = false} : vector<512x512xbf16>, vector<512x512xbf16>, vector<512x512xf32> -> vector<512x512xf32>
      %convert_element_type3A_1407 = arith.truncf %dot_general3A_1406 : vector<512x512xf32> to vector<512x512xbf16>
      %swap3A_1408 = arith.constant 0 : index
      %swap3A_1409 = arith.constant 0 : index
      %swap3A_1410 = vector.load %arg12[%swap3A_1408, %swap3A_1409] : memref<512x512xbf16, #tpu.memory_space<vmem>>, vector<512x512xbf16>
      tpu.vector_store %arg12[%swap3A_1408, %swap3A_1409], %convert_element_type3A_1407 {strides = array<i32>} : memref<512x512xbf16, #tpu.memory_space<vmem>>, vector<512x512xbf16>,
      %get3A_1411 = arith.constant 0 : index
      %get3A_1412 = arith.constant 0 : index
      %get3A_1413 = vector.load %arg4[%get3A_1411, %get3A_1412] : memref<512x256xf32, #tpu.memory_space<vmem>>, vector<512x256xf32>
      %convert_element_type3A_1414 = arith.truncf %get3A_1413 : vector<512x256xf32> to vector<512x256xbf16>
      %swap3A_1415 = arith.constant 0 : index
      %swap3A_1416 = arith.constant 0 : index
      %swap3A_1417 = vector.load %arg13[%swap3A_1415, %swap3A_1416] : memref<512x256xbf16, #tpu.memory_space<vmem>>, vector<512x256xbf16>
      tpu.vector_store %arg13[%swap3A_1415, %swap3A_1416], %convert_element_type3A_1414 {strides = array<i32>} : memref<512x256xbf16, #tpu.memory_space<vmem>>, vector<512x256xbf16>,
      %get3A_1418 = arith.constant 0 : index
      %get3A_1419 = arith.constant 0 : index
      %get3A_1420 = vector.load %arg6[%get3A_1418, %get3A_1419] : memref<256x128xf32, #tpu.memory_space<vmem>>, vector<256x128xf32>
      %convert_element_type3A_1421 = arith.truncf %get3A_1420 : vector<256x128xf32> to vector<256x128xbf16>
      %swap3A_1422 = arith.constant 0 : index
      %swap3A_1423 = arith.constant 0 : index
      %swap3A_1424 = vector.load %arg14[%swap3A_1422, %swap3A_1423] : memref<256x128xbf16, #tpu.memory_space<vmem>>, vector<256x128xbf16>
      tpu.vector_store %arg14[%swap3A_1422, %swap3A_1423], %convert_element_type3A_1421 {strides = array<i32>} : memref<256x128xbf16, #tpu.memory_space<vmem>>, vector<256x128xbf16>,
    } else {
    }
    %get3A = arith.constant 0 : index
    %get3A_2 = arith.constant 0 : index
    %get3A_3 = vector.load %arg12[%get3A, %get3A_2] : memref<512x512xbf16, #tpu.memory_space<vmem>>, vector<512x512xbf16>
    %get3A_4 = arith.constant 0 : index
    %get3A_5 = arith.constant 0 : index
    %get3A_6 = vector.load %arg11[%get3A_4, %get3A_5] : memref<512x512xbf16, #tpu.memory_space<vmem>>, vector<512x512xbf16>
    %get3A_7 = arith.constant 0 : index
    %get3A_8 = arith.constant 0 : index
    %get3A_9 = vector.load %arg13[%get3A_7, %get3A_8] : memref<512x256xbf16, #tpu.memory_space<vmem>>, vector<512x256xbf16>
    %get3A_10 = arith.constant 0 : index
    %get3A_11 = arith.constant 0 : index
    %get3A_12 = vector.load %arg14[%get3A_10, %get3A_11] : memref<256x128xbf16, #tpu.memory_space<vmem>>, vector<256x128xbf16>
    %get3A_13 = arith.constant 0 : index
    %get3A_14 = arith.constant 0 : index
    %get3A_15 = arith.constant 0 : index
    %get3A_16 = vector.load %arg3[%get3A_13, %get3A_14, %get3A_15] : memref<1x512x64xf32, #tpu.memory_space<vmem>>, vector<1x512x64xf32>
    %get3A_17 = vector.shape_cast %get3A_16 : vector<1x512x64xf32> to vector<512x64xf32>
    %convert_element_type3A_18 = arith.truncf %get3A_17 : vector<512x64xf32> to vector<512x64xbf16>
    %slice3A = vector.extract_strided_slice %convert_element_type3A_18 {offsets = [0, 0], sizes = [512, 1], strides = [1, 1]} : vector<512x64xbf16> to vector<512x1xbf16>
    %mul3A = vector.broadcast %slice3A : vector<512x1xbf16> to vector<512x256xbf16>
    %mul3A_19 = arith.mulf %mul3A, %get3A_9 : vector<512x256xbf16>
    %slice3A_20 = vector.extract_strided_slice %convert_element_type3A_18 {offsets = [0, 1], sizes = [512, 1], strides = [1, 1]} : vector<512x64xbf16> to vector<512x1xbf16>
    %mul3A_21 = vector.broadcast %slice3A_20 : vector<512x1xbf16> to vector<512x256xbf16>
    %mul3A_22 = arith.mulf %mul3A_21, %get3A_9 : vector<512x256xbf16>
    %slice3A_23 = vector.extract_strided_slice %convert_element_type3A_18 {offsets = [0, 2], sizes = [512, 1], strides = [1, 1]} : vector<512x64xbf16> to vector<512x1xbf16>
    %mul3A_24 = vector.broadcast %slice3A_23 : vector<512x1xbf16> to vector<512x256xbf16>
    %mul3A_25 = arith.mulf %mul3A_24, %get3A_9 : vector<512x256xbf16>
    %slice3A_26 = vector.extract_strided_slice %convert_element_type3A_18 {offsets = [0, 3], sizes = [512, 1], strides = [1, 1]} : vector<512x64xbf16> to vector<512x1xbf16>
    %mul3A_27 = vector.broadcast %slice3A_26 : vector<512x1xbf16> to vector<512x256xbf16>
    %mul3A_28 = arith.mulf %mul3A_27, %get3A_9 : vector<512x256xbf16>
    %slice3A_29 = vector.extract_strided_slice %convert_element_type3A_18 {offsets = [0, 4], sizes = [512, 1], strides = [1, 1]} : vector<512x64xbf16> to vector<512x1xbf16>
    %mul3A_30 = vector.broadcast %slice3A_29 : vector<512x1xbf16> to vector<512x256xbf16>
    %mul3A_31 = arith.mulf %mul3A_30, %get3A_9 : vector<512x256xbf16>
    %slice3A_32 = vector.extract_strided_slice %convert_element_type3A_18 {offsets = [0, 5], sizes = [512, 1], strides = [1, 1]} : vector<512x64xbf16> to vector<512x1xbf16>
    %mul3A_33 = vector.broadcast %slice3A_32 : vector<512x1xbf16> to vector<512x256xbf16>
    %mul3A_34 = arith.mulf %mul3A_33, %get3A_9 : vector<512x256xbf16>
    %slice3A_35 = vector.extract_strided_slice %convert_element_type3A_18 {offsets = [0, 6], sizes = [512, 1], strides = [1, 1]} : vector<512x64xbf16> to vector<512x1xbf16>
    %mul3A_36 = vector.broadcast %slice3A_35 : vector<512x1xbf16> to vector<512x256xbf16>
    %mul3A_37 = arith.mulf %mul3A_36, %get3A_9 : vector<512x256xbf16>
    %slice3A_38 = vector.extract_strided_slice %convert_element_type3A_18 {offsets = [0, 7], sizes = [512, 1], strides = [1, 1]} : vector<512x64xbf16> to vector<512x1xbf16>
    %mul3A_39 = vector.broadcast %slice3A_38 : vector<512x1xbf16> to vector<512x256xbf16>
    %mul3A_40 = arith.mulf %mul3A_39, %get3A_9 : vector<512x256xbf16>
    %slice3A_41 = vector.extract_strided_slice %convert_element_type3A_18 {offsets = [0, 8], sizes = [512, 1], strides = [1, 1]} : vector<512x64xbf16> to vector<512x1xbf16>
    %mul3A_42 = vector.broadcast %slice3A_41 : vector<512x1xbf16> to vector<512x256xbf16>
    %mul3A_43 = arith.mulf %mul3A_42, %get3A_9 : vector<512x256xbf16>
    %slice3A_44 = vector.extract_strided_slice %convert_element_type3A_18 {offsets = [0, 9], sizes = [512, 1], strides = [1, 1]} : vector<512x64xbf16> to vector<512x1xbf16>
    %mul3A_45 = vector.broadcast %slice3A_44 : vector<512x1xbf16> to vector<512x256xbf16>
    %mul3A_46 = arith.mulf %mul3A_45, %get3A_9 : vector<512x256xbf16>
    %slice3A_47 = vector.extract_strided_slice %convert_element_type3A_18 {offsets = [0, 10], sizes = [512, 1], strides = [1, 1]} : vector<512x64xbf16> to vector<512x1xbf16>
    %mul3A_48 = vector.broadcast %slice3A_47 : vector<512x1xbf16> to vector<512x256xbf16>
    %mul3A_49 = arith.mulf %mul3A_48, %get3A_9 : vector<512x256xbf16>
    %slice3A_50 = vector.extract_strided_slice %convert_element_type3A_18 {offsets = [0, 11], sizes = [512, 1], strides = [1, 1]} : vector<512x64xbf16> to vector<512x1xbf16>
    %mul3A_51 = vector.broadcast %slice3A_50 : vector<512x1xbf16> to vector<512x256xbf16>
    %mul3A_52 = arith.mulf %mul3A_51, %get3A_9 : vector<512x256xbf16>
    %slice3A_53 = vector.extract_strided_slice %convert_element_type3A_18 {offsets = [0, 12], sizes = [512, 1], strides = [1, 1]} : vector<512x64xbf16> to vector<512x1xbf16>
    %mul3A_54 = vector.broadcast %slice3A_53 : vector<512x1xbf16> to vector<512x256xbf16>
    %mul3A_55 = arith.mulf %mul3A_54, %get3A_9 : vector<512x256xbf16>
    %slice3A_56 = vector.extract_strided_slice %convert_element_type3A_18 {offsets = [0, 13], sizes = [512, 1], strides = [1, 1]} : vector<512x64xbf16> to vector<512x1xbf16>
    %mul3A_57 = vector.broadcast %slice3A_56 : vector<512x1xbf16> to vector<512x256xbf16>
    %mul3A_58 = arith.mulf %mul3A_57, %get3A_9 : vector<512x256xbf16>
    %slice3A_59 = vector.extract_strided_slice %convert_element_type3A_18 {offsets = [0, 14], sizes = [512, 1], strides = [1, 1]} : vector<512x64xbf16> to vector<512x1xbf16>
    %mul3A_60 = vector.broadcast %slice3A_59 : vector<512x1xbf16> to vector<512x256xbf16>
    %mul3A_61 = arith.mulf %mul3A_60, %get3A_9 : vector<512x256xbf16>
    %slice3A_62 = vector.extract_strided_slice %convert_element_type3A_18 {offsets = [0, 15], sizes = [512, 1], strides = [1, 1]} : vector<512x64xbf16> to vector<512x1xbf16>
    %mul3A_63 = vector.broadcast %slice3A_62 : vector<512x1xbf16> to vector<512x256xbf16>
    %mul3A_64 = arith.mulf %mul3A_63, %get3A_9 : vector<512x256xbf16>
    %slice3A_65 = vector.extract_strided_slice %convert_element_type3A_18 {offsets = [0, 16], sizes = [512, 1], strides = [1, 1]} : vector<512x64xbf16> to vector<512x1xbf16>
    %mul3A_66 = vector.broadcast %slice3A_65 : vector<512x1xbf16> to vector<512x256xbf16>
    %mul3A_67 = arith.mulf %mul3A_66, %get3A_9 : vector<512x256xbf16>
    %slice3A_68 = vector.extract_strided_slice %convert_element_type3A_18 {offsets = [0, 17], sizes = [512, 1], strides = [1, 1]} : vector<512x64xbf16> to vector<512x1xbf16>
    %mul3A_69 = vector.broadcast %slice3A_68 : vector<512x1xbf16> to vector<512x256xbf16>
    %mul3A_70 = arith.mulf %mul3A_69, %get3A_9 : vector<512x256xbf16>
    %slice3A_71 = vector.extract_strided_slice %convert_element_type3A_18 {offsets = [0, 18], sizes = [512, 1], strides = [1, 1]} : vector<512x64xbf16> to vector<512x1xbf16>
    %mul3A_72 = vector.broadcast %slice3A_71 : vector<512x1xbf16> to vector<512x256xbf16>
    %mul3A_73 = arith.mulf %mul3A_72, %get3A_9 : vector<512x256xbf16>
    %slice3A_74 = vector.extract_strided_slice %convert_element_type3A_18 {offsets = [0, 19], sizes = [512, 1], strides = [1, 1]} : vector<512x64xbf16> to vector<512x1xbf16>
    %mul3A_75 = vector.broadcast %slice3A_74 : vector<512x1xbf16> to vector<512x256xbf16>
    %mul3A_76 = arith.mulf %mul3A_75, %get3A_9 : vector<512x256xbf16>
    %slice3A_77 = vector.extract_strided_slice %convert_element_type3A_18 {offsets = [0, 20], sizes = [512, 1], strides = [1, 1]} : vector<512x64xbf16> to vector<512x1xbf16>
    %mul3A_78 = vector.broadcast %slice3A_77 : vector<512x1xbf16> to vector<512x256xbf16>
    %mul3A_79 = arith.mulf %mul3A_78, %get3A_9 : vector<512x256xbf16>
    %slice3A_80 = vector.extract_strided_slice %convert_element_type3A_18 {offsets = [0, 21], sizes = [512, 1], strides = [1, 1]} : vector<512x64xbf16> to vector<512x1xbf16>
    %mul3A_81 = vector.broadcast %slice3A_80 : vector<512x1xbf16> to vector<512x256xbf16>
    %mul3A_82 = arith.mulf %mul3A_81, %get3A_9 : vector<512x256xbf16>
    %slice3A_83 = vector.extract_strided_slice %convert_element_type3A_18 {offsets = [0, 22], sizes = [512, 1], strides = [1, 1]} : vector<512x64xbf16> to vector<512x1xbf16>
    %mul3A_84 = vector.broadcast %slice3A_83 : vector<512x1xbf16> to vector<512x256xbf16>
    %mul3A_85 = arith.mulf %mul3A_84, %get3A_9 : vector<512x256xbf16>
    %slice3A_86 = vector.extract_strided_slice %convert_element_type3A_18 {offsets = [0, 23], sizes = [512, 1], strides = [1, 1]} : vector<512x64xbf16> to vector<512x1xbf16>
    %mul3A_87 = vector.broadcast %slice3A_86 : vector<512x1xbf16> to vector<512x256xbf16>
    %mul3A_88 = arith.mulf %mul3A_87, %get3A_9 : vector<512x256xbf16>
    %slice3A_89 = vector.extract_strided_slice %convert_element_type3A_18 {offsets = [0, 24], sizes = [512, 1], strides = [1, 1]} : vector<512x64xbf16> to vector<512x1xbf16>
    %mul3A_90 = vector.broadcast %slice3A_89 : vector<512x1xbf16> to vector<512x256xbf16>
    %mul3A_91 = arith.mulf %mul3A_90, %get3A_9 : vector<512x256xbf16>
    %slice3A_92 = vector.extract_strided_slice %convert_element_type3A_18 {offsets = [0, 25], sizes = [512, 1], strides = [1, 1]} : vector<512x64xbf16> to vector<512x1xbf16>
    %mul3A_93 = vector.broadcast %slice3A_92 : vector<512x1xbf16> to vector<512x256xbf16>
    %mul3A_94 = arith.mulf %mul3A_93, %get3A_9 : vector<512x256xbf16>
    %slice3A_95 = vector.extract_strided_slice %convert_element_type3A_18 {offsets = [0, 26], sizes = [512, 1], strides = [1, 1]} : vector<512x64xbf16> to vector<512x1xbf16>
    %mul3A_96 = vector.broadcast %slice3A_95 : vector<512x1xbf16> to vector<512x256xbf16>
    %mul3A_97 = arith.mulf %mul3A_96, %get3A_9 : vector<512x256xbf16>
    %slice3A_98 = vector.extract_strided_slice %convert_element_type3A_18 {offsets = [0, 27], sizes = [512, 1], strides = [1, 1]} : vector<512x64xbf16> to vector<512x1xbf16>
    %mul3A_99 = vector.broadcast %slice3A_98 : vector<512x1xbf16> to vector<512x256xbf16>
    %mul3A_100 = arith.mulf %mul3A_99, %get3A_9 : vector<512x256xbf16>
    %slice3A_101 = vector.extract_strided_slice %convert_element_type3A_18 {offsets = [0, 28], sizes = [512, 1], strides = [1, 1]} : vector<512x64xbf16> to vector<512x1xbf16>
    %mul3A_102 = vector.broadcast %slice3A_101 : vector<512x1xbf16> to vector<512x256xbf16>
    %mul3A_103 = arith.mulf %mul3A_102, %get3A_9 : vector<512x256xbf16>
    %slice3A_104 = vector.extract_strided_slice %convert_element_type3A_18 {offsets = [0, 29], sizes = [512, 1], strides = [1, 1]} : vector<512x64xbf16> to vector<512x1xbf16>
    %mul3A_105 = vector.broadcast %slice3A_104 : vector<512x1xbf16> to vector<512x256xbf16>
    %mul3A_106 = arith.mulf %mul3A_105, %get3A_9 : vector<512x256xbf16>
    %slice3A_107 = vector.extract_strided_slice %convert_element_type3A_18 {offsets = [0, 30], sizes = [512, 1], strides = [1, 1]} : vector<512x64xbf16> to vector<512x1xbf16>
    %mul3A_108 = vector.broadcast %slice3A_107 : vector<512x1xbf16> to vector<512x256xbf16>
    %mul3A_109 = arith.mulf %mul3A_108, %get3A_9 : vector<512x256xbf16>
    %slice3A_110 = vector.extract_strided_slice %convert_element_type3A_18 {offsets = [0, 31], sizes = [512, 1], strides = [1, 1]} : vector<512x64xbf16> to vector<512x1xbf16>
    %mul3A_111 = vector.broadcast %slice3A_110 : vector<512x1xbf16> to vector<512x256xbf16>
    %mul3A_112 = arith.mulf %mul3A_111, %get3A_9 : vector<512x256xbf16>
    %slice3A_113 = vector.extract_strided_slice %convert_element_type3A_18 {offsets = [0, 32], sizes = [512, 1], strides = [1, 1]} : vector<512x64xbf16> to vector<512x1xbf16>
    %mul3A_114 = vector.broadcast %slice3A_113 : vector<512x1xbf16> to vector<512x256xbf16>
    %mul3A_115 = arith.mulf %mul3A_114, %get3A_9 : vector<512x256xbf16>
    %slice3A_116 = vector.extract_strided_slice %convert_element_type3A_18 {offsets = [0, 33], sizes = [512, 1], strides = [1, 1]} : vector<512x64xbf16> to vector<512x1xbf16>
    %mul3A_117 = vector.broadcast %slice3A_116 : vector<512x1xbf16> to vector<512x256xbf16>
    %mul3A_118 = arith.mulf %mul3A_117, %get3A_9 : vector<512x256xbf16>
    %slice3A_119 = vector.extract_strided_slice %convert_element_type3A_18 {offsets = [0, 34], sizes = [512, 1], strides = [1, 1]} : vector<512x64xbf16> to vector<512x1xbf16>
    %mul3A_120 = vector.broadcast %slice3A_119 : vector<512x1xbf16> to vector<512x256xbf16>
    %mul3A_121 = arith.mulf %mul3A_120, %get3A_9 : vector<512x256xbf16>
    %slice3A_122 = vector.extract_strided_slice %convert_element_type3A_18 {offsets = [0, 35], sizes = [512, 1], strides = [1, 1]} : vector<512x64xbf16> to vector<512x1xbf16>
    %mul3A_123 = vector.broadcast %slice3A_122 : vector<512x1xbf16> to vector<512x256xbf16>
    %mul3A_124 = arith.mulf %mul3A_123, %get3A_9 : vector<512x256xbf16>
    %slice3A_125 = vector.extract_strided_slice %convert_element_type3A_18 {offsets = [0, 36], sizes = [512, 1], strides = [1, 1]} : vector<512x64xbf16> to vector<512x1xbf16>
    %mul3A_126 = vector.broadcast %slice3A_125 : vector<512x1xbf16> to vector<512x256xbf16>
    %mul3A_127 = arith.mulf %mul3A_126, %get3A_9 : vector<512x256xbf16>
    %slice3A_128 = vector.extract_strided_slice %convert_element_type3A_18 {offsets = [0, 37], sizes = [512, 1], strides = [1, 1]} : vector<512x64xbf16> to vector<512x1xbf16>
    %mul3A_129 = vector.broadcast %slice3A_128 : vector<512x1xbf16> to vector<512x256xbf16>
    %mul3A_130 = arith.mulf %mul3A_129, %get3A_9 : vector<512x256xbf16>
    %slice3A_131 = vector.extract_strided_slice %convert_element_type3A_18 {offsets = [0, 38], sizes = [512, 1], strides = [1, 1]} : vector<512x64xbf16> to vector<512x1xbf16>
    %mul3A_132 = vector.broadcast %slice3A_131 : vector<512x1xbf16> to vector<512x256xbf16>
    %mul3A_133 = arith.mulf %mul3A_132, %get3A_9 : vector<512x256xbf16>
    %slice3A_134 = vector.extract_strided_slice %convert_element_type3A_18 {offsets = [0, 39], sizes = [512, 1], strides = [1, 1]} : vector<512x64xbf16> to vector<512x1xbf16>
    %mul3A_135 = vector.broadcast %slice3A_134 : vector<512x1xbf16> to vector<512x256xbf16>
    %mul3A_136 = arith.mulf %mul3A_135, %get3A_9 : vector<512x256xbf16>
    %slice3A_137 = vector.extract_strided_slice %convert_element_type3A_18 {offsets = [0, 40], sizes = [512, 1], strides = [1, 1]} : vector<512x64xbf16> to vector<512x1xbf16>
    %mul3A_138 = vector.broadcast %slice3A_137 : vector<512x1xbf16> to vector<512x256xbf16>
    %mul3A_139 = arith.mulf %mul3A_138, %get3A_9 : vector<512x256xbf16>
    %slice3A_140 = vector.extract_strided_slice %convert_element_type3A_18 {offsets = [0, 41], sizes = [512, 1], strides = [1, 1]} : vector<512x64xbf16> to vector<512x1xbf16>
    %mul3A_141 = vector.broadcast %slice3A_140 : vector<512x1xbf16> to vector<512x256xbf16>
    %mul3A_142 = arith.mulf %mul3A_141, %get3A_9 : vector<512x256xbf16>
    %slice3A_143 = vector.extract_strided_slice %convert_element_type3A_18 {offsets = [0, 42], sizes = [512, 1], strides = [1, 1]} : vector<512x64xbf16> to vector<512x1xbf16>
    %mul3A_144 = vector.broadcast %slice3A_143 : vector<512x1xbf16> to vector<512x256xbf16>
    %mul3A_145 = arith.mulf %mul3A_144, %get3A_9 : vector<512x256xbf16>
    %slice3A_146 = vector.extract_strided_slice %convert_element_type3A_18 {offsets = [0, 43], sizes = [512, 1], strides = [1, 1]} : vector<512x64xbf16> to vector<512x1xbf16>
    %mul3A_147 = vector.broadcast %slice3A_146 : vector<512x1xbf16> to vector<512x256xbf16>
    %mul3A_148 = arith.mulf %mul3A_147, %get3A_9 : vector<512x256xbf16>
    %slice3A_149 = vector.extract_strided_slice %convert_element_type3A_18 {offsets = [0, 44], sizes = [512, 1], strides = [1, 1]} : vector<512x64xbf16> to vector<512x1xbf16>
    %mul3A_150 = vector.broadcast %slice3A_149 : vector<512x1xbf16> to vector<512x256xbf16>
    %mul3A_151 = arith.mulf %mul3A_150, %get3A_9 : vector<512x256xbf16>
    %slice3A_152 = vector.extract_strided_slice %convert_element_type3A_18 {offsets = [0, 45], sizes = [512, 1], strides = [1, 1]} : vector<512x64xbf16> to vector<512x1xbf16>
    %mul3A_153 = vector.broadcast %slice3A_152 : vector<512x1xbf16> to vector<512x256xbf16>
    %mul3A_154 = arith.mulf %mul3A_153, %get3A_9 : vector<512x256xbf16>
    %slice3A_155 = vector.extract_strided_slice %convert_element_type3A_18 {offsets = [0, 46], sizes = [512, 1], strides = [1, 1]} : vector<512x64xbf16> to vector<512x1xbf16>
    %mul3A_156 = vector.broadcast %slice3A_155 : vector<512x1xbf16> to vector<512x256xbf16>
    %mul3A_157 = arith.mulf %mul3A_156, %get3A_9 : vector<512x256xbf16>
    %slice3A_158 = vector.extract_strided_slice %convert_element_type3A_18 {offsets = [0, 47], sizes = [512, 1], strides = [1, 1]} : vector<512x64xbf16> to vector<512x1xbf16>
    %mul3A_159 = vector.broadcast %slice3A_158 : vector<512x1xbf16> to vector<512x256xbf16>
    %mul3A_160 = arith.mulf %mul3A_159, %get3A_9 : vector<512x256xbf16>
    %slice3A_161 = vector.extract_strided_slice %convert_element_type3A_18 {offsets = [0, 48], sizes = [512, 1], strides = [1, 1]} : vector<512x64xbf16> to vector<512x1xbf16>
    %mul3A_162 = vector.broadcast %slice3A_161 : vector<512x1xbf16> to vector<512x256xbf16>
    %mul3A_163 = arith.mulf %mul3A_162, %get3A_9 : vector<512x256xbf16>
    %slice3A_164 = vector.extract_strided_slice %convert_element_type3A_18 {offsets = [0, 49], sizes = [512, 1], strides = [1, 1]} : vector<512x64xbf16> to vector<512x1xbf16>
    %mul3A_165 = vector.broadcast %slice3A_164 : vector<512x1xbf16> to vector<512x256xbf16>
    %mul3A_166 = arith.mulf %mul3A_165, %get3A_9 : vector<512x256xbf16>
    %slice3A_167 = vector.extract_strided_slice %convert_element_type3A_18 {offsets = [0, 50], sizes = [512, 1], strides = [1, 1]} : vector<512x64xbf16> to vector<512x1xbf16>
    %mul3A_168 = vector.broadcast %slice3A_167 : vector<512x1xbf16> to vector<512x256xbf16>
    %mul3A_169 = arith.mulf %mul3A_168, %get3A_9 : vector<512x256xbf16>
    %slice3A_170 = vector.extract_strided_slice %convert_element_type3A_18 {offsets = [0, 51], sizes = [512, 1], strides = [1, 1]} : vector<512x64xbf16> to vector<512x1xbf16>
    %mul3A_171 = vector.broadcast %slice3A_170 : vector<512x1xbf16> to vector<512x256xbf16>
    %mul3A_172 = arith.mulf %mul3A_171, %get3A_9 : vector<512x256xbf16>
    %slice3A_173 = vector.extract_strided_slice %convert_element_type3A_18 {offsets = [0, 52], sizes = [512, 1], strides = [1, 1]} : vector<512x64xbf16> to vector<512x1xbf16>
    %mul3A_174 = vector.broadcast %slice3A_173 : vector<512x1xbf16> to vector<512x256xbf16>
    %mul3A_175 = arith.mulf %mul3A_174, %get3A_9 : vector<512x256xbf16>
    %slice3A_176 = vector.extract_strided_slice %convert_element_type3A_18 {offsets = [0, 53], sizes = [512, 1], strides = [1, 1]} : vector<512x64xbf16> to vector<512x1xbf16>
    %mul3A_177 = vector.broadcast %slice3A_176 : vector<512x1xbf16> to vector<512x256xbf16>
    %mul3A_178 = arith.mulf %mul3A_177, %get3A_9 : vector<512x256xbf16>
    %slice3A_179 = vector.extract_strided_slice %convert_element_type3A_18 {offsets = [0, 54], sizes = [512, 1], strides = [1, 1]} : vector<512x64xbf16> to vector<512x1xbf16>
    %mul3A_180 = vector.broadcast %slice3A_179 : vector<512x1xbf16> to vector<512x256xbf16>
    %mul3A_181 = arith.mulf %mul3A_180, %get3A_9 : vector<512x256xbf16>
    %slice3A_182 = vector.extract_strided_slice %convert_element_type3A_18 {offsets = [0, 55], sizes = [512, 1], strides = [1, 1]} : vector<512x64xbf16> to vector<512x1xbf16>
    %mul3A_183 = vector.broadcast %slice3A_182 : vector<512x1xbf16> to vector<512x256xbf16>
    %mul3A_184 = arith.mulf %mul3A_183, %get3A_9 : vector<512x256xbf16>
    %slice3A_185 = vector.extract_strided_slice %convert_element_type3A_18 {offsets = [0, 56], sizes = [512, 1], strides = [1, 1]} : vector<512x64xbf16> to vector<512x1xbf16>
    %mul3A_186 = vector.broadcast %slice3A_185 : vector<512x1xbf16> to vector<512x256xbf16>
    %mul3A_187 = arith.mulf %mul3A_186, %get3A_9 : vector<512x256xbf16>
    %slice3A_188 = vector.extract_strided_slice %convert_element_type3A_18 {offsets = [0, 57], sizes = [512, 1], strides = [1, 1]} : vector<512x64xbf16> to vector<512x1xbf16>
    %mul3A_189 = vector.broadcast %slice3A_188 : vector<512x1xbf16> to vector<512x256xbf16>
    %mul3A_190 = arith.mulf %mul3A_189, %get3A_9 : vector<512x256xbf16>
    %slice3A_191 = vector.extract_strided_slice %convert_element_type3A_18 {offsets = [0, 58], sizes = [512, 1], strides = [1, 1]} : vector<512x64xbf16> to vector<512x1xbf16>
    %mul3A_192 = vector.broadcast %slice3A_191 : vector<512x1xbf16> to vector<512x256xbf16>
    %mul3A_193 = arith.mulf %mul3A_192, %get3A_9 : vector<512x256xbf16>
    %slice3A_194 = vector.extract_strided_slice %convert_element_type3A_18 {offsets = [0, 59], sizes = [512, 1], strides = [1, 1]} : vector<512x64xbf16> to vector<512x1xbf16>
    %mul3A_195 = vector.broadcast %slice3A_194 : vector<512x1xbf16> to vector<512x256xbf16>
    %mul3A_196 = arith.mulf %mul3A_195, %get3A_9 : vector<512x256xbf16>
    %slice3A_197 = vector.extract_strided_slice %convert_element_type3A_18 {offsets = [0, 60], sizes = [512, 1], strides = [1, 1]} : vector<512x64xbf16> to vector<512x1xbf16>
    %mul3A_198 = vector.broadcast %slice3A_197 : vector<512x1xbf16> to vector<512x256xbf16>
    %mul3A_199 = arith.mulf %mul3A_198, %get3A_9 : vector<512x256xbf16>
    %slice3A_200 = vector.extract_strided_slice %convert_element_type3A_18 {offsets = [0, 61], sizes = [512, 1], strides = [1, 1]} : vector<512x64xbf16> to vector<512x1xbf16>
    %mul3A_201 = vector.broadcast %slice3A_200 : vector<512x1xbf16> to vector<512x256xbf16>
    %mul3A_202 = arith.mulf %mul3A_201, %get3A_9 : vector<512x256xbf16>
    %slice3A_203 = vector.extract_strided_slice %convert_element_type3A_18 {offsets = [0, 62], sizes = [512, 1], strides = [1, 1]} : vector<512x64xbf16> to vector<512x1xbf16>
    %mul3A_204 = vector.broadcast %slice3A_203 : vector<512x1xbf16> to vector<512x256xbf16>
    %mul3A_205 = arith.mulf %mul3A_204, %get3A_9 : vector<512x256xbf16>
    %slice3A_206 = vector.extract_strided_slice %convert_element_type3A_18 {offsets = [0, 63], sizes = [512, 1], strides = [1, 1]} : vector<512x64xbf16> to vector<512x1xbf16>
    %mul3A_207 = vector.broadcast %slice3A_206 : vector<512x1xbf16> to vector<512x256xbf16>
    %mul3A_208 = arith.mulf %mul3A_207, %get3A_9 : vector<512x256xbf16>
    %concatenate3A = tpu.concatenate %mul3A_19, %mul3A_22, %mul3A_25, %mul3A_28, %mul3A_31, %mul3A_34, %mul3A_37, %mul3A_40, %mul3A_43, %mul3A_46, %mul3A_49, %mul3A_52, %mul3A_55, %mul3A_58, %mul3A_61, %mul3A_64, %mul3A_67, %mul3A_70, %mul3A_73, %mul3A_76, %mul3A_79, %mul3A_82, %mul3A_85, %mul3A_88, %mul3A_91, %mul3A_94, %mul3A_97, %mul3A_100, %mul3A_103, %mul3A_106, %mul3A_109, %mul3A_112, %mul3A_115, %mul3A_118, %mul3A_121, %mul3A_124, %mul3A_127, %mul3A_130, %mul3A_133, %mul3A_136, %mul3A_139, %mul3A_142, %mul3A_145, %mul3A_148, %mul3A_151, %mul3A_154, %mul3A_157, %mul3A_160, %mul3A_163, %mul3A_166, %mul3A_169, %mul3A_172, %mul3A_175, %mul3A_178, %mul3A_181, %mul3A_184, %mul3A_187, %mul3A_190, %mul3A_193, %mul3A_196, %mul3A_199, %mul3A_202, %mul3A_205, %mul3A_208 in 1 : vector<512x256xbf16>, vector<512x256xbf16>, vector<512x256xbf16>, vector<512x256xbf16>, vector<512x256xbf16>, vector<512x256xbf16>, vector<512x256xbf16>, vector<512x256xbf16>, vector<512x256xbf16>, vector<512x256xbf16>, vector<512x256xbf16>, vector<512x256xbf16>, vector<512x256xbf16>, vector<512x256xbf16>, vector<512x256xbf16>, vector<512x256xbf16>, vector<512x256xbf16>, vector<512x256xbf16>, vector<512x256xbf16>, vector<512x256xbf16>, vector<512x256xbf16>, vector<512x256xbf16>, vector<512x256xbf16>, vector<512x256xbf16>, vector<512x256xbf16>, vector<512x256xbf16>, vector<512x256xbf16>, vector<512x256xbf16>, vector<512x256xbf16>, vector<512x256xbf16>, vector<512x256xbf16>, vector<512x256xbf16>, vector<512x256xbf16>, vector<512x256xbf16>, vector<512x256xbf16>, vector<512x256xbf16>, vector<512x256xbf16>, vector<512x256xbf16>, vector<512x256xbf16>, vector<512x256xbf16>, vector<512x256xbf16>, vector<512x256xbf16>, vector<512x256xbf16>, vector<512x256xbf16>, vector<512x256xbf16>, vector<512x256xbf16>, vector<512x256xbf16>, vector<512x256xbf16>, vector<512x256xbf16>, vector<512x256xbf16>, vector<512x256xbf16>, vector<512x256xbf16>, vector<512x256xbf16>, vector<512x256xbf16>, vector<512x256xbf16>, vector<512x256xbf16>, vector<512x256xbf16>, vector<512x256xbf16>, vector<512x256xbf16>, vector<512x256xbf16>, vector<512x256xbf16>, vector<512x256xbf16>, vector<512x256xbf16>, vector<512x256xbf16> -> vector<512x16384xbf16>
    %get3A_209 = arith.constant 0 : index
    %get3A_210 = arith.constant 0 : index
    %get3A_211 = vector.load %arg5[%get3A_209, %get3A_210] : memref<1x256xf32, #tpu.memory_space<vmem>>, vector<1x256xf32>
    %concatenate3A_212 = tpu.concatenate %get3A_211, %get3A_211, %get3A_211, %get3A_211, %get3A_211, %get3A_211, %get3A_211, %get3A_211, %get3A_211, %get3A_211, %get3A_211, %get3A_211, %get3A_211, %get3A_211, %get3A_211, %get3A_211, %get3A_211, %get3A_211, %get3A_211, %get3A_211, %get3A_211, %get3A_211, %get3A_211, %get3A_211, %get3A_211, %get3A_211, %get3A_211, %get3A_211, %get3A_211, %get3A_211, %get3A_211, %get3A_211, %get3A_211, %get3A_211, %get3A_211, %get3A_211, %get3A_211, %get3A_211, %get3A_211, %get3A_211, %get3A_211, %get3A_211, %get3A_211, %get3A_211, %get3A_211, %get3A_211, %get3A_211, %get3A_211, %get3A_211, %get3A_211, %get3A_211, %get3A_211, %get3A_211, %get3A_211, %get3A_211, %get3A_211, %get3A_211, %get3A_211, %get3A_211, %get3A_211, %get3A_211, %get3A_211, %get3A_211, %get3A_211 in 1 : vector<1x256xf32>, vector<1x256xf32>, vector<1x256xf32>, vector<1x256xf32>, vector<1x256xf32>, vector<1x256xf32>, vector<1x256xf32>, vector<1x256xf32>, vector<1x256xf32>, vector<1x256xf32>, vector<1x256xf32>, vector<1x256xf32>, vector<1x256xf32>, vector<1x256xf32>, vector<1x256xf32>, vector<1x256xf32>, vector<1x256xf32>, vector<1x256xf32>, vector<1x256xf32>, vector<1x256xf32>, vector<1x256xf32>, vector<1x256xf32>, vector<1x256xf32>, vector<1x256xf32>, vector<1x256xf32>, vector<1x256xf32>, vector<1x256xf32>, vector<1x256xf32>, vector<1x256xf32>, vector<1x256xf32>, vector<1x256xf32>, vector<1x256xf32>, vector<1x256xf32>, vector<1x256xf32>, vector<1x256xf32>, vector<1x256xf32>, vector<1x256xf32>, vector<1x256xf32>, vector<1x256xf32>, vector<1x256xf32>, vector<1x256xf32>, vector<1x256xf32>, vector<1x256xf32>, vector<1x256xf32>, vector<1x256xf32>, vector<1x256xf32>, vector<1x256xf32>, vector<1x256xf32>, vector<1x256xf32>, vector<1x256xf32>, vector<1x256xf32>, vector<1x256xf32>, vector<1x256xf32>, vector<1x256xf32>, vector<1x256xf32>, vector<1x256xf32>, vector<1x256xf32>, vector<1x256xf32>, vector<1x256xf32>, vector<1x256xf32>, vector<1x256xf32>, vector<1x256xf32>, vector<1x256xf32>, vector<1x256xf32> -> vector<1x16384xf32>
    %dot_general3A = arith.constant dense<0.000000e+00> : vector<512x16384xf32>
    %dot_general3A_213 = tpu.matmul %get3A_3, %concatenate3A, %dot_general3A {dimension_numbers = #tpu.dot_dimension_numbers<[1], [0], [0], [1], [0, 0, 1, 1], [], []>, transpose_lhs_hint = false} : vector<512x512xbf16>, vector<512x16384xbf16>, vector<512x16384xf32> -> vector<512x16384xf32>
    %add3A = vector.broadcast %concatenate3A_212 : vector<1x16384xf32> to vector<512x16384xf32>
    %add3A_214 = arith.addf %dot_general3A_213, %add3A : vector<512x16384xf32>
    %max3A = arith.constant 0.000000e+00 : f32
    %max3A_215 = vector.broadcast %max3A : f32 to vector<512x16384xf32>
    %max3A_216 = arith.maximumf %add3A_214, %max3A_215 : vector<512x16384xf32>
    %convert_element_type3A_217 = arith.truncf %max3A_216 : vector<512x16384xf32> to vector<512x16384xbf16>
    %dot_general3A_218 = arith.constant dense<0.000000e+00> : vector<512x16384xf32>
    %dot_general3A_219 = tpu.matmul %get3A_6, %convert_element_type3A_217, %dot_general3A_218 {dimension_numbers = #tpu.dot_dimension_numbers<[1], [0], [0], [1], [0, 0, 1, 1], [], []>, transpose_lhs_hint = false} : vector<512x512xbf16>, vector<512x16384xbf16>, vector<512x16384xf32> -> vector<512x16384xf32>
    %slice3A_220 = vector.extract_strided_slice %dot_general3A_219 {offsets = [0, 0], sizes = [512, 256], strides = [1, 1]} : vector<512x16384xf32> to vector<512x256xf32>
    %convert_element_type3A_221 = arith.truncf %slice3A_220 : vector<512x256xf32> to vector<512x256xbf16>
    %dot_general3A_222 = arith.constant dense<0.000000e+00> : vector<512x128xf32>
    %dot_general3A_223 = tpu.matmul %convert_element_type3A_221, %get3A_12, %dot_general3A_222 {dimension_numbers = #tpu.dot_dimension_numbers<[1], [0], [0], [1], [0, 0, 1, 1], [], []>, transpose_lhs_hint = false} : vector<512x256xbf16>, vector<256x128xbf16>, vector<512x128xf32> -> vector<512x128xf32>
    %get3A_224 = arith.constant 0 : index
    %get3A_225 = arith.constant 0 : index
    %get3A_226 = vector.load %arg7[%get3A_224, %get3A_225] : memref<1x128xf32, #tpu.memory_space<vmem>>, vector<1x128xf32>
    %add3A_227 = vector.broadcast %get3A_226 : vector<1x128xf32> to vector<512x128xf32>
    %add3A_228 = arith.addf %dot_general3A_223, %add3A_227 : vector<512x128xf32>
    %max3A_229 = arith.constant 0.000000e+00 : f32
    %max3A_230 = vector.broadcast %max3A_229 : f32 to vector<512x128xf32>
    %max3A_231 = arith.maximumf %add3A_228, %max3A_230 : vector<512x128xf32>
    %reduce_sum3A = arith.constant dense<0.000000e+00> : vector<128xf32>
    %reduce_sum3A_232 = vector.multi_reduction <add>, %max3A_231, %reduce_sum3A [0] : vector<512x128xf32> to vector<128xf32>
    %broadcast_in_dim3A = vector.shape_cast %reduce_sum3A_232 : vector<128xf32> to vector<1x128xf32>
    %mul3A_233 = arith.constant 0.001953125 : f32
    %mul3A_234 = vector.broadcast %mul3A_233 : f32 to vector<1x128xf32>
    %mul3A_235 = arith.mulf %broadcast_in_dim3A, %mul3A_234 : vector<1x128xf32>
    %slice3A_236 = vector.extract_strided_slice %dot_general3A_219 {offsets = [0, 256], sizes = [512, 256], strides = [1, 1]} : vector<512x16384xf32> to vector<512x256xf32>
    %convert_element_type3A_237 = arith.truncf %slice3A_236 : vector<512x256xf32> to vector<512x256xbf16>
    %dot_general3A_238 = arith.constant dense<0.000000e+00> : vector<512x128xf32>
    %dot_general3A_239 = tpu.matmul %convert_element_type3A_237, %get3A_12, %dot_general3A_238 {dimension_numbers = #tpu.dot_dimension_numbers<[1], [0], [0], [1], [0, 0, 1, 1], [], []>, transpose_lhs_hint = false} : vector<512x256xbf16>, vector<256x128xbf16>, vector<512x128xf32> -> vector<512x128xf32>
    %get3A_240 = arith.constant 0 : index
    %get3A_241 = arith.constant 0 : index
    %get3A_242 = vector.load %arg7[%get3A_240, %get3A_241] : memref<1x128xf32, #tpu.memory_space<vmem>>, vector<1x128xf32>
    %add3A_243 = vector.broadcast %get3A_242 : vector<1x128xf32> to vector<512x128xf32>
    %add3A_244 = arith.addf %dot_general3A_239, %add3A_243 : vector<512x128xf32>
    %max3A_245 = arith.constant 0.000000e+00 : f32
    %max3A_246 = vector.broadcast %max3A_245 : f32 to vector<512x128xf32>
    %max3A_247 = arith.maximumf %add3A_244, %max3A_246 : vector<512x128xf32>
    %reduce_sum3A_248 = arith.constant dense<0.000000e+00> : vector<128xf32>
    %reduce_sum3A_249 = vector.multi_reduction <add>, %max3A_247, %reduce_sum3A_248 [0] : vector<512x128xf32> to vector<128xf32>
    %broadcast_in_dim3A_250 = vector.shape_cast %reduce_sum3A_249 : vector<128xf32> to vector<1x128xf32>
    %mul3A_251 = arith.constant 0.001953125 : f32
    %mul3A_252 = vector.broadcast %mul3A_251 : f32 to vector<1x128xf32>
    %mul3A_253 = arith.mulf %broadcast_in_dim3A_250, %mul3A_252 : vector<1x128xf32>
    %slice3A_254 = vector.extract_strided_slice %dot_general3A_219 {offsets = [0, 512], sizes = [512, 256], strides = [1, 1]} : vector<512x16384xf32> to vector<512x256xf32>
    %convert_element_type3A_255 = arith.truncf %slice3A_254 : vector<512x256xf32> to vector<512x256xbf16>
    %dot_general3A_256 = arith.constant dense<0.000000e+00> : vector<512x128xf32>
    %dot_general3A_257 = tpu.matmul %convert_element_type3A_255, %get3A_12, %dot_general3A_256 {dimension_numbers = #tpu.dot_dimension_numbers<[1], [0], [0], [1], [0, 0, 1, 1], [], []>, transpose_lhs_hint = false} : vector<512x256xbf16>, vector<256x128xbf16>, vector<512x128xf32> -> vector<512x128xf32>
    %get3A_258 = arith.constant 0 : index
    %get3A_259 = arith.constant 0 : index
    %get3A_260 = vector.load %arg7[%get3A_258, %get3A_259] : memref<1x128xf32, #tpu.memory_space<vmem>>, vector<1x128xf32>
    %add3A_261 = vector.broadcast %get3A_260 : vector<1x128xf32> to vector<512x128xf32>
    %add3A_262 = arith.addf %dot_general3A_257, %add3A_261 : vector<512x128xf32>
    %max3A_263 = arith.constant 0.000000e+00 : f32
    %max3A_264 = vector.broadcast %max3A_263 : f32 to vector<512x128xf32>
    %max3A_265 = arith.maximumf %add3A_262, %max3A_264 : vector<512x128xf32>
    %reduce_sum3A_266 = arith.constant dense<0.000000e+00> : vector<128xf32>
    %reduce_sum3A_267 = vector.multi_reduction <add>, %max3A_265, %reduce_sum3A_266 [0] : vector<512x128xf32> to vector<128xf32>
    %broadcast_in_dim3A_268 = vector.shape_cast %reduce_sum3A_267 : vector<128xf32> to vector<1x128xf32>
    %mul3A_269 = arith.constant 0.001953125 : f32
    %mul3A_270 = vector.broadcast %mul3A_269 : f32 to vector<1x128xf32>
    %mul3A_271 = arith.mulf %broadcast_in_dim3A_268, %mul3A_270 : vector<1x128xf32>
    %slice3A_272 = vector.extract_strided_slice %dot_general3A_219 {offsets = [0, 768], sizes = [512, 256], strides = [1, 1]} : vector<512x16384xf32> to vector<512x256xf32>
    %convert_element_type3A_273 = arith.truncf %slice3A_272 : vector<512x256xf32> to vector<512x256xbf16>
    %dot_general3A_274 = arith.constant dense<0.000000e+00> : vector<512x128xf32>
    %dot_general3A_275 = tpu.matmul %convert_element_type3A_273, %get3A_12, %dot_general3A_274 {dimension_numbers = #tpu.dot_dimension_numbers<[1], [0], [0], [1], [0, 0, 1, 1], [], []>, transpose_lhs_hint = false} : vector<512x256xbf16>, vector<256x128xbf16>, vector<512x128xf32> -> vector<512x128xf32>
    %get3A_276 = arith.constant 0 : index
    %get3A_277 = arith.constant 0 : index
    %get3A_278 = vector.load %arg7[%get3A_276, %get3A_277] : memref<1x128xf32, #tpu.memory_space<vmem>>, vector<1x128xf32>
    %add3A_279 = vector.broadcast %get3A_278 : vector<1x128xf32> to vector<512x128xf32>
    %add3A_280 = arith.addf %dot_general3A_275, %add3A_279 : vector<512x128xf32>
    %max3A_281 = arith.constant 0.000000e+00 : f32
    %max3A_282 = vector.broadcast %max3A_281 : f32 to vector<512x128xf32>
    %max3A_283 = arith.maximumf %add3A_280, %max3A_282 : vector<512x128xf32>
    %reduce_sum3A_284 = arith.constant dense<0.000000e+00> : vector<128xf32>
    %reduce_sum3A_285 = vector.multi_reduction <add>, %max3A_283, %reduce_sum3A_284 [0] : vector<512x128xf32> to vector<128xf32>
    %broadcast_in_dim3A_286 = vector.shape_cast %reduce_sum3A_285 : vector<128xf32> to vector<1x128xf32>
    %mul3A_287 = arith.constant 0.001953125 : f32
    %mul3A_288 = vector.broadcast %mul3A_287 : f32 to vector<1x128xf32>
    %mul3A_289 = arith.mulf %broadcast_in_dim3A_286, %mul3A_288 : vector<1x128xf32>
    %slice3A_290 = vector.extract_strided_slice %dot_general3A_219 {offsets = [0, 1024], sizes = [512, 256], strides = [1, 1]} : vector<512x16384xf32> to vector<512x256xf32>
    %convert_element_type3A_291 = arith.truncf %slice3A_290 : vector<512x256xf32> to vector<512x256xbf16>
    %dot_general3A_292 = arith.constant dense<0.000000e+00> : vector<512x128xf32>
    %dot_general3A_293 = tpu.matmul %convert_element_type3A_291, %get3A_12, %dot_general3A_292 {dimension_numbers = #tpu.dot_dimension_numbers<[1], [0], [0], [1], [0, 0, 1, 1], [], []>, transpose_lhs_hint = false} : vector<512x256xbf16>, vector<256x128xbf16>, vector<512x128xf32> -> vector<512x128xf32>
    %get3A_294 = arith.constant 0 : index
    %get3A_295 = arith.constant 0 : index
    %get3A_296 = vector.load %arg7[%get3A_294, %get3A_295] : memref<1x128xf32, #tpu.memory_space<vmem>>, vector<1x128xf32>
    %add3A_297 = vector.broadcast %get3A_296 : vector<1x128xf32> to vector<512x128xf32>
    %add3A_298 = arith.addf %dot_general3A_293, %add3A_297 : vector<512x128xf32>
    %max3A_299 = arith.constant 0.000000e+00 : f32
    %max3A_300 = vector.broadcast %max3A_299 : f32 to vector<512x128xf32>
    %max3A_301 = arith.maximumf %add3A_298, %max3A_300 : vector<512x128xf32>
    %reduce_sum3A_302 = arith.constant dense<0.000000e+00> : vector<128xf32>
    %reduce_sum3A_303 = vector.multi_reduction <add>, %max3A_301, %reduce_sum3A_302 [0] : vector<512x128xf32> to vector<128xf32>
    %broadcast_in_dim3A_304 = vector.shape_cast %reduce_sum3A_303 : vector<128xf32> to vector<1x128xf32>
    %mul3A_305 = arith.constant 0.001953125 : f32
    %mul3A_306 = vector.broadcast %mul3A_305 : f32 to vector<1x128xf32>
    %mul3A_307 = arith.mulf %broadcast_in_dim3A_304, %mul3A_306 : vector<1x128xf32>
    %slice3A_308 = vector.extract_strided_slice %dot_general3A_219 {offsets = [0, 1280], sizes = [512, 256], strides = [1, 1]} : vector<512x16384xf32> to vector<512x256xf32>
    %convert_element_type3A_309 = arith.truncf %slice3A_308 : vector<512x256xf32> to vector<512x256xbf16>
    %dot_general3A_310 = arith.constant dense<0.000000e+00> : vector<512x128xf32>
    %dot_general3A_311 = tpu.matmul %convert_element_type3A_309, %get3A_12, %dot_general3A_310 {dimension_numbers = #tpu.dot_dimension_numbers<[1], [0], [0], [1], [0, 0, 1, 1], [], []>, transpose_lhs_hint = false} : vector<512x256xbf16>, vector<256x128xbf16>, vector<512x128xf32> -> vector<512x128xf32>
    %get3A_312 = arith.constant 0 : index
    %get3A_313 = arith.constant 0 : index
    %get3A_314 = vector.load %arg7[%get3A_312, %get3A_313] : memref<1x128xf32, #tpu.memory_space<vmem>>, vector<1x128xf32>
    %add3A_315 = vector.broadcast %get3A_314 : vector<1x128xf32> to vector<512x128xf32>
    %add3A_316 = arith.addf %dot_general3A_311, %add3A_315 : vector<512x128xf32>
    %max3A_317 = arith.constant 0.000000e+00 : f32
    %max3A_318 = vector.broadcast %max3A_317 : f32 to vector<512x128xf32>
    %max3A_319 = arith.maximumf %add3A_316, %max3A_318 : vector<512x128xf32>
    %reduce_sum3A_320 = arith.constant dense<0.000000e+00> : vector<128xf32>
    %reduce_sum3A_321 = vector.multi_reduction <add>, %max3A_319, %reduce_sum3A_320 [0] : vector<512x128xf32> to vector<128xf32>
    %broadcast_in_dim3A_322 = vector.shape_cast %reduce_sum3A_321 : vector<128xf32> to vector<1x128xf32>
    %mul3A_323 = arith.constant 0.001953125 : f32
    %mul3A_324 = vector.broadcast %mul3A_323 : f32 to vector<1x128xf32>
    %mul3A_325 = arith.mulf %broadcast_in_dim3A_322, %mul3A_324 : vector<1x128xf32>
    %slice3A_326 = vector.extract_strided_slice %dot_general3A_219 {offsets = [0, 1536], sizes = [512, 256], strides = [1, 1]} : vector<512x16384xf32> to vector<512x256xf32>
    %convert_element_type3A_327 = arith.truncf %slice3A_326 : vector<512x256xf32> to vector<512x256xbf16>
    %dot_general3A_328 = arith.constant dense<0.000000e+00> : vector<512x128xf32>
    %dot_general3A_329 = tpu.matmul %convert_element_type3A_327, %get3A_12, %dot_general3A_328 {dimension_numbers = #tpu.dot_dimension_numbers<[1], [0], [0], [1], [0, 0, 1, 1], [], []>, transpose_lhs_hint = false} : vector<512x256xbf16>, vector<256x128xbf16>, vector<512x128xf32> -> vector<512x128xf32>
    %get3A_330 = arith.constant 0 : index
    %get3A_331 = arith.constant 0 : index
    %get3A_332 = vector.load %arg7[%get3A_330, %get3A_331] : memref<1x128xf32, #tpu.memory_space<vmem>>, vector<1x128xf32>
    %add3A_333 = vector.broadcast %get3A_332 : vector<1x128xf32> to vector<512x128xf32>
    %add3A_334 = arith.addf %dot_general3A_329, %add3A_333 : vector<512x128xf32>
    %max3A_335 = arith.constant 0.000000e+00 : f32
    %max3A_336 = vector.broadcast %max3A_335 : f32 to vector<512x128xf32>
    %max3A_337 = arith.maximumf %add3A_334, %max3A_336 : vector<512x128xf32>
    %reduce_sum3A_338 = arith.constant dense<0.000000e+00> : vector<128xf32>
    %reduce_sum3A_339 = vector.multi_reduction <add>, %max3A_337, %reduce_sum3A_338 [0] : vector<512x128xf32> to vector<128xf32>
    %broadcast_in_dim3A_340 = vector.shape_cast %reduce_sum3A_339 : vector<128xf32> to vector<1x128xf32>
    %mul3A_341 = arith.constant 0.001953125 : f32
    %mul3A_342 = vector.broadcast %mul3A_341 : f32 to vector<1x128xf32>
    %mul3A_343 = arith.mulf %broadcast_in_dim3A_340, %mul3A_342 : vector<1x128xf32>
    %slice3A_344 = vector.extract_strided_slice %dot_general3A_219 {offsets = [0, 1792], sizes = [512, 256], strides = [1, 1]} : vector<512x16384xf32> to vector<512x256xf32>
    %convert_element_type3A_345 = arith.truncf %slice3A_344 : vector<512x256xf32> to vector<512x256xbf16>
    %dot_general3A_346 = arith.constant dense<0.000000e+00> : vector<512x128xf32>
    %dot_general3A_347 = tpu.matmul %convert_element_type3A_345, %get3A_12, %dot_general3A_346 {dimension_numbers = #tpu.dot_dimension_numbers<[1], [0], [0], [1], [0, 0, 1, 1], [], []>, transpose_lhs_hint = false} : vector<512x256xbf16>, vector<256x128xbf16>, vector<512x128xf32> -> vector<512x128xf32>
    %get3A_348 = arith.constant 0 : index
    %get3A_349 = arith.constant 0 : index
    %get3A_350 = vector.load %arg7[%get3A_348, %get3A_349] : memref<1x128xf32, #tpu.memory_space<vmem>>, vector<1x128xf32>
    %add3A_351 = vector.broadcast %get3A_350 : vector<1x128xf32> to vector<512x128xf32>
    %add3A_352 = arith.addf %dot_general3A_347, %add3A_351 : vector<512x128xf32>
    %max3A_353 = arith.constant 0.000000e+00 : f32
    %max3A_354 = vector.broadcast %max3A_353 : f32 to vector<512x128xf32>
    %max3A_355 = arith.maximumf %add3A_352, %max3A_354 : vector<512x128xf32>
    %reduce_sum3A_356 = arith.constant dense<0.000000e+00> : vector<128xf32>
    %reduce_sum3A_357 = vector.multi_reduction <add>, %max3A_355, %reduce_sum3A_356 [0] : vector<512x128xf32> to vector<128xf32>
    %broadcast_in_dim3A_358 = vector.shape_cast %reduce_sum3A_357 : vector<128xf32> to vector<1x128xf32>
    %mul3A_359 = arith.constant 0.001953125 : f32
    %mul3A_360 = vector.broadcast %mul3A_359 : f32 to vector<1x128xf32>
    %mul3A_361 = arith.mulf %broadcast_in_dim3A_358, %mul3A_360 : vector<1x128xf32>
    %slice3A_362 = vector.extract_strided_slice %dot_general3A_219 {offsets = [0, 2048], sizes = [512, 256], strides = [1, 1]} : vector<512x16384xf32> to vector<512x256xf32>
    %convert_element_type3A_363 = arith.truncf %slice3A_362 : vector<512x256xf32> to vector<512x256xbf16>
    %dot_general3A_364 = arith.constant dense<0.000000e+00> : vector<512x128xf32>
    %dot_general3A_365 = tpu.matmul %convert_element_type3A_363, %get3A_12, %dot_general3A_364 {dimension_numbers = #tpu.dot_dimension_numbers<[1], [0], [0], [1], [0, 0, 1, 1], [], []>, transpose_lhs_hint = false} : vector<512x256xbf16>, vector<256x128xbf16>, vector<512x128xf32> -> vector<512x128xf32>
    %get3A_366 = arith.constant 0 : index
    %get3A_367 = arith.constant 0 : index
    %get3A_368 = vector.load %arg7[%get3A_366, %get3A_367] : memref<1x128xf32, #tpu.memory_space<vmem>>, vector<1x128xf32>
    %add3A_369 = vector.broadcast %get3A_368 : vector<1x128xf32> to vector<512x128xf32>
    %add3A_370 = arith.addf %dot_general3A_365, %add3A_369 : vector<512x128xf32>
    %max3A_371 = arith.constant 0.000000e+00 : f32
    %max3A_372 = vector.broadcast %max3A_371 : f32 to vector<512x128xf32>
    %max3A_373 = arith.maximumf %add3A_370, %max3A_372 : vector<512x128xf32>
    %reduce_sum3A_374 = arith.constant dense<0.000000e+00> : vector<128xf32>
    %reduce_sum3A_375 = vector.multi_reduction <add>, %max3A_373, %reduce_sum3A_374 [0] : vector<512x128xf32> to vector<128xf32>
    %broadcast_in_dim3A_376 = vector.shape_cast %reduce_sum3A_375 : vector<128xf32> to vector<1x128xf32>
    %mul3A_377 = arith.constant 0.001953125 : f32
    %mul3A_378 = vector.broadcast %mul3A_377 : f32 to vector<1x128xf32>
    %mul3A_379 = arith.mulf %broadcast_in_dim3A_376, %mul3A_378 : vector<1x128xf32>
    %slice3A_380 = vector.extract_strided_slice %dot_general3A_219 {offsets = [0, 2304], sizes = [512, 256], strides = [1, 1]} : vector<512x16384xf32> to vector<512x256xf32>
    %convert_element_type3A_381 = arith.truncf %slice3A_380 : vector<512x256xf32> to vector<512x256xbf16>
    %dot_general3A_382 = arith.constant dense<0.000000e+00> : vector<512x128xf32>
    %dot_general3A_383 = tpu.matmul %convert_element_type3A_381, %get3A_12, %dot_general3A_382 {dimension_numbers = #tpu.dot_dimension_numbers<[1], [0], [0], [1], [0, 0, 1, 1], [], []>, transpose_lhs_hint = false} : vector<512x256xbf16>, vector<256x128xbf16>, vector<512x128xf32> -> vector<512x128xf32>
    %get3A_384 = arith.constant 0 : index
    %get3A_385 = arith.constant 0 : index
    %get3A_386 = vector.load %arg7[%get3A_384, %get3A_385] : memref<1x128xf32, #tpu.memory_space<vmem>>, vector<1x128xf32>
    %add3A_387 = vector.broadcast %get3A_386 : vector<1x128xf32> to vector<512x128xf32>
    %add3A_388 = arith.addf %dot_general3A_383, %add3A_387 : vector<512x128xf32>
    %max3A_389 = arith.constant 0.000000e+00 : f32
    %max3A_390 = vector.broadcast %max3A_389 : f32 to vector<512x128xf32>
    %max3A_391 = arith.maximumf %add3A_388, %max3A_390 : vector<512x128xf32>
    %reduce_sum3A_392 = arith.constant dense<0.000000e+00> : vector<128xf32>
    %reduce_sum3A_393 = vector.multi_reduction <add>, %max3A_391, %reduce_sum3A_392 [0] : vector<512x128xf32> to vector<128xf32>
    %broadcast_in_dim3A_394 = vector.shape_cast %reduce_sum3A_393 : vector<128xf32> to vector<1x128xf32>
    %mul3A_395 = arith.constant 0.001953125 : f32
    %mul3A_396 = vector.broadcast %mul3A_395 : f32 to vector<1x128xf32>
    %mul3A_397 = arith.mulf %broadcast_in_dim3A_394, %mul3A_396 : vector<1x128xf32>
    %slice3A_398 = vector.extract_strided_slice %dot_general3A_219 {offsets = [0, 2560], sizes = [512, 256], strides = [1, 1]} : vector<512x16384xf32> to vector<512x256xf32>
    %convert_element_type3A_399 = arith.truncf %slice3A_398 : vector<512x256xf32> to vector<512x256xbf16>
    %dot_general3A_400 = arith.constant dense<0.000000e+00> : vector<512x128xf32>
    %dot_general3A_401 = tpu.matmul %convert_element_type3A_399, %get3A_12, %dot_general3A_400 {dimension_numbers = #tpu.dot_dimension_numbers<[1], [0], [0], [1], [0, 0, 1, 1], [], []>, transpose_lhs_hint = false} : vector<512x256xbf16>, vector<256x128xbf16>, vector<512x128xf32> -> vector<512x128xf32>
    %get3A_402 = arith.constant 0 : index
    %get3A_403 = arith.constant 0 : index
    %get3A_404 = vector.load %arg7[%get3A_402, %get3A_403] : memref<1x128xf32, #tpu.memory_space<vmem>>, vector<1x128xf32>
    %add3A_405 = vector.broadcast %get3A_404 : vector<1x128xf32> to vector<512x128xf32>
    %add3A_406 = arith.addf %dot_general3A_401, %add3A_405 : vector<512x128xf32>
    %max3A_407 = arith.constant 0.000000e+00 : f32
    %max3A_408 = vector.broadcast %max3A_407 : f32 to vector<512x128xf32>
    %max3A_409 = arith.maximumf %add3A_406, %max3A_408 : vector<512x128xf32>
    %reduce_sum3A_410 = arith.constant dense<0.000000e+00> : vector<128xf32>
    %reduce_sum3A_411 = vector.multi_reduction <add>, %max3A_409, %reduce_sum3A_410 [0] : vector<512x128xf32> to vector<128xf32>
    %broadcast_in_dim3A_412 = vector.shape_cast %reduce_sum3A_411 : vector<128xf32> to vector<1x128xf32>
    %mul3A_413 = arith.constant 0.001953125 : f32
    %mul3A_414 = vector.broadcast %mul3A_413 : f32 to vector<1x128xf32>
    %mul3A_415 = arith.mulf %broadcast_in_dim3A_412, %mul3A_414 : vector<1x128xf32>
    %slice3A_416 = vector.extract_strided_slice %dot_general3A_219 {offsets = [0, 2816], sizes = [512, 256], strides = [1, 1]} : vector<512x16384xf32> to vector<512x256xf32>
    %convert_element_type3A_417 = arith.truncf %slice3A_416 : vector<512x256xf32> to vector<512x256xbf16>
    %dot_general3A_418 = arith.constant dense<0.000000e+00> : vector<512x128xf32>
    %dot_general3A_419 = tpu.matmul %convert_element_type3A_417, %get3A_12, %dot_general3A_418 {dimension_numbers = #tpu.dot_dimension_numbers<[1], [0], [0], [1], [0, 0, 1, 1], [], []>, transpose_lhs_hint = false} : vector<512x256xbf16>, vector<256x128xbf16>, vector<512x128xf32> -> vector<512x128xf32>
    %get3A_420 = arith.constant 0 : index
    %get3A_421 = arith.constant 0 : index
    %get3A_422 = vector.load %arg7[%get3A_420, %get3A_421] : memref<1x128xf32, #tpu.memory_space<vmem>>, vector<1x128xf32>
    %add3A_423 = vector.broadcast %get3A_422 : vector<1x128xf32> to vector<512x128xf32>
    %add3A_424 = arith.addf %dot_general3A_419, %add3A_423 : vector<512x128xf32>
    %max3A_425 = arith.constant 0.000000e+00 : f32
    %max3A_426 = vector.broadcast %max3A_425 : f32 to vector<512x128xf32>
    %max3A_427 = arith.maximumf %add3A_424, %max3A_426 : vector<512x128xf32>
    %reduce_sum3A_428 = arith.constant dense<0.000000e+00> : vector<128xf32>
    %reduce_sum3A_429 = vector.multi_reduction <add>, %max3A_427, %reduce_sum3A_428 [0] : vector<512x128xf32> to vector<128xf32>
    %broadcast_in_dim3A_430 = vector.shape_cast %reduce_sum3A_429 : vector<128xf32> to vector<1x128xf32>
    %mul3A_431 = arith.constant 0.001953125 : f32
    %mul3A_432 = vector.broadcast %mul3A_431 : f32 to vector<1x128xf32>
    %mul3A_433 = arith.mulf %broadcast_in_dim3A_430, %mul3A_432 : vector<1x128xf32>
    %slice3A_434 = vector.extract_strided_slice %dot_general3A_219 {offsets = [0, 3072], sizes = [512, 256], strides = [1, 1]} : vector<512x16384xf32> to vector<512x256xf32>
    %convert_element_type3A_435 = arith.truncf %slice3A_434 : vector<512x256xf32> to vector<512x256xbf16>
    %dot_general3A_436 = arith.constant dense<0.000000e+00> : vector<512x128xf32>
    %dot_general3A_437 = tpu.matmul %convert_element_type3A_435, %get3A_12, %dot_general3A_436 {dimension_numbers = #tpu.dot_dimension_numbers<[1], [0], [0], [1], [0, 0, 1, 1], [], []>, transpose_lhs_hint = false} : vector<512x256xbf16>, vector<256x128xbf16>, vector<512x128xf32> -> vector<512x128xf32>
    %get3A_438 = arith.constant 0 : index
    %get3A_439 = arith.constant 0 : index
    %get3A_440 = vector.load %arg7[%get3A_438, %get3A_439] : memref<1x128xf32, #tpu.memory_space<vmem>>, vector<1x128xf32>
    %add3A_441 = vector.broadcast %get3A_440 : vector<1x128xf32> to vector<512x128xf32>
    %add3A_442 = arith.addf %dot_general3A_437, %add3A_441 : vector<512x128xf32>
    %max3A_443 = arith.constant 0.000000e+00 : f32
    %max3A_444 = vector.broadcast %max3A_443 : f32 to vector<512x128xf32>
    %max3A_445 = arith.maximumf %add3A_442, %max3A_444 : vector<512x128xf32>
    %reduce_sum3A_446 = arith.constant dense<0.000000e+00> : vector<128xf32>
    %reduce_sum3A_447 = vector.multi_reduction <add>, %max3A_445, %reduce_sum3A_446 [0] : vector<512x128xf32> to vector<128xf32>
    %broadcast_in_dim3A_448 = vector.shape_cast %reduce_sum3A_447 : vector<128xf32> to vector<1x128xf32>
    %mul3A_449 = arith.constant 0.001953125 : f32
    %mul3A_450 = vector.broadcast %mul3A_449 : f32 to vector<1x128xf32>
    %mul3A_451 = arith.mulf %broadcast_in_dim3A_448, %mul3A_450 : vector<1x128xf32>
    %slice3A_452 = vector.extract_strided_slice %dot_general3A_219 {offsets = [0, 3328], sizes = [512, 256], strides = [1, 1]} : vector<512x16384xf32> to vector<512x256xf32>
    %convert_element_type3A_453 = arith.truncf %slice3A_452 : vector<512x256xf32> to vector<512x256xbf16>
    %dot_general3A_454 = arith.constant dense<0.000000e+00> : vector<512x128xf32>
    %dot_general3A_455 = tpu.matmul %convert_element_type3A_453, %get3A_12, %dot_general3A_454 {dimension_numbers = #tpu.dot_dimension_numbers<[1], [0], [0], [1], [0, 0, 1, 1], [], []>, transpose_lhs_hint = false} : vector<512x256xbf16>, vector<256x128xbf16>, vector<512x128xf32> -> vector<512x128xf32>
    %get3A_456 = arith.constant 0 : index
    %get3A_457 = arith.constant 0 : index
    %get3A_458 = vector.load %arg7[%get3A_456, %get3A_457] : memref<1x128xf32, #tpu.memory_space<vmem>>, vector<1x128xf32>
    %add3A_459 = vector.broadcast %get3A_458 : vector<1x128xf32> to vector<512x128xf32>
    %add3A_460 = arith.addf %dot_general3A_455, %add3A_459 : vector<512x128xf32>
    %max3A_461 = arith.constant 0.000000e+00 : f32
    %max3A_462 = vector.broadcast %max3A_461 : f32 to vector<512x128xf32>
    %max3A_463 = arith.maximumf %add3A_460, %max3A_462 : vector<512x128xf32>
    %reduce_sum3A_464 = arith.constant dense<0.000000e+00> : vector<128xf32>
    %reduce_sum3A_465 = vector.multi_reduction <add>, %max3A_463, %reduce_sum3A_464 [0] : vector<512x128xf32> to vector<128xf32>
    %broadcast_in_dim3A_466 = vector.shape_cast %reduce_sum3A_465 : vector<128xf32> to vector<1x128xf32>
    %mul3A_467 = arith.constant 0.001953125 : f32
    %mul3A_468 = vector.broadcast %mul3A_467 : f32 to vector<1x128xf32>
    %mul3A_469 = arith.mulf %broadcast_in_dim3A_466, %mul3A_468 : vector<1x128xf32>
    %slice3A_470 = vector.extract_strided_slice %dot_general3A_219 {offsets = [0, 3584], sizes = [512, 256], strides = [1, 1]} : vector<512x16384xf32> to vector<512x256xf32>
    %convert_element_type3A_471 = arith.truncf %slice3A_470 : vector<512x256xf32> to vector<512x256xbf16>
    %dot_general3A_472 = arith.constant dense<0.000000e+00> : vector<512x128xf32>
    %dot_general3A_473 = tpu.matmul %convert_element_type3A_471, %get3A_12, %dot_general3A_472 {dimension_numbers = #tpu.dot_dimension_numbers<[1], [0], [0], [1], [0, 0, 1, 1], [], []>, transpose_lhs_hint = false} : vector<512x256xbf16>, vector<256x128xbf16>, vector<512x128xf32> -> vector<512x128xf32>
    %get3A_474 = arith.constant 0 : index
    %get3A_475 = arith.constant 0 : index
    %get3A_476 = vector.load %arg7[%get3A_474, %get3A_475] : memref<1x128xf32, #tpu.memory_space<vmem>>, vector<1x128xf32>
    %add3A_477 = vector.broadcast %get3A_476 : vector<1x128xf32> to vector<512x128xf32>
    %add3A_478 = arith.addf %dot_general3A_473, %add3A_477 : vector<512x128xf32>
    %max3A_479 = arith.constant 0.000000e+00 : f32
    %max3A_480 = vector.broadcast %max3A_479 : f32 to vector<512x128xf32>
    %max3A_481 = arith.maximumf %add3A_478, %max3A_480 : vector<512x128xf32>
    %reduce_sum3A_482 = arith.constant dense<0.000000e+00> : vector<128xf32>
    %reduce_sum3A_483 = vector.multi_reduction <add>, %max3A_481, %reduce_sum3A_482 [0] : vector<512x128xf32> to vector<128xf32>
    %broadcast_in_dim3A_484 = vector.shape_cast %reduce_sum3A_483 : vector<128xf32> to vector<1x128xf32>
    %mul3A_485 = arith.constant 0.001953125 : f32
    %mul3A_486 = vector.broadcast %mul3A_485 : f32 to vector<1x128xf32>
    %mul3A_487 = arith.mulf %broadcast_in_dim3A_484, %mul3A_486 : vector<1x128xf32>
    %slice3A_488 = vector.extract_strided_slice %dot_general3A_219 {offsets = [0, 3840], sizes = [512, 256], strides = [1, 1]} : vector<512x16384xf32> to vector<512x256xf32>
    %convert_element_type3A_489 = arith.truncf %slice3A_488 : vector<512x256xf32> to vector<512x256xbf16>
    %dot_general3A_490 = arith.constant dense<0.000000e+00> : vector<512x128xf32>
    %dot_general3A_491 = tpu.matmul %convert_element_type3A_489, %get3A_12, %dot_general3A_490 {dimension_numbers = #tpu.dot_dimension_numbers<[1], [0], [0], [1], [0, 0, 1, 1], [], []>, transpose_lhs_hint = false} : vector<512x256xbf16>, vector<256x128xbf16>, vector<512x128xf32> -> vector<512x128xf32>
    %get3A_492 = arith.constant 0 : index
    %get3A_493 = arith.constant 0 : index
    %get3A_494 = vector.load %arg7[%get3A_492, %get3A_493] : memref<1x128xf32, #tpu.memory_space<vmem>>, vector<1x128xf32>
    %add3A_495 = vector.broadcast %get3A_494 : vector<1x128xf32> to vector<512x128xf32>
    %add3A_496 = arith.addf %dot_general3A_491, %add3A_495 : vector<512x128xf32>
    %max3A_497 = arith.constant 0.000000e+00 : f32
    %max3A_498 = vector.broadcast %max3A_497 : f32 to vector<512x128xf32>
    %max3A_499 = arith.maximumf %add3A_496, %max3A_498 : vector<512x128xf32>
    %reduce_sum3A_500 = arith.constant dense<0.000000e+00> : vector<128xf32>
    %reduce_sum3A_501 = vector.multi_reduction <add>, %max3A_499, %reduce_sum3A_500 [0] : vector<512x128xf32> to vector<128xf32>
    %broadcast_in_dim3A_502 = vector.shape_cast %reduce_sum3A_501 : vector<128xf32> to vector<1x128xf32>
    %mul3A_503 = arith.constant 0.001953125 : f32
    %mul3A_504 = vector.broadcast %mul3A_503 : f32 to vector<1x128xf32>
    %mul3A_505 = arith.mulf %broadcast_in_dim3A_502, %mul3A_504 : vector<1x128xf32>
    %slice3A_506 = vector.extract_strided_slice %dot_general3A_219 {offsets = [0, 4096], sizes = [512, 256], strides = [1, 1]} : vector<512x16384xf32> to vector<512x256xf32>
    %convert_element_type3A_507 = arith.truncf %slice3A_506 : vector<512x256xf32> to vector<512x256xbf16>
    %dot_general3A_508 = arith.constant dense<0.000000e+00> : vector<512x128xf32>
    %dot_general3A_509 = tpu.matmul %convert_element_type3A_507, %get3A_12, %dot_general3A_508 {dimension_numbers = #tpu.dot_dimension_numbers<[1], [0], [0], [1], [0, 0, 1, 1], [], []>, transpose_lhs_hint = false} : vector<512x256xbf16>, vector<256x128xbf16>, vector<512x128xf32> -> vector<512x128xf32>
    %get3A_510 = arith.constant 0 : index
    %get3A_511 = arith.constant 0 : index
    %get3A_512 = vector.load %arg7[%get3A_510, %get3A_511] : memref<1x128xf32, #tpu.memory_space<vmem>>, vector<1x128xf32>
    %add3A_513 = vector.broadcast %get3A_512 : vector<1x128xf32> to vector<512x128xf32>
    %add3A_514 = arith.addf %dot_general3A_509, %add3A_513 : vector<512x128xf32>
    %max3A_515 = arith.constant 0.000000e+00 : f32
    %max3A_516 = vector.broadcast %max3A_515 : f32 to vector<512x128xf32>
    %max3A_517 = arith.maximumf %add3A_514, %max3A_516 : vector<512x128xf32>
    %reduce_sum3A_518 = arith.constant dense<0.000000e+00> : vector<128xf32>
    %reduce_sum3A_519 = vector.multi_reduction <add>, %max3A_517, %reduce_sum3A_518 [0] : vector<512x128xf32> to vector<128xf32>
    %broadcast_in_dim3A_520 = vector.shape_cast %reduce_sum3A_519 : vector<128xf32> to vector<1x128xf32>
    %mul3A_521 = arith.constant 0.001953125 : f32
    %mul3A_522 = vector.broadcast %mul3A_521 : f32 to vector<1x128xf32>
    %mul3A_523 = arith.mulf %broadcast_in_dim3A_520, %mul3A_522 : vector<1x128xf32>
    %slice3A_524 = vector.extract_strided_slice %dot_general3A_219 {offsets = [0, 4352], sizes = [512, 256], strides = [1, 1]} : vector<512x16384xf32> to vector<512x256xf32>
    %convert_element_type3A_525 = arith.truncf %slice3A_524 : vector<512x256xf32> to vector<512x256xbf16>
    %dot_general3A_526 = arith.constant dense<0.000000e+00> : vector<512x128xf32>
    %dot_general3A_527 = tpu.matmul %convert_element_type3A_525, %get3A_12, %dot_general3A_526 {dimension_numbers = #tpu.dot_dimension_numbers<[1], [0], [0], [1], [0, 0, 1, 1], [], []>, transpose_lhs_hint = false} : vector<512x256xbf16>, vector<256x128xbf16>, vector<512x128xf32> -> vector<512x128xf32>
    %get3A_528 = arith.constant 0 : index
    %get3A_529 = arith.constant 0 : index
    %get3A_530 = vector.load %arg7[%get3A_528, %get3A_529] : memref<1x128xf32, #tpu.memory_space<vmem>>, vector<1x128xf32>
    %add3A_531 = vector.broadcast %get3A_530 : vector<1x128xf32> to vector<512x128xf32>
    %add3A_532 = arith.addf %dot_general3A_527, %add3A_531 : vector<512x128xf32>
    %max3A_533 = arith.constant 0.000000e+00 : f32
    %max3A_534 = vector.broadcast %max3A_533 : f32 to vector<512x128xf32>
    %max3A_535 = arith.maximumf %add3A_532, %max3A_534 : vector<512x128xf32>
    %reduce_sum3A_536 = arith.constant dense<0.000000e+00> : vector<128xf32>
    %reduce_sum3A_537 = vector.multi_reduction <add>, %max3A_535, %reduce_sum3A_536 [0] : vector<512x128xf32> to vector<128xf32>
    %broadcast_in_dim3A_538 = vector.shape_cast %reduce_sum3A_537 : vector<128xf32> to vector<1x128xf32>
    %mul3A_539 = arith.constant 0.001953125 : f32
    %mul3A_540 = vector.broadcast %mul3A_539 : f32 to vector<1x128xf32>
    %mul3A_541 = arith.mulf %broadcast_in_dim3A_538, %mul3A_540 : vector<1x128xf32>
    %slice3A_542 = vector.extract_strided_slice %dot_general3A_219 {offsets = [0, 4608], sizes = [512, 256], strides = [1, 1]} : vector<512x16384xf32> to vector<512x256xf32>
    %convert_element_type3A_543 = arith.truncf %slice3A_542 : vector<512x256xf32> to vector<512x256xbf16>
    %dot_general3A_544 = arith.constant dense<0.000000e+00> : vector<512x128xf32>
    %dot_general3A_545 = tpu.matmul %convert_element_type3A_543, %get3A_12, %dot_general3A_544 {dimension_numbers = #tpu.dot_dimension_numbers<[1], [0], [0], [1], [0, 0, 1, 1], [], []>, transpose_lhs_hint = false} : vector<512x256xbf16>, vector<256x128xbf16>, vector<512x128xf32> -> vector<512x128xf32>
    %get3A_546 = arith.constant 0 : index
    %get3A_547 = arith.constant 0 : index
    %get3A_548 = vector.load %arg7[%get3A_546, %get3A_547] : memref<1x128xf32, #tpu.memory_space<vmem>>, vector<1x128xf32>
    %add3A_549 = vector.broadcast %get3A_548 : vector<1x128xf32> to vector<512x128xf32>
    %add3A_550 = arith.addf %dot_general3A_545, %add3A_549 : vector<512x128xf32>
    %max3A_551 = arith.constant 0.000000e+00 : f32
    %max3A_552 = vector.broadcast %max3A_551 : f32 to vector<512x128xf32>
    %max3A_553 = arith.maximumf %add3A_550, %max3A_552 : vector<512x128xf32>
    %reduce_sum3A_554 = arith.constant dense<0.000000e+00> : vector<128xf32>
    %reduce_sum3A_555 = vector.multi_reduction <add>, %max3A_553, %reduce_sum3A_554 [0] : vector<512x128xf32> to vector<128xf32>
    %broadcast_in_dim3A_556 = vector.shape_cast %reduce_sum3A_555 : vector<128xf32> to vector<1x128xf32>
    %mul3A_557 = arith.constant 0.001953125 : f32
    %mul3A_558 = vector.broadcast %mul3A_557 : f32 to vector<1x128xf32>
    %mul3A_559 = arith.mulf %broadcast_in_dim3A_556, %mul3A_558 : vector<1x128xf32>
    %slice3A_560 = vector.extract_strided_slice %dot_general3A_219 {offsets = [0, 4864], sizes = [512, 256], strides = [1, 1]} : vector<512x16384xf32> to vector<512x256xf32>
    %convert_element_type3A_561 = arith.truncf %slice3A_560 : vector<512x256xf32> to vector<512x256xbf16>
    %dot_general3A_562 = arith.constant dense<0.000000e+00> : vector<512x128xf32>
    %dot_general3A_563 = tpu.matmul %convert_element_type3A_561, %get3A_12, %dot_general3A_562 {dimension_numbers = #tpu.dot_dimension_numbers<[1], [0], [0], [1], [0, 0, 1, 1], [], []>, transpose_lhs_hint = false} : vector<512x256xbf16>, vector<256x128xbf16>, vector<512x128xf32> -> vector<512x128xf32>
    %get3A_564 = arith.constant 0 : index
    %get3A_565 = arith.constant 0 : index
    %get3A_566 = vector.load %arg7[%get3A_564, %get3A_565] : memref<1x128xf32, #tpu.memory_space<vmem>>, vector<1x128xf32>
    %add3A_567 = vector.broadcast %get3A_566 : vector<1x128xf32> to vector<512x128xf32>
    %add3A_568 = arith.addf %dot_general3A_563, %add3A_567 : vector<512x128xf32>
    %max3A_569 = arith.constant 0.000000e+00 : f32
    %max3A_570 = vector.broadcast %max3A_569 : f32 to vector<512x128xf32>
    %max3A_571 = arith.maximumf %add3A_568, %max3A_570 : vector<512x128xf32>
    %reduce_sum3A_572 = arith.constant dense<0.000000e+00> : vector<128xf32>
    %reduce_sum3A_573 = vector.multi_reduction <add>, %max3A_571, %reduce_sum3A_572 [0] : vector<512x128xf32> to vector<128xf32>
    %broadcast_in_dim3A_574 = vector.shape_cast %reduce_sum3A_573 : vector<128xf32> to vector<1x128xf32>
    %mul3A_575 = arith.constant 0.001953125 : f32
    %mul3A_576 = vector.broadcast %mul3A_575 : f32 to vector<1x128xf32>
    %mul3A_577 = arith.mulf %broadcast_in_dim3A_574, %mul3A_576 : vector<1x128xf32>
    %slice3A_578 = vector.extract_strided_slice %dot_general3A_219 {offsets = [0, 5120], sizes = [512, 256], strides = [1, 1]} : vector<512x16384xf32> to vector<512x256xf32>
    %convert_element_type3A_579 = arith.truncf %slice3A_578 : vector<512x256xf32> to vector<512x256xbf16>
    %dot_general3A_580 = arith.constant dense<0.000000e+00> : vector<512x128xf32>
    %dot_general3A_581 = tpu.matmul %convert_element_type3A_579, %get3A_12, %dot_general3A_580 {dimension_numbers = #tpu.dot_dimension_numbers<[1], [0], [0], [1], [0, 0, 1, 1], [], []>, transpose_lhs_hint = false} : vector<512x256xbf16>, vector<256x128xbf16>, vector<512x128xf32> -> vector<512x128xf32>
    %get3A_582 = arith.constant 0 : index
    %get3A_583 = arith.constant 0 : index
    %get3A_584 = vector.load %arg7[%get3A_582, %get3A_583] : memref<1x128xf32, #tpu.memory_space<vmem>>, vector<1x128xf32>
    %add3A_585 = vector.broadcast %get3A_584 : vector<1x128xf32> to vector<512x128xf32>
    %add3A_586 = arith.addf %dot_general3A_581, %add3A_585 : vector<512x128xf32>
    %max3A_587 = arith.constant 0.000000e+00 : f32
    %max3A_588 = vector.broadcast %max3A_587 : f32 to vector<512x128xf32>
    %max3A_589 = arith.maximumf %add3A_586, %max3A_588 : vector<512x128xf32>
    %reduce_sum3A_590 = arith.constant dense<0.000000e+00> : vector<128xf32>
    %reduce_sum3A_591 = vector.multi_reduction <add>, %max3A_589, %reduce_sum3A_590 [0] : vector<512x128xf32> to vector<128xf32>
    %broadcast_in_dim3A_592 = vector.shape_cast %reduce_sum3A_591 : vector<128xf32> to vector<1x128xf32>
    %mul3A_593 = arith.constant 0.001953125 : f32
    %mul3A_594 = vector.broadcast %mul3A_593 : f32 to vector<1x128xf32>
    %mul3A_595 = arith.mulf %broadcast_in_dim3A_592, %mul3A_594 : vector<1x128xf32>
    %slice3A_596 = vector.extract_strided_slice %dot_general3A_219 {offsets = [0, 5376], sizes = [512, 256], strides = [1, 1]} : vector<512x16384xf32> to vector<512x256xf32>
    %convert_element_type3A_597 = arith.truncf %slice3A_596 : vector<512x256xf32> to vector<512x256xbf16>
    %dot_general3A_598 = arith.constant dense<0.000000e+00> : vector<512x128xf32>
    %dot_general3A_599 = tpu.matmul %convert_element_type3A_597, %get3A_12, %dot_general3A_598 {dimension_numbers = #tpu.dot_dimension_numbers<[1], [0], [0], [1], [0, 0, 1, 1], [], []>, transpose_lhs_hint = false} : vector<512x256xbf16>, vector<256x128xbf16>, vector<512x128xf32> -> vector<512x128xf32>
    %get3A_600 = arith.constant 0 : index
    %get3A_601 = arith.constant 0 : index
    %get3A_602 = vector.load %arg7[%get3A_600, %get3A_601] : memref<1x128xf32, #tpu.memory_space<vmem>>, vector<1x128xf32>
    %add3A_603 = vector.broadcast %get3A_602 : vector<1x128xf32> to vector<512x128xf32>
    %add3A_604 = arith.addf %dot_general3A_599, %add3A_603 : vector<512x128xf32>
    %max3A_605 = arith.constant 0.000000e+00 : f32
    %max3A_606 = vector.broadcast %max3A_605 : f32 to vector<512x128xf32>
    %max3A_607 = arith.maximumf %add3A_604, %max3A_606 : vector<512x128xf32>
    %reduce_sum3A_608 = arith.constant dense<0.000000e+00> : vector<128xf32>
    %reduce_sum3A_609 = vector.multi_reduction <add>, %max3A_607, %reduce_sum3A_608 [0] : vector<512x128xf32> to vector<128xf32>
    %broadcast_in_dim3A_610 = vector.shape_cast %reduce_sum3A_609 : vector<128xf32> to vector<1x128xf32>
    %mul3A_611 = arith.constant 0.001953125 : f32
    %mul3A_612 = vector.broadcast %mul3A_611 : f32 to vector<1x128xf32>
    %mul3A_613 = arith.mulf %broadcast_in_dim3A_610, %mul3A_612 : vector<1x128xf32>
    %slice3A_614 = vector.extract_strided_slice %dot_general3A_219 {offsets = [0, 5632], sizes = [512, 256], strides = [1, 1]} : vector<512x16384xf32> to vector<512x256xf32>
    %convert_element_type3A_615 = arith.truncf %slice3A_614 : vector<512x256xf32> to vector<512x256xbf16>
    %dot_general3A_616 = arith.constant dense<0.000000e+00> : vector<512x128xf32>
    %dot_general3A_617 = tpu.matmul %convert_element_type3A_615, %get3A_12, %dot_general3A_616 {dimension_numbers = #tpu.dot_dimension_numbers<[1], [0], [0], [1], [0, 0, 1, 1], [], []>, transpose_lhs_hint = false} : vector<512x256xbf16>, vector<256x128xbf16>, vector<512x128xf32> -> vector<512x128xf32>
    %get3A_618 = arith.constant 0 : index
    %get3A_619 = arith.constant 0 : index
    %get3A_620 = vector.load %arg7[%get3A_618, %get3A_619] : memref<1x128xf32, #tpu.memory_space<vmem>>, vector<1x128xf32>
    %add3A_621 = vector.broadcast %get3A_620 : vector<1x128xf32> to vector<512x128xf32>
    %add3A_622 = arith.addf %dot_general3A_617, %add3A_621 : vector<512x128xf32>
    %max3A_623 = arith.constant 0.000000e+00 : f32
    %max3A_624 = vector.broadcast %max3A_623 : f32 to vector<512x128xf32>
    %max3A_625 = arith.maximumf %add3A_622, %max3A_624 : vector<512x128xf32>
    %reduce_sum3A_626 = arith.constant dense<0.000000e+00> : vector<128xf32>
    %reduce_sum3A_627 = vector.multi_reduction <add>, %max3A_625, %reduce_sum3A_626 [0] : vector<512x128xf32> to vector<128xf32>
    %broadcast_in_dim3A_628 = vector.shape_cast %reduce_sum3A_627 : vector<128xf32> to vector<1x128xf32>
    %mul3A_629 = arith.constant 0.001953125 : f32
    %mul3A_630 = vector.broadcast %mul3A_629 : f32 to vector<1x128xf32>
    %mul3A_631 = arith.mulf %broadcast_in_dim3A_628, %mul3A_630 : vector<1x128xf32>
    %slice3A_632 = vector.extract_strided_slice %dot_general3A_219 {offsets = [0, 5888], sizes = [512, 256], strides = [1, 1]} : vector<512x16384xf32> to vector<512x256xf32>
    %convert_element_type3A_633 = arith.truncf %slice3A_632 : vector<512x256xf32> to vector<512x256xbf16>
    %dot_general3A_634 = arith.constant dense<0.000000e+00> : vector<512x128xf32>
    %dot_general3A_635 = tpu.matmul %convert_element_type3A_633, %get3A_12, %dot_general3A_634 {dimension_numbers = #tpu.dot_dimension_numbers<[1], [0], [0], [1], [0, 0, 1, 1], [], []>, transpose_lhs_hint = false} : vector<512x256xbf16>, vector<256x128xbf16>, vector<512x128xf32> -> vector<512x128xf32>
    %get3A_636 = arith.constant 0 : index
    %get3A_637 = arith.constant 0 : index
    %get3A_638 = vector.load %arg7[%get3A_636, %get3A_637] : memref<1x128xf32, #tpu.memory_space<vmem>>, vector<1x128xf32>
    %add3A_639 = vector.broadcast %get3A_638 : vector<1x128xf32> to vector<512x128xf32>
    %add3A_640 = arith.addf %dot_general3A_635, %add3A_639 : vector<512x128xf32>
    %max3A_641 = arith.constant 0.000000e+00 : f32
    %max3A_642 = vector.broadcast %max3A_641 : f32 to vector<512x128xf32>
    %max3A_643 = arith.maximumf %add3A_640, %max3A_642 : vector<512x128xf32>
    %reduce_sum3A_644 = arith.constant dense<0.000000e+00> : vector<128xf32>
    %reduce_sum3A_645 = vector.multi_reduction <add>, %max3A_643, %reduce_sum3A_644 [0] : vector<512x128xf32> to vector<128xf32>
    %broadcast_in_dim3A_646 = vector.shape_cast %reduce_sum3A_645 : vector<128xf32> to vector<1x128xf32>
    %mul3A_647 = arith.constant 0.001953125 : f32
    %mul3A_648 = vector.broadcast %mul3A_647 : f32 to vector<1x128xf32>
    %mul3A_649 = arith.mulf %broadcast_in_dim3A_646, %mul3A_648 : vector<1x128xf32>
    %slice3A_650 = vector.extract_strided_slice %dot_general3A_219 {offsets = [0, 6144], sizes = [512, 256], strides = [1, 1]} : vector<512x16384xf32> to vector<512x256xf32>
    %convert_element_type3A_651 = arith.truncf %slice3A_650 : vector<512x256xf32> to vector<512x256xbf16>
    %dot_general3A_652 = arith.constant dense<0.000000e+00> : vector<512x128xf32>
    %dot_general3A_653 = tpu.matmul %convert_element_type3A_651, %get3A_12, %dot_general3A_652 {dimension_numbers = #tpu.dot_dimension_numbers<[1], [0], [0], [1], [0, 0, 1, 1], [], []>, transpose_lhs_hint = false} : vector<512x256xbf16>, vector<256x128xbf16>, vector<512x128xf32> -> vector<512x128xf32>
    %get3A_654 = arith.constant 0 : index
    %get3A_655 = arith.constant 0 : index
    %get3A_656 = vector.load %arg7[%get3A_654, %get3A_655] : memref<1x128xf32, #tpu.memory_space<vmem>>, vector<1x128xf32>
    %add3A_657 = vector.broadcast %get3A_656 : vector<1x128xf32> to vector<512x128xf32>
    %add3A_658 = arith.addf %dot_general3A_653, %add3A_657 : vector<512x128xf32>
    %max3A_659 = arith.constant 0.000000e+00 : f32
    %max3A_660 = vector.broadcast %max3A_659 : f32 to vector<512x128xf32>
    %max3A_661 = arith.maximumf %add3A_658, %max3A_660 : vector<512x128xf32>
    %reduce_sum3A_662 = arith.constant dense<0.000000e+00> : vector<128xf32>
    %reduce_sum3A_663 = vector.multi_reduction <add>, %max3A_661, %reduce_sum3A_662 [0] : vector<512x128xf32> to vector<128xf32>
    %broadcast_in_dim3A_664 = vector.shape_cast %reduce_sum3A_663 : vector<128xf32> to vector<1x128xf32>
    %mul3A_665 = arith.constant 0.001953125 : f32
    %mul3A_666 = vector.broadcast %mul3A_665 : f32 to vector<1x128xf32>
    %mul3A_667 = arith.mulf %broadcast_in_dim3A_664, %mul3A_666 : vector<1x128xf32>
    %slice3A_668 = vector.extract_strided_slice %dot_general3A_219 {offsets = [0, 6400], sizes = [512, 256], strides = [1, 1]} : vector<512x16384xf32> to vector<512x256xf32>
    %convert_element_type3A_669 = arith.truncf %slice3A_668 : vector<512x256xf32> to vector<512x256xbf16>
    %dot_general3A_670 = arith.constant dense<0.000000e+00> : vector<512x128xf32>
    %dot_general3A_671 = tpu.matmul %convert_element_type3A_669, %get3A_12, %dot_general3A_670 {dimension_numbers = #tpu.dot_dimension_numbers<[1], [0], [0], [1], [0, 0, 1, 1], [], []>, transpose_lhs_hint = false} : vector<512x256xbf16>, vector<256x128xbf16>, vector<512x128xf32> -> vector<512x128xf32>
    %get3A_672 = arith.constant 0 : index
    %get3A_673 = arith.constant 0 : index
    %get3A_674 = vector.load %arg7[%get3A_672, %get3A_673] : memref<1x128xf32, #tpu.memory_space<vmem>>, vector<1x128xf32>
    %add3A_675 = vector.broadcast %get3A_674 : vector<1x128xf32> to vector<512x128xf32>
    %add3A_676 = arith.addf %dot_general3A_671, %add3A_675 : vector<512x128xf32>
    %max3A_677 = arith.constant 0.000000e+00 : f32
    %max3A_678 = vector.broadcast %max3A_677 : f32 to vector<512x128xf32>
    %max3A_679 = arith.maximumf %add3A_676, %max3A_678 : vector<512x128xf32>
    %reduce_sum3A_680 = arith.constant dense<0.000000e+00> : vector<128xf32>
    %reduce_sum3A_681 = vector.multi_reduction <add>, %max3A_679, %reduce_sum3A_680 [0] : vector<512x128xf32> to vector<128xf32>
    %broadcast_in_dim3A_682 = vector.shape_cast %reduce_sum3A_681 : vector<128xf32> to vector<1x128xf32>
    %mul3A_683 = arith.constant 0.001953125 : f32
    %mul3A_684 = vector.broadcast %mul3A_683 : f32 to vector<1x128xf32>
    %mul3A_685 = arith.mulf %broadcast_in_dim3A_682, %mul3A_684 : vector<1x128xf32>
    %slice3A_686 = vector.extract_strided_slice %dot_general3A_219 {offsets = [0, 6656], sizes = [512, 256], strides = [1, 1]} : vector<512x16384xf32> to vector<512x256xf32>
    %convert_element_type3A_687 = arith.truncf %slice3A_686 : vector<512x256xf32> to vector<512x256xbf16>
    %dot_general3A_688 = arith.constant dense<0.000000e+00> : vector<512x128xf32>
    %dot_general3A_689 = tpu.matmul %convert_element_type3A_687, %get3A_12, %dot_general3A_688 {dimension_numbers = #tpu.dot_dimension_numbers<[1], [0], [0], [1], [0, 0, 1, 1], [], []>, transpose_lhs_hint = false} : vector<512x256xbf16>, vector<256x128xbf16>, vector<512x128xf32> -> vector<512x128xf32>
    %get3A_690 = arith.constant 0 : index
    %get3A_691 = arith.constant 0 : index
    %get3A_692 = vector.load %arg7[%get3A_690, %get3A_691] : memref<1x128xf32, #tpu.memory_space<vmem>>, vector<1x128xf32>
    %add3A_693 = vector.broadcast %get3A_692 : vector<1x128xf32> to vector<512x128xf32>
    %add3A_694 = arith.addf %dot_general3A_689, %add3A_693 : vector<512x128xf32>
    %max3A_695 = arith.constant 0.000000e+00 : f32
    %max3A_696 = vector.broadcast %max3A_695 : f32 to vector<512x128xf32>
    %max3A_697 = arith.maximumf %add3A_694, %max3A_696 : vector<512x128xf32>
    %reduce_sum3A_698 = arith.constant dense<0.000000e+00> : vector<128xf32>
    %reduce_sum3A_699 = vector.multi_reduction <add>, %max3A_697, %reduce_sum3A_698 [0] : vector<512x128xf32> to vector<128xf32>
    %broadcast_in_dim3A_700 = vector.shape_cast %reduce_sum3A_699 : vector<128xf32> to vector<1x128xf32>
    %mul3A_701 = arith.constant 0.001953125 : f32
    %mul3A_702 = vector.broadcast %mul3A_701 : f32 to vector<1x128xf32>
    %mul3A_703 = arith.mulf %broadcast_in_dim3A_700, %mul3A_702 : vector<1x128xf32>
    %slice3A_704 = vector.extract_strided_slice %dot_general3A_219 {offsets = [0, 6912], sizes = [512, 256], strides = [1, 1]} : vector<512x16384xf32> to vector<512x256xf32>
    %convert_element_type3A_705 = arith.truncf %slice3A_704 : vector<512x256xf32> to vector<512x256xbf16>
    %dot_general3A_706 = arith.constant dense<0.000000e+00> : vector<512x128xf32>
    %dot_general3A_707 = tpu.matmul %convert_element_type3A_705, %get3A_12, %dot_general3A_706 {dimension_numbers = #tpu.dot_dimension_numbers<[1], [0], [0], [1], [0, 0, 1, 1], [], []>, transpose_lhs_hint = false} : vector<512x256xbf16>, vector<256x128xbf16>, vector<512x128xf32> -> vector<512x128xf32>
    %get3A_708 = arith.constant 0 : index
    %get3A_709 = arith.constant 0 : index
    %get3A_710 = vector.load %arg7[%get3A_708, %get3A_709] : memref<1x128xf32, #tpu.memory_space<vmem>>, vector<1x128xf32>
    %add3A_711 = vector.broadcast %get3A_710 : vector<1x128xf32> to vector<512x128xf32>
    %add3A_712 = arith.addf %dot_general3A_707, %add3A_711 : vector<512x128xf32>
    %max3A_713 = arith.constant 0.000000e+00 : f32
    %max3A_714 = vector.broadcast %max3A_713 : f32 to vector<512x128xf32>
    %max3A_715 = arith.maximumf %add3A_712, %max3A_714 : vector<512x128xf32>
    %reduce_sum3A_716 = arith.constant dense<0.000000e+00> : vector<128xf32>
    %reduce_sum3A_717 = vector.multi_reduction <add>, %max3A_715, %reduce_sum3A_716 [0] : vector<512x128xf32> to vector<128xf32>
    %broadcast_in_dim3A_718 = vector.shape_cast %reduce_sum3A_717 : vector<128xf32> to vector<1x128xf32>
    %mul3A_719 = arith.constant 0.001953125 : f32
    %mul3A_720 = vector.broadcast %mul3A_719 : f32 to vector<1x128xf32>
    %mul3A_721 = arith.mulf %broadcast_in_dim3A_718, %mul3A_720 : vector<1x128xf32>
    %slice3A_722 = vector.extract_strided_slice %dot_general3A_219 {offsets = [0, 7168], sizes = [512, 256], strides = [1, 1]} : vector<512x16384xf32> to vector<512x256xf32>
    %convert_element_type3A_723 = arith.truncf %slice3A_722 : vector<512x256xf32> to vector<512x256xbf16>
    %dot_general3A_724 = arith.constant dense<0.000000e+00> : vector<512x128xf32>
    %dot_general3A_725 = tpu.matmul %convert_element_type3A_723, %get3A_12, %dot_general3A_724 {dimension_numbers = #tpu.dot_dimension_numbers<[1], [0], [0], [1], [0, 0, 1, 1], [], []>, transpose_lhs_hint = false} : vector<512x256xbf16>, vector<256x128xbf16>, vector<512x128xf32> -> vector<512x128xf32>
    %get3A_726 = arith.constant 0 : index
    %get3A_727 = arith.constant 0 : index
    %get3A_728 = vector.load %arg7[%get3A_726, %get3A_727] : memref<1x128xf32, #tpu.memory_space<vmem>>, vector<1x128xf32>
    %add3A_729 = vector.broadcast %get3A_728 : vector<1x128xf32> to vector<512x128xf32>
    %add3A_730 = arith.addf %dot_general3A_725, %add3A_729 : vector<512x128xf32>
    %max3A_731 = arith.constant 0.000000e+00 : f32
    %max3A_732 = vector.broadcast %max3A_731 : f32 to vector<512x128xf32>
    %max3A_733 = arith.maximumf %add3A_730, %max3A_732 : vector<512x128xf32>
    %reduce_sum3A_734 = arith.constant dense<0.000000e+00> : vector<128xf32>
    %reduce_sum3A_735 = vector.multi_reduction <add>, %max3A_733, %reduce_sum3A_734 [0] : vector<512x128xf32> to vector<128xf32>
    %broadcast_in_dim3A_736 = vector.shape_cast %reduce_sum3A_735 : vector<128xf32> to vector<1x128xf32>
    %mul3A_737 = arith.constant 0.001953125 : f32
    %mul3A_738 = vector.broadcast %mul3A_737 : f32 to vector<1x128xf32>
    %mul3A_739 = arith.mulf %broadcast_in_dim3A_736, %mul3A_738 : vector<1x128xf32>
    %slice3A_740 = vector.extract_strided_slice %dot_general3A_219 {offsets = [0, 7424], sizes = [512, 256], strides = [1, 1]} : vector<512x16384xf32> to vector<512x256xf32>
    %convert_element_type3A_741 = arith.truncf %slice3A_740 : vector<512x256xf32> to vector<512x256xbf16>
    %dot_general3A_742 = arith.constant dense<0.000000e+00> : vector<512x128xf32>
    %dot_general3A_743 = tpu.matmul %convert_element_type3A_741, %get3A_12, %dot_general3A_742 {dimension_numbers = #tpu.dot_dimension_numbers<[1], [0], [0], [1], [0, 0, 1, 1], [], []>, transpose_lhs_hint = false} : vector<512x256xbf16>, vector<256x128xbf16>, vector<512x128xf32> -> vector<512x128xf32>
    %get3A_744 = arith.constant 0 : index
    %get3A_745 = arith.constant 0 : index
    %get3A_746 = vector.load %arg7[%get3A_744, %get3A_745] : memref<1x128xf32, #tpu.memory_space<vmem>>, vector<1x128xf32>
    %add3A_747 = vector.broadcast %get3A_746 : vector<1x128xf32> to vector<512x128xf32>
    %add3A_748 = arith.addf %dot_general3A_743, %add3A_747 : vector<512x128xf32>
    %max3A_749 = arith.constant 0.000000e+00 : f32
    %max3A_750 = vector.broadcast %max3A_749 : f32 to vector<512x128xf32>
    %max3A_751 = arith.maximumf %add3A_748, %max3A_750 : vector<512x128xf32>
    %reduce_sum3A_752 = arith.constant dense<0.000000e+00> : vector<128xf32>
    %reduce_sum3A_753 = vector.multi_reduction <add>, %max3A_751, %reduce_sum3A_752 [0] : vector<512x128xf32> to vector<128xf32>
    %broadcast_in_dim3A_754 = vector.shape_cast %reduce_sum3A_753 : vector<128xf32> to vector<1x128xf32>
    %mul3A_755 = arith.constant 0.001953125 : f32
    %mul3A_756 = vector.broadcast %mul3A_755 : f32 to vector<1x128xf32>
    %mul3A_757 = arith.mulf %broadcast_in_dim3A_754, %mul3A_756 : vector<1x128xf32>
    %slice3A_758 = vector.extract_strided_slice %dot_general3A_219 {offsets = [0, 7680], sizes = [512, 256], strides = [1, 1]} : vector<512x16384xf32> to vector<512x256xf32>
    %convert_element_type3A_759 = arith.truncf %slice3A_758 : vector<512x256xf32> to vector<512x256xbf16>
    %dot_general3A_760 = arith.constant dense<0.000000e+00> : vector<512x128xf32>
    %dot_general3A_761 = tpu.matmul %convert_element_type3A_759, %get3A_12, %dot_general3A_760 {dimension_numbers = #tpu.dot_dimension_numbers<[1], [0], [0], [1], [0, 0, 1, 1], [], []>, transpose_lhs_hint = false} : vector<512x256xbf16>, vector<256x128xbf16>, vector<512x128xf32> -> vector<512x128xf32>
    %get3A_762 = arith.constant 0 : index
    %get3A_763 = arith.constant 0 : index
    %get3A_764 = vector.load %arg7[%get3A_762, %get3A_763] : memref<1x128xf32, #tpu.memory_space<vmem>>, vector<1x128xf32>
    %add3A_765 = vector.broadcast %get3A_764 : vector<1x128xf32> to vector<512x128xf32>
    %add3A_766 = arith.addf %dot_general3A_761, %add3A_765 : vector<512x128xf32>
    %max3A_767 = arith.constant 0.000000e+00 : f32
    %max3A_768 = vector.broadcast %max3A_767 : f32 to vector<512x128xf32>
    %max3A_769 = arith.maximumf %add3A_766, %max3A_768 : vector<512x128xf32>
    %reduce_sum3A_770 = arith.constant dense<0.000000e+00> : vector<128xf32>
    %reduce_sum3A_771 = vector.multi_reduction <add>, %max3A_769, %reduce_sum3A_770 [0] : vector<512x128xf32> to vector<128xf32>
    %broadcast_in_dim3A_772 = vector.shape_cast %reduce_sum3A_771 : vector<128xf32> to vector<1x128xf32>
    %mul3A_773 = arith.constant 0.001953125 : f32
    %mul3A_774 = vector.broadcast %mul3A_773 : f32 to vector<1x128xf32>
    %mul3A_775 = arith.mulf %broadcast_in_dim3A_772, %mul3A_774 : vector<1x128xf32>
    %slice3A_776 = vector.extract_strided_slice %dot_general3A_219 {offsets = [0, 7936], sizes = [512, 256], strides = [1, 1]} : vector<512x16384xf32> to vector<512x256xf32>
    %convert_element_type3A_777 = arith.truncf %slice3A_776 : vector<512x256xf32> to vector<512x256xbf16>
    %dot_general3A_778 = arith.constant dense<0.000000e+00> : vector<512x128xf32>
    %dot_general3A_779 = tpu.matmul %convert_element_type3A_777, %get3A_12, %dot_general3A_778 {dimension_numbers = #tpu.dot_dimension_numbers<[1], [0], [0], [1], [0, 0, 1, 1], [], []>, transpose_lhs_hint = false} : vector<512x256xbf16>, vector<256x128xbf16>, vector<512x128xf32> -> vector<512x128xf32>
    %get3A_780 = arith.constant 0 : index
    %get3A_781 = arith.constant 0 : index
    %get3A_782 = vector.load %arg7[%get3A_780, %get3A_781] : memref<1x128xf32, #tpu.memory_space<vmem>>, vector<1x128xf32>
    %add3A_783 = vector.broadcast %get3A_782 : vector<1x128xf32> to vector<512x128xf32>
    %add3A_784 = arith.addf %dot_general3A_779, %add3A_783 : vector<512x128xf32>
    %max3A_785 = arith.constant 0.000000e+00 : f32
    %max3A_786 = vector.broadcast %max3A_785 : f32 to vector<512x128xf32>
    %max3A_787 = arith.maximumf %add3A_784, %max3A_786 : vector<512x128xf32>
    %reduce_sum3A_788 = arith.constant dense<0.000000e+00> : vector<128xf32>
    %reduce_sum3A_789 = vector.multi_reduction <add>, %max3A_787, %reduce_sum3A_788 [0] : vector<512x128xf32> to vector<128xf32>
    %broadcast_in_dim3A_790 = vector.shape_cast %reduce_sum3A_789 : vector<128xf32> to vector<1x128xf32>
    %mul3A_791 = arith.constant 0.001953125 : f32
    %mul3A_792 = vector.broadcast %mul3A_791 : f32 to vector<1x128xf32>
    %mul3A_793 = arith.mulf %broadcast_in_dim3A_790, %mul3A_792 : vector<1x128xf32>
    %slice3A_794 = vector.extract_strided_slice %dot_general3A_219 {offsets = [0, 8192], sizes = [512, 256], strides = [1, 1]} : vector<512x16384xf32> to vector<512x256xf32>
    %convert_element_type3A_795 = arith.truncf %slice3A_794 : vector<512x256xf32> to vector<512x256xbf16>
    %dot_general3A_796 = arith.constant dense<0.000000e+00> : vector<512x128xf32>
    %dot_general3A_797 = tpu.matmul %convert_element_type3A_795, %get3A_12, %dot_general3A_796 {dimension_numbers = #tpu.dot_dimension_numbers<[1], [0], [0], [1], [0, 0, 1, 1], [], []>, transpose_lhs_hint = false} : vector<512x256xbf16>, vector<256x128xbf16>, vector<512x128xf32> -> vector<512x128xf32>
    %get3A_798 = arith.constant 0 : index
    %get3A_799 = arith.constant 0 : index
    %get3A_800 = vector.load %arg7[%get3A_798, %get3A_799] : memref<1x128xf32, #tpu.memory_space<vmem>>, vector<1x128xf32>
    %add3A_801 = vector.broadcast %get3A_800 : vector<1x128xf32> to vector<512x128xf32>
    %add3A_802 = arith.addf %dot_general3A_797, %add3A_801 : vector<512x128xf32>
    %max3A_803 = arith.constant 0.000000e+00 : f32
    %max3A_804 = vector.broadcast %max3A_803 : f32 to vector<512x128xf32>
    %max3A_805 = arith.maximumf %add3A_802, %max3A_804 : vector<512x128xf32>
    %reduce_sum3A_806 = arith.constant dense<0.000000e+00> : vector<128xf32>
    %reduce_sum3A_807 = vector.multi_reduction <add>, %max3A_805, %reduce_sum3A_806 [0] : vector<512x128xf32> to vector<128xf32>
    %broadcast_in_dim3A_808 = vector.shape_cast %reduce_sum3A_807 : vector<128xf32> to vector<1x128xf32>
    %mul3A_809 = arith.constant 0.001953125 : f32
    %mul3A_810 = vector.broadcast %mul3A_809 : f32 to vector<1x128xf32>
    %mul3A_811 = arith.mulf %broadcast_in_dim3A_808, %mul3A_810 : vector<1x128xf32>
    %slice3A_812 = vector.extract_strided_slice %dot_general3A_219 {offsets = [0, 8448], sizes = [512, 256], strides = [1, 1]} : vector<512x16384xf32> to vector<512x256xf32>
    %convert_element_type3A_813 = arith.truncf %slice3A_812 : vector<512x256xf32> to vector<512x256xbf16>
    %dot_general3A_814 = arith.constant dense<0.000000e+00> : vector<512x128xf32>
    %dot_general3A_815 = tpu.matmul %convert_element_type3A_813, %get3A_12, %dot_general3A_814 {dimension_numbers = #tpu.dot_dimension_numbers<[1], [0], [0], [1], [0, 0, 1, 1], [], []>, transpose_lhs_hint = false} : vector<512x256xbf16>, vector<256x128xbf16>, vector<512x128xf32> -> vector<512x128xf32>
    %get3A_816 = arith.constant 0 : index
    %get3A_817 = arith.constant 0 : index
    %get3A_818 = vector.load %arg7[%get3A_816, %get3A_817] : memref<1x128xf32, #tpu.memory_space<vmem>>, vector<1x128xf32>
    %add3A_819 = vector.broadcast %get3A_818 : vector<1x128xf32> to vector<512x128xf32>
    %add3A_820 = arith.addf %dot_general3A_815, %add3A_819 : vector<512x128xf32>
    %max3A_821 = arith.constant 0.000000e+00 : f32
    %max3A_822 = vector.broadcast %max3A_821 : f32 to vector<512x128xf32>
    %max3A_823 = arith.maximumf %add3A_820, %max3A_822 : vector<512x128xf32>
    %reduce_sum3A_824 = arith.constant dense<0.000000e+00> : vector<128xf32>
    %reduce_sum3A_825 = vector.multi_reduction <add>, %max3A_823, %reduce_sum3A_824 [0] : vector<512x128xf32> to vector<128xf32>
    %broadcast_in_dim3A_826 = vector.shape_cast %reduce_sum3A_825 : vector<128xf32> to vector<1x128xf32>
    %mul3A_827 = arith.constant 0.001953125 : f32
    %mul3A_828 = vector.broadcast %mul3A_827 : f32 to vector<1x128xf32>
    %mul3A_829 = arith.mulf %broadcast_in_dim3A_826, %mul3A_828 : vector<1x128xf32>
    %slice3A_830 = vector.extract_strided_slice %dot_general3A_219 {offsets = [0, 8704], sizes = [512, 256], strides = [1, 1]} : vector<512x16384xf32> to vector<512x256xf32>
    %convert_element_type3A_831 = arith.truncf %slice3A_830 : vector<512x256xf32> to vector<512x256xbf16>
    %dot_general3A_832 = arith.constant dense<0.000000e+00> : vector<512x128xf32>
    %dot_general3A_833 = tpu.matmul %convert_element_type3A_831, %get3A_12, %dot_general3A_832 {dimension_numbers = #tpu.dot_dimension_numbers<[1], [0], [0], [1], [0, 0, 1, 1], [], []>, transpose_lhs_hint = false} : vector<512x256xbf16>, vector<256x128xbf16>, vector<512x128xf32> -> vector<512x128xf32>
    %get3A_834 = arith.constant 0 : index
    %get3A_835 = arith.constant 0 : index
    %get3A_836 = vector.load %arg7[%get3A_834, %get3A_835] : memref<1x128xf32, #tpu.memory_space<vmem>>, vector<1x128xf32>
    %add3A_837 = vector.broadcast %get3A_836 : vector<1x128xf32> to vector<512x128xf32>
    %add3A_838 = arith.addf %dot_general3A_833, %add3A_837 : vector<512x128xf32>
    %max3A_839 = arith.constant 0.000000e+00 : f32
    %max3A_840 = vector.broadcast %max3A_839 : f32 to vector<512x128xf32>
    %max3A_841 = arith.maximumf %add3A_838, %max3A_840 : vector<512x128xf32>
    %reduce_sum3A_842 = arith.constant dense<0.000000e+00> : vector<128xf32>
    %reduce_sum3A_843 = vector.multi_reduction <add>, %max3A_841, %reduce_sum3A_842 [0] : vector<512x128xf32> to vector<128xf32>
    %broadcast_in_dim3A_844 = vector.shape_cast %reduce_sum3A_843 : vector<128xf32> to vector<1x128xf32>
    %mul3A_845 = arith.constant 0.001953125 : f32
    %mul3A_846 = vector.broadcast %mul3A_845 : f32 to vector<1x128xf32>
    %mul3A_847 = arith.mulf %broadcast_in_dim3A_844, %mul3A_846 : vector<1x128xf32>
    %slice3A_848 = vector.extract_strided_slice %dot_general3A_219 {offsets = [0, 8960], sizes = [512, 256], strides = [1, 1]} : vector<512x16384xf32> to vector<512x256xf32>
    %convert_element_type3A_849 = arith.truncf %slice3A_848 : vector<512x256xf32> to vector<512x256xbf16>
    %dot_general3A_850 = arith.constant dense<0.000000e+00> : vector<512x128xf32>
    %dot_general3A_851 = tpu.matmul %convert_element_type3A_849, %get3A_12, %dot_general3A_850 {dimension_numbers = #tpu.dot_dimension_numbers<[1], [0], [0], [1], [0, 0, 1, 1], [], []>, transpose_lhs_hint = false} : vector<512x256xbf16>, vector<256x128xbf16>, vector<512x128xf32> -> vector<512x128xf32>
    %get3A_852 = arith.constant 0 : index
    %get3A_853 = arith.constant 0 : index
    %get3A_854 = vector.load %arg7[%get3A_852, %get3A_853] : memref<1x128xf32, #tpu.memory_space<vmem>>, vector<1x128xf32>
    %add3A_855 = vector.broadcast %get3A_854 : vector<1x128xf32> to vector<512x128xf32>
    %add3A_856 = arith.addf %dot_general3A_851, %add3A_855 : vector<512x128xf32>
    %max3A_857 = arith.constant 0.000000e+00 : f32
    %max3A_858 = vector.broadcast %max3A_857 : f32 to vector<512x128xf32>
    %max3A_859 = arith.maximumf %add3A_856, %max3A_858 : vector<512x128xf32>
    %reduce_sum3A_860 = arith.constant dense<0.000000e+00> : vector<128xf32>
    %reduce_sum3A_861 = vector.multi_reduction <add>, %max3A_859, %reduce_sum3A_860 [0] : vector<512x128xf32> to vector<128xf32>
    %broadcast_in_dim3A_862 = vector.shape_cast %reduce_sum3A_861 : vector<128xf32> to vector<1x128xf32>
    %mul3A_863 = arith.constant 0.001953125 : f32
    %mul3A_864 = vector.broadcast %mul3A_863 : f32 to vector<1x128xf32>
    %mul3A_865 = arith.mulf %broadcast_in_dim3A_862, %mul3A_864 : vector<1x128xf32>
    %slice3A_866 = vector.extract_strided_slice %dot_general3A_219 {offsets = [0, 9216], sizes = [512, 256], strides = [1, 1]} : vector<512x16384xf32> to vector<512x256xf32>
    %convert_element_type3A_867 = arith.truncf %slice3A_866 : vector<512x256xf32> to vector<512x256xbf16>
    %dot_general3A_868 = arith.constant dense<0.000000e+00> : vector<512x128xf32>
    %dot_general3A_869 = tpu.matmul %convert_element_type3A_867, %get3A_12, %dot_general3A_868 {dimension_numbers = #tpu.dot_dimension_numbers<[1], [0], [0], [1], [0, 0, 1, 1], [], []>, transpose_lhs_hint = false} : vector<512x256xbf16>, vector<256x128xbf16>, vector<512x128xf32> -> vector<512x128xf32>
    %get3A_870 = arith.constant 0 : index
    %get3A_871 = arith.constant 0 : index
    %get3A_872 = vector.load %arg7[%get3A_870, %get3A_871] : memref<1x128xf32, #tpu.memory_space<vmem>>, vector<1x128xf32>
    %add3A_873 = vector.broadcast %get3A_872 : vector<1x128xf32> to vector<512x128xf32>
    %add3A_874 = arith.addf %dot_general3A_869, %add3A_873 : vector<512x128xf32>
    %max3A_875 = arith.constant 0.000000e+00 : f32
    %max3A_876 = vector.broadcast %max3A_875 : f32 to vector<512x128xf32>
    %max3A_877 = arith.maximumf %add3A_874, %max3A_876 : vector<512x128xf32>
    %reduce_sum3A_878 = arith.constant dense<0.000000e+00> : vector<128xf32>
    %reduce_sum3A_879 = vector.multi_reduction <add>, %max3A_877, %reduce_sum3A_878 [0] : vector<512x128xf32> to vector<128xf32>
    %broadcast_in_dim3A_880 = vector.shape_cast %reduce_sum3A_879 : vector<128xf32> to vector<1x128xf32>
    %mul3A_881 = arith.constant 0.001953125 : f32
    %mul3A_882 = vector.broadcast %mul3A_881 : f32 to vector<1x128xf32>
    %mul3A_883 = arith.mulf %broadcast_in_dim3A_880, %mul3A_882 : vector<1x128xf32>
    %slice3A_884 = vector.extract_strided_slice %dot_general3A_219 {offsets = [0, 9472], sizes = [512, 256], strides = [1, 1]} : vector<512x16384xf32> to vector<512x256xf32>
    %convert_element_type3A_885 = arith.truncf %slice3A_884 : vector<512x256xf32> to vector<512x256xbf16>
    %dot_general3A_886 = arith.constant dense<0.000000e+00> : vector<512x128xf32>
    %dot_general3A_887 = tpu.matmul %convert_element_type3A_885, %get3A_12, %dot_general3A_886 {dimension_numbers = #tpu.dot_dimension_numbers<[1], [0], [0], [1], [0, 0, 1, 1], [], []>, transpose_lhs_hint = false} : vector<512x256xbf16>, vector<256x128xbf16>, vector<512x128xf32> -> vector<512x128xf32>
    %get3A_888 = arith.constant 0 : index
    %get3A_889 = arith.constant 0 : index
    %get3A_890 = vector.load %arg7[%get3A_888, %get3A_889] : memref<1x128xf32, #tpu.memory_space<vmem>>, vector<1x128xf32>
    %add3A_891 = vector.broadcast %get3A_890 : vector<1x128xf32> to vector<512x128xf32>
    %add3A_892 = arith.addf %dot_general3A_887, %add3A_891 : vector<512x128xf32>
    %max3A_893 = arith.constant 0.000000e+00 : f32
    %max3A_894 = vector.broadcast %max3A_893 : f32 to vector<512x128xf32>
    %max3A_895 = arith.maximumf %add3A_892, %max3A_894 : vector<512x128xf32>
    %reduce_sum3A_896 = arith.constant dense<0.000000e+00> : vector<128xf32>
    %reduce_sum3A_897 = vector.multi_reduction <add>, %max3A_895, %reduce_sum3A_896 [0] : vector<512x128xf32> to vector<128xf32>
    %broadcast_in_dim3A_898 = vector.shape_cast %reduce_sum3A_897 : vector<128xf32> to vector<1x128xf32>
    %mul3A_899 = arith.constant 0.001953125 : f32
    %mul3A_900 = vector.broadcast %mul3A_899 : f32 to vector<1x128xf32>
    %mul3A_901 = arith.mulf %broadcast_in_dim3A_898, %mul3A_900 : vector<1x128xf32>
    %slice3A_902 = vector.extract_strided_slice %dot_general3A_219 {offsets = [0, 9728], sizes = [512, 256], strides = [1, 1]} : vector<512x16384xf32> to vector<512x256xf32>
    %convert_element_type3A_903 = arith.truncf %slice3A_902 : vector<512x256xf32> to vector<512x256xbf16>
    %dot_general3A_904 = arith.constant dense<0.000000e+00> : vector<512x128xf32>
    %dot_general3A_905 = tpu.matmul %convert_element_type3A_903, %get3A_12, %dot_general3A_904 {dimension_numbers = #tpu.dot_dimension_numbers<[1], [0], [0], [1], [0, 0, 1, 1], [], []>, transpose_lhs_hint = false} : vector<512x256xbf16>, vector<256x128xbf16>, vector<512x128xf32> -> vector<512x128xf32>
    %get3A_906 = arith.constant 0 : index
    %get3A_907 = arith.constant 0 : index
    %get3A_908 = vector.load %arg7[%get3A_906, %get3A_907] : memref<1x128xf32, #tpu.memory_space<vmem>>, vector<1x128xf32>
    %add3A_909 = vector.broadcast %get3A_908 : vector<1x128xf32> to vector<512x128xf32>
    %add3A_910 = arith.addf %dot_general3A_905, %add3A_909 : vector<512x128xf32>
    %max3A_911 = arith.constant 0.000000e+00 : f32
    %max3A_912 = vector.broadcast %max3A_911 : f32 to vector<512x128xf32>
    %max3A_913 = arith.maximumf %add3A_910, %max3A_912 : vector<512x128xf32>
    %reduce_sum3A_914 = arith.constant dense<0.000000e+00> : vector<128xf32>
    %reduce_sum3A_915 = vector.multi_reduction <add>, %max3A_913, %reduce_sum3A_914 [0] : vector<512x128xf32> to vector<128xf32>
    %broadcast_in_dim3A_916 = vector.shape_cast %reduce_sum3A_915 : vector<128xf32> to vector<1x128xf32>
    %mul3A_917 = arith.constant 0.001953125 : f32
    %mul3A_918 = vector.broadcast %mul3A_917 : f32 to vector<1x128xf32>
    %mul3A_919 = arith.mulf %broadcast_in_dim3A_916, %mul3A_918 : vector<1x128xf32>
    %slice3A_920 = vector.extract_strided_slice %dot_general3A_219 {offsets = [0, 9984], sizes = [512, 256], strides = [1, 1]} : vector<512x16384xf32> to vector<512x256xf32>
    %convert_element_type3A_921 = arith.truncf %slice3A_920 : vector<512x256xf32> to vector<512x256xbf16>
    %dot_general3A_922 = arith.constant dense<0.000000e+00> : vector<512x128xf32>
    %dot_general3A_923 = tpu.matmul %convert_element_type3A_921, %get3A_12, %dot_general3A_922 {dimension_numbers = #tpu.dot_dimension_numbers<[1], [0], [0], [1], [0, 0, 1, 1], [], []>, transpose_lhs_hint = false} : vector<512x256xbf16>, vector<256x128xbf16>, vector<512x128xf32> -> vector<512x128xf32>
    %get3A_924 = arith.constant 0 : index
    %get3A_925 = arith.constant 0 : index
    %get3A_926 = vector.load %arg7[%get3A_924, %get3A_925] : memref<1x128xf32, #tpu.memory_space<vmem>>, vector<1x128xf32>
    %add3A_927 = vector.broadcast %get3A_926 : vector<1x128xf32> to vector<512x128xf32>
    %add3A_928 = arith.addf %dot_general3A_923, %add3A_927 : vector<512x128xf32>
    %max3A_929 = arith.constant 0.000000e+00 : f32
    %max3A_930 = vector.broadcast %max3A_929 : f32 to vector<512x128xf32>
    %max3A_931 = arith.maximumf %add3A_928, %max3A_930 : vector<512x128xf32>
    %reduce_sum3A_932 = arith.constant dense<0.000000e+00> : vector<128xf32>
    %reduce_sum3A_933 = vector.multi_reduction <add>, %max3A_931, %reduce_sum3A_932 [0] : vector<512x128xf32> to vector<128xf32>
    %broadcast_in_dim3A_934 = vector.shape_cast %reduce_sum3A_933 : vector<128xf32> to vector<1x128xf32>
    %mul3A_935 = arith.constant 0.001953125 : f32
    %mul3A_936 = vector.broadcast %mul3A_935 : f32 to vector<1x128xf32>
    %mul3A_937 = arith.mulf %broadcast_in_dim3A_934, %mul3A_936 : vector<1x128xf32>
    %slice3A_938 = vector.extract_strided_slice %dot_general3A_219 {offsets = [0, 10240], sizes = [512, 256], strides = [1, 1]} : vector<512x16384xf32> to vector<512x256xf32>
    %convert_element_type3A_939 = arith.truncf %slice3A_938 : vector<512x256xf32> to vector<512x256xbf16>
    %dot_general3A_940 = arith.constant dense<0.000000e+00> : vector<512x128xf32>
    %dot_general3A_941 = tpu.matmul %convert_element_type3A_939, %get3A_12, %dot_general3A_940 {dimension_numbers = #tpu.dot_dimension_numbers<[1], [0], [0], [1], [0, 0, 1, 1], [], []>, transpose_lhs_hint = false} : vector<512x256xbf16>, vector<256x128xbf16>, vector<512x128xf32> -> vector<512x128xf32>
    %get3A_942 = arith.constant 0 : index
    %get3A_943 = arith.constant 0 : index
    %get3A_944 = vector.load %arg7[%get3A_942, %get3A_943] : memref<1x128xf32, #tpu.memory_space<vmem>>, vector<1x128xf32>
    %add3A_945 = vector.broadcast %get3A_944 : vector<1x128xf32> to vector<512x128xf32>
    %add3A_946 = arith.addf %dot_general3A_941, %add3A_945 : vector<512x128xf32>
    %max3A_947 = arith.constant 0.000000e+00 : f32
    %max3A_948 = vector.broadcast %max3A_947 : f32 to vector<512x128xf32>
    %max3A_949 = arith.maximumf %add3A_946, %max3A_948 : vector<512x128xf32>
    %reduce_sum3A_950 = arith.constant dense<0.000000e+00> : vector<128xf32>
    %reduce_sum3A_951 = vector.multi_reduction <add>, %max3A_949, %reduce_sum3A_950 [0] : vector<512x128xf32> to vector<128xf32>
    %broadcast_in_dim3A_952 = vector.shape_cast %reduce_sum3A_951 : vector<128xf32> to vector<1x128xf32>
    %mul3A_953 = arith.constant 0.001953125 : f32
    %mul3A_954 = vector.broadcast %mul3A_953 : f32 to vector<1x128xf32>
    %mul3A_955 = arith.mulf %broadcast_in_dim3A_952, %mul3A_954 : vector<1x128xf32>
    %slice3A_956 = vector.extract_strided_slice %dot_general3A_219 {offsets = [0, 10496], sizes = [512, 256], strides = [1, 1]} : vector<512x16384xf32> to vector<512x256xf32>
    %convert_element_type3A_957 = arith.truncf %slice3A_956 : vector<512x256xf32> to vector<512x256xbf16>
    %dot_general3A_958 = arith.constant dense<0.000000e+00> : vector<512x128xf32>
    %dot_general3A_959 = tpu.matmul %convert_element_type3A_957, %get3A_12, %dot_general3A_958 {dimension_numbers = #tpu.dot_dimension_numbers<[1], [0], [0], [1], [0, 0, 1, 1], [], []>, transpose_lhs_hint = false} : vector<512x256xbf16>, vector<256x128xbf16>, vector<512x128xf32> -> vector<512x128xf32>
    %get3A_960 = arith.constant 0 : index
    %get3A_961 = arith.constant 0 : index
    %get3A_962 = vector.load %arg7[%get3A_960, %get3A_961] : memref<1x128xf32, #tpu.memory_space<vmem>>, vector<1x128xf32>
    %add3A_963 = vector.broadcast %get3A_962 : vector<1x128xf32> to vector<512x128xf32>
    %add3A_964 = arith.addf %dot_general3A_959, %add3A_963 : vector<512x128xf32>
    %max3A_965 = arith.constant 0.000000e+00 : f32
    %max3A_966 = vector.broadcast %max3A_965 : f32 to vector<512x128xf32>
    %max3A_967 = arith.maximumf %add3A_964, %max3A_966 : vector<512x128xf32>
    %reduce_sum3A_968 = arith.constant dense<0.000000e+00> : vector<128xf32>
    %reduce_sum3A_969 = vector.multi_reduction <add>, %max3A_967, %reduce_sum3A_968 [0] : vector<512x128xf32> to vector<128xf32>
    %broadcast_in_dim3A_970 = vector.shape_cast %reduce_sum3A_969 : vector<128xf32> to vector<1x128xf32>
    %mul3A_971 = arith.constant 0.001953125 : f32
    %mul3A_972 = vector.broadcast %mul3A_971 : f32 to vector<1x128xf32>
    %mul3A_973 = arith.mulf %broadcast_in_dim3A_970, %mul3A_972 : vector<1x128xf32>
    %slice3A_974 = vector.extract_strided_slice %dot_general3A_219 {offsets = [0, 10752], sizes = [512, 256], strides = [1, 1]} : vector<512x16384xf32> to vector<512x256xf32>
    %convert_element_type3A_975 = arith.truncf %slice3A_974 : vector<512x256xf32> to vector<512x256xbf16>
    %dot_general3A_976 = arith.constant dense<0.000000e+00> : vector<512x128xf32>
    %dot_general3A_977 = tpu.matmul %convert_element_type3A_975, %get3A_12, %dot_general3A_976 {dimension_numbers = #tpu.dot_dimension_numbers<[1], [0], [0], [1], [0, 0, 1, 1], [], []>, transpose_lhs_hint = false} : vector<512x256xbf16>, vector<256x128xbf16>, vector<512x128xf32> -> vector<512x128xf32>
    %get3A_978 = arith.constant 0 : index
    %get3A_979 = arith.constant 0 : index
    %get3A_980 = vector.load %arg7[%get3A_978, %get3A_979] : memref<1x128xf32, #tpu.memory_space<vmem>>, vector<1x128xf32>
    %add3A_981 = vector.broadcast %get3A_980 : vector<1x128xf32> to vector<512x128xf32>
    %add3A_982 = arith.addf %dot_general3A_977, %add3A_981 : vector<512x128xf32>
    %max3A_983 = arith.constant 0.000000e+00 : f32
    %max3A_984 = vector.broadcast %max3A_983 : f32 to vector<512x128xf32>
    %max3A_985 = arith.maximumf %add3A_982, %max3A_984 : vector<512x128xf32>
    %reduce_sum3A_986 = arith.constant dense<0.000000e+00> : vector<128xf32>
    %reduce_sum3A_987 = vector.multi_reduction <add>, %max3A_985, %reduce_sum3A_986 [0] : vector<512x128xf32> to vector<128xf32>
    %broadcast_in_dim3A_988 = vector.shape_cast %reduce_sum3A_987 : vector<128xf32> to vector<1x128xf32>
    %mul3A_989 = arith.constant 0.001953125 : f32
    %mul3A_990 = vector.broadcast %mul3A_989 : f32 to vector<1x128xf32>
    %mul3A_991 = arith.mulf %broadcast_in_dim3A_988, %mul3A_990 : vector<1x128xf32>
    %slice3A_992 = vector.extract_strided_slice %dot_general3A_219 {offsets = [0, 11008], sizes = [512, 256], strides = [1, 1]} : vector<512x16384xf32> to vector<512x256xf32>
    %convert_element_type3A_993 = arith.truncf %slice3A_992 : vector<512x256xf32> to vector<512x256xbf16>
    %dot_general3A_994 = arith.constant dense<0.000000e+00> : vector<512x128xf32>
    %dot_general3A_995 = tpu.matmul %convert_element_type3A_993, %get3A_12, %dot_general3A_994 {dimension_numbers = #tpu.dot_dimension_numbers<[1], [0], [0], [1], [0, 0, 1, 1], [], []>, transpose_lhs_hint = false} : vector<512x256xbf16>, vector<256x128xbf16>, vector<512x128xf32> -> vector<512x128xf32>
    %get3A_996 = arith.constant 0 : index
    %get3A_997 = arith.constant 0 : index
    %get3A_998 = vector.load %arg7[%get3A_996, %get3A_997] : memref<1x128xf32, #tpu.memory_space<vmem>>, vector<1x128xf32>
    %add3A_999 = vector.broadcast %get3A_998 : vector<1x128xf32> to vector<512x128xf32>
    %add3A_1000 = arith.addf %dot_general3A_995, %add3A_999 : vector<512x128xf32>
    %max3A_1001 = arith.constant 0.000000e+00 : f32
    %max3A_1002 = vector.broadcast %max3A_1001 : f32 to vector<512x128xf32>
    %max3A_1003 = arith.maximumf %add3A_1000, %max3A_1002 : vector<512x128xf32>
    %reduce_sum3A_1004 = arith.constant dense<0.000000e+00> : vector<128xf32>
    %reduce_sum3A_1005 = vector.multi_reduction <add>, %max3A_1003, %reduce_sum3A_1004 [0] : vector<512x128xf32> to vector<128xf32>
    %broadcast_in_dim3A_1006 = vector.shape_cast %reduce_sum3A_1005 : vector<128xf32> to vector<1x128xf32>
    %mul3A_1007 = arith.constant 0.001953125 : f32
    %mul3A_1008 = vector.broadcast %mul3A_1007 : f32 to vector<1x128xf32>
    %mul3A_1009 = arith.mulf %broadcast_in_dim3A_1006, %mul3A_1008 : vector<1x128xf32>
    %slice3A_1010 = vector.extract_strided_slice %dot_general3A_219 {offsets = [0, 11264], sizes = [512, 256], strides = [1, 1]} : vector<512x16384xf32> to vector<512x256xf32>
    %convert_element_type3A_1011 = arith.truncf %slice3A_1010 : vector<512x256xf32> to vector<512x256xbf16>
    %dot_general3A_1012 = arith.constant dense<0.000000e+00> : vector<512x128xf32>
    %dot_general3A_1013 = tpu.matmul %convert_element_type3A_1011, %get3A_12, %dot_general3A_1012 {dimension_numbers = #tpu.dot_dimension_numbers<[1], [0], [0], [1], [0, 0, 1, 1], [], []>, transpose_lhs_hint = false} : vector<512x256xbf16>, vector<256x128xbf16>, vector<512x128xf32> -> vector<512x128xf32>
    %get3A_1014 = arith.constant 0 : index
    %get3A_1015 = arith.constant 0 : index
    %get3A_1016 = vector.load %arg7[%get3A_1014, %get3A_1015] : memref<1x128xf32, #tpu.memory_space<vmem>>, vector<1x128xf32>
    %add3A_1017 = vector.broadcast %get3A_1016 : vector<1x128xf32> to vector<512x128xf32>
    %add3A_1018 = arith.addf %dot_general3A_1013, %add3A_1017 : vector<512x128xf32>
    %max3A_1019 = arith.constant 0.000000e+00 : f32
    %max3A_1020 = vector.broadcast %max3A_1019 : f32 to vector<512x128xf32>
    %max3A_1021 = arith.maximumf %add3A_1018, %max3A_1020 : vector<512x128xf32>
    %reduce_sum3A_1022 = arith.constant dense<0.000000e+00> : vector<128xf32>
    %reduce_sum3A_1023 = vector.multi_reduction <add>, %max3A_1021, %reduce_sum3A_1022 [0] : vector<512x128xf32> to vector<128xf32>
    %broadcast_in_dim3A_1024 = vector.shape_cast %reduce_sum3A_1023 : vector<128xf32> to vector<1x128xf32>
    %mul3A_1025 = arith.constant 0.001953125 : f32
    %mul3A_1026 = vector.broadcast %mul3A_1025 : f32 to vector<1x128xf32>
    %mul3A_1027 = arith.mulf %broadcast_in_dim3A_1024, %mul3A_1026 : vector<1x128xf32>
    %slice3A_1028 = vector.extract_strided_slice %dot_general3A_219 {offsets = [0, 11520], sizes = [512, 256], strides = [1, 1]} : vector<512x16384xf32> to vector<512x256xf32>
    %convert_element_type3A_1029 = arith.truncf %slice3A_1028 : vector<512x256xf32> to vector<512x256xbf16>
    %dot_general3A_1030 = arith.constant dense<0.000000e+00> : vector<512x128xf32>
    %dot_general3A_1031 = tpu.matmul %convert_element_type3A_1029, %get3A_12, %dot_general3A_1030 {dimension_numbers = #tpu.dot_dimension_numbers<[1], [0], [0], [1], [0, 0, 1, 1], [], []>, transpose_lhs_hint = false} : vector<512x256xbf16>, vector<256x128xbf16>, vector<512x128xf32> -> vector<512x128xf32>
    %get3A_1032 = arith.constant 0 : index
    %get3A_1033 = arith.constant 0 : index
    %get3A_1034 = vector.load %arg7[%get3A_1032, %get3A_1033] : memref<1x128xf32, #tpu.memory_space<vmem>>, vector<1x128xf32>
    %add3A_1035 = vector.broadcast %get3A_1034 : vector<1x128xf32> to vector<512x128xf32>
    %add3A_1036 = arith.addf %dot_general3A_1031, %add3A_1035 : vector<512x128xf32>
    %max3A_1037 = arith.constant 0.000000e+00 : f32
    %max3A_1038 = vector.broadcast %max3A_1037 : f32 to vector<512x128xf32>
    %max3A_1039 = arith.maximumf %add3A_1036, %max3A_1038 : vector<512x128xf32>
    %reduce_sum3A_1040 = arith.constant dense<0.000000e+00> : vector<128xf32>
    %reduce_sum3A_1041 = vector.multi_reduction <add>, %max3A_1039, %reduce_sum3A_1040 [0] : vector<512x128xf32> to vector<128xf32>
    %broadcast_in_dim3A_1042 = vector.shape_cast %reduce_sum3A_1041 : vector<128xf32> to vector<1x128xf32>
    %mul3A_1043 = arith.constant 0.001953125 : f32
    %mul3A_1044 = vector.broadcast %mul3A_1043 : f32 to vector<1x128xf32>
    %mul3A_1045 = arith.mulf %broadcast_in_dim3A_1042, %mul3A_1044 : vector<1x128xf32>
    %slice3A_1046 = vector.extract_strided_slice %dot_general3A_219 {offsets = [0, 11776], sizes = [512, 256], strides = [1, 1]} : vector<512x16384xf32> to vector<512x256xf32>
    %convert_element_type3A_1047 = arith.truncf %slice3A_1046 : vector<512x256xf32> to vector<512x256xbf16>
    %dot_general3A_1048 = arith.constant dense<0.000000e+00> : vector<512x128xf32>
    %dot_general3A_1049 = tpu.matmul %convert_element_type3A_1047, %get3A_12, %dot_general3A_1048 {dimension_numbers = #tpu.dot_dimension_numbers<[1], [0], [0], [1], [0, 0, 1, 1], [], []>, transpose_lhs_hint = false} : vector<512x256xbf16>, vector<256x128xbf16>, vector<512x128xf32> -> vector<512x128xf32>
    %get3A_1050 = arith.constant 0 : index
    %get3A_1051 = arith.constant 0 : index
    %get3A_1052 = vector.load %arg7[%get3A_1050, %get3A_1051] : memref<1x128xf32, #tpu.memory_space<vmem>>, vector<1x128xf32>
    %add3A_1053 = vector.broadcast %get3A_1052 : vector<1x128xf32> to vector<512x128xf32>
    %add3A_1054 = arith.addf %dot_general3A_1049, %add3A_1053 : vector<512x128xf32>
    %max3A_1055 = arith.constant 0.000000e+00 : f32
    %max3A_1056 = vector.broadcast %max3A_1055 : f32 to vector<512x128xf32>
    %max3A_1057 = arith.maximumf %add3A_1054, %max3A_1056 : vector<512x128xf32>
    %reduce_sum3A_1058 = arith.constant dense<0.000000e+00> : vector<128xf32>
    %reduce_sum3A_1059 = vector.multi_reduction <add>, %max3A_1057, %reduce_sum3A_1058 [0] : vector<512x128xf32> to vector<128xf32>
    %broadcast_in_dim3A_1060 = vector.shape_cast %reduce_sum3A_1059 : vector<128xf32> to vector<1x128xf32>
    %mul3A_1061 = arith.constant 0.001953125 : f32
    %mul3A_1062 = vector.broadcast %mul3A_1061 : f32 to vector<1x128xf32>
    %mul3A_1063 = arith.mulf %broadcast_in_dim3A_1060, %mul3A_1062 : vector<1x128xf32>
    %slice3A_1064 = vector.extract_strided_slice %dot_general3A_219 {offsets = [0, 12032], sizes = [512, 256], strides = [1, 1]} : vector<512x16384xf32> to vector<512x256xf32>
    %convert_element_type3A_1065 = arith.truncf %slice3A_1064 : vector<512x256xf32> to vector<512x256xbf16>
    %dot_general3A_1066 = arith.constant dense<0.000000e+00> : vector<512x128xf32>
    %dot_general3A_1067 = tpu.matmul %convert_element_type3A_1065, %get3A_12, %dot_general3A_1066 {dimension_numbers = #tpu.dot_dimension_numbers<[1], [0], [0], [1], [0, 0, 1, 1], [], []>, transpose_lhs_hint = false} : vector<512x256xbf16>, vector<256x128xbf16>, vector<512x128xf32> -> vector<512x128xf32>
    %get3A_1068 = arith.constant 0 : index
    %get3A_1069 = arith.constant 0 : index
    %get3A_1070 = vector.load %arg7[%get3A_1068, %get3A_1069] : memref<1x128xf32, #tpu.memory_space<vmem>>, vector<1x128xf32>
    %add3A_1071 = vector.broadcast %get3A_1070 : vector<1x128xf32> to vector<512x128xf32>
    %add3A_1072 = arith.addf %dot_general3A_1067, %add3A_1071 : vector<512x128xf32>
    %max3A_1073 = arith.constant 0.000000e+00 : f32
    %max3A_1074 = vector.broadcast %max3A_1073 : f32 to vector<512x128xf32>
    %max3A_1075 = arith.maximumf %add3A_1072, %max3A_1074 : vector<512x128xf32>
    %reduce_sum3A_1076 = arith.constant dense<0.000000e+00> : vector<128xf32>
    %reduce_sum3A_1077 = vector.multi_reduction <add>, %max3A_1075, %reduce_sum3A_1076 [0] : vector<512x128xf32> to vector<128xf32>
    %broadcast_in_dim3A_1078 = vector.shape_cast %reduce_sum3A_1077 : vector<128xf32> to vector<1x128xf32>
    %mul3A_1079 = arith.constant 0.001953125 : f32
    %mul3A_1080 = vector.broadcast %mul3A_1079 : f32 to vector<1x128xf32>
    %mul3A_1081 = arith.mulf %broadcast_in_dim3A_1078, %mul3A_1080 : vector<1x128xf32>
    %slice3A_1082 = vector.extract_strided_slice %dot_general3A_219 {offsets = [0, 12288], sizes = [512, 256], strides = [1, 1]} : vector<512x16384xf32> to vector<512x256xf32>
    %convert_element_type3A_1083 = arith.truncf %slice3A_1082 : vector<512x256xf32> to vector<512x256xbf16>
    %dot_general3A_1084 = arith.constant dense<0.000000e+00> : vector<512x128xf32>
    %dot_general3A_1085 = tpu.matmul %convert_element_type3A_1083, %get3A_12, %dot_general3A_1084 {dimension_numbers = #tpu.dot_dimension_numbers<[1], [0], [0], [1], [0, 0, 1, 1], [], []>, transpose_lhs_hint = false} : vector<512x256xbf16>, vector<256x128xbf16>, vector<512x128xf32> -> vector<512x128xf32>
    %get3A_1086 = arith.constant 0 : index
    %get3A_1087 = arith.constant 0 : index
    %get3A_1088 = vector.load %arg7[%get3A_1086, %get3A_1087] : memref<1x128xf32, #tpu.memory_space<vmem>>, vector<1x128xf32>
    %add3A_1089 = vector.broadcast %get3A_1088 : vector<1x128xf32> to vector<512x128xf32>
    %add3A_1090 = arith.addf %dot_general3A_1085, %add3A_1089 : vector<512x128xf32>
    %max3A_1091 = arith.constant 0.000000e+00 : f32
    %max3A_1092 = vector.broadcast %max3A_1091 : f32 to vector<512x128xf32>
    %max3A_1093 = arith.maximumf %add3A_1090, %max3A_1092 : vector<512x128xf32>
    %reduce_sum3A_1094 = arith.constant dense<0.000000e+00> : vector<128xf32>
    %reduce_sum3A_1095 = vector.multi_reduction <add>, %max3A_1093, %reduce_sum3A_1094 [0] : vector<512x128xf32> to vector<128xf32>
    %broadcast_in_dim3A_1096 = vector.shape_cast %reduce_sum3A_1095 : vector<128xf32> to vector<1x128xf32>
    %mul3A_1097 = arith.constant 0.001953125 : f32
    %mul3A_1098 = vector.broadcast %mul3A_1097 : f32 to vector<1x128xf32>
    %mul3A_1099 = arith.mulf %broadcast_in_dim3A_1096, %mul3A_1098 : vector<1x128xf32>
    %slice3A_1100 = vector.extract_strided_slice %dot_general3A_219 {offsets = [0, 12544], sizes = [512, 256], strides = [1, 1]} : vector<512x16384xf32> to vector<512x256xf32>
    %convert_element_type3A_1101 = arith.truncf %slice3A_1100 : vector<512x256xf32> to vector<512x256xbf16>
    %dot_general3A_1102 = arith.constant dense<0.000000e+00> : vector<512x128xf32>
    %dot_general3A_1103 = tpu.matmul %convert_element_type3A_1101, %get3A_12, %dot_general3A_1102 {dimension_numbers = #tpu.dot_dimension_numbers<[1], [0], [0], [1], [0, 0, 1, 1], [], []>, transpose_lhs_hint = false} : vector<512x256xbf16>, vector<256x128xbf16>, vector<512x128xf32> -> vector<512x128xf32>
    %get3A_1104 = arith.constant 0 : index
    %get3A_1105 = arith.constant 0 : index
    %get3A_1106 = vector.load %arg7[%get3A_1104, %get3A_1105] : memref<1x128xf32, #tpu.memory_space<vmem>>, vector<1x128xf32>
    %add3A_1107 = vector.broadcast %get3A_1106 : vector<1x128xf32> to vector<512x128xf32>
    %add3A_1108 = arith.addf %dot_general3A_1103, %add3A_1107 : vector<512x128xf32>
    %max3A_1109 = arith.constant 0.000000e+00 : f32
    %max3A_1110 = vector.broadcast %max3A_1109 : f32 to vector<512x128xf32>
    %max3A_1111 = arith.maximumf %add3A_1108, %max3A_1110 : vector<512x128xf32>
    %reduce_sum3A_1112 = arith.constant dense<0.000000e+00> : vector<128xf32>
    %reduce_sum3A_1113 = vector.multi_reduction <add>, %max3A_1111, %reduce_sum3A_1112 [0] : vector<512x128xf32> to vector<128xf32>
    %broadcast_in_dim3A_1114 = vector.shape_cast %reduce_sum3A_1113 : vector<128xf32> to vector<1x128xf32>
    %mul3A_1115 = arith.constant 0.001953125 : f32
    %mul3A_1116 = vector.broadcast %mul3A_1115 : f32 to vector<1x128xf32>
    %mul3A_1117 = arith.mulf %broadcast_in_dim3A_1114, %mul3A_1116 : vector<1x128xf32>
    %slice3A_1118 = vector.extract_strided_slice %dot_general3A_219 {offsets = [0, 12800], sizes = [512, 256], strides = [1, 1]} : vector<512x16384xf32> to vector<512x256xf32>
    %convert_element_type3A_1119 = arith.truncf %slice3A_1118 : vector<512x256xf32> to vector<512x256xbf16>
    %dot_general3A_1120 = arith.constant dense<0.000000e+00> : vector<512x128xf32>
    %dot_general3A_1121 = tpu.matmul %convert_element_type3A_1119, %get3A_12, %dot_general3A_1120 {dimension_numbers = #tpu.dot_dimension_numbers<[1], [0], [0], [1], [0, 0, 1, 1], [], []>, transpose_lhs_hint = false} : vector<512x256xbf16>, vector<256x128xbf16>, vector<512x128xf32> -> vector<512x128xf32>
    %get3A_1122 = arith.constant 0 : index
    %get3A_1123 = arith.constant 0 : index
    %get3A_1124 = vector.load %arg7[%get3A_1122, %get3A_1123] : memref<1x128xf32, #tpu.memory_space<vmem>>, vector<1x128xf32>
    %add3A_1125 = vector.broadcast %get3A_1124 : vector<1x128xf32> to vector<512x128xf32>
    %add3A_1126 = arith.addf %dot_general3A_1121, %add3A_1125 : vector<512x128xf32>
    %max3A_1127 = arith.constant 0.000000e+00 : f32
    %max3A_1128 = vector.broadcast %max3A_1127 : f32 to vector<512x128xf32>
    %max3A_1129 = arith.maximumf %add3A_1126, %max3A_1128 : vector<512x128xf32>
    %reduce_sum3A_1130 = arith.constant dense<0.000000e+00> : vector<128xf32>
    %reduce_sum3A_1131 = vector.multi_reduction <add>, %max3A_1129, %reduce_sum3A_1130 [0] : vector<512x128xf32> to vector<128xf32>
    %broadcast_in_dim3A_1132 = vector.shape_cast %reduce_sum3A_1131 : vector<128xf32> to vector<1x128xf32>
    %mul3A_1133 = arith.constant 0.001953125 : f32
    %mul3A_1134 = vector.broadcast %mul3A_1133 : f32 to vector<1x128xf32>
    %mul3A_1135 = arith.mulf %broadcast_in_dim3A_1132, %mul3A_1134 : vector<1x128xf32>
    %slice3A_1136 = vector.extract_strided_slice %dot_general3A_219 {offsets = [0, 13056], sizes = [512, 256], strides = [1, 1]} : vector<512x16384xf32> to vector<512x256xf32>
    %convert_element_type3A_1137 = arith.truncf %slice3A_1136 : vector<512x256xf32> to vector<512x256xbf16>
    %dot_general3A_1138 = arith.constant dense<0.000000e+00> : vector<512x128xf32>
    %dot_general3A_1139 = tpu.matmul %convert_element_type3A_1137, %get3A_12, %dot_general3A_1138 {dimension_numbers = #tpu.dot_dimension_numbers<[1], [0], [0], [1], [0, 0, 1, 1], [], []>, transpose_lhs_hint = false} : vector<512x256xbf16>, vector<256x128xbf16>, vector<512x128xf32> -> vector<512x128xf32>
    %get3A_1140 = arith.constant 0 : index
    %get3A_1141 = arith.constant 0 : index
    %get3A_1142 = vector.load %arg7[%get3A_1140, %get3A_1141] : memref<1x128xf32, #tpu.memory_space<vmem>>, vector<1x128xf32>
    %add3A_1143 = vector.broadcast %get3A_1142 : vector<1x128xf32> to vector<512x128xf32>
    %add3A_1144 = arith.addf %dot_general3A_1139, %add3A_1143 : vector<512x128xf32>
    %max3A_1145 = arith.constant 0.000000e+00 : f32
    %max3A_1146 = vector.broadcast %max3A_1145 : f32 to vector<512x128xf32>
    %max3A_1147 = arith.maximumf %add3A_1144, %max3A_1146 : vector<512x128xf32>
    %reduce_sum3A_1148 = arith.constant dense<0.000000e+00> : vector<128xf32>
    %reduce_sum3A_1149 = vector.multi_reduction <add>, %max3A_1147, %reduce_sum3A_1148 [0] : vector<512x128xf32> to vector<128xf32>
    %broadcast_in_dim3A_1150 = vector.shape_cast %reduce_sum3A_1149 : vector<128xf32> to vector<1x128xf32>
    %mul3A_1151 = arith.constant 0.001953125 : f32
    %mul3A_1152 = vector.broadcast %mul3A_1151 : f32 to vector<1x128xf32>
    %mul3A_1153 = arith.mulf %broadcast_in_dim3A_1150, %mul3A_1152 : vector<1x128xf32>
    %slice3A_1154 = vector.extract_strided_slice %dot_general3A_219 {offsets = [0, 13312], sizes = [512, 256], strides = [1, 1]} : vector<512x16384xf32> to vector<512x256xf32>
    %convert_element_type3A_1155 = arith.truncf %slice3A_1154 : vector<512x256xf32> to vector<512x256xbf16>
    %dot_general3A_1156 = arith.constant dense<0.000000e+00> : vector<512x128xf32>
    %dot_general3A_1157 = tpu.matmul %convert_element_type3A_1155, %get3A_12, %dot_general3A_1156 {dimension_numbers = #tpu.dot_dimension_numbers<[1], [0], [0], [1], [0, 0, 1, 1], [], []>, transpose_lhs_hint = false} : vector<512x256xbf16>, vector<256x128xbf16>, vector<512x128xf32> -> vector<512x128xf32>
    %get3A_1158 = arith.constant 0 : index
    %get3A_1159 = arith.constant 0 : index
    %get3A_1160 = vector.load %arg7[%get3A_1158, %get3A_1159] : memref<1x128xf32, #tpu.memory_space<vmem>>, vector<1x128xf32>
    %add3A_1161 = vector.broadcast %get3A_1160 : vector<1x128xf32> to vector<512x128xf32>
    %add3A_1162 = arith.addf %dot_general3A_1157, %add3A_1161 : vector<512x128xf32>
    %max3A_1163 = arith.constant 0.000000e+00 : f32
    %max3A_1164 = vector.broadcast %max3A_1163 : f32 to vector<512x128xf32>
    %max3A_1165 = arith.maximumf %add3A_1162, %max3A_1164 : vector<512x128xf32>
    %reduce_sum3A_1166 = arith.constant dense<0.000000e+00> : vector<128xf32>
    %reduce_sum3A_1167 = vector.multi_reduction <add>, %max3A_1165, %reduce_sum3A_1166 [0] : vector<512x128xf32> to vector<128xf32>
    %broadcast_in_dim3A_1168 = vector.shape_cast %reduce_sum3A_1167 : vector<128xf32> to vector<1x128xf32>
    %mul3A_1169 = arith.constant 0.001953125 : f32
    %mul3A_1170 = vector.broadcast %mul3A_1169 : f32 to vector<1x128xf32>
    %mul3A_1171 = arith.mulf %broadcast_in_dim3A_1168, %mul3A_1170 : vector<1x128xf32>
    %slice3A_1172 = vector.extract_strided_slice %dot_general3A_219 {offsets = [0, 13568], sizes = [512, 256], strides = [1, 1]} : vector<512x16384xf32> to vector<512x256xf32>
    %convert_element_type3A_1173 = arith.truncf %slice3A_1172 : vector<512x256xf32> to vector<512x256xbf16>
    %dot_general3A_1174 = arith.constant dense<0.000000e+00> : vector<512x128xf32>
    %dot_general3A_1175 = tpu.matmul %convert_element_type3A_1173, %get3A_12, %dot_general3A_1174 {dimension_numbers = #tpu.dot_dimension_numbers<[1], [0], [0], [1], [0, 0, 1, 1], [], []>, transpose_lhs_hint = false} : vector<512x256xbf16>, vector<256x128xbf16>, vector<512x128xf32> -> vector<512x128xf32>
    %get3A_1176 = arith.constant 0 : index
    %get3A_1177 = arith.constant 0 : index
    %get3A_1178 = vector.load %arg7[%get3A_1176, %get3A_1177] : memref<1x128xf32, #tpu.memory_space<vmem>>, vector<1x128xf32>
    %add3A_1179 = vector.broadcast %get3A_1178 : vector<1x128xf32> to vector<512x128xf32>
    %add3A_1180 = arith.addf %dot_general3A_1175, %add3A_1179 : vector<512x128xf32>
    %max3A_1181 = arith.constant 0.000000e+00 : f32
    %max3A_1182 = vector.broadcast %max3A_1181 : f32 to vector<512x128xf32>
    %max3A_1183 = arith.maximumf %add3A_1180, %max3A_1182 : vector<512x128xf32>
    %reduce_sum3A_1184 = arith.constant dense<0.000000e+00> : vector<128xf32>
    %reduce_sum3A_1185 = vector.multi_reduction <add>, %max3A_1183, %reduce_sum3A_1184 [0] : vector<512x128xf32> to vector<128xf32>
    %broadcast_in_dim3A_1186 = vector.shape_cast %reduce_sum3A_1185 : vector<128xf32> to vector<1x128xf32>
    %mul3A_1187 = arith.constant 0.001953125 : f32
    %mul3A_1188 = vector.broadcast %mul3A_1187 : f32 to vector<1x128xf32>
    %mul3A_1189 = arith.mulf %broadcast_in_dim3A_1186, %mul3A_1188 : vector<1x128xf32>
    %slice3A_1190 = vector.extract_strided_slice %dot_general3A_219 {offsets = [0, 13824], sizes = [512, 256], strides = [1, 1]} : vector<512x16384xf32> to vector<512x256xf32>
    %convert_element_type3A_1191 = arith.truncf %slice3A_1190 : vector<512x256xf32> to vector<512x256xbf16>
    %dot_general3A_1192 = arith.constant dense<0.000000e+00> : vector<512x128xf32>
    %dot_general3A_1193 = tpu.matmul %convert_element_type3A_1191, %get3A_12, %dot_general3A_1192 {dimension_numbers = #tpu.dot_dimension_numbers<[1], [0], [0], [1], [0, 0, 1, 1], [], []>, transpose_lhs_hint = false} : vector<512x256xbf16>, vector<256x128xbf16>, vector<512x128xf32> -> vector<512x128xf32>
    %get3A_1194 = arith.constant 0 : index
    %get3A_1195 = arith.constant 0 : index
    %get3A_1196 = vector.load %arg7[%get3A_1194, %get3A_1195] : memref<1x128xf32, #tpu.memory_space<vmem>>, vector<1x128xf32>
    %add3A_1197 = vector.broadcast %get3A_1196 : vector<1x128xf32> to vector<512x128xf32>
    %add3A_1198 = arith.addf %dot_general3A_1193, %add3A_1197 : vector<512x128xf32>
    %max3A_1199 = arith.constant 0.000000e+00 : f32
    %max3A_1200 = vector.broadcast %max3A_1199 : f32 to vector<512x128xf32>
    %max3A_1201 = arith.maximumf %add3A_1198, %max3A_1200 : vector<512x128xf32>
    %reduce_sum3A_1202 = arith.constant dense<0.000000e+00> : vector<128xf32>
    %reduce_sum3A_1203 = vector.multi_reduction <add>, %max3A_1201, %reduce_sum3A_1202 [0] : vector<512x128xf32> to vector<128xf32>
    %broadcast_in_dim3A_1204 = vector.shape_cast %reduce_sum3A_1203 : vector<128xf32> to vector<1x128xf32>
    %mul3A_1205 = arith.constant 0.001953125 : f32
    %mul3A_1206 = vector.broadcast %mul3A_1205 : f32 to vector<1x128xf32>
    %mul3A_1207 = arith.mulf %broadcast_in_dim3A_1204, %mul3A_1206 : vector<1x128xf32>
    %slice3A_1208 = vector.extract_strided_slice %dot_general3A_219 {offsets = [0, 14080], sizes = [512, 256], strides = [1, 1]} : vector<512x16384xf32> to vector<512x256xf32>
    %convert_element_type3A_1209 = arith.truncf %slice3A_1208 : vector<512x256xf32> to vector<512x256xbf16>
    %dot_general3A_1210 = arith.constant dense<0.000000e+00> : vector<512x128xf32>
    %dot_general3A_1211 = tpu.matmul %convert_element_type3A_1209, %get3A_12, %dot_general3A_1210 {dimension_numbers = #tpu.dot_dimension_numbers<[1], [0], [0], [1], [0, 0, 1, 1], [], []>, transpose_lhs_hint = false} : vector<512x256xbf16>, vector<256x128xbf16>, vector<512x128xf32> -> vector<512x128xf32>
    %get3A_1212 = arith.constant 0 : index
    %get3A_1213 = arith.constant 0 : index
    %get3A_1214 = vector.load %arg7[%get3A_1212, %get3A_1213] : memref<1x128xf32, #tpu.memory_space<vmem>>, vector<1x128xf32>
    %add3A_1215 = vector.broadcast %get3A_1214 : vector<1x128xf32> to vector<512x128xf32>
    %add3A_1216 = arith.addf %dot_general3A_1211, %add3A_1215 : vector<512x128xf32>
    %max3A_1217 = arith.constant 0.000000e+00 : f32
    %max3A_1218 = vector.broadcast %max3A_1217 : f32 to vector<512x128xf32>
    %max3A_1219 = arith.maximumf %add3A_1216, %max3A_1218 : vector<512x128xf32>
    %reduce_sum3A_1220 = arith.constant dense<0.000000e+00> : vector<128xf32>
    %reduce_sum3A_1221 = vector.multi_reduction <add>, %max3A_1219, %reduce_sum3A_1220 [0] : vector<512x128xf32> to vector<128xf32>
    %broadcast_in_dim3A_1222 = vector.shape_cast %reduce_sum3A_1221 : vector<128xf32> to vector<1x128xf32>
    %mul3A_1223 = arith.constant 0.001953125 : f32
    %mul3A_1224 = vector.broadcast %mul3A_1223 : f32 to vector<1x128xf32>
    %mul3A_1225 = arith.mulf %broadcast_in_dim3A_1222, %mul3A_1224 : vector<1x128xf32>
    %slice3A_1226 = vector.extract_strided_slice %dot_general3A_219 {offsets = [0, 14336], sizes = [512, 256], strides = [1, 1]} : vector<512x16384xf32> to vector<512x256xf32>
    %convert_element_type3A_1227 = arith.truncf %slice3A_1226 : vector<512x256xf32> to vector<512x256xbf16>
    %dot_general3A_1228 = arith.constant dense<0.000000e+00> : vector<512x128xf32>
    %dot_general3A_1229 = tpu.matmul %convert_element_type3A_1227, %get3A_12, %dot_general3A_1228 {dimension_numbers = #tpu.dot_dimension_numbers<[1], [0], [0], [1], [0, 0, 1, 1], [], []>, transpose_lhs_hint = false} : vector<512x256xbf16>, vector<256x128xbf16>, vector<512x128xf32> -> vector<512x128xf32>
    %get3A_1230 = arith.constant 0 : index
    %get3A_1231 = arith.constant 0 : index
    %get3A_1232 = vector.load %arg7[%get3A_1230, %get3A_1231] : memref<1x128xf32, #tpu.memory_space<vmem>>, vector<1x128xf32>
    %add3A_1233 = vector.broadcast %get3A_1232 : vector<1x128xf32> to vector<512x128xf32>
    %add3A_1234 = arith.addf %dot_general3A_1229, %add3A_1233 : vector<512x128xf32>
    %max3A_1235 = arith.constant 0.000000e+00 : f32
    %max3A_1236 = vector.broadcast %max3A_1235 : f32 to vector<512x128xf32>
    %max3A_1237 = arith.maximumf %add3A_1234, %max3A_1236 : vector<512x128xf32>
    %reduce_sum3A_1238 = arith.constant dense<0.000000e+00> : vector<128xf32>
    %reduce_sum3A_1239 = vector.multi_reduction <add>, %max3A_1237, %reduce_sum3A_1238 [0] : vector<512x128xf32> to vector<128xf32>
    %broadcast_in_dim3A_1240 = vector.shape_cast %reduce_sum3A_1239 : vector<128xf32> to vector<1x128xf32>
    %mul3A_1241 = arith.constant 0.001953125 : f32
    %mul3A_1242 = vector.broadcast %mul3A_1241 : f32 to vector<1x128xf32>
    %mul3A_1243 = arith.mulf %broadcast_in_dim3A_1240, %mul3A_1242 : vector<1x128xf32>
    %slice3A_1244 = vector.extract_strided_slice %dot_general3A_219 {offsets = [0, 14592], sizes = [512, 256], strides = [1, 1]} : vector<512x16384xf32> to vector<512x256xf32>
    %convert_element_type3A_1245 = arith.truncf %slice3A_1244 : vector<512x256xf32> to vector<512x256xbf16>
    %dot_general3A_1246 = arith.constant dense<0.000000e+00> : vector<512x128xf32>
    %dot_general3A_1247 = tpu.matmul %convert_element_type3A_1245, %get3A_12, %dot_general3A_1246 {dimension_numbers = #tpu.dot_dimension_numbers<[1], [0], [0], [1], [0, 0, 1, 1], [], []>, transpose_lhs_hint = false} : vector<512x256xbf16>, vector<256x128xbf16>, vector<512x128xf32> -> vector<512x128xf32>
    %get3A_1248 = arith.constant 0 : index
    %get3A_1249 = arith.constant 0 : index
    %get3A_1250 = vector.load %arg7[%get3A_1248, %get3A_1249] : memref<1x128xf32, #tpu.memory_space<vmem>>, vector<1x128xf32>
    %add3A_1251 = vector.broadcast %get3A_1250 : vector<1x128xf32> to vector<512x128xf32>
    %add3A_1252 = arith.addf %dot_general3A_1247, %add3A_1251 : vector<512x128xf32>
    %max3A_1253 = arith.constant 0.000000e+00 : f32
    %max3A_1254 = vector.broadcast %max3A_1253 : f32 to vector<512x128xf32>
    %max3A_1255 = arith.maximumf %add3A_1252, %max3A_1254 : vector<512x128xf32>
    %reduce_sum3A_1256 = arith.constant dense<0.000000e+00> : vector<128xf32>
    %reduce_sum3A_1257 = vector.multi_reduction <add>, %max3A_1255, %reduce_sum3A_1256 [0] : vector<512x128xf32> to vector<128xf32>
    %broadcast_in_dim3A_1258 = vector.shape_cast %reduce_sum3A_1257 : vector<128xf32> to vector<1x128xf32>
    %mul3A_1259 = arith.constant 0.001953125 : f32
    %mul3A_1260 = vector.broadcast %mul3A_1259 : f32 to vector<1x128xf32>
    %mul3A_1261 = arith.mulf %broadcast_in_dim3A_1258, %mul3A_1260 : vector<1x128xf32>
    %slice3A_1262 = vector.extract_strided_slice %dot_general3A_219 {offsets = [0, 14848], sizes = [512, 256], strides = [1, 1]} : vector<512x16384xf32> to vector<512x256xf32>
    %convert_element_type3A_1263 = arith.truncf %slice3A_1262 : vector<512x256xf32> to vector<512x256xbf16>
    %dot_general3A_1264 = arith.constant dense<0.000000e+00> : vector<512x128xf32>
    %dot_general3A_1265 = tpu.matmul %convert_element_type3A_1263, %get3A_12, %dot_general3A_1264 {dimension_numbers = #tpu.dot_dimension_numbers<[1], [0], [0], [1], [0, 0, 1, 1], [], []>, transpose_lhs_hint = false} : vector<512x256xbf16>, vector<256x128xbf16>, vector<512x128xf32> -> vector<512x128xf32>
    %get3A_1266 = arith.constant 0 : index
    %get3A_1267 = arith.constant 0 : index
    %get3A_1268 = vector.load %arg7[%get3A_1266, %get3A_1267] : memref<1x128xf32, #tpu.memory_space<vmem>>, vector<1x128xf32>
    %add3A_1269 = vector.broadcast %get3A_1268 : vector<1x128xf32> to vector<512x128xf32>
    %add3A_1270 = arith.addf %dot_general3A_1265, %add3A_1269 : vector<512x128xf32>
    %max3A_1271 = arith.constant 0.000000e+00 : f32
    %max3A_1272 = vector.broadcast %max3A_1271 : f32 to vector<512x128xf32>
    %max3A_1273 = arith.maximumf %add3A_1270, %max3A_1272 : vector<512x128xf32>
    %reduce_sum3A_1274 = arith.constant dense<0.000000e+00> : vector<128xf32>
    %reduce_sum3A_1275 = vector.multi_reduction <add>, %max3A_1273, %reduce_sum3A_1274 [0] : vector<512x128xf32> to vector<128xf32>
    %broadcast_in_dim3A_1276 = vector.shape_cast %reduce_sum3A_1275 : vector<128xf32> to vector<1x128xf32>
    %mul3A_1277 = arith.constant 0.001953125 : f32
    %mul3A_1278 = vector.broadcast %mul3A_1277 : f32 to vector<1x128xf32>
    %mul3A_1279 = arith.mulf %broadcast_in_dim3A_1276, %mul3A_1278 : vector<1x128xf32>
    %slice3A_1280 = vector.extract_strided_slice %dot_general3A_219 {offsets = [0, 15104], sizes = [512, 256], strides = [1, 1]} : vector<512x16384xf32> to vector<512x256xf32>
    %convert_element_type3A_1281 = arith.truncf %slice3A_1280 : vector<512x256xf32> to vector<512x256xbf16>
    %dot_general3A_1282 = arith.constant dense<0.000000e+00> : vector<512x128xf32>
    %dot_general3A_1283 = tpu.matmul %convert_element_type3A_1281, %get3A_12, %dot_general3A_1282 {dimension_numbers = #tpu.dot_dimension_numbers<[1], [0], [0], [1], [0, 0, 1, 1], [], []>, transpose_lhs_hint = false} : vector<512x256xbf16>, vector<256x128xbf16>, vector<512x128xf32> -> vector<512x128xf32>
    %get3A_1284 = arith.constant 0 : index
    %get3A_1285 = arith.constant 0 : index
    %get3A_1286 = vector.load %arg7[%get3A_1284, %get3A_1285] : memref<1x128xf32, #tpu.memory_space<vmem>>, vector<1x128xf32>
    %add3A_1287 = vector.broadcast %get3A_1286 : vector<1x128xf32> to vector<512x128xf32>
    %add3A_1288 = arith.addf %dot_general3A_1283, %add3A_1287 : vector<512x128xf32>
    %max3A_1289 = arith.constant 0.000000e+00 : f32
    %max3A_1290 = vector.broadcast %max3A_1289 : f32 to vector<512x128xf32>
    %max3A_1291 = arith.maximumf %add3A_1288, %max3A_1290 : vector<512x128xf32>
    %reduce_sum3A_1292 = arith.constant dense<0.000000e+00> : vector<128xf32>
    %reduce_sum3A_1293 = vector.multi_reduction <add>, %max3A_1291, %reduce_sum3A_1292 [0] : vector<512x128xf32> to vector<128xf32>
    %broadcast_in_dim3A_1294 = vector.shape_cast %reduce_sum3A_1293 : vector<128xf32> to vector<1x128xf32>
    %mul3A_1295 = arith.constant 0.001953125 : f32
    %mul3A_1296 = vector.broadcast %mul3A_1295 : f32 to vector<1x128xf32>
    %mul3A_1297 = arith.mulf %broadcast_in_dim3A_1294, %mul3A_1296 : vector<1x128xf32>
    %slice3A_1298 = vector.extract_strided_slice %dot_general3A_219 {offsets = [0, 15360], sizes = [512, 256], strides = [1, 1]} : vector<512x16384xf32> to vector<512x256xf32>
    %convert_element_type3A_1299 = arith.truncf %slice3A_1298 : vector<512x256xf32> to vector<512x256xbf16>
    %dot_general3A_1300 = arith.constant dense<0.000000e+00> : vector<512x128xf32>
    %dot_general3A_1301 = tpu.matmul %convert_element_type3A_1299, %get3A_12, %dot_general3A_1300 {dimension_numbers = #tpu.dot_dimension_numbers<[1], [0], [0], [1], [0, 0, 1, 1], [], []>, transpose_lhs_hint = false} : vector<512x256xbf16>, vector<256x128xbf16>, vector<512x128xf32> -> vector<512x128xf32>
    %get3A_1302 = arith.constant 0 : index
    %get3A_1303 = arith.constant 0 : index
    %get3A_1304 = vector.load %arg7[%get3A_1302, %get3A_1303] : memref<1x128xf32, #tpu.memory_space<vmem>>, vector<1x128xf32>
    %add3A_1305 = vector.broadcast %get3A_1304 : vector<1x128xf32> to vector<512x128xf32>
    %add3A_1306 = arith.addf %dot_general3A_1301, %add3A_1305 : vector<512x128xf32>
    %max3A_1307 = arith.constant 0.000000e+00 : f32
    %max3A_1308 = vector.broadcast %max3A_1307 : f32 to vector<512x128xf32>
    %max3A_1309 = arith.maximumf %add3A_1306, %max3A_1308 : vector<512x128xf32>
    %reduce_sum3A_1310 = arith.constant dense<0.000000e+00> : vector<128xf32>
    %reduce_sum3A_1311 = vector.multi_reduction <add>, %max3A_1309, %reduce_sum3A_1310 [0] : vector<512x128xf32> to vector<128xf32>
    %broadcast_in_dim3A_1312 = vector.shape_cast %reduce_sum3A_1311 : vector<128xf32> to vector<1x128xf32>
    %mul3A_1313 = arith.constant 0.001953125 : f32
    %mul3A_1314 = vector.broadcast %mul3A_1313 : f32 to vector<1x128xf32>
    %mul3A_1315 = arith.mulf %broadcast_in_dim3A_1312, %mul3A_1314 : vector<1x128xf32>
    %slice3A_1316 = vector.extract_strided_slice %dot_general3A_219 {offsets = [0, 15616], sizes = [512, 256], strides = [1, 1]} : vector<512x16384xf32> to vector<512x256xf32>
    %convert_element_type3A_1317 = arith.truncf %slice3A_1316 : vector<512x256xf32> to vector<512x256xbf16>
    %dot_general3A_1318 = arith.constant dense<0.000000e+00> : vector<512x128xf32>
    %dot_general3A_1319 = tpu.matmul %convert_element_type3A_1317, %get3A_12, %dot_general3A_1318 {dimension_numbers = #tpu.dot_dimension_numbers<[1], [0], [0], [1], [0, 0, 1, 1], [], []>, transpose_lhs_hint = false} : vector<512x256xbf16>, vector<256x128xbf16>, vector<512x128xf32> -> vector<512x128xf32>
    %get3A_1320 = arith.constant 0 : index
    %get3A_1321 = arith.constant 0 : index
    %get3A_1322 = vector.load %arg7[%get3A_1320, %get3A_1321] : memref<1x128xf32, #tpu.memory_space<vmem>>, vector<1x128xf32>
    %add3A_1323 = vector.broadcast %get3A_1322 : vector<1x128xf32> to vector<512x128xf32>
    %add3A_1324 = arith.addf %dot_general3A_1319, %add3A_1323 : vector<512x128xf32>
    %max3A_1325 = arith.constant 0.000000e+00 : f32
    %max3A_1326 = vector.broadcast %max3A_1325 : f32 to vector<512x128xf32>
    %max3A_1327 = arith.maximumf %add3A_1324, %max3A_1326 : vector<512x128xf32>
    %reduce_sum3A_1328 = arith.constant dense<0.000000e+00> : vector<128xf32>
    %reduce_sum3A_1329 = vector.multi_reduction <add>, %max3A_1327, %reduce_sum3A_1328 [0] : vector<512x128xf32> to vector<128xf32>
    %broadcast_in_dim3A_1330 = vector.shape_cast %reduce_sum3A_1329 : vector<128xf32> to vector<1x128xf32>
    %mul3A_1331 = arith.constant 0.001953125 : f32
    %mul3A_1332 = vector.broadcast %mul3A_1331 : f32 to vector<1x128xf32>
    %mul3A_1333 = arith.mulf %broadcast_in_dim3A_1330, %mul3A_1332 : vector<1x128xf32>
    %slice3A_1334 = vector.extract_strided_slice %dot_general3A_219 {offsets = [0, 15872], sizes = [512, 256], strides = [1, 1]} : vector<512x16384xf32> to vector<512x256xf32>
    %convert_element_type3A_1335 = arith.truncf %slice3A_1334 : vector<512x256xf32> to vector<512x256xbf16>
    %dot_general3A_1336 = arith.constant dense<0.000000e+00> : vector<512x128xf32>
    %dot_general3A_1337 = tpu.matmul %convert_element_type3A_1335, %get3A_12, %dot_general3A_1336 {dimension_numbers = #tpu.dot_dimension_numbers<[1], [0], [0], [1], [0, 0, 1, 1], [], []>, transpose_lhs_hint = false} : vector<512x256xbf16>, vector<256x128xbf16>, vector<512x128xf32> -> vector<512x128xf32>
    %get3A_1338 = arith.constant 0 : index
    %get3A_1339 = arith.constant 0 : index
    %get3A_1340 = vector.load %arg7[%get3A_1338, %get3A_1339] : memref<1x128xf32, #tpu.memory_space<vmem>>, vector<1x128xf32>
    %add3A_1341 = vector.broadcast %get3A_1340 : vector<1x128xf32> to vector<512x128xf32>
    %add3A_1342 = arith.addf %dot_general3A_1337, %add3A_1341 : vector<512x128xf32>
    %max3A_1343 = arith.constant 0.000000e+00 : f32
    %max3A_1344 = vector.broadcast %max3A_1343 : f32 to vector<512x128xf32>
    %max3A_1345 = arith.maximumf %add3A_1342, %max3A_1344 : vector<512x128xf32>
    %reduce_sum3A_1346 = arith.constant dense<0.000000e+00> : vector<128xf32>
    %reduce_sum3A_1347 = vector.multi_reduction <add>, %max3A_1345, %reduce_sum3A_1346 [0] : vector<512x128xf32> to vector<128xf32>
    %broadcast_in_dim3A_1348 = vector.shape_cast %reduce_sum3A_1347 : vector<128xf32> to vector<1x128xf32>
    %mul3A_1349 = arith.constant 0.001953125 : f32
    %mul3A_1350 = vector.broadcast %mul3A_1349 : f32 to vector<1x128xf32>
    %mul3A_1351 = arith.mulf %broadcast_in_dim3A_1348, %mul3A_1350 : vector<1x128xf32>
    %slice3A_1352 = vector.extract_strided_slice %dot_general3A_219 {offsets = [0, 16128], sizes = [512, 256], strides = [1, 1]} : vector<512x16384xf32> to vector<512x256xf32>
    %convert_element_type3A_1353 = arith.truncf %slice3A_1352 : vector<512x256xf32> to vector<512x256xbf16>
    %dot_general3A_1354 = arith.constant dense<0.000000e+00> : vector<512x128xf32>
    %dot_general3A_1355 = tpu.matmul %convert_element_type3A_1353, %get3A_12, %dot_general3A_1354 {dimension_numbers = #tpu.dot_dimension_numbers<[1], [0], [0], [1], [0, 0, 1, 1], [], []>, transpose_lhs_hint = false} : vector<512x256xbf16>, vector<256x128xbf16>, vector<512x128xf32> -> vector<512x128xf32>
    %get3A_1356 = arith.constant 0 : index
    %get3A_1357 = arith.constant 0 : index
    %get3A_1358 = vector.load %arg7[%get3A_1356, %get3A_1357] : memref<1x128xf32, #tpu.memory_space<vmem>>, vector<1x128xf32>
    %add3A_1359 = vector.broadcast %get3A_1358 : vector<1x128xf32> to vector<512x128xf32>
    %add3A_1360 = arith.addf %dot_general3A_1355, %add3A_1359 : vector<512x128xf32>
    %max3A_1361 = arith.constant 0.000000e+00 : f32
    %max3A_1362 = vector.broadcast %max3A_1361 : f32 to vector<512x128xf32>
    %max3A_1363 = arith.maximumf %add3A_1360, %max3A_1362 : vector<512x128xf32>
    %reduce_sum3A_1364 = arith.constant dense<0.000000e+00> : vector<128xf32>
    %reduce_sum3A_1365 = vector.multi_reduction <add>, %max3A_1363, %reduce_sum3A_1364 [0] : vector<512x128xf32> to vector<128xf32>
    %broadcast_in_dim3A_1366 = vector.shape_cast %reduce_sum3A_1365 : vector<128xf32> to vector<1x128xf32>
    %mul3A_1367 = arith.constant 0.001953125 : f32
    %mul3A_1368 = vector.broadcast %mul3A_1367 : f32 to vector<1x128xf32>
    %mul3A_1369 = arith.mulf %broadcast_in_dim3A_1366, %mul3A_1368 : vector<1x128xf32>
    %concatenate3A_1370 = tpu.concatenate %mul3A_235, %mul3A_253, %mul3A_271, %mul3A_289, %mul3A_307, %mul3A_325, %mul3A_343, %mul3A_361, %mul3A_379, %mul3A_397, %mul3A_415, %mul3A_433, %mul3A_451, %mul3A_469, %mul3A_487, %mul3A_505, %mul3A_523, %mul3A_541, %mul3A_559, %mul3A_577, %mul3A_595, %mul3A_613, %mul3A_631, %mul3A_649, %mul3A_667, %mul3A_685, %mul3A_703, %mul3A_721, %mul3A_739, %mul3A_757, %mul3A_775, %mul3A_793, %mul3A_811, %mul3A_829, %mul3A_847, %mul3A_865, %mul3A_883, %mul3A_901, %mul3A_919, %mul3A_937, %mul3A_955, %mul3A_973, %mul3A_991, %mul3A_1009, %mul3A_1027, %mul3A_1045, %mul3A_1063, %mul3A_1081, %mul3A_1099, %mul3A_1117, %mul3A_1135, %mul3A_1153, %mul3A_1171, %mul3A_1189, %mul3A_1207, %mul3A_1225, %mul3A_1243, %mul3A_1261, %mul3A_1279, %mul3A_1297, %mul3A_1315, %mul3A_1333, %mul3A_1351, %mul3A_1369 in 0 : vector<1x128xf32>, vector<1x128xf32>, vector<1x128xf32>, vector<1x128xf32>, vector<1x128xf32>, vector<1x128xf32>, vector<1x128xf32>, vector<1x128xf32>, vector<1x128xf32>, vector<1x128xf32>, vector<1x128xf32>, vector<1x128xf32>, vector<1x128xf32>, vector<1x128xf32>, vector<1x128xf32>, vector<1x128xf32>, vector<1x128xf32>, vector<1x128xf32>, vector<1x128xf32>, vector<1x128xf32>, vector<1x128xf32>, vector<1x128xf32>, vector<1x128xf32>, vector<1x128xf32>, vector<1x128xf32>, vector<1x128xf32>, vector<1x128xf32>, vector<1x128xf32>, vector<1x128xf32>, vector<1x128xf32>, vector<1x128xf32>, vector<1x128xf32>, vector<1x128xf32>, vector<1x128xf32>, vector<1x128xf32>, vector<1x128xf32>, vector<1x128xf32>, vector<1x128xf32>, vector<1x128xf32>, vector<1x128xf32>, vector<1x128xf32>, vector<1x128xf32>, vector<1x128xf32>, vector<1x128xf32>, vector<1x128xf32>, vector<1x128xf32>, vector<1x128xf32>, vector<1x128xf32>, vector<1x128xf32>, vector<1x128xf32>, vector<1x128xf32>, vector<1x128xf32>, vector<1x128xf32>, vector<1x128xf32>, vector<1x128xf32>, vector<1x128xf32>, vector<1x128xf32>, vector<1x128xf32>, vector<1x128xf32>, vector<1x128xf32>, vector<1x128xf32>, vector<1x128xf32>, vector<1x128xf32>, vector<1x128xf32> -> vector<64x128xf32>
    %get3A_1371 = arith.constant 0 : index
    %get3A_1372 = arith.constant 0 : index
    %get3A_1373 = vector.load %arg8[%get3A_1371, %get3A_1372] : memref<128x10xf32, #tpu.memory_space<vmem>>, vector<128x10xf32>
    %dot_general3A_1374 = arith.constant dense<0.000000e+00> : vector<64x10xf32>
    %dot_general3A_1375 = tpu.matmul %concatenate3A_1370, %get3A_1373, %dot_general3A_1374 {dimension_numbers = #tpu.dot_dimension_numbers<[1], [0], [0], [1], [0, 0, 1, 1], [], []>, transpose_lhs_hint = false} : vector<64x128xf32>, vector<128x10xf32>, vector<64x10xf32> -> vector<64x10xf32>
    %get3A_1376 = arith.constant 0 : index
    %get3A_1377 = arith.constant 0 : index
    %get3A_1378 = vector.load %arg9[%get3A_1376, %get3A_1377] : memref<1x10xf32, #tpu.memory_space<vmem>>, vector<1x10xf32>
    %add3A_1379 = vector.broadcast %get3A_1378 : vector<1x10xf32> to vector<64x10xf32>
    %add3A_1380 = arith.addf %dot_general3A_1375, %add3A_1379 : vector<64x10xf32>
    %mul3A_1381 = arith.constant 64 : i32
    %mul3A_1382 = arith.muli %arg0, %mul3A_1381 : i32
    %swap3A = arith.index_cast %mul3A_1382 : i32 to index
    %swap3A_1383 = arith.constant 0 : index
    %swap3A_1384 = vector.load %arg10[%swap3A, %swap3A_1383] : memref<64x10xf32, #tpu.memory_space<vmem>>, vector<64x10xf32>
    tpu.vector_store %arg10[%swap3A, %swap3A_1383], %add3A_1380 {strides = array<i32>} : memref<64x10xf32, #tpu.memory_space<vmem>>, vector<64x10xf32>,
    return
  }
  func.func @transform_0(%arg0: i32) -> (i32, i32, i32) {
    %c0_i32 = arith.constant 0 : i32
    %c0_i32_0 = arith.constant 0 : i32
    %c0_i32_1 = arith.constant 0 : i32
    %c0_i32_2 = arith.constant 0 : i32
    return %c0_i32, %c0_i32_0, %c0_i32_1 : i32, i32, i32
  }
  func.func @transform_1(%arg0: i32) -> (i32, i32) {
    %c0_i32 = arith.constant 0 : i32
    %c0_i32_0 = arith.constant 0 : i32
    %c0_i32_1 = arith.constant 0 : i32
    return %c0_i32, %c0_i32_0 : i32, i32
  }
  func.func @transform_2(%arg0: i32) -> (i32, i32, i32) {
    %c0_i32 = arith.constant 0 : i32
    %c0_i32_0 = arith.constant 0 : i32
    %c0_i32_1 = arith.constant 0 : i32
    return %arg0, %c0_i32, %c0_i32_0 : i32, i32, i32
  }
  func.func @transform_3(%arg0: i32) -> (i32, i32) {
    %c0_i32 = arith.constant 0 : i32
    %c0_i32_0 = arith.constant 0 : i32
    %c0_i32_1 = arith.constant 0 : i32
    return %c0_i32, %c0_i32_0 : i32, i32
  }
  func.func @transform_4(%arg0: i32) -> (i32, i32) {
    %c0_i32 = arith.constant 0 : i32
    %c0_i32_0 = arith.constant 0 : i32
    %c0_i32_1 = arith.constant 0 : i32
    return %c0_i32, %c0_i32_0 : i32, i32
  }
  func.func @transform_5(%arg0: i32) -> (i32, i32) {
    %c0_i32 = arith.constant 0 : i32
    %c0_i32_0 = arith.constant 0 : i32
    %c0_i32_1 = arith.constant 0 : i32
    return %c0_i32, %c0_i32_0 : i32, i32
  }
  func.func @transform_6(%arg0: i32) -> (i32, i32) {
    %c0_i32 = arith.constant 0 : i32
    %c0_i32_0 = arith.constant 0 : i32
    %c0_i32_1 = arith.constant 0 : i32
    return %c0_i32, %c0_i32_0 : i32, i32
  }
  func.func @transform_7(%arg0: i32) -> (i32, i32) {
    %c0_i32 = arith.constant 0 : i32
    %c0_i32_0 = arith.constant 0 : i32
    %c0_i32_1 = arith.constant 0 : i32
    return %c0_i32, %c0_i32_0 : i32, i32
  }
  func.func @transform_8(%arg0: i32) -> (i32, i32) {
    %c0_i32 = arith.constant 0 : i32
    %c0_i32_0 = arith.constant 0 : i32
    %c0_i32_1 = arith.constant 0 : i32
    return %c0_i32, %c0_i32_0 : i32, i32
  }
  func.func @transform_9(%arg0: i32) -> (i32, i32) {
    %c0_i32 = arith.constant 0 : i32
    %c0_i32_0 = arith.constant 0 : i32
    %c0_i32_1 = arith.constant 0 : i32
    return %c0_i32, %c0_i32_0 : i32, i32
  }
}

</mosaic_0001>

<sc_bundles>
// kernel: kernel.4.cloned.1.call-start
scs
__scs_entry_jumppad:
0x0: {  	(pc) =	sbr.rel $0x88, $3  }
0x1: {  	(tag) =	ssettag $0x0;
	lr =	simm.s32 $0x1  }
0x2: {  	[smem:$0x3F98] =	sst lr;
	_ =	strace $0xD0000000  }
0x3: {  	_ = 	snop  }
0x4: {  	_ = 	snop  }
0x5: {  	_ = 	snop  }
0x6: {  	_ = 	snop  }
0x7: {  	_ = 	snop  }
__scs_overlays_trampoline_lowered:
0x8: {  	[smem:$0x3FA7] =	sst s0  }
0x9: {  	[smem:$0x3FA8] =	sst s1  }
0xa: {  	[smem:$0x3FA9] =	sst s2  }
0xb: {  	[smem:$0x3FAA] =	sst s3  }
0xc: {  	[smem:$0x3FAB] =	sst s4  }
0xd: {  	[smem:$0x3FAC] =	sst s5  }
0xe: {  	[smem:$0x3FAD] =	sst s6  }
0xf: {  	[smem:$0x3FAE] =	sst s7  }
0x10: {  	[smem:$0x3FAF] =	sst s8  }
0x11: {  	[smem:$0x3FB0] =	sst s9;
	s0 =	simm.s32 @!p0 $0x0  }
0x12: {  	s1 =	sld [smem:$0x3F96];
	s0 =	simm.s32 @p0 $0x1  }
0x13: {  	[smem:$0x3FB1] =	sst s0;
	s0 =	simm.s32 @!p1 $0x0  }
0x14: {  	s2 =	sld [smem:$0x3F95];
	s0 =	simm.s32 @p1 $0x1  }
0x15: {  	[smem:$0x3FB2] =	sst s0;
	s0 =	simm.s32 @!p2 $0x0  }
0x16: {  	s3 =	sld [smem:$0x3FDB];
	s0 =	simm.s32 @p2 $0x1  }
0x17: {  	s4 =	simm.s32 $0x1BF5;
	[smem:$0x3FB4] =	sst s0  }
0x18: {  	s0 =	sld [smem:$0x3F97];
	_ =	swait.ge [sflag:s4], $0x0  }
0x19: {  	s7 =	sld [smem:$0x3F98]  }
0x1a: {  	s8 =	sadd.s32 $0xFFFFE003, lr  }
0x1b: {  	s9 =	sadd.s32 $0xFFFFFEF7, lr;
	s5 =	simm.s32 $0xFFFFFFFF;
	p2 =	slt.u32 s8, $0xFFFFF086  }
0x1c: {  	p1 =	slt.u32 s9, $0xF7A;
	s5 =	simm.s32 @!p2 $0x0  }
0x1d: {  	s5 =	simm.s32 @p1 $0x1;
	p0 =	seq.s32 s7, s2  }
0x1e: {  	s7 =	smul.u32 @!p0 $0xF7A, s2;
	p2 =	seq.s32 @!p0 s5, $0x0  }
0x1f: {  	s9 =	smul.u32 $0xF7A, s1;
	s8 =	simm.s32 @!p0 $0x1BF5;
	p2 =	por !p2, p0  }
0x20: {  	[sflag:s8] =	ssyncset.s32 @!p0 $0xFFFFF086;
	s6 =	sadd.s32 @!p0 s3, s7;
	s7 =	simm.s32 @!p0 $0x108  }
0x21: {  	s3 =	sadd.s32 s3, s9;
	s6 =	sadd.s32 @!p0 $0x88, s6;
	s7 =	simm.s32 @p2 $0x1082  }
0x22: {  	[simem:s7], [sflag:s8] =	dma.local @!p0 [hbm:s6], $0xF7A  }
0x23: {  	s9 =	sor.u32 $0xD0000000, s2;
	s6 =	simm.s32 $0x108;
	_ =	swait.ge @!p0 [sflag:s8], $0x0  }
0x24: {  	s3 =	sadd.s32 $0x88, s3;
	s6 =	simm.s32 @!p1 $0x1082;
	[sflag:s4] =	ssyncset.s32 $0xFFFFF086  }
0x25: {  	[simem:s6], [sflag:s4] =	dma.local [hbm:s3], $0xF7A  }
0x26: {  	[smem:$0x3F98] =	sst s1;
	(tag) =	ssettag s2;
	_ =	strace s9  }
0x27: {  	s1 =	sld [smem:$0x3FA8]  }
0x28: {  	s2 =	sld [smem:$0x3FA9]  }
0x29: {  	s4 =	sld [smem:$0x3FAB]  }
0x2a: {  	p0 =	seq.s32 s5, $0x0;
	s5 =	sld [smem:$0x3FAC]  }
0x2b: {  	s6 =	sld [smem:$0x3FAD]  }
0x2c: {  	s7 =	sld [smem:$0x3FAE]  }
0x2d: {  	s3 =	simm.s32 $0x108;
	s8 =	sld [smem:$0x3FAF]  }
0x2e: {  	s3 =	simm.s32 @!p0 $0x1082;
	s9 =	sld [smem:$0x3FB0]  }
0x2f: {  	lr =	sadd.s32 s0, s3;
	s0 =	sld [smem:$0x3FA7]  }
0x30: {  	s3 =	sld [smem:$0x3FAA]  }
0x31: {  	[smem:$0x3FB3] =	sst s10  }
0x32: {  	s10 =	sld [smem:$0x3FB1];
	_ =	sdelay $0x3  }
0x33: {  	p0 =	seq.s32 s10, $0x1;
	s10 =	sld [smem:$0x3FB3];
	_ =	sdelay $0x3  }
0x34: {  	[smem:$0x3FB3] =	sst s10  }
0x35: {  	s10 =	sld [smem:$0x3FB2];
	_ =	sdelay $0x3  }
0x36: {  	p1 =	seq.s32 s10, $0x1;
	s10 =	sld [smem:$0x3FB3];
	_ =	sdelay $0x3  }
0x37: {  	[smem:$0x3FB3] =	sst s10  }
0x38: {  	s10 =	sld [smem:$0x3FB4]  }
0x39: {  	_ = 	snop;
	(pc) =	sbr.ind lr, $3  }
0x3a: {  	_ = 	snop  }
0x3b: {  	_ = 	snop  }
0x3c: {  	p2 =	seq.s32 s10, $0x1;
	s10 =	sld [smem:$0x3FB3]  }
0x3d: {  	_ =	shalt  }
0x3e: {  	_ =	shalt  }
0x3f: {  	_ =	shalt  }
0x40: {  	_ =	shalt  }
0x41: {  	_ =	shalt  }
0x42: {  	_ =	shalt  }
0x43: {  	_ =	shalt  }
0x44: {  	_ =	shalt  }
0x45: {  	_ =	shalt  }
0x46: {  	_ =	shalt  }
0x47: {  	_ =	shalt  }
0x48: {  	_ =	shalt  }
0x49: {  	_ =	shalt  }
0x4a: {  	_ =	shalt  }
0x4b: {  	_ =	shalt  }
0x4c: {  	_ =	shalt  }
0x4d: {  	_ =	shalt  }
0x4e: {  	_ =	shalt  }
0x4f: {  	_ =	shalt  }
0x50: {  	_ =	shalt  }
0x51: {  	_ =	shalt  }
0x52: {  	_ =	shalt  }
0x53: {  	_ =	shalt  }
0x54: {  	_ =	shalt  }
0x55: {  	_ =	shalt  }
0x56: {  	_ =	shalt  }
0x57: {  	_ =	shalt  }
0x58: {  	_ =	shalt  }
0x59: {  	_ =	shalt  }
0x5a: {  	_ =	shalt  }
0x5b: {  	_ =	shalt  }
0x5c: {  	_ =	shalt  }
0x5d: {  	_ =	shalt  }
0x5e: {  	_ =	shalt  }
0x5f: {  	_ =	shalt  }
0x60: {  	_ =	shalt  }
0x61: {  	_ =	shalt  }
0x62: {  	_ =	shalt  }
0x63: {  	_ =	shalt  }
0x64: {  	_ =	shalt  }
0x65: {  	_ =	shalt  }
0x66: {  	_ =	shalt  }
0x67: {  	_ =	shalt  }
0x68: {  	_ =	shalt  }
0x69: {  	_ =	shalt  }
0x6a: {  	_ =	shalt  }
0x6b: {  	_ =	shalt  }
0x6c: {  	_ =	shalt  }
0x6d: {  	_ =	shalt  }
0x6e: {  	_ =	shalt  }
0x6f: {  	_ =	shalt  }
0x70: {  	_ =	shalt  }
0x71: {  	_ =	shalt  }
0x72: {  	_ =	shalt  }
0x73: {  	_ =	shalt  }
0x74: {  	_ =	shalt  }
0x75: {  	_ =	shalt  }
0x76: {  	_ =	shalt  }
0x77: {  	_ =	shalt  }
0x78: {  	_ =	shalt  }
0x79: {  	_ =	shalt  }
0x7a: {  	_ =	shalt  }
0x7b: {  	_ =	shalt  }
0x7c: {  	_ =	shalt  }
0x7d: {  	_ =	shalt  }
0x7e: {  	_ =	shalt  }
0x7f: {  	_ =	shalt  }
0x80: {  	_ =	shalt  }
0x81: {  	_ =	shalt  }
0x82: {  	_ =	shalt  }
0x83: {  	_ =	shalt  }
0x84: {  	_ =	shalt  }
0x85: {  	_ =	shalt  }
0x86: {  	_ =	shalt  }
0x87: {  	_ =	shalt  }
.Lfunc_end0:
.L_simem_size_0:
called_computation_lowered:
.L_overlay_start_0:
0x88: {  	s0 =	sld [smem:$0x3FD9]  }
0x89: {  	s1 =	sld [smem:$0x3FFE];
	_ =	sdelay $0x3  }
0x8a: {  	s0 =	sadd.s32 s1, s0  }
0x8b: {  	[smem:$0x3FBF] =	sst s0  }
0x8c: {  	_ = 	snop  }
0x8d: {  	s0 =	sld [smem:$0x3FC7];
	(tm) =	ssettm $0x1  }
0x8e: {  	s16 =	sld [smem:$0x3FFB];
	_ =	sdelay $0x3  }
0x8f: {  	_ =	strace s16  }
0x90: {  	s1 =	sld [smem:$0x3FFC];
	_ =	sdelay $0x3  }
0x91: {  	_ =	strace s1  }
0x92: {  	s1 =	sld [smem:$0x3FFD];
	_ =	sdelay $0x3  }
0x93: {  	_ =	strace s1  }
0x94: {  	_ =	strace $0x8FFFFFFF  }
0x95: {  	s17 =	sld [smem:$0x3FDB];
	_ =	sdelay $0x1  }
0x96: {  	s2 =	simm.s32 $_scs_section_size  }
0x97: {  	s3 =	simm.s32 $_size__tile_overlayer_lowered;
	s4 =	simm.s32 $_tile_overlayer_lowered  }
0x98: {  	s20 =	simm.s32 $0x1BFF;
	s19 =	sshll.u32 s4, $0x1;
	s1 =	sadd.s32 s2, s17  }
0x99: {  	s5 =	simm.s32 $0x0;
	s18 =	sshll.u32 s3, $0x1;
	s3 =	sadd.s32 s19, s1  }
0x9a: {  	[timem:s5], [sflag:s20] =	dma.local [hbm:s3], s18  }
0x9b: {  	_ =	swait.ge [sflag:s20], s18  }
0x9c: {  	s2 =	ssub.s32 $0x0, s18;
	[sflag:s20] =	ssyncset.done $0x0  }
0x9d: {  	[sflag:s20] =	ssyncadd.s32 s2;
	_ =	sdelay $0x1  }
0x9e: {  	s21 =	simm.s32 $0x1B8B  }
0x9f: {  	_ =	swait.ge [sflag:s21], $0x1  }
0xa0: {  	[sflag:s21] =	ssyncset.done $0x0  }
0xa1: {  	s23 =	simm.s32 $0x1B8E;
	s22 =	sld [smem:$0x3FFE];
	[sflag:s21] =	ssyncadd.s32 $0xFFFFFFFF  }
0xa2: {  	s24 =	simm.s32 $execute0_lowered;
	[smem:$0x3FD2] =	sst s23  }
0xa3: {  	s3 =	sshll.u32 s24, $0x1;
	_ =	strace $0x80000046;
	[dreg:$0x1] =	wrdreg $0xFFFFFFFF  }
0xa4: {  	s25 =	simm.s32 $_size_execute0_lowered;
	s1 =	sadd.s32 s1, s3;
	[dreg:$0x0] =	wrdreg $0x0  }
0xa5: {  	s3 =	sshll.u32 s25, $0x1;
	[dreg:$0x2] =	wrdreg s1  }
0xa6: {  	[dreg:$0x3] =	wrdreg s3  }
0xa7: {  	[dreg:$0x4] =	wrdreg $0xC0  }
0xa8: {  	_ =	task [dreg:s5], $0x5FFFF  }
0xa9: {  	[dreg:$0x1] =	wrdreg $0xFFFFFFFF  }
0xaa: {  	[dreg:$0x0] =	wrdreg $0x60  }
0xab: {  	[dreg:$0x2] =	wrdreg s0  }
0xac: {  	[dreg:$0x3] =	wrdreg s22  }
0xad: {  	[dreg:$0x4] =	wrdreg $0x10000  }
0xae: {  	[dreg:$0x5] =	wrdreg $0x9  }
0xaf: {  	_ =	task.clear_ibuf [dreg:s5], $0x6FFFF;
	_ =	strace $0x90000046  }
0xb0: {  	s26 =	simm.s32 $0x9;
	_ =	strace $0x80000048  }
0xb1: {  	_ =	swait.ge [sflag:s26], $0x1  }
0xb2: {  	[sflag:s26] =	ssyncadd.s32 $0xFFFFFFFF  }
0xb3: {  	_ =	strace $0x90000048  }
0xb4: {  	_ =	sfence  }
0xb5: {  	s28 =	sld [smem:$0x0];
	_ =	sdelay $0x1  }
0xb6: {  	s29 =	srdreg.scid  }
0xb7: {  	s30 =	sshll.u32 s29, $0xD;
	s31 =	sshrl.u32 s29, $0x2  }
0xb8: {  	s2 =	sand.u32 $0x4000, s30;
	s1 =	sand.u32 $0x1, s29;
	s0 =	sadd.s32 s31, s28  }
0xb9: {  	s1 =	sor.u32 s2, s1;
	s0 =	sshll.u32 s0, $0x11  }
0xba: {  	s0 =	sor.u32 s0, s1  }
0xbb: {  	s0 =	sadd.s32 $0x8F2B, s0  }
0xbc: {  	[sflag:s0] =	ssyncadd.remote.s32 $0x1  }
0xbd: {  	_ =	sfence.sel $0xFFFF  }
0xbe: {  	[dreg:$0x0] =	wrdreg $0xFFFFFFFF;
	(pc) =	sbr.abs _section_cstart, $3  }
0xbf: {  	[dreg:$0x1] =	wrdreg $0xFFFFFFFF  }
0xc0: {  	_ =	task.clear_ibuf [dreg:s5], $0x2FFFF;
	_ =	strace $0x9FFFFFFF  }
0xc1: {  	(tm) =	ssettm $0x7FFFFFFF  }
tec
execute0_lowered:
.L_overlay_start_1:
0x0: {  	(tag) =	ssettag $0x1  }
0x1: {  	s7 =	rddreg [dreg:$0x0]  }
0x2: {  	s1 =	rddreg [dreg:$0x1]  }
0x3: {  	s2 =	rddreg [dreg:$0x2];
	s8 =	simm.s32 $0x0  }
0x4: {  	v0 =	vimm.f32 $0.0e+00;
	[smem:$0x7FF] =	sst s8  }
0x5: {  	s0 =	rddreg [dreg:$0x3];
	_ =	strace $0x80000047;
	[tilespmem:$0x800] =	vst v0  }
0x6: {  	[tilespmem:$0x810] =	vst v0  }
0x7: {  	[tilespmem:$0x820] =	vst v0  }
0x8: {  	[tilespmem:$0x830] =	vst v0  }
0x9: {  	[tilespmem:$0x840] =	vst v0  }
0xa: {  	[tilespmem:$0x850] =	vst v0  }
0xb: {  	[tilespmem:$0x860] =	vst v0  }
0xc: {  	[tilespmem:$0x870] =	vst v0  }
0xd: {  	[tilespmem:$0x880] =	vst v0  }
0xe: {  	[tilespmem:$0x890] =	vst v0  }
0xf: {  	[tilespmem:$0x8A0] =	vst v0  }
0x10: {  	[tilespmem:$0x8B0] =	vst v0  }
0x11: {  	[tilespmem:$0x8C0] =	vst v0  }
0x12: {  	[tilespmem:$0x8D0] =	vst v0  }
0x13: {  	[tilespmem:$0x8E0] =	vst v0  }
0x14: {  	[tilespmem:$0x8F0] =	vst v0  }
0x15: {  	[tilespmem:$0x900] =	vst v0  }
0x16: {  	[tilespmem:$0x910] =	vst v0  }
0x17: {  	[tilespmem:$0x920] =	vst v0  }
0x18: {  	[tilespmem:$0x930] =	vst v0  }
0x19: {  	[tilespmem:$0x940] =	vst v0  }
0x1a: {  	[tilespmem:$0x950] =	vst v0  }
0x1b: {  	[tilespmem:$0x960] =	vst v0  }
0x1c: {  	[tilespmem:$0x970] =	vst v0  }
0x1d: {  	[tilespmem:$0x980] =	vst v0  }
0x1e: {  	[tilespmem:$0x990] =	vst v0  }
0x1f: {  	[tilespmem:$0x9A0] =	vst v0  }
0x20: {  	[tilespmem:$0x9B0] =	vst v0  }
0x21: {  	[tilespmem:$0x9C0] =	vst v0  }
0x22: {  	[tilespmem:$0x9D0] =	vst v0  }
0x23: {  	[tilespmem:$0x9E0] =	vst v0  }
0x24: {  	[tilespmem:$0x9F0] =	vst v0  }
0x25: {  	[tilespmem:$0xA00] =	vst v0  }
0x26: {  	[tilespmem:$0xA10] =	vst v0  }
0x27: {  	[tilespmem:$0xA20] =	vst v0  }
0x28: {  	[tilespmem:$0xA30] =	vst v0  }
0x29: {  	[tilespmem:$0xA40] =	vst v0  }
0x2a: {  	[tilespmem:$0xA50] =	vst v0  }
0x2b: {  	[tilespmem:$0xA60] =	vst v0  }
0x2c: {  	[tilespmem:$0xA70] =	vst v0  }
0x2d: {  	[tilespmem:$0xA80] =	vst v0  }
0x2e: {  	[tilespmem:$0xA90] =	vst v0  }
0x2f: {  	[tilespmem:$0xAA0] =	vst v0  }
0x30: {  	[tilespmem:$0xAB0] =	vst v0  }
0x31: {  	[tilespmem:$0xAC0] =	vst v0  }
0x32: {  	[tilespmem:$0xAD0] =	vst v0  }
0x33: {  	[tilespmem:$0xAE0] =	vst v0  }
0x34: {  	[tilespmem:$0xAF0] =	vst v0  }
0x35: {  	[tilespmem:$0xB00] =	vst v0  }
0x36: {  	[tilespmem:$0xB10] =	vst v0  }
0x37: {  	[tilespmem:$0xB20] =	vst v0  }
0x38: {  	[tilespmem:$0xB30] =	vst v0  }
0x39: {  	[tilespmem:$0xB40] =	vst v0  }
0x3a: {  	[tilespmem:$0xB50] =	vst v0  }
0x3b: {  	[tilespmem:$0xB60] =	vst v0  }
0x3c: {  	[tilespmem:$0xB70] =	vst v0  }
0x3d: {  	[tilespmem:$0xB80] =	vst v0  }
0x3e: {  	[tilespmem:$0xB90] =	vst v0  }
0x3f: {  	[tilespmem:$0xBA0] =	vst v0  }
0x40: {  	[tilespmem:$0xBB0] =	vst v0  }
0x41: {  	[tilespmem:$0xBC0] =	vst v0  }
0x42: {  	[tilespmem:$0xBD0] =	vst v0  }
0x43: {  	[tilespmem:$0xBE0] =	vst v0  }
0x44: {  	[tilespmem:$0xBF0] =	vst v0  }
0x45: {  	[tilespmem:$0xC00] =	vst v0  }
0x46: {  	[tilespmem:$0xC10] =	vst v0  }
0x47: {  	[tilespmem:$0xC20] =	vst v0  }
0x48: {  	[tilespmem:$0xC30] =	vst v0  }
0x49: {  	[tilespmem:$0xC40] =	vst v0  }
0x4a: {  	[tilespmem:$0xC50] =	vst v0  }
0x4b: {  	[tilespmem:$0xC60] =	vst v0  }
0x4c: {  	[tilespmem:$0xC70] =	vst v0  }
0x4d: {  	[tilespmem:$0xC80] =	vst v0  }
0x4e: {  	[tilespmem:$0xC90] =	vst v0  }
0x4f: {  	[tilespmem:$0xCA0] =	vst v0  }
0x50: {  	[tilespmem:$0xCB0] =	vst v0  }
0x51: {  	[tilespmem:$0xCC0] =	vst v0  }
0x52: {  	[tilespmem:$0xCD0] =	vst v0  }
0x53: {  	[tilespmem:$0xCE0] =	vst v0  }
0x54: {  	[tilespmem:$0xCF0] =	vst v0  }
0x55: {  	[tilespmem:$0xD00] =	vst v0  }
0x56: {  	[tilespmem:$0xD10] =	vst v0  }
0x57: {  	[tilespmem:$0xD20] =	vst v0  }
0x58: {  	[tilespmem:$0xD30] =	vst v0  }
0x59: {  	[tilespmem:$0xD40] =	vst v0  }
0x5a: {  	[tilespmem:$0xD50] =	vst v0  }
0x5b: {  	[tilespmem:$0xD60] =	vst v0  }
0x5c: {  	[tilespmem:$0xD70] =	vst v0  }
0x5d: {  	[tilespmem:$0xD80] =	vst v0  }
0x5e: {  	[tilespmem:$0xD90] =	vst v0  }
0x5f: {  	[tilespmem:$0xDA0] =	vst v0  }
0x60: {  	[tilespmem:$0xDB0] =	vst v0  }
0x61: {  	[tilespmem:$0xDC0] =	vst v0  }
0x62: {  	[tilespmem:$0xDD0] =	vst v0  }
0x63: {  	[tilespmem:$0xDE0] =	vst v0  }
0x64: {  	[tilespmem:$0xDF0] =	vst v0  }
0x65: {  	[tilespmem:$0xE00] =	vst v0  }
0x66: {  	[tilespmem:$0xE10] =	vst v0  }
0x67: {  	[tilespmem:$0xE20] =	vst v0  }
0x68: {  	[tilespmem:$0xE30] =	vst v0  }
0x69: {  	[tilespmem:$0xE40] =	vst v0  }
0x6a: {  	[tilespmem:$0xE50] =	vst v0  }
0x6b: {  	[tilespmem:$0xE60] =	vst v0  }
0x6c: {  	[tilespmem:$0xE70] =	vst v0  }
0x6d: {  	[tilespmem:$0xE80] =	vst v0  }
0x6e: {  	[tilespmem:$0xE90] =	vst v0  }
0x6f: {  	[tilespmem:$0xEA0] =	vst v0  }
0x70: {  	[tilespmem:$0xEB0] =	vst v0  }
0x71: {  	[tilespmem:$0xEC0] =	vst v0  }
0x72: {  	[tilespmem:$0xED0] =	vst v0  }
0x73: {  	[tilespmem:$0xEE0] =	vst v0  }
0x74: {  	[tilespmem:$0xEF0] =	vst v0  }
0x75: {  	[tilespmem:$0xF00] =	vst v0  }
0x76: {  	[tilespmem:$0xF10] =	vst v0  }
0x77: {  	[tilespmem:$0xF20] =	vst v0  }
0x78: {  	[tilespmem:$0xF30] =	vst v0  }
0x79: {  	[tilespmem:$0xF40] =	vst v0  }
0x7a: {  	[tilespmem:$0xF50] =	vst v0  }
0x7b: {  	[tilespmem:$0xF60] =	vst v0  }
0x7c: {  	[tilespmem:$0xF70] =	vst v0  }
0x7d: {  	[tilespmem:$0xF80] =	vst v0  }
0x7e: {  	[tilespmem:$0xF90] =	vst v0  }
0x7f: {  	[tilespmem:$0xFA0] =	vst v0  }
0x80: {  	[tilespmem:$0xFB0] =	vst v0  }
0x81: {  	[tilespmem:$0xFC0] =	vst v0  }
0x82: {  	s3 =	stileid.u32;
	[tilespmem:$0xFD0] =	vst v0  }
0x83: {  	s6 =	sshll.u32 s3, $0xE;
	[tilespmem:$0xFE0] =	vst v0  }
0x84: {  	s9 =	simm.s32 $0x800;
	s4 =	simm.s32 $0x1;
	s5 =	sadd.s32 s6, s2;
	[tilespmem:$0xFF0] =	vst v0  }
0x85: {  	[spmem:s5] =	stream.linear.scatter [tilespmem:s9], [sflag:$0x1], $0x800, $0x38;
	[tilespmem:$0x5000] =	vst v63  }
0x86: {  	_ =	swait.ge [sflag:s4], $0x800  }
0x87: {  	[sflag:s4] =	ssyncset.done $0x0  }
0x88: {  	s10 =	sadd.s32 $0x800, s5;
	[sflag:s4] =	ssyncadd.s32 $0xFFFFF800  }
0x89: {  	[spmem:s10] =	stream.linear.scatter [tilespmem:s9], [sflag:$0x1], $0x800, $0x38;
	[tilespmem:$0x5000] =	vst v63  }
0x8a: {  	_ =	swait.ge [sflag:s4], $0x800  }
0x8b: {  	[sflag:s4] =	ssyncset.done $0x0  }
0x8c: {  	s30 =	sadd.s32 $0x1000, s5;
	[sflag:s4] =	ssyncadd.s32 $0xFFFFF800  }
0x8d: {  	[spmem:s30] =	stream.linear.scatter [tilespmem:s9], [sflag:$0x1], $0x800, $0x38;
	[tilespmem:$0x5000] =	vst v63  }
0x8e: {  	_ =	swait.ge [sflag:s4], $0x800  }
0x8f: {  	[sflag:s4] =	ssyncset.done $0x0  }
0x90: {  	s31 =	sadd.s32 $0x1800, s5;
	[sflag:s4] =	ssyncadd.s32 $0xFFFFF800  }
0x91: {  	[spmem:s31] =	stream.linear.scatter [tilespmem:s9], [sflag:$0x1], $0x800, $0x38;
	[tilespmem:$0x5000] =	vst v63  }
0x92: {  	_ =	swait.ge [sflag:s4], $0x800  }
0x93: {  	[sflag:s4] =	ssyncset.done $0x0  }
0x94: {  	s11 =	sadd.s32 $0x2000, s5;
	[sflag:s4] =	ssyncadd.s32 $0xFFFFF800  }
0x95: {  	[spmem:s11] =	stream.linear.scatter [tilespmem:s9], [sflag:$0x1], $0x800, $0x38;
	[tilespmem:$0x5000] =	vst v63  }
0x96: {  	_ =	swait.ge [sflag:s4], $0x800  }
0x97: {  	[sflag:s4] =	ssyncset.done $0x0  }
0x98: {  	s12 =	sadd.s32 $0x2800, s5;
	[sflag:s4] =	ssyncadd.s32 $0xFFFFF800  }
0x99: {  	[spmem:s12] =	stream.linear.scatter [tilespmem:s9], [sflag:$0x1], $0x800, $0x38;
	[tilespmem:$0x5000] =	vst v63  }
0x9a: {  	_ =	swait.ge [sflag:s4], $0x800  }
0x9b: {  	[sflag:s4] =	ssyncset.done $0x0  }
0x9c: {  	s13 =	sadd.s32 $0x3000, s5;
	[sflag:s4] =	ssyncadd.s32 $0xFFFFF800  }
0x9d: {  	[spmem:s13] =	stream.linear.scatter [tilespmem:s9], [sflag:$0x1], $0x800, $0x38;
	[tilespmem:$0x5000] =	vst v63  }
0x9e: {  	_ =	swait.ge [sflag:s4], $0x800  }
0x9f: {  	[sflag:s4] =	ssyncset.done $0x0  }
0xa0: {  	s14 =	sadd.s32 $0x3800, s5;
	[sflag:s4] =	ssyncadd.s32 $0xFFFFF800  }
0xa1: {  	[spmem:s14] =	stream.linear.scatter [tilespmem:s9], [sflag:$0x1], $0x800, $0x38;
	[tilespmem:$0x5000] =	vst v63  }
0xa2: {  	_ =	swait.ge [sflag:s4], $0x800  }
0xa3: {  	[sflag:s4] =	ssyncset.done $0x0  }
0xa4: {  	v56 =	vimm.f32 $1.000000000e+00;
	[sflag:s4] =	ssyncadd.s32 $0xFFFFF800  }
0xa5: {  	[tilespmem:$0x600] =	vst v56  }
0xa6: {  	[tilespmem:$0x610] =	vst v56  }
0xa7: {  	[tilespmem:$0x620] =	vst v56  }
0xa8: {  	[tilespmem:$0x630] =	vst v56  }
0xa9: {  	[tilespmem:$0x640] =	vst v56  }
0xaa: {  	[tilespmem:$0x650] =	vst v56  }
0xab: {  	[tilespmem:$0x660] =	vst v56  }
0xac: {  	[tilespmem:$0x670] =	vst v56  }
0xad: {  	[tilespmem:$0x680] =	vst v56  }
0xae: {  	[tilespmem:$0x690] =	vst v56  }
0xaf: {  	[tilespmem:$0x6A0] =	vst v56  }
0xb0: {  	[tilespmem:$0x6B0] =	vst v56  }
0xb1: {  	[tilespmem:$0x6C0] =	vst v56  }
0xb2: {  	[tilespmem:$0x6D0] =	vst v56  }
0xb3: {  	[tilespmem:$0x6E0] =	vst v56  }
0xb4: {  	[tilespmem:$0x6F0] =	vst v56  }
0xb5: {  	[tilespmem:$0x700] =	vst v56  }
0xb6: {  	[tilespmem:$0x710] =	vst v56  }
0xb7: {  	[tilespmem:$0x720] =	vst v56  }
0xb8: {  	[tilespmem:$0x730] =	vst v56  }
0xb9: {  	[tilespmem:$0x740] =	vst v56  }
0xba: {  	[tilespmem:$0x750] =	vst v56  }
0xbb: {  	[tilespmem:$0x760] =	vst v56  }
0xbc: {  	[tilespmem:$0x770] =	vst v56  }
0xbd: {  	[tilespmem:$0x780] =	vst v56  }
0xbe: {  	[tilespmem:$0x790] =	vst v56  }
0xbf: {  	[tilespmem:$0x7A0] =	vst v56  }
0xc0: {  	[tilespmem:$0x7B0] =	vst v56  }
0xc1: {  	[tilespmem:$0x7C0] =	vst v56  }
0xc2: {  	[tilespmem:$0x7D0] =	vst v56  }
0xc3: {  	s15 =	sshll.u32 s3, $0x7;
	[tilespmem:$0x7E0] =	vst v56  }
0xc4: {  	s17 =	simm.s32 $0x80;
	s16 =	sadd.s32 s7, s15;
	s11 =	simm.s32 $0x100;
	[tilespmem:$0x7F0] =	vst v56  }
0xc5: {  	[tilespmem:s8], [sflag:$0x1] =	stream.strided.gather [hbm4b:s16+s17], $0x200, s11, s17, $0x38;
	[tilespmem:$0x5000] =	vst v63  }
0xc6: {  	_ =	swait.ge [sflag:s4], $0x200  }
0xc7: {  	[sflag:s4] =	ssyncset.done $0x0  }
0xc8: {  	s19 =	simm.s32 $0x200;
	s18 =	sadd.s32 $0x10, s16;
	[sflag:s4] =	ssyncadd.s32 $0xFFFFFE00  }
0xc9: {  	[tilespmem:s19], [sflag:$0x1] =	stream.strided.gather [hbm4b:s18+s17], $0x200, s11, s17, $0x38;
	[tilespmem:$0x5000] =	vst v63  }
0xca: {  	_ =	swait.ge [sflag:s4], $0x200  }
0xcb: {  	[sflag:s4] =	ssyncset.done $0x0  }
0xcc: {  	[sflag:s4] =	ssyncadd.s32 $0xFFFFFE00  }
0xcd: {  	v57 =	vld [tilespmem:$0x200]  }
0xce: {  	v1 =	vld [tilespmem:$0x0]  }
0xcf: {  	v2 =	vld [tilespmem:$0x210]  }
0xd0: {  	v3 =	vld [tilespmem:$0x10]  }
0xd1: {  	v4 =	vld [tilespmem:$0x220]  }
0xd2: {  	v5 =	vld [tilespmem:$0x20]  }
0xd3: {  	v6 =	vld [tilespmem:$0x230]  }
0xd4: {  	v7 =	vld [tilespmem:$0x30]  }
0xd5: {  	v8 =	vld [tilespmem:$0x240]  }
0xd6: {  	v9 =	vld [tilespmem:$0x40]  }
0xd7: {  	v10 =	vld [tilespmem:$0x250]  }
0xd8: {  	v11 =	vld [tilespmem:$0x50]  }
0xd9: {  	v12 =	vld [tilespmem:$0x260]  }
0xda: {  	v13 =	vld [tilespmem:$0x60]  }
0xdb: {  	v14 =	vld [tilespmem:$0x270]  }
0xdc: {  	v15 =	vld [tilespmem:$0x70]  }
0xdd: {  	v16 =	vld [tilespmem:$0x280]  }
0xde: {  	v17 =	vld [tilespmem:$0x80]  }
0xdf: {  	v18 =	vld [tilespmem:$0x290]  }
0xe0: {  	v19 =	vld [tilespmem:$0x90]  }
0xe1: {  	v20 =	vld [tilespmem:$0x2A0]  }
0xe2: {  	v21 =	vld [tilespmem:$0xA0]  }
0xe3: {  	v22 =	vld [tilespmem:$0x2B0]  }
0xe4: {  	v23 =	vld [tilespmem:$0xB0]  }
0xe5: {  	v24 =	vld [tilespmem:$0x2C0]  }
0xe6: {  	v25 =	vld [tilespmem:$0xC0]  }
0xe7: {  	v26 =	vld [tilespmem:$0x2D0]  }
0xe8: {  	v27 =	vld [tilespmem:$0xD0]  }
0xe9: {  	v28 =	vld [tilespmem:$0x2E0]  }
0xea: {  	v29 =	vld [tilespmem:$0xE0]  }
0xeb: {  	v30 =	vld [tilespmem:$0x2F0]  }
0xec: {  	v31 =	vld [tilespmem:$0xF0]  }
0xed: {  	v32 =	vld [tilespmem:$0x300]  }
0xee: {  	v33 =	vld [tilespmem:$0x100]  }
0xef: {  	v34 =	vld [tilespmem:$0x310]  }
0xf0: {  	v35 =	vld [tilespmem:$0x110]  }
0xf1: {  	v36 =	vld [tilespmem:$0x320];
	v0 =	vshll.u32 v57, $0x9  }
0xf2: {  	v38 =	vld [tilespmem:$0x150];
	v58 =	vshll.u32 v2, $0x9;
	v0 =	vadd.s32 v1, v0  }
0xf3: {  	v41 =	vld [tilespmem:$0x360];
	v60 =	vshll.u32 v4, $0x9;
	v59 =	vadd.s32 v3, v58;
	[tilespmem:$0x400] =	vst v0  }
0xf4: {  	v44 =	vld [tilespmem:$0x160];
	v62 =	vshll.u32 v6, $0x9;
	v61 =	vadd.s32 v5, v60;
	[tilespmem:$0x410] =	vst v59  }
0xf5: {  	v47 =	vld [tilespmem:$0x370];
	v8 =	vshll.u32 v8, $0x9;
	v63 =	vadd.s32 v7, v62;
	[tilespmem:$0x420] =	vst v61  }
0xf6: {  	v50 =	vld [tilespmem:$0x170];
	v10 =	vshll.u32 v10, $0x9;
	v9 =	vadd.s32 v9, v8;
	[tilespmem:$0x430] =	vst v63  }
0xf7: {  	v53 =	vld [tilespmem:$0x380];
	v12 =	vshll.u32 v12, $0x9;
	v11 =	vadd.s32 v11, v10;
	[tilespmem:$0x440] =	vst v9  }
0xf8: {  	v56 =	vld [tilespmem:$0x180];
	v37 =	vshll.u32 v14, $0x9;
	v13 =	vadd.s32 v13, v12;
	[tilespmem:$0x450] =	vst v11  }
0xf9: {  	v2 =	vld [tilespmem:$0x120];
	v40 =	vshll.u32 v16, $0x9;
	v39 =	vadd.s32 v15, v37;
	[tilespmem:$0x460] =	vst v13  }
0xfa: {  	v4 =	vld [tilespmem:$0x130];
	v43 =	vshll.u32 v18, $0x9;
	v42 =	vadd.s32 v17, v40;
	[tilespmem:$0x470] =	vst v39  }
0xfb: {  	v6 =	vld [tilespmem:$0x140];
	v46 =	vshll.u32 v20, $0x9;
	v45 =	vadd.s32 v19, v43;
	[tilespmem:$0x480] =	vst v42  }
0xfc: {  	v49 =	vshll.u32 v22, $0x9;
	v52 =	vshll.u32 v24, $0x9;
	v24 =	vld [tilespmem:$0x1A0];
	v48 =	vadd.s32 v21, v46;
	[tilespmem:$0x490] =	vst v45  }
0xfd: {  	v3 =	vld [tilespmem:$0x330];
	v51 =	vadd.s32 v23, v49;
	[tilespmem:$0x4A0] =	vst v48  }
0xfe: {  	v55 =	vshll.u32 v26, $0x9;
	v5 =	vld [tilespmem:$0x340];
	v54 =	vadd.s32 v25, v52;
	[tilespmem:$0x4B0] =	vst v51  }
0xff: {  	v20 =	vshll.u32 v32, $0x9;
	v7 =	vld [tilespmem:$0x350];
	v57 =	vadd.s32 v27, v55;
	[tilespmem:$0x4C0] =	vst v54  }
0x100: {  	v58 =	vshll.u32 v28, $0x9;
	v62 =	vld [tilespmem:$0x190];
	v22 =	vadd.s32 v33, v20;
	[tilespmem:$0x4D0] =	vst v57  }
0x101: {  	v21 =	vld [tilespmem:$0x3A0];
	v23 =	vshll.u32 v34, $0x9;
	v60 =	vadd.s32 v29, v58;
	[tilespmem:$0x500] =	vst v22  }
0x102: {  	v27 =	vld [tilespmem:$0x3B0];
	v61 =	vshll.u32 v30, $0x9;
	v25 =	vadd.s32 v35, v23;
	[tilespmem:$0x4E0] =	vst v60  }
0x103: {  	v26 =	vshll.u32 v36, $0x9;
	v59 =	vld [tilespmem:$0x390];
	v63 =	vadd.s32 v31, v61;
	[tilespmem:$0x510] =	vst v25  }
0x104: {  	v39 =	vld [tilespmem:$0x3D0];
	[tilespmem:$0x4F0] =	vst v63;
	v28 =	vadd.s32 v2, v26;
	v29 =	vshll.u32 v3, $0x9  }
0x105: {  	v42 =	vld [tilespmem:$0x1D0];
	[tilespmem:$0x520] =	vst v28;
	v32 =	vshll.u32 v5, $0x9;
	v31 =	vadd.s32 v4, v29  }
0x106: {  	v45 =	vld [tilespmem:$0x3E0];
	v35 =	vshll.u32 v7, $0x9;
	v34 =	vadd.s32 v6, v32;
	[tilespmem:$0x530] =	vst v31  }
0x107: {  	v48 =	vld [tilespmem:$0x1E0];
	v37 =	vadd.s32 v38, v35;
	v38 =	vshll.u32 v41, $0x9;
	[tilespmem:$0x540] =	vst v34  }
0x108: {  	v33 =	vld [tilespmem:$0x3C0];
	v41 =	vshll.u32 v47, $0x9;
	[tilespmem:$0x550] =	vst v37;
	v40 =	vadd.s32 v44, v38  }
0x109: {  	v30 =	vld [tilespmem:$0x1B0];
	v47 =	vshll.u32 v59, $0x9;
	v43 =	vadd.s32 v50, v41;
	[tilespmem:$0x560] =	vst v40  }
0x10a: {  	v51 =	vld [tilespmem:$0x3F0];
	v58 =	vshll.u32 v39, $0x9;
	v49 =	vadd.s32 v62, v47;
	[tilespmem:$0x570] =	vst v43  }
0x10b: {  	v54 =	vld [tilespmem:$0x1F0];
	v60 =	vshll.u32 v45, $0x9;
	v59 =	vadd.s32 v42, v58;
	[tilespmem:$0x590] =	vst v49  }
0x10c: {  	v36 =	vld [tilespmem:$0x1C0];
	v44 =	vshll.u32 v53, $0x9;
	v61 =	vadd.s32 v48, v60;
	[tilespmem:$0x5D0] =	vst v59  }
0x10d: {  	v50 =	vshll.u32 v21, $0x9;
	v46 =	vadd.s32 v56, v44;
	[tilespmem:$0x5E0] =	vst v61  }
0x10e: {  	v53 =	vshll.u32 v27, $0x9;
	v52 =	vadd.s32 v24, v50;
	[tilespmem:$0x580] =	vst v46  }
0x10f: {  	v62 =	vshll.u32 v51, $0x9;
	v55 =	vadd.s32 v30, v53;
	[tilespmem:$0x5A0] =	vst v52  }
0x110: {  	v56 =	vshll.u32 v33, $0x9;
	v63 =	vadd.s32 v54, v62;
	[tilespmem:$0x5B0] =	vst v55  }
0x111: {  	v57 =	vadd.s32 v36, v56;
	[tilespmem:$0x5F0] =	vst v63  }
0x112: {  	[tilespmem:$0x5C0] =	vst v57  }
0x113: {  	s20 =	simm.s32 $0x400;
	s21 =	simm.s32 $0x600;
	[bflag:$0x0] =	sbarrier.arrive $0xFFFF  }
0x114: {  	[spmem:s2] =	stream.indirect.scatter.add.f32 [tilespmem:s21], [sflag:$0x1], $0x1, s20, s17, $0xb8;
	[tilespmem:$0x5000] =	vst v63  }
0x115: {  	_ =	swait.ge [sflag:s4], $0x80  }
0x116: {  	[sflag:s4] =	ssyncset.done $0x0  }
0x117: {  	s22 =	simm.s32 $0x480;
	s23 =	simm.s32 $0x680;
	[sflag:s4] =	ssyncadd.s32 $0xFFFFFF80  }
0x118: {  	[spmem:s2] =	stream.indirect.scatter.add.f32 [tilespmem:s23], [sflag:$0x1], $0x1, s22, s17, $0xb8;
	[tilespmem:$0x5000] =	vst v63  }
0x119: {  	_ =	swait.ge [sflag:s4], $0x80  }
0x11a: {  	[sflag:s4] =	ssyncset.done $0x0  }
0x11b: {  	s24 =	simm.s32 $0x500;
	s25 =	simm.s32 $0x700;
	[sflag:s4] =	ssyncadd.s32 $0xFFFFFF80  }
0x11c: {  	[spmem:s2] =	stream.indirect.scatter.add.f32 [tilespmem:s25], [sflag:$0x1], $0x1, s24, s17, $0xb8;
	[tilespmem:$0x5000] =	vst v63  }
0x11d: {  	_ =	swait.ge [sflag:s4], $0x80  }
0x11e: {  	s26 =	simm.s32 $0x580;
	[sflag:s4] =	ssyncset.done $0x0  }
0x11f: {  	s28 =	simm.s32 $0x780;
	s6 =	sor.u32 s15, s6;
	[sflag:s4] =	ssyncadd.s32 $0xFFFFFF80  }
0x120: {  	[spmem:s2] =	stream.indirect.scatter.add.f32 [tilespmem:s28], [sflag:$0x1], $0x1, s26, s17, $0xb8;
	[tilespmem:$0x5000] =	vst v63  }
0x121: {  	s29 =	sand.u32 $0x20380, s6;
	s5 =	sshrl.u32 s5, $0x3;
	_ =	swait.ge [sflag:s4], $0x80  }
0x122: {  	s30 =	sshll.u32 s3, $0x6;
	s2 =	sshrl.u32 s29, $0x3;
	[sflag:s4] =	ssyncset.done $0x0  }
0x123: {  	s31 =	simm.s32 $0x10;
	s1 =	sadd.s32 s2, s1;
	[sflag:s4] =	ssyncadd.s32 $0xFFFFFF80  }
0x124: {  	s2 =	sor.u32 $0x1C01, s30;
	s1 =	sadd.s32 $0x1400, s1;
	[bflag:$0x0] =	sbarrier.arrive $0xFFFF  }
0x125: {  	[hbm:s1@s17], [sflag:s2] =	dma.strided [spmem:s5@s31], $0x800, s4, $0x10   }
0x126: {  	_ =	swait.ge [sflag:s4], $0x800  }
0x127: {  	[sflag:s4] =	ssyncset.done $0x0  }
0x128: {  	[sflag:s4] =	ssyncadd.s32 $0xFFFFF800  }
0x129: {  	_ =	sfence.sel $0x180000  }
0x12a: {  	[bflag:$0x0] =	sbarrier.arrive $0xFFFF  }
0x12b: {  	p0 =	sne.s32 s3, $0x0;
	_ =	strace $0x90000047  }
0x12c: {  	s0 =	sadd.s32 @!p0 $0x100000, s0;
	[bflag:$0x2] =	sbarrier.arrive $0xFFFF  }
0x12d: {  	[sflag:s0] =	ssyncadd.tile.s32 @!p0 $0x1;
	_ =	shalt  }
.Lfunc_end2:
_tile_overlayer_lowered:
.L_overlay_start_2:
0x12e: {  	(tag) =	ssettag $0x2  }
0x12f: {  	s0 =	rddreg [dreg:$0x0];
	s2 =	stileid.u32  }
0x130: {  	s1 =	rddreg [dreg:$0x1];
	p0 =	sne.s32 s2, $0x0  }
0x131: {  	s3 =	rddreg [dreg:$0x2];
	[bflag:$0x3] =	sbarrier.arrive $0xFFFF;
	s2 =	simm.s32 @!p0 $0x1C01  }
0x132: {  	[timem:s3], [sflag:s2] =	dma.local @!p0 [hbm:s0], s1  }
0x133: {  	s0 =	simm.s32 @!p0 $0x1  }
0x134: {  	_ =	swait.ge @!p0 [sflag:s0], s1  }
0x135: {  	s1 =	ssub.s32 @!p0 $0x0, s1;
	[sflag:s0] =	ssyncset.done @!p0 $0x0  }
0x136: {  	[sflag:s0] =	ssyncadd.s32 @!p0 s1  }
0x137: {  	[bflag:$0x3] =	sbarrier.arrive $0xFFFF  }
0x138: {  	_ =	shalt  }

</sc_bundles>
